<compile_context>
chip_gen: v7x
topology: tpu7x:2x2x1
jax: 0.10.2.dev20260603
libtpu: 0.0.44.dev20260713+nightly
codegen_flags: <defaults>
</compile_context>

<pallas_src>
import jax
import jax.numpy as jnp
from jax import lax
from jax.experimental import pallas as pl
from jax.experimental.pallas import tpu as pltpu
from jax.experimental.pallas import tpu_sc as plsc

N = 10000
E = 320000
D = 128
H = 4
OUT = 32
HD = H * OUT
HC = 2
CW = HC * OUT

NC = 2
NS = 16
CHUNK = 80
EPT = E // NS
KMAX = EPT // CHUNK
ROWS_PER_TILE = 624
DEN_W = 16
INV_SQRT_OUT = 1.0 / (OUT ** 0.5)


def _edge_body(ft_hbm, src_hbm, dst_hbm, s_out, den_out,
               src_v, dst_v, dgat_v, srows, drows, ebuf, zrow, s_sh, den_sh,
               sem_s, sem_d):
    cid = lax.axis_index("c")
    sid = lax.axis_index("s")

    z16 = jnp.zeros((16,), jnp.float32)

    def _zero_bufs(i, carry):
        for k in range(CW // 16):
            zrow[i, pl.ds(k * 16, 16)] = z16
        ebuf[i, pl.ds(0, 16)] = z16
        return carry
    lax.fori_loop(0, 128, _zero_bufs, 0)

    base_r = pl.multiple_of(sid * ROWS_PER_TILE, 8)
    for o in (0, 128, 256, 384):
        pltpu.sync_copy(zrow, s_sh.at[pl.ds(base_r + o, 128)])
        pltpu.sync_copy(ebuf.at[pl.ds(0, 128)], den_sh.at[pl.ds(base_r + o, 128)])
    pltpu.sync_copy(zrow.at[pl.ds(0, 112)], s_sh.at[pl.ds(base_r + 512, 112)])
    pltpu.sync_copy(ebuf.at[pl.ds(0, 112)], den_sh.at[pl.ds(base_r + 512, 112)])

    @pl.when(sid == 0)
    def _():
        pltpu.sync_copy(zrow.at[pl.ds(0, 16)], s_sh.at[pl.ds(NS * ROWS_PER_TILE, 16)])
        pltpu.sync_copy(ebuf.at[pl.ds(0, 16)], den_sh.at[pl.ds(NS * ROWS_PER_TILE, 16)])
    plsc.subcore_barrier()

    row0 = cid * N
    ebase = pl.multiple_of(sid * EPT, 8)

    def _chunk_body(k, carry):
        base = ebase + k * CHUNK
        pltpu.sync_copy(src_hbm.at[pl.ds(base, CHUNK)], src_v)
        pltpu.sync_copy(dst_hbm.at[pl.ds(base, CHUNK)], dst_v)

        def _shift(i, c2):
            src_v[pl.ds(i * 16, 16)] = src_v[pl.ds(i * 16, 16)] + row0
            dgat_v[pl.ds(i * 16, 16)] = dst_v[pl.ds(i * 16, 16)] + row0
            return c2
        lax.fori_loop(0, CHUNK // 16, _shift, 0, unroll=5)

        cs = pltpu.async_copy(ft_hbm.at[src_v], srows, sem_s)
        cd = pltpu.async_copy(ft_hbm.at[dgat_v], drows, sem_d)
        cs.wait()
        cd.wait()

        lane = lax.iota(jnp.int32, 16)

        def _edge(e, c2):
            wvec = z16
            for h in range(HC):
                s0 = srows[e, pl.ds(h * OUT, 16)]
                s1 = srows[e, pl.ds(h * OUT + 16, 16)]
                d0 = drows[e, pl.ds(h * OUT, 16)]
                d1 = drows[e, pl.ds(h * OUT + 16, 16)]
                prod = s0 * d0 + s1 * d1
                tot = jnp.sum(prod) * INV_SQRT_OUT
                wv = jnp.exp(jnp.full((16,), tot, jnp.float32))
                wvec = jnp.where(lane == h, wv, wvec)
                srows[e, pl.ds(h * OUT, 16)] = s0 * wv
                srows[e, pl.ds(h * OUT + 16, 16)] = s1 * wv
            ebuf[e, pl.ds(0, 16)] = wvec
            return c2
        lax.fori_loop(0, CHUNK, _edge, 0, unroll=4)

        pltpu.sync_copy(srows, s_sh.at[dst_v], add=True)
        pltpu.sync_copy(ebuf.at[pl.ds(0, CHUNK)], den_sh.at[dst_v], add=True)
        return carry
    lax.fori_loop(0, KMAX, _chunk_body, 0)

    plsc.subcore_barrier()

    out_r0 = pl.multiple_of(cid * N + base_r, 8)
    for o, nr in ((0, 128), (128, 128), (256, 128), (384, 128), (512, 112)):
        pltpu.sync_copy(s_sh.at[pl.ds(base_r + o, nr)], zrow.at[pl.ds(0, nr)])
        pltpu.sync_copy(zrow.at[pl.ds(0, nr)], s_out.at[pl.ds(out_r0 + o, nr)])
        pltpu.sync_copy(den_sh.at[pl.ds(base_r + o, nr)], ebuf.at[pl.ds(0, nr)])
        pltpu.sync_copy(ebuf.at[pl.ds(0, nr)], den_out.at[pl.ds(out_r0 + o, nr)])

    @pl.when(sid == 0)
    def _():
        tail = NS * ROWS_PER_TILE
        tail_o = pl.multiple_of(cid * N + tail, 8)
        pltpu.sync_copy(s_sh.at[pl.ds(tail, 16)], zrow.at[pl.ds(0, 16)])
        pltpu.sync_copy(zrow.at[pl.ds(0, 16)], s_out.at[pl.ds(tail_o, 16)])
        pltpu.sync_copy(den_sh.at[pl.ds(tail, 16)], ebuf.at[pl.ds(0, 16)])
        pltpu.sync_copy(ebuf.at[pl.ds(0, 16)], den_out.at[pl.ds(tail_o, 16)])


_edge_call_flat = pl.kernel(
    _edge_body,
    out_type=(jax.ShapeDtypeStruct((NC * N, CW), jnp.float32),
              jax.ShapeDtypeStruct((NC * N, DEN_W), jnp.float32)),
    mesh=plsc.VectorSubcoreMesh(core_axis_name="c", subcore_axis_name="s"),
    compiler_params=pltpu.CompilerParams(needs_layout_passes=False,
                                         use_tc_tiling_on_sc=False),
    scratch_types=[
        pltpu.VMEM((CHUNK,), jnp.int32),
        pltpu.VMEM((CHUNK,), jnp.int32),
        pltpu.VMEM((CHUNK,), jnp.int32),
        pltpu.VMEM((CHUNK, CW), jnp.float32),
        pltpu.VMEM((CHUNK, CW), jnp.float32),
        pltpu.VMEM((128, DEN_W), jnp.float32),
        pltpu.VMEM((128, CW), jnp.float32),
        pltpu.VMEM_SHARED((N, CW), jnp.float32),
        pltpu.VMEM_SHARED((N, DEN_W), jnp.float32),
    ] + [pltpu.SemaphoreType.DMA] * 2,
)


BLK = 2000


def _mm_body(x_ref, w_ref, o_ref):
    y = jnp.dot(x_ref[...], w_ref[...], preferred_element_type=jnp.float32)
    o_ref[0] = y[:, :CW]
    o_ref[1] = y[:, CW:]


def _matmul_split(x, w):
    return pl.pallas_call(
        _mm_body,
        grid=(N // BLK,),
        in_specs=[pl.BlockSpec((BLK, D), lambda i: (i, 0)),
                  pl.BlockSpec((D, HD), lambda i: (0, 0))],
        out_specs=pl.BlockSpec((NC, BLK, CW), lambda i: (0, i, 0)),
        out_shape=jax.ShapeDtypeStruct((NC, N, CW), jnp.float32),
    )(x, w)


def _head_bcast_mat():
    col_head = lax.broadcasted_iota(jnp.int32, (DEN_W, CW), 1) // OUT
    row = lax.broadcasted_iota(jnp.int32, (DEN_W, CW), 0)
    return (col_head == row).astype(jnp.float32)


def _normalize(s_ref, den_ref):
    pmat = _head_bcast_mat()
    cols = []
    for c in range(NC):
        dmat = jnp.dot(den_ref[c], pmat, preferred_element_type=jnp.float32)
        cols.append(s_ref[c] / jnp.maximum(dmat, 1e-9))
    return jnp.concatenate(cols, axis=1)


def _combine_mm_body(s_ref, den_ref, w_ref, o_ref):
    h = jnp.maximum(_normalize(s_ref, den_ref), 0.0)
    y = jnp.dot(h, w_ref[...], preferred_element_type=jnp.float32)
    o_ref[0] = y[:, :CW]
    o_ref[1] = y[:, CW:]


def _combine_mm_split(s, den, w):
    return pl.pallas_call(
        _combine_mm_body,
        grid=(N // BLK,),
        in_specs=[pl.BlockSpec((NC, BLK, CW), lambda i: (0, i, 0)),
                  pl.BlockSpec((NC, BLK, DEN_W), lambda i: (0, i, 0)),
                  pl.BlockSpec((D, HD), lambda i: (0, 0))],
        out_specs=pl.BlockSpec((NC, BLK, CW), lambda i: (0, i, 0)),
        out_shape=jax.ShapeDtypeStruct((NC, N, CW), jnp.float32),
    )(s, den, w)


def _combine_body(s_ref, den_ref, o_ref):
    o_ref[...] = _normalize(s_ref, den_ref)


def _combine(s, den):
    return pl.pallas_call(
        _combine_body,
        grid=(N // BLK,),
        in_specs=[pl.BlockSpec((NC, BLK, CW), lambda i: (0, i, 0)),
                  pl.BlockSpec((NC, BLK, DEN_W), lambda i: (0, i, 0))],
        out_specs=pl.BlockSpec((BLK, HD), lambda i: (i, 0)),
        out_shape=jax.ShapeDtypeStruct((N, HD), jnp.float32),
    )(s, den)


def _edge_call(ft_split, src, dst):
    s, den = _edge_call_flat(ft_split.reshape(NC * N, CW), src, dst)
    return s.reshape(NC, N, CW), den.reshape(NC, N, DEN_W)


def kernel(features, edge_index, W1, W2):
    src = edge_index[0]
    dst = edge_index[1]
    ft1 = _matmul_split(features, W1)
    s1, d1 = _edge_call(ft1, src, dst)
    ft2 = _combine_mm_split(s1, d1, W2)
    s2, d2 = _edge_call(ft2, src, dst)
    return _combine(s2, d2)

# --- scband reference (transcript-rebuilt; emitter-appended) ---
"""Pipeline reference for scband-graph-gat-36249523978329 (READ-ONLY COPY).

The authoritative reference and input builder live on the scoring server;
editing this copy changes nothing except your own understanding.
"""

import jax, jax.numpy as jnp
import numpy as np

N = 10000
E = 320000
D = 128
H = 4
OUT = 32


def setup_inputs(seed: int = 0) -> dict:
    key = jax.random.key(seed)
    k1, k2, k3, k4 = jax.random.split(key, 4)
    features = jax.random.normal(k1, (N, D), dtype=jnp.float32)
    edge_index = jax.random.randint(k2, (2, E), 0, N, dtype=jnp.int32)
    # DotGatConv linear weights (bias=False), one per layer; xavier-ish init
    W1 = jax.random.normal(k3, (D, H * OUT), dtype=jnp.float32) * (1.0 / np.sqrt(D))
    W2 = jax.random.normal(k4, (D, H * OUT), dtype=jnp.float32) * (1.0 / np.sqrt(D))
    return {"features": features, "edge_index": edge_index, "W1": W1, "W2": W2}


def _dotgat_layer(h, W, src, dst):
    # fc: [N, D] -> [N, H, OUT]
    ft = (h @ W).reshape(-1, H, OUT)
    ft_src = ft[src]            # [E, H, OUT] gather
    ft_dst = ft[dst]            # [E, H, OUT] gather
    # dot-product attention logits, scaled by sqrt(d)
    e = jnp.sum(ft_src * ft_dst, axis=-1) / jnp.sqrt(jnp.float32(OUT))  # [E, H]
    # edge softmax normalized over incoming edges of each dst node
    emax = jax.ops.segment_max(e, dst, num_segments=N)  # [N, H]
    emax = jnp.where(jnp.isfinite(emax), emax, 0.0)
    ee = jnp.exp(e - emax[dst])                         # [E, H]
    denom = jax.ops.segment_sum(ee, dst, num_segments=N)  # [N, H]
    a = ee / jnp.maximum(denom[dst], 1e-9)              # [E, H]
    msg = ft_src * a[..., None]                         # [E, H, OUT]
    out = jax.ops.segment_sum(msg, dst, num_segments=N)  # [N, H, OUT]
    return out.reshape(-1, H * OUT)


def reference(features, edge_index, W1, W2):
    src = edge_index[0]
    dst = edge_index[1]
    # layer 0 (dropout is identity in eval / p=0.0)
    h = _dotgat_layer(features, W1, src, dst)
    # layer 1: activation applied before layer (i != 0)
    h = jax.nn.relu(h)
    h = _dotgat_layer(h, W2, src, dst)
    return h

if __name__ == "__main__":
    import jax
    _d = setup_inputs()
    print(jax.jit(kernel)(*tuple(_d.values())))

</pallas_src>

<mosaic_0001>
#map = affine_map<(d0, d1) -> (0, 0)>
#map1 = affine_map<(d0, d1) -> (0)>
module attributes {stable_mosaic.version = 14 : i64} {
  func.func @_edge_body(%arg0: i32, %arg1: i32, %arg2: memref<20000x64xf32, #tpu.memory_space<hbm>>, %arg3: memref<320000xi32, #tpu.memory_space<hbm>>, %arg4: memref<320000xi32, #tpu.memory_space<hbm>>, %arg5: memref<20000x64xf32, #tpu.memory_space<hbm>>, %arg6: memref<20000x16xf32, #tpu.memory_space<hbm>>, %arg7: memref<80xi32, #tpu.memory_space<vmem>>, %arg8: memref<80xi32, #tpu.memory_space<vmem>>, %arg9: memref<80xi32, #tpu.memory_space<vmem>>, %arg10: memref<80x64xf32, #tpu.memory_space<vmem>>, %arg11: memref<80x64xf32, #tpu.memory_space<vmem>>, %arg12: memref<128x16xf32, #tpu.memory_space<vmem>>, %arg13: memref<128x64xf32, #tpu.memory_space<vmem>>, %arg14: memref<10000x64xf32, #tpu.memory_space<vmem_shared>>, %arg15: memref<10000x16xf32, #tpu.memory_space<vmem_shared>>, %arg16: memref<!tpu.dma_semaphore, #tpu.memory_space<semaphore_mem>>, %arg17: memref<!tpu.dma_semaphore, #tpu.memory_space<semaphore_mem>>) attributes {dimension_semantics = [#tpu.dimension_semantics<core_parallel>, #tpu.dimension_semantics<subcore_parallel>], iteration_bounds = array<i64: 2, 16>, scalar_prefetch = 0 : i64, scratch_operands = 11 : i64, tpu.core_type = #tpu.core_type<sc_vector_subcore>, window_params = [{transform_indices = #map}, {transform_indices = #map1}, {transform_indices = #map1}, {transform_indices = #map}, {transform_indices = #map}]} {
    %broadcast_in_dim3A = arith.constant 0.000000e+00 : f32
    %broadcast_in_dim3A_0 = vector.broadcast %broadcast_in_dim3A : f32 to vector<16xf32>
    %scan3A = arith.constant 0 : i32
    %scan3A_1 = arith.constant 0 : i32
    %scan3A_2 = arith.constant 128 : i32
    %scan3A_3 = arith.addi %scan3A_1, %scan3A_2 : i32
    %scan3A_4 = arith.constant 1 : i32
    scf.for %scan3A_89 = %scan3A_1 to %scan3A_3 step %scan3A_4  : i32 {
      %swap3A = arith.index_cast %scan3A_89 : i32 to index
      %swap3A_90 = arith.constant 0 : index
      %swap3A_91 = tpu.vector_load %arg13[%swap3A, %swap3A_90] {strides = array<i32>} : memref<128x64xf32, #tpu.memory_space<vmem>>, vector<16xf32>,
      tpu.vector_store %arg13[%swap3A, %swap3A_90], %broadcast_in_dim3A_0 {strides = array<i32>} : memref<128x64xf32, #tpu.memory_space<vmem>>, vector<16xf32>,
      %swap3A_92 = arith.index_cast %scan3A_89 : i32 to index
      %swap3A_93 = arith.constant 16 : index
      %swap3A_94 = tpu.vector_load %arg13[%swap3A_92, %swap3A_93] {strides = array<i32>} : memref<128x64xf32, #tpu.memory_space<vmem>>, vector<16xf32>,
      tpu.vector_store %arg13[%swap3A_92, %swap3A_93], %broadcast_in_dim3A_0 {strides = array<i32>} : memref<128x64xf32, #tpu.memory_space<vmem>>, vector<16xf32>,
      %swap3A_95 = arith.index_cast %scan3A_89 : i32 to index
      %swap3A_96 = arith.constant 32 : index
      %swap3A_97 = tpu.vector_load %arg13[%swap3A_95, %swap3A_96] {strides = array<i32>} : memref<128x64xf32, #tpu.memory_space<vmem>>, vector<16xf32>,
      tpu.vector_store %arg13[%swap3A_95, %swap3A_96], %broadcast_in_dim3A_0 {strides = array<i32>} : memref<128x64xf32, #tpu.memory_space<vmem>>, vector<16xf32>,
      %swap3A_98 = arith.index_cast %scan3A_89 : i32 to index
      %swap3A_99 = arith.constant 48 : index
      %swap3A_100 = tpu.vector_load %arg13[%swap3A_98, %swap3A_99] {strides = array<i32>} : memref<128x64xf32, #tpu.memory_space<vmem>>, vector<16xf32>,
      tpu.vector_store %arg13[%swap3A_98, %swap3A_99], %broadcast_in_dim3A_0 {strides = array<i32>} : memref<128x64xf32, #tpu.memory_space<vmem>>, vector<16xf32>,
      %swap3A_101 = arith.index_cast %scan3A_89 : i32 to index
      %swap3A_102 = arith.constant 0 : index
      %swap3A_103 = tpu.vector_load %arg12[%swap3A_101, %swap3A_102] {strides = array<i32>} : memref<128x16xf32, #tpu.memory_space<vmem>>, vector<16xf32>,
      tpu.vector_store %arg12[%swap3A_101, %swap3A_102], %broadcast_in_dim3A_0 {strides = array<i32>} : memref<128x16xf32, #tpu.memory_space<vmem>>, vector<16xf32>,
    }
    %scan3A_5 = arith.constant 128 : i32
    %mul3A = arith.constant 624 : i32
    %mul3A_6 = arith.muli %arg1, %mul3A : i32
    %multiple_of3A = tpu.assume_multiple %mul3A_6, 8 : i32
    %add3A = arith.constant 0 : i32
    %add3A_7 = arith.addi %multiple_of3A, %add3A : i32
    "tpu.region"() ({
      %run_scoped3A = tpu.sem_alloc : memref<!tpu.dma_semaphore, #tpu.memory_space<semaphore_mem>>
      %dma_start3A = arith.constant 0 : i32
      %dma_start3A_89 = tpu.memref_slice %arg14[%add3A_7, %dma_start3A] : memref<10000x64xf32, #tpu.memory_space<vmem_shared>> -> memref<128x64xf32, #tpu.memory_space<vmem_shared>>
      %dma_start3A_90 = arith.constant 0 : i32
      %dma_start3A_91 = tpu.memref_slice %arg14[%add3A_7, %dma_start3A_90] : memref<10000x64xf32, #tpu.memory_space<vmem_shared>> -> memref<128x64xf32, #tpu.memory_space<vmem_shared>>
      tpu.enqueue_dma source(%arg13 : memref<128x64xf32, #tpu.memory_space<vmem>>) target(%dma_start3A_91 : memref<128x64xf32, #tpu.memory_space<vmem_shared>>) target_semaphore(%run_scoped3A : memref<!tpu.dma_semaphore, #tpu.memory_space<semaphore_mem>>)
      %dma_wait3A = arith.constant 0 : i32
      %dma_wait3A_92 = tpu.memref_slice %arg14[%add3A_7, %dma_wait3A] : memref<10000x64xf32, #tpu.memory_space<vmem_shared>> -> memref<128x64xf32, #tpu.memory_space<vmem_shared>>
      %dma_wait3A_93 = arith.constant 0 : i32
      %dma_wait3A_94 = tpu.memref_slice %arg14[%add3A_7, %dma_wait3A_93] : memref<10000x64xf32, #tpu.memory_space<vmem_shared>> -> memref<128x64xf32, #tpu.memory_space<vmem_shared>>
      tpu.wait_dma2 semaphore(%run_scoped3A : memref<!tpu.dma_semaphore, #tpu.memory_space<semaphore_mem>>) src(%arg13 : memref<128x64xf32, #tpu.memory_space<vmem>>) dst(%dma_wait3A_94 : memref<128x64xf32, #tpu.memory_space<vmem_shared>>)
      tpu.yield
    }) : () -> ()
    %add3A_8 = arith.constant 0 : i32
    %add3A_9 = arith.addi %multiple_of3A, %add3A_8 : i32
    "tpu.region"() ({
      %run_scoped3A = tpu.sem_alloc : memref<!tpu.dma_semaphore, #tpu.memory_space<semaphore_mem>>
      %dma_start3A = arith.constant 0 : i32
      %dma_start3A_89 = arith.constant 0 : i32
      %dma_start3A_90 = tpu.memref_slice %arg12[%dma_start3A, %dma_start3A_89] : memref<128x16xf32, #tpu.memory_space<vmem>> -> memref<128x16xf32, #tpu.memory_space<vmem>>
      %dma_start3A_91 = arith.constant 0 : i32
      %dma_start3A_92 = tpu.memref_slice %arg15[%add3A_9, %dma_start3A_91] : memref<10000x16xf32, #tpu.memory_space<vmem_shared>> -> memref<128x16xf32, #tpu.memory_space<vmem_shared>>
      %dma_start3A_93 = arith.constant 0 : i32
      %dma_start3A_94 = tpu.memref_slice %arg15[%add3A_9, %dma_start3A_93] : memref<10000x16xf32, #tpu.memory_space<vmem_shared>> -> memref<128x16xf32, #tpu.memory_space<vmem_shared>>
      %dma_start3A_95 = arith.constant 0 : i32
      %dma_start3A_96 = arith.constant 0 : i32
      %dma_start3A_97 = tpu.memref_slice %arg12[%dma_start3A_95, %dma_start3A_96] : memref<128x16xf32, #tpu.memory_space<vmem>> -> memref<128x16xf32, #tpu.memory_space<vmem>>
      tpu.enqueue_dma source(%dma_start3A_97 : memref<128x16xf32, #tpu.memory_space<vmem>>) target(%dma_start3A_94 : memref<128x16xf32, #tpu.memory_space<vmem_shared>>) target_semaphore(%run_scoped3A : memref<!tpu.dma_semaphore, #tpu.memory_space<semaphore_mem>>)
      %dma_wait3A = arith.constant 0 : i32
      %dma_wait3A_98 = arith.constant 0 : i32
      %dma_wait3A_99 = tpu.memref_slice %arg12[%dma_wait3A, %dma_wait3A_98] : memref<128x16xf32, #tpu.memory_space<vmem>> -> memref<128x16xf32, #tpu.memory_space<vmem>>
      %dma_wait3A_100 = arith.constant 0 : i32
      %dma_wait3A_101 = tpu.memref_slice %arg15[%add3A_9, %dma_wait3A_100] : memref<10000x16xf32, #tpu.memory_space<vmem_shared>> -> memref<128x16xf32, #tpu.memory_space<vmem_shared>>
      %dma_wait3A_102 = arith.constant 0 : i32
      %dma_wait3A_103 = tpu.memref_slice %arg15[%add3A_9, %dma_wait3A_102] : memref<10000x16xf32, #tpu.memory_space<vmem_shared>> -> memref<128x16xf32, #tpu.memory_space<vmem_shared>>
      %dma_wait3A_104 = arith.constant 0 : i32
      %dma_wait3A_105 = arith.constant 0 : i32
      %dma_wait3A_106 = tpu.memref_slice %arg12[%dma_wait3A_104, %dma_wait3A_105] : memref<128x16xf32, #tpu.memory_space<vmem>> -> memref<128x16xf32, #tpu.memory_space<vmem>>
      tpu.wait_dma2 semaphore(%run_scoped3A : memref<!tpu.dma_semaphore, #tpu.memory_space<semaphore_mem>>) src(%dma_wait3A_106 : memref<128x16xf32, #tpu.memory_space<vmem>>) dst(%dma_wait3A_103 : memref<128x16xf32, #tpu.memory_space<vmem_shared>>)
      tpu.yield
    }) : () -> ()
    %add3A_10 = arith.constant 128 : i32
    %add3A_11 = arith.addi %multiple_of3A, %add3A_10 : i32
    "tpu.region"() ({
      %run_scoped3A = tpu.sem_alloc : memref<!tpu.dma_semaphore, #tpu.memory_space<semaphore_mem>>
      %dma_start3A = arith.constant 0 : i32
      %dma_start3A_89 = tpu.memref_slice %arg14[%add3A_11, %dma_start3A] : memref<10000x64xf32, #tpu.memory_space<vmem_shared>> -> memref<128x64xf32, #tpu.memory_space<vmem_shared>>
      %dma_start3A_90 = arith.constant 0 : i32
      %dma_start3A_91 = tpu.memref_slice %arg14[%add3A_11, %dma_start3A_90] : memref<10000x64xf32, #tpu.memory_space<vmem_shared>> -> memref<128x64xf32, #tpu.memory_space<vmem_shared>>
      tpu.enqueue_dma source(%arg13 : memref<128x64xf32, #tpu.memory_space<vmem>>) target(%dma_start3A_91 : memref<128x64xf32, #tpu.memory_space<vmem_shared>>) target_semaphore(%run_scoped3A : memref<!tpu.dma_semaphore, #tpu.memory_space<semaphore_mem>>)
      %dma_wait3A = arith.constant 0 : i32
      %dma_wait3A_92 = tpu.memref_slice %arg14[%add3A_11, %dma_wait3A] : memref<10000x64xf32, #tpu.memory_space<vmem_shared>> -> memref<128x64xf32, #tpu.memory_space<vmem_shared>>
      %dma_wait3A_93 = arith.constant 0 : i32
      %dma_wait3A_94 = tpu.memref_slice %arg14[%add3A_11, %dma_wait3A_93] : memref<10000x64xf32, #tpu.memory_space<vmem_shared>> -> memref<128x64xf32, #tpu.memory_space<vmem_shared>>
      tpu.wait_dma2 semaphore(%run_scoped3A : memref<!tpu.dma_semaphore, #tpu.memory_space<semaphore_mem>>) src(%arg13 : memref<128x64xf32, #tpu.memory_space<vmem>>) dst(%dma_wait3A_94 : memref<128x64xf32, #tpu.memory_space<vmem_shared>>)
      tpu.yield
    }) : () -> ()
    %add3A_12 = arith.constant 128 : i32
    %add3A_13 = arith.addi %multiple_of3A, %add3A_12 : i32
    "tpu.region"() ({
      %run_scoped3A = tpu.sem_alloc : memref<!tpu.dma_semaphore, #tpu.memory_space<semaphore_mem>>
      %dma_start3A = arith.constant 0 : i32
      %dma_start3A_89 = arith.constant 0 : i32
      %dma_start3A_90 = tpu.memref_slice %arg12[%dma_start3A, %dma_start3A_89] : memref<128x16xf32, #tpu.memory_space<vmem>> -> memref<128x16xf32, #tpu.memory_space<vmem>>
      %dma_start3A_91 = arith.constant 0 : i32
      %dma_start3A_92 = tpu.memref_slice %arg15[%add3A_13, %dma_start3A_91] : memref<10000x16xf32, #tpu.memory_space<vmem_shared>> -> memref<128x16xf32, #tpu.memory_space<vmem_shared>>
      %dma_start3A_93 = arith.constant 0 : i32
      %dma_start3A_94 = tpu.memref_slice %arg15[%add3A_13, %dma_start3A_93] : memref<10000x16xf32, #tpu.memory_space<vmem_shared>> -> memref<128x16xf32, #tpu.memory_space<vmem_shared>>
      %dma_start3A_95 = arith.constant 0 : i32
      %dma_start3A_96 = arith.constant 0 : i32
      %dma_start3A_97 = tpu.memref_slice %arg12[%dma_start3A_95, %dma_start3A_96] : memref<128x16xf32, #tpu.memory_space<vmem>> -> memref<128x16xf32, #tpu.memory_space<vmem>>
      tpu.enqueue_dma source(%dma_start3A_97 : memref<128x16xf32, #tpu.memory_space<vmem>>) target(%dma_start3A_94 : memref<128x16xf32, #tpu.memory_space<vmem_shared>>) target_semaphore(%run_scoped3A : memref<!tpu.dma_semaphore, #tpu.memory_space<semaphore_mem>>)
      %dma_wait3A = arith.constant 0 : i32
      %dma_wait3A_98 = arith.constant 0 : i32
      %dma_wait3A_99 = tpu.memref_slice %arg12[%dma_wait3A, %dma_wait3A_98] : memref<128x16xf32, #tpu.memory_space<vmem>> -> memref<128x16xf32, #tpu.memory_space<vmem>>
      %dma_wait3A_100 = arith.constant 0 : i32
      %dma_wait3A_101 = tpu.memref_slice %arg15[%add3A_13, %dma_wait3A_100] : memref<10000x16xf32, #tpu.memory_space<vmem_shared>> -> memref<128x16xf32, #tpu.memory_space<vmem_shared>>
      %dma_wait3A_102 = arith.constant 0 : i32
      %dma_wait3A_103 = tpu.memref_slice %arg15[%add3A_13, %dma_wait3A_102] : memref<10000x16xf32, #tpu.memory_space<vmem_shared>> -> memref<128x16xf32, #tpu.memory_space<vmem_shared>>
      %dma_wait3A_104 = arith.constant 0 : i32
      %dma_wait3A_105 = arith.constant 0 : i32
      %dma_wait3A_106 = tpu.memref_slice %arg12[%dma_wait3A_104, %dma_wait3A_105] : memref<128x16xf32, #tpu.memory_space<vmem>> -> memref<128x16xf32, #tpu.memory_space<vmem>>
      tpu.wait_dma2 semaphore(%run_scoped3A : memref<!tpu.dma_semaphore, #tpu.memory_space<semaphore_mem>>) src(%dma_wait3A_106 : memref<128x16xf32, #tpu.memory_space<vmem>>) dst(%dma_wait3A_103 : memref<128x16xf32, #tpu.memory_space<vmem_shared>>)
      tpu.yield
    }) : () -> ()
    %add3A_14 = arith.constant 256 : i32
    %add3A_15 = arith.addi %multiple_of3A, %add3A_14 : i32
    "tpu.region"() ({
      %run_scoped3A = tpu.sem_alloc : memref<!tpu.dma_semaphore, #tpu.memory_space<semaphore_mem>>
      %dma_start3A = arith.constant 0 : i32
      %dma_start3A_89 = tpu.memref_slice %arg14[%add3A_15, %dma_start3A] : memref<10000x64xf32, #tpu.memory_space<vmem_shared>> -> memref<128x64xf32, #tpu.memory_space<vmem_shared>>
      %dma_start3A_90 = arith.constant 0 : i32
      %dma_start3A_91 = tpu.memref_slice %arg14[%add3A_15, %dma_start3A_90] : memref<10000x64xf32, #tpu.memory_space<vmem_shared>> -> memref<128x64xf32, #tpu.memory_space<vmem_shared>>
      tpu.enqueue_dma source(%arg13 : memref<128x64xf32, #tpu.memory_space<vmem>>) target(%dma_start3A_91 : memref<128x64xf32, #tpu.memory_space<vmem_shared>>) target_semaphore(%run_scoped3A : memref<!tpu.dma_semaphore, #tpu.memory_space<semaphore_mem>>)
      %dma_wait3A = arith.constant 0 : i32
      %dma_wait3A_92 = tpu.memref_slice %arg14[%add3A_15, %dma_wait3A] : memref<10000x64xf32, #tpu.memory_space<vmem_shared>> -> memref<128x64xf32, #tpu.memory_space<vmem_shared>>
      %dma_wait3A_93 = arith.constant 0 : i32
      %dma_wait3A_94 = tpu.memref_slice %arg14[%add3A_15, %dma_wait3A_93] : memref<10000x64xf32, #tpu.memory_space<vmem_shared>> -> memref<128x64xf32, #tpu.memory_space<vmem_shared>>
      tpu.wait_dma2 semaphore(%run_scoped3A : memref<!tpu.dma_semaphore, #tpu.memory_space<semaphore_mem>>) src(%arg13 : memref<128x64xf32, #tpu.memory_space<vmem>>) dst(%dma_wait3A_94 : memref<128x64xf32, #tpu.memory_space<vmem_shared>>)
      tpu.yield
    }) : () -> ()
    %add3A_16 = arith.constant 256 : i32
    %add3A_17 = arith.addi %multiple_of3A, %add3A_16 : i32
    "tpu.region"() ({
      %run_scoped3A = tpu.sem_alloc : memref<!tpu.dma_semaphore, #tpu.memory_space<semaphore_mem>>
      %dma_start3A = arith.constant 0 : i32
      %dma_start3A_89 = arith.constant 0 : i32
      %dma_start3A_90 = tpu.memref_slice %arg12[%dma_start3A, %dma_start3A_89] : memref<128x16xf32, #tpu.memory_space<vmem>> -> memref<128x16xf32, #tpu.memory_space<vmem>>
      %dma_start3A_91 = arith.constant 0 : i32
      %dma_start3A_92 = tpu.memref_slice %arg15[%add3A_17, %dma_start3A_91] : memref<10000x16xf32, #tpu.memory_space<vmem_shared>> -> memref<128x16xf32, #tpu.memory_space<vmem_shared>>
      %dma_start3A_93 = arith.constant 0 : i32
      %dma_start3A_94 = tpu.memref_slice %arg15[%add3A_17, %dma_start3A_93] : memref<10000x16xf32, #tpu.memory_space<vmem_shared>> -> memref<128x16xf32, #tpu.memory_space<vmem_shared>>
      %dma_start3A_95 = arith.constant 0 : i32
      %dma_start3A_96 = arith.constant 0 : i32
      %dma_start3A_97 = tpu.memref_slice %arg12[%dma_start3A_95, %dma_start3A_96] : memref<128x16xf32, #tpu.memory_space<vmem>> -> memref<128x16xf32, #tpu.memory_space<vmem>>
      tpu.enqueue_dma source(%dma_start3A_97 : memref<128x16xf32, #tpu.memory_space<vmem>>) target(%dma_start3A_94 : memref<128x16xf32, #tpu.memory_space<vmem_shared>>) target_semaphore(%run_scoped3A : memref<!tpu.dma_semaphore, #tpu.memory_space<semaphore_mem>>)
      %dma_wait3A = arith.constant 0 : i32
      %dma_wait3A_98 = arith.constant 0 : i32
      %dma_wait3A_99 = tpu.memref_slice %arg12[%dma_wait3A, %dma_wait3A_98] : memref<128x16xf32, #tpu.memory_space<vmem>> -> memref<128x16xf32, #tpu.memory_space<vmem>>
      %dma_wait3A_100 = arith.constant 0 : i32
      %dma_wait3A_101 = tpu.memref_slice %arg15[%add3A_17, %dma_wait3A_100] : memref<10000x16xf32, #tpu.memory_space<vmem_shared>> -> memref<128x16xf32, #tpu.memory_space<vmem_shared>>
      %dma_wait3A_102 = arith.constant 0 : i32
      %dma_wait3A_103 = tpu.memref_slice %arg15[%add3A_17, %dma_wait3A_102] : memref<10000x16xf32, #tpu.memory_space<vmem_shared>> -> memref<128x16xf32, #tpu.memory_space<vmem_shared>>
      %dma_wait3A_104 = arith.constant 0 : i32
      %dma_wait3A_105 = arith.constant 0 : i32
      %dma_wait3A_106 = tpu.memref_slice %arg12[%dma_wait3A_104, %dma_wait3A_105] : memref<128x16xf32, #tpu.memory_space<vmem>> -> memref<128x16xf32, #tpu.memory_space<vmem>>
      tpu.wait_dma2 semaphore(%run_scoped3A : memref<!tpu.dma_semaphore, #tpu.memory_space<semaphore_mem>>) src(%dma_wait3A_106 : memref<128x16xf32, #tpu.memory_space<vmem>>) dst(%dma_wait3A_103 : memref<128x16xf32, #tpu.memory_space<vmem_shared>>)
      tpu.yield
    }) : () -> ()
    %add3A_18 = arith.constant 384 : i32
    %add3A_19 = arith.addi %multiple_of3A, %add3A_18 : i32
    "tpu.region"() ({
      %run_scoped3A = tpu.sem_alloc : memref<!tpu.dma_semaphore, #tpu.memory_space<semaphore_mem>>
      %dma_start3A = arith.constant 0 : i32
      %dma_start3A_89 = tpu.memref_slice %arg14[%add3A_19, %dma_start3A] : memref<10000x64xf32, #tpu.memory_space<vmem_shared>> -> memref<128x64xf32, #tpu.memory_space<vmem_shared>>
      %dma_start3A_90 = arith.constant 0 : i32
      %dma_start3A_91 = tpu.memref_slice %arg14[%add3A_19, %dma_start3A_90] : memref<10000x64xf32, #tpu.memory_space<vmem_shared>> -> memref<128x64xf32, #tpu.memory_space<vmem_shared>>
      tpu.enqueue_dma source(%arg13 : memref<128x64xf32, #tpu.memory_space<vmem>>) target(%dma_start3A_91 : memref<128x64xf32, #tpu.memory_space<vmem_shared>>) target_semaphore(%run_scoped3A : memref<!tpu.dma_semaphore, #tpu.memory_space<semaphore_mem>>)
      %dma_wait3A = arith.constant 0 : i32
      %dma_wait3A_92 = tpu.memref_slice %arg14[%add3A_19, %dma_wait3A] : memref<10000x64xf32, #tpu.memory_space<vmem_shared>> -> memref<128x64xf32, #tpu.memory_space<vmem_shared>>
      %dma_wait3A_93 = arith.constant 0 : i32
      %dma_wait3A_94 = tpu.memref_slice %arg14[%add3A_19, %dma_wait3A_93] : memref<10000x64xf32, #tpu.memory_space<vmem_shared>> -> memref<128x64xf32, #tpu.memory_space<vmem_shared>>
      tpu.wait_dma2 semaphore(%run_scoped3A : memref<!tpu.dma_semaphore, #tpu.memory_space<semaphore_mem>>) src(%arg13 : memref<128x64xf32, #tpu.memory_space<vmem>>) dst(%dma_wait3A_94 : memref<128x64xf32, #tpu.memory_space<vmem_shared>>)
      tpu.yield
    }) : () -> ()
    %add3A_20 = arith.constant 384 : i32
    %add3A_21 = arith.addi %multiple_of3A, %add3A_20 : i32
    "tpu.region"() ({
      %run_scoped3A = tpu.sem_alloc : memref<!tpu.dma_semaphore, #tpu.memory_space<semaphore_mem>>
      %dma_start3A = arith.constant 0 : i32
      %dma_start3A_89 = arith.constant 0 : i32
      %dma_start3A_90 = tpu.memref_slice %arg12[%dma_start3A, %dma_start3A_89] : memref<128x16xf32, #tpu.memory_space<vmem>> -> memref<128x16xf32, #tpu.memory_space<vmem>>
      %dma_start3A_91 = arith.constant 0 : i32
      %dma_start3A_92 = tpu.memref_slice %arg15[%add3A_21, %dma_start3A_91] : memref<10000x16xf32, #tpu.memory_space<vmem_shared>> -> memref<128x16xf32, #tpu.memory_space<vmem_shared>>
      %dma_start3A_93 = arith.constant 0 : i32
      %dma_start3A_94 = tpu.memref_slice %arg15[%add3A_21, %dma_start3A_93] : memref<10000x16xf32, #tpu.memory_space<vmem_shared>> -> memref<128x16xf32, #tpu.memory_space<vmem_shared>>
      %dma_start3A_95 = arith.constant 0 : i32
      %dma_start3A_96 = arith.constant 0 : i32
      %dma_start3A_97 = tpu.memref_slice %arg12[%dma_start3A_95, %dma_start3A_96] : memref<128x16xf32, #tpu.memory_space<vmem>> -> memref<128x16xf32, #tpu.memory_space<vmem>>
      tpu.enqueue_dma source(%dma_start3A_97 : memref<128x16xf32, #tpu.memory_space<vmem>>) target(%dma_start3A_94 : memref<128x16xf32, #tpu.memory_space<vmem_shared>>) target_semaphore(%run_scoped3A : memref<!tpu.dma_semaphore, #tpu.memory_space<semaphore_mem>>)
      %dma_wait3A = arith.constant 0 : i32
      %dma_wait3A_98 = arith.constant 0 : i32
      %dma_wait3A_99 = tpu.memref_slice %arg12[%dma_wait3A, %dma_wait3A_98] : memref<128x16xf32, #tpu.memory_space<vmem>> -> memref<128x16xf32, #tpu.memory_space<vmem>>
      %dma_wait3A_100 = arith.constant 0 : i32
      %dma_wait3A_101 = tpu.memref_slice %arg15[%add3A_21, %dma_wait3A_100] : memref<10000x16xf32, #tpu.memory_space<vmem_shared>> -> memref<128x16xf32, #tpu.memory_space<vmem_shared>>
      %dma_wait3A_102 = arith.constant 0 : i32
      %dma_wait3A_103 = tpu.memref_slice %arg15[%add3A_21, %dma_wait3A_102] : memref<10000x16xf32, #tpu.memory_space<vmem_shared>> -> memref<128x16xf32, #tpu.memory_space<vmem_shared>>
      %dma_wait3A_104 = arith.constant 0 : i32
      %dma_wait3A_105 = arith.constant 0 : i32
      %dma_wait3A_106 = tpu.memref_slice %arg12[%dma_wait3A_104, %dma_wait3A_105] : memref<128x16xf32, #tpu.memory_space<vmem>> -> memref<128x16xf32, #tpu.memory_space<vmem>>
      tpu.wait_dma2 semaphore(%run_scoped3A : memref<!tpu.dma_semaphore, #tpu.memory_space<semaphore_mem>>) src(%dma_wait3A_106 : memref<128x16xf32, #tpu.memory_space<vmem>>) dst(%dma_wait3A_103 : memref<128x16xf32, #tpu.memory_space<vmem_shared>>)
      tpu.yield
    }) : () -> ()
    %add3A_22 = arith.constant 512 : i32
    %add3A_23 = arith.addi %multiple_of3A, %add3A_22 : i32
    "tpu.region"() ({
      %run_scoped3A = tpu.sem_alloc : memref<!tpu.dma_semaphore, #tpu.memory_space<semaphore_mem>>
      %dma_start3A = arith.constant 0 : i32
      %dma_start3A_89 = arith.constant 0 : i32
      %dma_start3A_90 = tpu.memref_slice %arg13[%dma_start3A, %dma_start3A_89] : memref<128x64xf32, #tpu.memory_space<vmem>> -> memref<112x64xf32, #tpu.memory_space<vmem>>
      %dma_start3A_91 = arith.constant 0 : i32
      %dma_start3A_92 = tpu.memref_slice %arg14[%add3A_23, %dma_start3A_91] : memref<10000x64xf32, #tpu.memory_space<vmem_shared>> -> memref<112x64xf32, #tpu.memory_space<vmem_shared>>
      %dma_start3A_93 = arith.constant 0 : i32
      %dma_start3A_94 = tpu.memref_slice %arg14[%add3A_23, %dma_start3A_93] : memref<10000x64xf32, #tpu.memory_space<vmem_shared>> -> memref<112x64xf32, #tpu.memory_space<vmem_shared>>
      %dma_start3A_95 = arith.constant 0 : i32
      %dma_start3A_96 = arith.constant 0 : i32
      %dma_start3A_97 = tpu.memref_slice %arg13[%dma_start3A_95, %dma_start3A_96] : memref<128x64xf32, #tpu.memory_space<vmem>> -> memref<112x64xf32, #tpu.memory_space<vmem>>
      tpu.enqueue_dma source(%dma_start3A_97 : memref<112x64xf32, #tpu.memory_space<vmem>>) target(%dma_start3A_94 : memref<112x64xf32, #tpu.memory_space<vmem_shared>>) target_semaphore(%run_scoped3A : memref<!tpu.dma_semaphore, #tpu.memory_space<semaphore_mem>>)
      %dma_wait3A = arith.constant 0 : i32
      %dma_wait3A_98 = arith.constant 0 : i32
      %dma_wait3A_99 = tpu.memref_slice %arg13[%dma_wait3A, %dma_wait3A_98] : memref<128x64xf32, #tpu.memory_space<vmem>> -> memref<112x64xf32, #tpu.memory_space<vmem>>
      %dma_wait3A_100 = arith.constant 0 : i32
      %dma_wait3A_101 = tpu.memref_slice %arg14[%add3A_23, %dma_wait3A_100] : memref<10000x64xf32, #tpu.memory_space<vmem_shared>> -> memref<112x64xf32, #tpu.memory_space<vmem_shared>>
      %dma_wait3A_102 = arith.constant 0 : i32
      %dma_wait3A_103 = tpu.memref_slice %arg14[%add3A_23, %dma_wait3A_102] : memref<10000x64xf32, #tpu.memory_space<vmem_shared>> -> memref<112x64xf32, #tpu.memory_space<vmem_shared>>
      %dma_wait3A_104 = arith.constant 0 : i32
      %dma_wait3A_105 = arith.constant 0 : i32
      %dma_wait3A_106 = tpu.memref_slice %arg13[%dma_wait3A_104, %dma_wait3A_105] : memref<128x64xf32, #tpu.memory_space<vmem>> -> memref<112x64xf32, #tpu.memory_space<vmem>>
      tpu.wait_dma2 semaphore(%run_scoped3A : memref<!tpu.dma_semaphore, #tpu.memory_space<semaphore_mem>>) src(%dma_wait3A_106 : memref<112x64xf32, #tpu.memory_space<vmem>>) dst(%dma_wait3A_103 : memref<112x64xf32, #tpu.memory_space<vmem_shared>>)
      tpu.yield
    }) : () -> ()
    %add3A_24 = arith.constant 512 : i32
    %add3A_25 = arith.addi %multiple_of3A, %add3A_24 : i32
    "tpu.region"() ({
      %run_scoped3A = tpu.sem_alloc : memref<!tpu.dma_semaphore, #tpu.memory_space<semaphore_mem>>
      %dma_start3A = arith.constant 0 : i32
      %dma_start3A_89 = arith.constant 0 : i32
      %dma_start3A_90 = tpu.memref_slice %arg12[%dma_start3A, %dma_start3A_89] : memref<128x16xf32, #tpu.memory_space<vmem>> -> memref<112x16xf32, #tpu.memory_space<vmem>>
      %dma_start3A_91 = arith.constant 0 : i32
      %dma_start3A_92 = tpu.memref_slice %arg15[%add3A_25, %dma_start3A_91] : memref<10000x16xf32, #tpu.memory_space<vmem_shared>> -> memref<112x16xf32, #tpu.memory_space<vmem_shared>>
      %dma_start3A_93 = arith.constant 0 : i32
      %dma_start3A_94 = tpu.memref_slice %arg15[%add3A_25, %dma_start3A_93] : memref<10000x16xf32, #tpu.memory_space<vmem_shared>> -> memref<112x16xf32, #tpu.memory_space<vmem_shared>>
      %dma_start3A_95 = arith.constant 0 : i32
      %dma_start3A_96 = arith.constant 0 : i32
      %dma_start3A_97 = tpu.memref_slice %arg12[%dma_start3A_95, %dma_start3A_96] : memref<128x16xf32, #tpu.memory_space<vmem>> -> memref<112x16xf32, #tpu.memory_space<vmem>>
      tpu.enqueue_dma source(%dma_start3A_97 : memref<112x16xf32, #tpu.memory_space<vmem>>) target(%dma_start3A_94 : memref<112x16xf32, #tpu.memory_space<vmem_shared>>) target_semaphore(%run_scoped3A : memref<!tpu.dma_semaphore, #tpu.memory_space<semaphore_mem>>)
      %dma_wait3A = arith.constant 0 : i32
      %dma_wait3A_98 = arith.constant 0 : i32
      %dma_wait3A_99 = tpu.memref_slice %arg12[%dma_wait3A, %dma_wait3A_98] : memref<128x16xf32, #tpu.memory_space<vmem>> -> memref<112x16xf32, #tpu.memory_space<vmem>>
      %dma_wait3A_100 = arith.constant 0 : i32
      %dma_wait3A_101 = tpu.memref_slice %arg15[%add3A_25, %dma_wait3A_100] : memref<10000x16xf32, #tpu.memory_space<vmem_shared>> -> memref<112x16xf32, #tpu.memory_space<vmem_shared>>
      %dma_wait3A_102 = arith.constant 0 : i32
      %dma_wait3A_103 = tpu.memref_slice %arg15[%add3A_25, %dma_wait3A_102] : memref<10000x16xf32, #tpu.memory_space<vmem_shared>> -> memref<112x16xf32, #tpu.memory_space<vmem_shared>>
      %dma_wait3A_104 = arith.constant 0 : i32
      %dma_wait3A_105 = arith.constant 0 : i32
      %dma_wait3A_106 = tpu.memref_slice %arg12[%dma_wait3A_104, %dma_wait3A_105] : memref<128x16xf32, #tpu.memory_space<vmem>> -> memref<112x16xf32, #tpu.memory_space<vmem>>
      tpu.wait_dma2 semaphore(%run_scoped3A : memref<!tpu.dma_semaphore, #tpu.memory_space<semaphore_mem>>) src(%dma_wait3A_106 : memref<112x16xf32, #tpu.memory_space<vmem>>) dst(%dma_wait3A_103 : memref<112x16xf32, #tpu.memory_space<vmem_shared>>)
      tpu.yield
    }) : () -> ()
    %eq3A = arith.constant 0 : i32
    %eq3A_26 = arith.cmpi eq, %arg1, %eq3A : i32
    %convert_element_type3A = arith.extui %eq3A_26 : i1 to i32
    %cond3A = arith.constant 0 : i32
    %cond3A_27 = arith.cmpi ne, %convert_element_type3A, %cond3A : i32
    scf.if %cond3A_27 {
      "tpu.region"() ({
        %run_scoped3A = tpu.sem_alloc : memref<!tpu.dma_semaphore, #tpu.memory_space<semaphore_mem>>
        %dma_start3A = arith.constant 0 : i32
        %dma_start3A_89 = arith.constant 0 : i32
        %dma_start3A_90 = tpu.memref_slice %arg13[%dma_start3A, %dma_start3A_89] : memref<128x64xf32, #tpu.memory_space<vmem>> -> memref<16x64xf32, #tpu.memory_space<vmem>>
        %dma_start3A_91 = arith.constant 9984 : i32
        %dma_start3A_92 = arith.constant 0 : i32
        %dma_start3A_93 = tpu.memref_slice %arg14[%dma_start3A_91, %dma_start3A_92] : memref<10000x64xf32, #tpu.memory_space<vmem_shared>> -> memref<16x64xf32, #tpu.memory_space<vmem_shared>>
        %dma_start3A_94 = arith.constant 9984 : i32
        %dma_start3A_95 = arith.constant 0 : i32
        %dma_start3A_96 = tpu.memref_slice %arg14[%dma_start3A_94, %dma_start3A_95] : memref<10000x64xf32, #tpu.memory_space<vmem_shared>> -> memref<16x64xf32, #tpu.memory_space<vmem_shared>>
        %dma_start3A_97 = arith.constant 0 : i32
        %dma_start3A_98 = arith.constant 0 : i32
        %dma_start3A_99 = tpu.memref_slice %arg13[%dma_start3A_97, %dma_start3A_98] : memref<128x64xf32, #tpu.memory_space<vmem>> -> memref<16x64xf32, #tpu.memory_space<vmem>>
        tpu.enqueue_dma source(%dma_start3A_99 : memref<16x64xf32, #tpu.memory_space<vmem>>) target(%dma_start3A_96 : memref<16x64xf32, #tpu.memory_space<vmem_shared>>) target_semaphore(%run_scoped3A : memref<!tpu.dma_semaphore, #tpu.memory_space<semaphore_mem>>)
        %dma_wait3A = arith.constant 0 : i32
        %dma_wait3A_100 = arith.constant 0 : i32
        %dma_wait3A_101 = tpu.memref_slice %arg13[%dma_wait3A, %dma_wait3A_100] : memref<128x64xf32, #tpu.memory_space<vmem>> -> memref<16x64xf32, #tpu.memory_space<vmem>>
        %dma_wait3A_102 = arith.constant 9984 : i32
        %dma_wait3A_103 = arith.constant 0 : i32
        %dma_wait3A_104 = tpu.memref_slice %arg14[%dma_wait3A_102, %dma_wait3A_103] : memref<10000x64xf32, #tpu.memory_space<vmem_shared>> -> memref<16x64xf32, #tpu.memory_space<vmem_shared>>
        %dma_wait3A_105 = arith.constant 9984 : i32
        %dma_wait3A_106 = arith.constant 0 : i32
        %dma_wait3A_107 = tpu.memref_slice %arg14[%dma_wait3A_105, %dma_wait3A_106] : memref<10000x64xf32, #tpu.memory_space<vmem_shared>> -> memref<16x64xf32, #tpu.memory_space<vmem_shared>>
        %dma_wait3A_108 = arith.constant 0 : i32
        %dma_wait3A_109 = arith.constant 0 : i32
        %dma_wait3A_110 = tpu.memref_slice %arg13[%dma_wait3A_108, %dma_wait3A_109] : memref<128x64xf32, #tpu.memory_space<vmem>> -> memref<16x64xf32, #tpu.memory_space<vmem>>
        tpu.wait_dma2 semaphore(%run_scoped3A : memref<!tpu.dma_semaphore, #tpu.memory_space<semaphore_mem>>) src(%dma_wait3A_110 : memref<16x64xf32, #tpu.memory_space<vmem>>) dst(%dma_wait3A_107 : memref<16x64xf32, #tpu.memory_space<vmem_shared>>)
        tpu.yield
      }) : () -> ()
      "tpu.region"() ({
        %run_scoped3A = tpu.sem_alloc : memref<!tpu.dma_semaphore, #tpu.memory_space<semaphore_mem>>
        %dma_start3A = arith.constant 0 : i32
        %dma_start3A_89 = arith.constant 0 : i32
        %dma_start3A_90 = tpu.memref_slice %arg12[%dma_start3A, %dma_start3A_89] : memref<128x16xf32, #tpu.memory_space<vmem>> -> memref<16x16xf32, #tpu.memory_space<vmem>>
        %dma_start3A_91 = arith.constant 9984 : i32
        %dma_start3A_92 = arith.constant 0 : i32
        %dma_start3A_93 = tpu.memref_slice %arg15[%dma_start3A_91, %dma_start3A_92] : memref<10000x16xf32, #tpu.memory_space<vmem_shared>> -> memref<16x16xf32, #tpu.memory_space<vmem_shared>>
        %dma_start3A_94 = arith.constant 9984 : i32
        %dma_start3A_95 = arith.constant 0 : i32
        %dma_start3A_96 = tpu.memref_slice %arg15[%dma_start3A_94, %dma_start3A_95] : memref<10000x16xf32, #tpu.memory_space<vmem_shared>> -> memref<16x16xf32, #tpu.memory_space<vmem_shared>>
        %dma_start3A_97 = arith.constant 0 : i32
        %dma_start3A_98 = arith.constant 0 : i32
        %dma_start3A_99 = tpu.memref_slice %arg12[%dma_start3A_97, %dma_start3A_98] : memref<128x16xf32, #tpu.memory_space<vmem>> -> memref<16x16xf32, #tpu.memory_space<vmem>>
        tpu.enqueue_dma source(%dma_start3A_99 : memref<16x16xf32, #tpu.memory_space<vmem>>) target(%dma_start3A_96 : memref<16x16xf32, #tpu.memory_space<vmem_shared>>) target_semaphore(%run_scoped3A : memref<!tpu.dma_semaphore, #tpu.memory_space<semaphore_mem>>)
        %dma_wait3A = arith.constant 0 : i32
        %dma_wait3A_100 = arith.constant 0 : i32
        %dma_wait3A_101 = tpu.memref_slice %arg12[%dma_wait3A, %dma_wait3A_100] : memref<128x16xf32, #tpu.memory_space<vmem>> -> memref<16x16xf32, #tpu.memory_space<vmem>>
        %dma_wait3A_102 = arith.constant 9984 : i32
        %dma_wait3A_103 = arith.constant 0 : i32
        %dma_wait3A_104 = tpu.memref_slice %arg15[%dma_wait3A_102, %dma_wait3A_103] : memref<10000x16xf32, #tpu.memory_space<vmem_shared>> -> memref<16x16xf32, #tpu.memory_space<vmem_shared>>
        %dma_wait3A_105 = arith.constant 9984 : i32
        %dma_wait3A_106 = arith.constant 0 : i32
        %dma_wait3A_107 = tpu.memref_slice %arg15[%dma_wait3A_105, %dma_wait3A_106] : memref<10000x16xf32, #tpu.memory_space<vmem_shared>> -> memref<16x16xf32, #tpu.memory_space<vmem_shared>>
        %dma_wait3A_108 = arith.constant 0 : i32
        %dma_wait3A_109 = arith.constant 0 : i32
        %dma_wait3A_110 = tpu.memref_slice %arg12[%dma_wait3A_108, %dma_wait3A_109] : memref<128x16xf32, #tpu.memory_space<vmem>> -> memref<16x16xf32, #tpu.memory_space<vmem>>
        tpu.wait_dma2 semaphore(%run_scoped3A : memref<!tpu.dma_semaphore, #tpu.memory_space<semaphore_mem>>) src(%dma_wait3A_110 : memref<16x16xf32, #tpu.memory_space<vmem>>) dst(%dma_wait3A_107 : memref<16x16xf32, #tpu.memory_space<vmem_shared>>)
        tpu.yield
      }) : () -> ()
    } else {
    }
    %barrier3A = arith.constant 0 : index
    tpu.barrier barrier_id(%barrier3A)
    %mul3A_28 = arith.constant 10000 : i32
    %mul3A_29 = arith.muli %arg0, %mul3A_28 : i32
    %mul3A_30 = arith.constant 20000 : i32
    %mul3A_31 = arith.muli %arg1, %mul3A_30 : i32
    %multiple_of3A_32 = tpu.assume_multiple %mul3A_31, 8 : i32
    %scan3A_33 = arith.constant 0 : i32
    %scan3A_34 = arith.constant 0 : i32
    %scan3A_35 = arith.constant 250 : i32
    %scan3A_36 = arith.addi %scan3A_34, %scan3A_35 : i32
    %scan3A_37 = arith.constant 1 : i32
    scf.for %scan3A_89 = %scan3A_34 to %scan3A_36 step %scan3A_37  : i32 {
      %mul3A_90 = arith.constant 80 : i32
      %mul3A_91 = arith.muli %scan3A_89, %mul3A_90 : i32
      %add3A_92 = arith.addi %multiple_of3A_32, %mul3A_91 : i32
      "tpu.region"() ({
        %run_scoped3A = tpu.sem_alloc : memref<!tpu.dma_semaphore, #tpu.memory_space<semaphore_mem>>
        %dma_start3A_214 = tpu.memref_slice %arg3[%add3A_92] : memref<320000xi32, #tpu.memory_space<hbm>> -> memref<80xi32, #tpu.memory_space<hbm>>
        %dma_start3A_215 = tpu.memref_slice %arg3[%add3A_92] : memref<320000xi32, #tpu.memory_space<hbm>> -> memref<80xi32, #tpu.memory_space<hbm>>
        tpu.enqueue_dma source(%dma_start3A_215 : memref<80xi32, #tpu.memory_space<hbm>>) target(%arg7 : memref<80xi32, #tpu.memory_space<vmem>>) target_semaphore(%run_scoped3A : memref<!tpu.dma_semaphore, #tpu.memory_space<semaphore_mem>>)
        %dma_wait3A_216 = tpu.memref_slice %arg3[%add3A_92] : memref<320000xi32, #tpu.memory_space<hbm>> -> memref<80xi32, #tpu.memory_space<hbm>>
        %dma_wait3A_217 = tpu.memref_slice %arg3[%add3A_92] : memref<320000xi32, #tpu.memory_space<hbm>> -> memref<80xi32, #tpu.memory_space<hbm>>
        tpu.wait_dma2 semaphore(%run_scoped3A : memref<!tpu.dma_semaphore, #tpu.memory_space<semaphore_mem>>) src(%dma_wait3A_217 : memref<80xi32, #tpu.memory_space<hbm>>) dst(%arg7 : memref<80xi32, #tpu.memory_space<vmem>>)
        tpu.yield
      }) : () -> ()
      "tpu.region"() ({
        %run_scoped3A = tpu.sem_alloc : memref<!tpu.dma_semaphore, #tpu.memory_space<semaphore_mem>>
        %dma_start3A_214 = tpu.memref_slice %arg4[%add3A_92] : memref<320000xi32, #tpu.memory_space<hbm>> -> memref<80xi32, #tpu.memory_space<hbm>>
        %dma_start3A_215 = tpu.memref_slice %arg4[%add3A_92] : memref<320000xi32, #tpu.memory_space<hbm>> -> memref<80xi32, #tpu.memory_space<hbm>>
        tpu.enqueue_dma source(%dma_start3A_215 : memref<80xi32, #tpu.memory_space<hbm>>) target(%arg8 : memref<80xi32, #tpu.memory_space<vmem>>) target_semaphore(%run_scoped3A : memref<!tpu.dma_semaphore, #tpu.memory_space<semaphore_mem>>)
        %dma_wait3A_216 = tpu.memref_slice %arg4[%add3A_92] : memref<320000xi32, #tpu.memory_space<hbm>> -> memref<80xi32, #tpu.memory_space<hbm>>
        %dma_wait3A_217 = tpu.memref_slice %arg4[%add3A_92] : memref<320000xi32, #tpu.memory_space<hbm>> -> memref<80xi32, #tpu.memory_space<hbm>>
        tpu.wait_dma2 semaphore(%run_scoped3A : memref<!tpu.dma_semaphore, #tpu.memory_space<semaphore_mem>>) src(%dma_wait3A_217 : memref<80xi32, #tpu.memory_space<hbm>>) dst(%arg8 : memref<80xi32, #tpu.memory_space<vmem>>)
        tpu.yield
      }) : () -> ()
      %scan3A_93 = arith.constant 0 : i32
      %scan3A_94 = arith.constant 0 : i32
      %mul3A_95 = arith.constant 16 : i32
      %mul3A_96 = arith.muli %scan3A_94, %mul3A_95 : i32
      %get3A = arith.index_cast %mul3A_96 : i32 to index
      %get3A_97 = tpu.vector_load %arg7[%get3A] {strides = array<i32>} : memref<80xi32, #tpu.memory_space<vmem>>, vector<16xi32>,
      %add3A_98 = vector.broadcast %mul3A_29 : i32 to vector<16xi32>
      %add3A_99 = arith.addi %get3A_97, %add3A_98 : vector<16xi32>
      %mul3A_100 = arith.constant 16 : i32
      %mul3A_101 = arith.muli %scan3A_94, %mul3A_100 : i32
      %swap3A = arith.index_cast %mul3A_101 : i32 to index
      %swap3A_102 = tpu.vector_load %arg7[%swap3A] {strides = array<i32>} : memref<80xi32, #tpu.memory_space<vmem>>, vector<16xi32>,
      tpu.vector_store %arg7[%swap3A], %add3A_99 {strides = array<i32>} : memref<80xi32, #tpu.memory_space<vmem>>, vector<16xi32>,
      %mul3A_103 = arith.constant 16 : i32
      %mul3A_104 = arith.muli %scan3A_94, %mul3A_103 : i32
      %get3A_105 = arith.index_cast %mul3A_104 : i32 to index
      %get3A_106 = tpu.vector_load %arg8[%get3A_105] {strides = array<i32>} : memref<80xi32, #tpu.memory_space<vmem>>, vector<16xi32>,
      %add3A_107 = vector.broadcast %mul3A_29 : i32 to vector<16xi32>
      %add3A_108 = arith.addi %get3A_106, %add3A_107 : vector<16xi32>
      %mul3A_109 = arith.constant 16 : i32
      %mul3A_110 = arith.muli %scan3A_94, %mul3A_109 : i32
      %swap3A_111 = arith.index_cast %mul3A_110 : i32 to index
      %swap3A_112 = tpu.vector_load %arg9[%swap3A_111] {strides = array<i32>} : memref<80xi32, #tpu.memory_space<vmem>>, vector<16xi32>,
      tpu.vector_store %arg9[%swap3A_111], %add3A_108 {strides = array<i32>} : memref<80xi32, #tpu.memory_space<vmem>>, vector<16xi32>,
      %scan3A_113 = arith.constant 1 : i32
      %mul3A_114 = arith.constant 16 : i32
      %mul3A_115 = arith.muli %scan3A_113, %mul3A_114 : i32
      %get3A_116 = arith.index_cast %mul3A_115 : i32 to index
      %get3A_117 = tpu.vector_load %arg7[%get3A_116] {strides = array<i32>} : memref<80xi32, #tpu.memory_space<vmem>>, vector<16xi32>,
      %add3A_118 = vector.broadcast %mul3A_29 : i32 to vector<16xi32>
      %add3A_119 = arith.addi %get3A_117, %add3A_118 : vector<16xi32>
      %mul3A_120 = arith.constant 16 : i32
      %mul3A_121 = arith.muli %scan3A_113, %mul3A_120 : i32
      %swap3A_122 = arith.index_cast %mul3A_121 : i32 to index
      %swap3A_123 = tpu.vector_load %arg7[%swap3A_122] {strides = array<i32>} : memref<80xi32, #tpu.memory_space<vmem>>, vector<16xi32>,
      tpu.vector_store %arg7[%swap3A_122], %add3A_119 {strides = array<i32>} : memref<80xi32, #tpu.memory_space<vmem>>, vector<16xi32>,
      %mul3A_124 = arith.constant 16 : i32
      %mul3A_125 = arith.muli %scan3A_113, %mul3A_124 : i32
      %get3A_126 = arith.index_cast %mul3A_125 : i32 to index
      %get3A_127 = tpu.vector_load %arg8[%get3A_126] {strides = array<i32>} : memref<80xi32, #tpu.memory_space<vmem>>, vector<16xi32>,
      %add3A_128 = vector.broadcast %mul3A_29 : i32 to vector<16xi32>
      %add3A_129 = arith.addi %get3A_127, %add3A_128 : vector<16xi32>
      %mul3A_130 = arith.constant 16 : i32
      %mul3A_131 = arith.muli %scan3A_113, %mul3A_130 : i32
      %swap3A_132 = arith.index_cast %mul3A_131 : i32 to index
      %swap3A_133 = tpu.vector_load %arg9[%swap3A_132] {strides = array<i32>} : memref<80xi32, #tpu.memory_space<vmem>>, vector<16xi32>,
      tpu.vector_store %arg9[%swap3A_132], %add3A_129 {strides = array<i32>} : memref<80xi32, #tpu.memory_space<vmem>>, vector<16xi32>,
      %scan3A_134 = arith.constant 2 : i32
      %mul3A_135 = arith.constant 16 : i32
      %mul3A_136 = arith.muli %scan3A_134, %mul3A_135 : i32
      %get3A_137 = arith.index_cast %mul3A_136 : i32 to index
      %get3A_138 = tpu.vector_load %arg7[%get3A_137] {strides = array<i32>} : memref<80xi32, #tpu.memory_space<vmem>>, vector<16xi32>,
      %add3A_139 = vector.broadcast %mul3A_29 : i32 to vector<16xi32>
      %add3A_140 = arith.addi %get3A_138, %add3A_139 : vector<16xi32>
      %mul3A_141 = arith.constant 16 : i32
      %mul3A_142 = arith.muli %scan3A_134, %mul3A_141 : i32
      %swap3A_143 = arith.index_cast %mul3A_142 : i32 to index
      %swap3A_144 = tpu.vector_load %arg7[%swap3A_143] {strides = array<i32>} : memref<80xi32, #tpu.memory_space<vmem>>, vector<16xi32>,
      tpu.vector_store %arg7[%swap3A_143], %add3A_140 {strides = array<i32>} : memref<80xi32, #tpu.memory_space<vmem>>, vector<16xi32>,
      %mul3A_145 = arith.constant 16 : i32
      %mul3A_146 = arith.muli %scan3A_134, %mul3A_145 : i32
      %get3A_147 = arith.index_cast %mul3A_146 : i32 to index
      %get3A_148 = tpu.vector_load %arg8[%get3A_147] {strides = array<i32>} : memref<80xi32, #tpu.memory_space<vmem>>, vector<16xi32>,
      %add3A_149 = vector.broadcast %mul3A_29 : i32 to vector<16xi32>
      %add3A_150 = arith.addi %get3A_148, %add3A_149 : vector<16xi32>
      %mul3A_151 = arith.constant 16 : i32
      %mul3A_152 = arith.muli %scan3A_134, %mul3A_151 : i32
      %swap3A_153 = arith.index_cast %mul3A_152 : i32 to index
      %swap3A_154 = tpu.vector_load %arg9[%swap3A_153] {strides = array<i32>} : memref<80xi32, #tpu.memory_space<vmem>>, vector<16xi32>,
      tpu.vector_store %arg9[%swap3A_153], %add3A_150 {strides = array<i32>} : memref<80xi32, #tpu.memory_space<vmem>>, vector<16xi32>,
      %scan3A_155 = arith.constant 3 : i32
      %mul3A_156 = arith.constant 16 : i32
      %mul3A_157 = arith.muli %scan3A_155, %mul3A_156 : i32
      %get3A_158 = arith.index_cast %mul3A_157 : i32 to index
      %get3A_159 = tpu.vector_load %arg7[%get3A_158] {strides = array<i32>} : memref<80xi32, #tpu.memory_space<vmem>>, vector<16xi32>,
      %add3A_160 = vector.broadcast %mul3A_29 : i32 to vector<16xi32>
      %add3A_161 = arith.addi %get3A_159, %add3A_160 : vector<16xi32>
      %mul3A_162 = arith.constant 16 : i32
      %mul3A_163 = arith.muli %scan3A_155, %mul3A_162 : i32
      %swap3A_164 = arith.index_cast %mul3A_163 : i32 to index
      %swap3A_165 = tpu.vector_load %arg7[%swap3A_164] {strides = array<i32>} : memref<80xi32, #tpu.memory_space<vmem>>, vector<16xi32>,
      tpu.vector_store %arg7[%swap3A_164], %add3A_161 {strides = array<i32>} : memref<80xi32, #tpu.memory_space<vmem>>, vector<16xi32>,
      %mul3A_166 = arith.constant 16 : i32
      %mul3A_167 = arith.muli %scan3A_155, %mul3A_166 : i32
      %get3A_168 = arith.index_cast %mul3A_167 : i32 to index
      %get3A_169 = tpu.vector_load %arg8[%get3A_168] {strides = array<i32>} : memref<80xi32, #tpu.memory_space<vmem>>, vector<16xi32>,
      %add3A_170 = vector.broadcast %mul3A_29 : i32 to vector<16xi32>
      %add3A_171 = arith.addi %get3A_169, %add3A_170 : vector<16xi32>
      %mul3A_172 = arith.constant 16 : i32
      %mul3A_173 = arith.muli %scan3A_155, %mul3A_172 : i32
      %swap3A_174 = arith.index_cast %mul3A_173 : i32 to index
      %swap3A_175 = tpu.vector_load %arg9[%swap3A_174] {strides = array<i32>} : memref<80xi32, #tpu.memory_space<vmem>>, vector<16xi32>,
      tpu.vector_store %arg9[%swap3A_174], %add3A_171 {strides = array<i32>} : memref<80xi32, #tpu.memory_space<vmem>>, vector<16xi32>,
      %scan3A_176 = arith.constant 4 : i32
      %mul3A_177 = arith.constant 16 : i32
      %mul3A_178 = arith.muli %scan3A_176, %mul3A_177 : i32
      %get3A_179 = arith.index_cast %mul3A_178 : i32 to index
      %get3A_180 = tpu.vector_load %arg7[%get3A_179] {strides = array<i32>} : memref<80xi32, #tpu.memory_space<vmem>>, vector<16xi32>,
      %add3A_181 = vector.broadcast %mul3A_29 : i32 to vector<16xi32>
      %add3A_182 = arith.addi %get3A_180, %add3A_181 : vector<16xi32>
      %mul3A_183 = arith.constant 16 : i32
      %mul3A_184 = arith.muli %scan3A_176, %mul3A_183 : i32
      %swap3A_185 = arith.index_cast %mul3A_184 : i32 to index
      %swap3A_186 = tpu.vector_load %arg7[%swap3A_185] {strides = array<i32>} : memref<80xi32, #tpu.memory_space<vmem>>, vector<16xi32>,
      tpu.vector_store %arg7[%swap3A_185], %add3A_182 {strides = array<i32>} : memref<80xi32, #tpu.memory_space<vmem>>, vector<16xi32>,
      %mul3A_187 = arith.constant 16 : i32
      %mul3A_188 = arith.muli %scan3A_176, %mul3A_187 : i32
      %get3A_189 = arith.index_cast %mul3A_188 : i32 to index
      %get3A_190 = tpu.vector_load %arg8[%get3A_189] {strides = array<i32>} : memref<80xi32, #tpu.memory_space<vmem>>, vector<16xi32>,
      %add3A_191 = vector.broadcast %mul3A_29 : i32 to vector<16xi32>
      %add3A_192 = arith.addi %get3A_190, %add3A_191 : vector<16xi32>
      %mul3A_193 = arith.constant 16 : i32
      %mul3A_194 = arith.muli %scan3A_176, %mul3A_193 : i32
      %swap3A_195 = arith.index_cast %mul3A_194 : i32 to index
      %swap3A_196 = tpu.vector_load %arg9[%swap3A_195] {strides = array<i32>} : memref<80xi32, #tpu.memory_space<vmem>>, vector<16xi32>,
      tpu.vector_store %arg9[%swap3A_195], %add3A_192 {strides = array<i32>} : memref<80xi32, #tpu.memory_space<vmem>>, vector<16xi32>,
      %scan3A_197 = arith.constant 5 : i32
      %dma_start3A = arith.constant 0 : i32
      %dma_start3A_198 = arith.constant 0 : i32
      %dma_start3A_199 = tpu.memref_slice %arg2[%dma_start3A, %dma_start3A_198] : memref<20000x64xf32, #tpu.memory_space<hbm>> -> memref<20000x64xf32, #tpu.memory_space<hbm>>
      tpu.enqueue_indirect_dma source(%dma_start3A_199 : memref<20000x64xf32, #tpu.memory_space<hbm>>) target(%arg10 : memref<80x64xf32, #tpu.memory_space<vmem>>) offsets(%arg7 : memref<80xi32, #tpu.memory_space<vmem>>) semaphore(%arg16 : memref<!tpu.dma_semaphore, #tpu.memory_space<semaphore_mem>>)
      %dma_start3A_200 = arith.constant 0 : i32
      %dma_start3A_201 = arith.constant 0 : i32
      %dma_start3A_202 = tpu.memref_slice %arg2[%dma_start3A_200, %dma_start3A_201] : memref<20000x64xf32, #tpu.memory_space<hbm>> -> memref<20000x64xf32, #tpu.memory_space<hbm>>
      tpu.enqueue_indirect_dma source(%dma_start3A_202 : memref<20000x64xf32, #tpu.memory_space<hbm>>) target(%arg11 : memref<80x64xf32, #tpu.memory_space<vmem>>) offsets(%arg9 : memref<80xi32, #tpu.memory_space<vmem>>) semaphore(%arg17 : memref<!tpu.dma_semaphore, #tpu.memory_space<semaphore_mem>>)
      %dma_wait3A = arith.constant 0 : i32
      %dma_wait3A_203 = arith.constant 0 : i32
      %dma_wait3A_204 = tpu.memref_slice %arg2[%dma_wait3A, %dma_wait3A_203] : memref<20000x64xf32, #tpu.memory_space<hbm>> -> memref<20000x64xf32, #tpu.memory_space<hbm>>
      tpu.wait_indirect_dma semaphore(%arg16 : memref<!tpu.dma_semaphore, #tpu.memory_space<semaphore_mem>>) src(%dma_wait3A_204 : memref<20000x64xf32, #tpu.memory_space<hbm>>) dst(%arg10 : memref<80x64xf32, #tpu.memory_space<vmem>>)
      %dma_wait3A_205 = arith.constant 0 : i32
      %dma_wait3A_206 = arith.constant 0 : i32
      %dma_wait3A_207 = tpu.memref_slice %arg2[%dma_wait3A_205, %dma_wait3A_206] : memref<20000x64xf32, #tpu.memory_space<hbm>> -> memref<20000x64xf32, #tpu.memory_space<hbm>>
      tpu.wait_indirect_dma semaphore(%arg17 : memref<!tpu.dma_semaphore, #tpu.memory_space<semaphore_mem>>) src(%dma_wait3A_207 : memref<20000x64xf32, #tpu.memory_space<hbm>>) dst(%arg11 : memref<80x64xf32, #tpu.memory_space<vmem>>)
      %iota3A = tpu.iota {dimensions = array<i32: 0>} : vector<16xi32>
      %scan3A_208 = arith.constant 0 : i32
      %scan3A_209 = arith.constant 0 : i32
      %scan3A_210 = arith.constant 80 : i32
      %scan3A_211 = arith.addi %scan3A_209, %scan3A_210 : i32
      %scan3A_212 = arith.constant 4 : i32
      scf.for %scan3A_214 = %scan3A_209 to %scan3A_211 step %scan3A_212  : i32 {
        %get3A_215 = arith.index_cast %scan3A_214 : i32 to index
        %get3A_216 = arith.constant 0 : index
        %get3A_217 = tpu.vector_load %arg10[%get3A_215, %get3A_216] {strides = array<i32>} : memref<80x64xf32, #tpu.memory_space<vmem>>, vector<16xf32>,
        %get3A_218 = arith.index_cast %scan3A_214 : i32 to index
        %get3A_219 = arith.constant 16 : index
        %get3A_220 = tpu.vector_load %arg10[%get3A_218, %get3A_219] {strides = array<i32>} : memref<80x64xf32, #tpu.memory_space<vmem>>, vector<16xf32>,
        %get3A_221 = arith.index_cast %scan3A_214 : i32 to index
        %get3A_222 = arith.constant 0 : index
        %get3A_223 = tpu.vector_load %arg11[%get3A_221, %get3A_222] {strides = array<i32>} : memref<80x64xf32, #tpu.memory_space<vmem>>, vector<16xf32>,
        %get3A_224 = arith.index_cast %scan3A_214 : i32 to index
        %get3A_225 = arith.constant 16 : index
        %get3A_226 = tpu.vector_load %arg11[%get3A_224, %get3A_225] {strides = array<i32>} : memref<80x64xf32, #tpu.memory_space<vmem>>, vector<16xf32>,
        %mul3A_227 = arith.mulf %get3A_217, %get3A_223 : vector<16xf32>
        %mul3A_228 = arith.mulf %get3A_220, %get3A_226 : vector<16xf32>
        %add3A_229 = arith.addf %mul3A_227, %mul3A_228 : vector<16xf32>
        %reduce_sum3A = arith.constant true
        %reduce_sum3A_230 = vector.broadcast %reduce_sum3A : i1 to vector<16xi1>
        %reduce_sum3A_231 = tpu.scan <sum>, %add3A_229 masked %reduce_sum3A_230 : vector<16xf32>, vector<16xi1> -> vector<16xf32>
        %reduce_sum3A_232 = vector.extract %reduce_sum3A_231[15] : f32 from vector<16xf32>
        %mul3A_233 = arith.constant 0.176776692 : f32
        %mul3A_234 = arith.mulf %reduce_sum3A_232, %mul3A_233 : f32
        %broadcast_in_dim3A_235 = vector.broadcast %mul3A_234 : f32 to vector<16xf32>
        %exp3A = math.exp %broadcast_in_dim3A_235 : vector<16xf32>
        %eq3A_236 = arith.constant 0 : i32
        %eq3A_237 = vector.broadcast %eq3A_236 : i32 to vector<16xi32>
        %eq3A_238 = arith.cmpi eq, %iota3A, %eq3A_237 : vector<16xi32>
        %select_n3A = arith.select %eq3A_238, %exp3A, %broadcast_in_dim3A_0 : vector<16xi1>, vector<16xf32>
        %mul3A_239 = arith.mulf %get3A_217, %exp3A : vector<16xf32>
        %swap3A_240 = arith.index_cast %scan3A_214 : i32 to index
        %swap3A_241 = arith.constant 0 : index
        %swap3A_242 = tpu.vector_load %arg10[%swap3A_240, %swap3A_241] {strides = array<i32>} : memref<80x64xf32, #tpu.memory_space<vmem>>, vector<16xf32>,
        tpu.vector_store %arg10[%swap3A_240, %swap3A_241], %mul3A_239 {strides = array<i32>} : memref<80x64xf32, #tpu.memory_space<vmem>>, vector<16xf32>,
        %mul3A_243 = arith.mulf %get3A_220, %exp3A : vector<16xf32>
        %swap3A_244 = arith.index_cast %scan3A_214 : i32 to index
        %swap3A_245 = arith.constant 16 : index
        %swap3A_246 = tpu.vector_load %arg10[%swap3A_244, %swap3A_245] {strides = array<i32>} : memref<80x64xf32, #tpu.memory_space<vmem>>, vector<16xf32>,
        tpu.vector_store %arg10[%swap3A_244, %swap3A_245], %mul3A_243 {strides = array<i32>} : memref<80x64xf32, #tpu.memory_space<vmem>>, vector<16xf32>,
        %get3A_247 = arith.index_cast %scan3A_214 : i32 to index
        %get3A_248 = arith.constant 32 : index
        %get3A_249 = tpu.vector_load %arg10[%get3A_247, %get3A_248] {strides = array<i32>} : memref<80x64xf32, #tpu.memory_space<vmem>>, vector<16xf32>,
        %get3A_250 = arith.index_cast %scan3A_214 : i32 to index
        %get3A_251 = arith.constant 48 : index
        %get3A_252 = tpu.vector_load %arg10[%get3A_250, %get3A_251] {strides = array<i32>} : memref<80x64xf32, #tpu.memory_space<vmem>>, vector<16xf32>,
        %get3A_253 = arith.index_cast %scan3A_214 : i32 to index
        %get3A_254 = arith.constant 32 : index
        %get3A_255 = tpu.vector_load %arg11[%get3A_253, %get3A_254] {strides = array<i32>} : memref<80x64xf32, #tpu.memory_space<vmem>>, vector<16xf32>,
        %get3A_256 = arith.index_cast %scan3A_214 : i32 to index
        %get3A_257 = arith.constant 48 : index
        %get3A_258 = tpu.vector_load %arg11[%get3A_256, %get3A_257] {strides = array<i32>} : memref<80x64xf32, #tpu.memory_space<vmem>>, vector<16xf32>,
        %mul3A_259 = arith.mulf %get3A_249, %get3A_255 : vector<16xf32>
        %mul3A_260 = arith.mulf %get3A_252, %get3A_258 : vector<16xf32>
        %add3A_261 = arith.addf %mul3A_259, %mul3A_260 : vector<16xf32>
        %reduce_sum3A_262 = arith.constant true
        %reduce_sum3A_263 = vector.broadcast %reduce_sum3A_262 : i1 to vector<16xi1>
        %reduce_sum3A_264 = tpu.scan <sum>, %add3A_261 masked %reduce_sum3A_263 : vector<16xf32>, vector<16xi1> -> vector<16xf32>
        %reduce_sum3A_265 = vector.extract %reduce_sum3A_264[15] : f32 from vector<16xf32>
        %mul3A_266 = arith.constant 0.176776692 : f32
        %mul3A_267 = arith.mulf %reduce_sum3A_265, %mul3A_266 : f32
        %broadcast_in_dim3A_268 = vector.broadcast %mul3A_267 : f32 to vector<16xf32>
        %exp3A_269 = math.exp %broadcast_in_dim3A_268 : vector<16xf32>
        %eq3A_270 = arith.constant 1 : i32
        %eq3A_271 = vector.broadcast %eq3A_270 : i32 to vector<16xi32>
        %eq3A_272 = arith.cmpi eq, %iota3A, %eq3A_271 : vector<16xi32>
        %select_n3A_273 = arith.select %eq3A_272, %exp3A_269, %select_n3A : vector<16xi1>, vector<16xf32>
        %mul3A_274 = arith.mulf %get3A_249, %exp3A_269 : vector<16xf32>
        %swap3A_275 = arith.index_cast %scan3A_214 : i32 to index
        %swap3A_276 = arith.constant 32 : index
        %swap3A_277 = tpu.vector_load %arg10[%swap3A_275, %swap3A_276] {strides = array<i32>} : memref<80x64xf32, #tpu.memory_space<vmem>>, vector<16xf32>,
        tpu.vector_store %arg10[%swap3A_275, %swap3A_276], %mul3A_274 {strides = array<i32>} : memref<80x64xf32, #tpu.memory_space<vmem>>, vector<16xf32>,
        %mul3A_278 = arith.mulf %get3A_252, %exp3A_269 : vector<16xf32>
        %swap3A_279 = arith.index_cast %scan3A_214 : i32 to index
        %swap3A_280 = arith.constant 48 : index
        %swap3A_281 = tpu.vector_load %arg10[%swap3A_279, %swap3A_280] {strides = array<i32>} : memref<80x64xf32, #tpu.memory_space<vmem>>, vector<16xf32>,
        tpu.vector_store %arg10[%swap3A_279, %swap3A_280], %mul3A_278 {strides = array<i32>} : memref<80x64xf32, #tpu.memory_space<vmem>>, vector<16xf32>,
        %swap3A_282 = arith.index_cast %scan3A_214 : i32 to index
        %swap3A_283 = arith.constant 0 : index
        %swap3A_284 = tpu.vector_load %arg12[%swap3A_282, %swap3A_283] {strides = array<i32>} : memref<128x16xf32, #tpu.memory_space<vmem>>, vector<16xf32>,
        tpu.vector_store %arg12[%swap3A_282, %swap3A_283], %select_n3A_273 {strides = array<i32>} : memref<128x16xf32, #tpu.memory_space<vmem>>, vector<16xf32>,
        %scan3A_285 = arith.constant 1 : i32
        %scan3A_286 = arith.addi %scan3A_214, %scan3A_285 : i32
        %get3A_287 = arith.index_cast %scan3A_286 : i32 to index
        %get3A_288 = arith.constant 0 : index
        %get3A_289 = tpu.vector_load %arg10[%get3A_287, %get3A_288] {strides = array<i32>} : memref<80x64xf32, #tpu.memory_space<vmem>>, vector<16xf32>,
        %get3A_290 = arith.index_cast %scan3A_286 : i32 to index
        %get3A_291 = arith.constant 16 : index
        %get3A_292 = tpu.vector_load %arg10[%get3A_290, %get3A_291] {strides = array<i32>} : memref<80x64xf32, #tpu.memory_space<vmem>>, vector<16xf32>,
        %get3A_293 = arith.index_cast %scan3A_286 : i32 to index
        %get3A_294 = arith.constant 0 : index
        %get3A_295 = tpu.vector_load %arg11[%get3A_293, %get3A_294] {strides = array<i32>} : memref<80x64xf32, #tpu.memory_space<vmem>>, vector<16xf32>,
        %get3A_296 = arith.index_cast %scan3A_286 : i32 to index
        %get3A_297 = arith.constant 16 : index
        %get3A_298 = tpu.vector_load %arg11[%get3A_296, %get3A_297] {strides = array<i32>} : memref<80x64xf32, #tpu.memory_space<vmem>>, vector<16xf32>,
        %mul3A_299 = arith.mulf %get3A_289, %get3A_295 : vector<16xf32>
        %mul3A_300 = arith.mulf %get3A_292, %get3A_298 : vector<16xf32>
        %add3A_301 = arith.addf %mul3A_299, %mul3A_300 : vector<16xf32>
        %reduce_sum3A_302 = arith.constant true
        %reduce_sum3A_303 = vector.broadcast %reduce_sum3A_302 : i1 to vector<16xi1>
        %reduce_sum3A_304 = tpu.scan <sum>, %add3A_301 masked %reduce_sum3A_303 : vector<16xf32>, vector<16xi1> -> vector<16xf32>
        %reduce_sum3A_305 = vector.extract %reduce_sum3A_304[15] : f32 from vector<16xf32>
        %mul3A_306 = arith.constant 0.176776692 : f32
        %mul3A_307 = arith.mulf %reduce_sum3A_305, %mul3A_306 : f32
        %broadcast_in_dim3A_308 = vector.broadcast %mul3A_307 : f32 to vector<16xf32>
        %exp3A_309 = math.exp %broadcast_in_dim3A_308 : vector<16xf32>
        %eq3A_310 = arith.constant 0 : i32
        %eq3A_311 = vector.broadcast %eq3A_310 : i32 to vector<16xi32>
        %eq3A_312 = arith.cmpi eq, %iota3A, %eq3A_311 : vector<16xi32>
        %select_n3A_313 = arith.select %eq3A_312, %exp3A_309, %broadcast_in_dim3A_0 : vector<16xi1>, vector<16xf32>
        %mul3A_314 = arith.mulf %get3A_289, %exp3A_309 : vector<16xf32>
        %swap3A_315 = arith.index_cast %scan3A_286 : i32 to index
        %swap3A_316 = arith.constant 0 : index
        %swap3A_317 = tpu.vector_load %arg10[%swap3A_315, %swap3A_316] {strides = array<i32>} : memref<80x64xf32, #tpu.memory_space<vmem>>, vector<16xf32>,
        tpu.vector_store %arg10[%swap3A_315, %swap3A_316], %mul3A_314 {strides = array<i32>} : memref<80x64xf32, #tpu.memory_space<vmem>>, vector<16xf32>,
        %mul3A_318 = arith.mulf %get3A_292, %exp3A_309 : vector<16xf32>
        %swap3A_319 = arith.index_cast %scan3A_286 : i32 to index
        %swap3A_320 = arith.constant 16 : index
        %swap3A_321 = tpu.vector_load %arg10[%swap3A_319, %swap3A_320] {strides = array<i32>} : memref<80x64xf32, #tpu.memory_space<vmem>>, vector<16xf32>,
        tpu.vector_store %arg10[%swap3A_319, %swap3A_320], %mul3A_318 {strides = array<i32>} : memref<80x64xf32, #tpu.memory_space<vmem>>, vector<16xf32>,
        %get3A_322 = arith.index_cast %scan3A_286 : i32 to index
        %get3A_323 = arith.constant 32 : index
        %get3A_324 = tpu.vector_load %arg10[%get3A_322, %get3A_323] {strides = array<i32>} : memref<80x64xf32, #tpu.memory_space<vmem>>, vector<16xf32>,
        %get3A_325 = arith.index_cast %scan3A_286 : i32 to index
        %get3A_326 = arith.constant 48 : index
        %get3A_327 = tpu.vector_load %arg10[%get3A_325, %get3A_326] {strides = array<i32>} : memref<80x64xf32, #tpu.memory_space<vmem>>, vector<16xf32>,
        %get3A_328 = arith.index_cast %scan3A_286 : i32 to index
        %get3A_329 = arith.constant 32 : index
        %get3A_330 = tpu.vector_load %arg11[%get3A_328, %get3A_329] {strides = array<i32>} : memref<80x64xf32, #tpu.memory_space<vmem>>, vector<16xf32>,
        %get3A_331 = arith.index_cast %scan3A_286 : i32 to index
        %get3A_332 = arith.constant 48 : index
        %get3A_333 = tpu.vector_load %arg11[%get3A_331, %get3A_332] {strides = array<i32>} : memref<80x64xf32, #tpu.memory_space<vmem>>, vector<16xf32>,
        %mul3A_334 = arith.mulf %get3A_324, %get3A_330 : vector<16xf32>
        %mul3A_335 = arith.mulf %get3A_327, %get3A_333 : vector<16xf32>
        %add3A_336 = arith.addf %mul3A_334, %mul3A_335 : vector<16xf32>
        %reduce_sum3A_337 = arith.constant true
        %reduce_sum3A_338 = vector.broadcast %reduce_sum3A_337 : i1 to vector<16xi1>
        %reduce_sum3A_339 = tpu.scan <sum>, %add3A_336 masked %reduce_sum3A_338 : vector<16xf32>, vector<16xi1> -> vector<16xf32>
        %reduce_sum3A_340 = vector.extract %reduce_sum3A_339[15] : f32 from vector<16xf32>
        %mul3A_341 = arith.constant 0.176776692 : f32
        %mul3A_342 = arith.mulf %reduce_sum3A_340, %mul3A_341 : f32
        %broadcast_in_dim3A_343 = vector.broadcast %mul3A_342 : f32 to vector<16xf32>
        %exp3A_344 = math.exp %broadcast_in_dim3A_343 : vector<16xf32>
        %eq3A_345 = arith.constant 1 : i32
        %eq3A_346 = vector.broadcast %eq3A_345 : i32 to vector<16xi32>
        %eq3A_347 = arith.cmpi eq, %iota3A, %eq3A_346 : vector<16xi32>
        %select_n3A_348 = arith.select %eq3A_347, %exp3A_344, %select_n3A_313 : vector<16xi1>, vector<16xf32>
        %mul3A_349 = arith.mulf %get3A_324, %exp3A_344 : vector<16xf32>
        %swap3A_350 = arith.index_cast %scan3A_286 : i32 to index
        %swap3A_351 = arith.constant 32 : index
        %swap3A_352 = tpu.vector_load %arg10[%swap3A_350, %swap3A_351] {strides = array<i32>} : memref<80x64xf32, #tpu.memory_space<vmem>>, vector<16xf32>,
        tpu.vector_store %arg10[%swap3A_350, %swap3A_351], %mul3A_349 {strides = array<i32>} : memref<80x64xf32, #tpu.memory_space<vmem>>, vector<16xf32>,
        %mul3A_353 = arith.mulf %get3A_327, %exp3A_344 : vector<16xf32>
        %swap3A_354 = arith.index_cast %scan3A_286 : i32 to index
        %swap3A_355 = arith.constant 48 : index
        %swap3A_356 = tpu.vector_load %arg10[%swap3A_354, %swap3A_355] {strides = array<i32>} : memref<80x64xf32, #tpu.memory_space<vmem>>, vector<16xf32>,
        tpu.vector_store %arg10[%swap3A_354, %swap3A_355], %mul3A_353 {strides = array<i32>} : memref<80x64xf32, #tpu.memory_space<vmem>>, vector<16xf32>,
        %swap3A_357 = arith.index_cast %scan3A_286 : i32 to index
        %swap3A_358 = arith.constant 0 : index
        %swap3A_359 = tpu.vector_load %arg12[%swap3A_357, %swap3A_358] {strides = array<i32>} : memref<128x16xf32, #tpu.memory_space<vmem>>, vector<16xf32>,
        tpu.vector_store %arg12[%swap3A_357, %swap3A_358], %select_n3A_348 {strides = array<i32>} : memref<128x16xf32, #tpu.memory_space<vmem>>, vector<16xf32>,
        %scan3A_360 = arith.constant 2 : i32
        %scan3A_361 = arith.addi %scan3A_214, %scan3A_360 : i32
        %get3A_362 = arith.index_cast %scan3A_361 : i32 to index
        %get3A_363 = arith.constant 0 : index
        %get3A_364 = tpu.vector_load %arg10[%get3A_362, %get3A_363] {strides = array<i32>} : memref<80x64xf32, #tpu.memory_space<vmem>>, vector<16xf32>,
        %get3A_365 = arith.index_cast %scan3A_361 : i32 to index
        %get3A_366 = arith.constant 16 : index
        %get3A_367 = tpu.vector_load %arg10[%get3A_365, %get3A_366] {strides = array<i32>} : memref<80x64xf32, #tpu.memory_space<vmem>>, vector<16xf32>,
        %get3A_368 = arith.index_cast %scan3A_361 : i32 to index
        %get3A_369 = arith.constant 0 : index
        %get3A_370 = tpu.vector_load %arg11[%get3A_368, %get3A_369] {strides = array<i32>} : memref<80x64xf32, #tpu.memory_space<vmem>>, vector<16xf32>,
        %get3A_371 = arith.index_cast %scan3A_361 : i32 to index
        %get3A_372 = arith.constant 16 : index
        %get3A_373 = tpu.vector_load %arg11[%get3A_371, %get3A_372] {strides = array<i32>} : memref<80x64xf32, #tpu.memory_space<vmem>>, vector<16xf32>,
        %mul3A_374 = arith.mulf %get3A_364, %get3A_370 : vector<16xf32>
        %mul3A_375 = arith.mulf %get3A_367, %get3A_373 : vector<16xf32>
        %add3A_376 = arith.addf %mul3A_374, %mul3A_375 : vector<16xf32>
        %reduce_sum3A_377 = arith.constant true
        %reduce_sum3A_378 = vector.broadcast %reduce_sum3A_377 : i1 to vector<16xi1>
        %reduce_sum3A_379 = tpu.scan <sum>, %add3A_376 masked %reduce_sum3A_378 : vector<16xf32>, vector<16xi1> -> vector<16xf32>
        %reduce_sum3A_380 = vector.extract %reduce_sum3A_379[15] : f32 from vector<16xf32>
        %mul3A_381 = arith.constant 0.176776692 : f32
        %mul3A_382 = arith.mulf %reduce_sum3A_380, %mul3A_381 : f32
        %broadcast_in_dim3A_383 = vector.broadcast %mul3A_382 : f32 to vector<16xf32>
        %exp3A_384 = math.exp %broadcast_in_dim3A_383 : vector<16xf32>
        %eq3A_385 = arith.constant 0 : i32
        %eq3A_386 = vector.broadcast %eq3A_385 : i32 to vector<16xi32>
        %eq3A_387 = arith.cmpi eq, %iota3A, %eq3A_386 : vector<16xi32>
        %select_n3A_388 = arith.select %eq3A_387, %exp3A_384, %broadcast_in_dim3A_0 : vector<16xi1>, vector<16xf32>
        %mul3A_389 = arith.mulf %get3A_364, %exp3A_384 : vector<16xf32>
        %swap3A_390 = arith.index_cast %scan3A_361 : i32 to index
        %swap3A_391 = arith.constant 0 : index
        %swap3A_392 = tpu.vector_load %arg10[%swap3A_390, %swap3A_391] {strides = array<i32>} : memref<80x64xf32, #tpu.memory_space<vmem>>, vector<16xf32>,
        tpu.vector_store %arg10[%swap3A_390, %swap3A_391], %mul3A_389 {strides = array<i32>} : memref<80x64xf32, #tpu.memory_space<vmem>>, vector<16xf32>,
        %mul3A_393 = arith.mulf %get3A_367, %exp3A_384 : vector<16xf32>
        %swap3A_394 = arith.index_cast %scan3A_361 : i32 to index
        %swap3A_395 = arith.constant 16 : index
        %swap3A_396 = tpu.vector_load %arg10[%swap3A_394, %swap3A_395] {strides = array<i32>} : memref<80x64xf32, #tpu.memory_space<vmem>>, vector<16xf32>,
        tpu.vector_store %arg10[%swap3A_394, %swap3A_395], %mul3A_393 {strides = array<i32>} : memref<80x64xf32, #tpu.memory_space<vmem>>, vector<16xf32>,
        %get3A_397 = arith.index_cast %scan3A_361 : i32 to index
        %get3A_398 = arith.constant 32 : index
        %get3A_399 = tpu.vector_load %arg10[%get3A_397, %get3A_398] {strides = array<i32>} : memref<80x64xf32, #tpu.memory_space<vmem>>, vector<16xf32>,
        %get3A_400 = arith.index_cast %scan3A_361 : i32 to index
        %get3A_401 = arith.constant 48 : index
        %get3A_402 = tpu.vector_load %arg10[%get3A_400, %get3A_401] {strides = array<i32>} : memref<80x64xf32, #tpu.memory_space<vmem>>, vector<16xf32>,
        %get3A_403 = arith.index_cast %scan3A_361 : i32 to index
        %get3A_404 = arith.constant 32 : index
        %get3A_405 = tpu.vector_load %arg11[%get3A_403, %get3A_404] {strides = array<i32>} : memref<80x64xf32, #tpu.memory_space<vmem>>, vector<16xf32>,
        %get3A_406 = arith.index_cast %scan3A_361 : i32 to index
        %get3A_407 = arith.constant 48 : index
        %get3A_408 = tpu.vector_load %arg11[%get3A_406, %get3A_407] {strides = array<i32>} : memref<80x64xf32, #tpu.memory_space<vmem>>, vector<16xf32>,
        %mul3A_409 = arith.mulf %get3A_399, %get3A_405 : vector<16xf32>
        %mul3A_410 = arith.mulf %get3A_402, %get3A_408 : vector<16xf32>
        %add3A_411 = arith.addf %mul3A_409, %mul3A_410 : vector<16xf32>
        %reduce_sum3A_412 = arith.constant true
        %reduce_sum3A_413 = vector.broadcast %reduce_sum3A_412 : i1 to vector<16xi1>
        %reduce_sum3A_414 = tpu.scan <sum>, %add3A_411 masked %reduce_sum3A_413 : vector<16xf32>, vector<16xi1> -> vector<16xf32>
        %reduce_sum3A_415 = vector.extract %reduce_sum3A_414[15] : f32 from vector<16xf32>
        %mul3A_416 = arith.constant 0.176776692 : f32
        %mul3A_417 = arith.mulf %reduce_sum3A_415, %mul3A_416 : f32
        %broadcast_in_dim3A_418 = vector.broadcast %mul3A_417 : f32 to vector<16xf32>
        %exp3A_419 = math.exp %broadcast_in_dim3A_418 : vector<16xf32>
        %eq3A_420 = arith.constant 1 : i32
        %eq3A_421 = vector.broadcast %eq3A_420 : i32 to vector<16xi32>
        %eq3A_422 = arith.cmpi eq, %iota3A, %eq3A_421 : vector<16xi32>
        %select_n3A_423 = arith.select %eq3A_422, %exp3A_419, %select_n3A_388 : vector<16xi1>, vector<16xf32>
        %mul3A_424 = arith.mulf %get3A_399, %exp3A_419 : vector<16xf32>
        %swap3A_425 = arith.index_cast %scan3A_361 : i32 to index
        %swap3A_426 = arith.constant 32 : index
        %swap3A_427 = tpu.vector_load %arg10[%swap3A_425, %swap3A_426] {strides = array<i32>} : memref<80x64xf32, #tpu.memory_space<vmem>>, vector<16xf32>,
        tpu.vector_store %arg10[%swap3A_425, %swap3A_426], %mul3A_424 {strides = array<i32>} : memref<80x64xf32, #tpu.memory_space<vmem>>, vector<16xf32>,
        %mul3A_428 = arith.mulf %get3A_402, %exp3A_419 : vector<16xf32>
        %swap3A_429 = arith.index_cast %scan3A_361 : i32 to index
        %swap3A_430 = arith.constant 48 : index
        %swap3A_431 = tpu.vector_load %arg10[%swap3A_429, %swap3A_430] {strides = array<i32>} : memref<80x64xf32, #tpu.memory_space<vmem>>, vector<16xf32>,
        tpu.vector_store %arg10[%swap3A_429, %swap3A_430], %mul3A_428 {strides = array<i32>} : memref<80x64xf32, #tpu.memory_space<vmem>>, vector<16xf32>,
        %swap3A_432 = arith.index_cast %scan3A_361 : i32 to index
        %swap3A_433 = arith.constant 0 : index
        %swap3A_434 = tpu.vector_load %arg12[%swap3A_432, %swap3A_433] {strides = array<i32>} : memref<128x16xf32, #tpu.memory_space<vmem>>, vector<16xf32>,
        tpu.vector_store %arg12[%swap3A_432, %swap3A_433], %select_n3A_423 {strides = array<i32>} : memref<128x16xf32, #tpu.memory_space<vmem>>, vector<16xf32>,
        %scan3A_435 = arith.constant 3 : i32
        %scan3A_436 = arith.addi %scan3A_214, %scan3A_435 : i32
        %get3A_437 = arith.index_cast %scan3A_436 : i32 to index
        %get3A_438 = arith.constant 0 : index
        %get3A_439 = tpu.vector_load %arg10[%get3A_437, %get3A_438] {strides = array<i32>} : memref<80x64xf32, #tpu.memory_space<vmem>>, vector<16xf32>,
        %get3A_440 = arith.index_cast %scan3A_436 : i32 to index
        %get3A_441 = arith.constant 16 : index
        %get3A_442 = tpu.vector_load %arg10[%get3A_440, %get3A_441] {strides = array<i32>} : memref<80x64xf32, #tpu.memory_space<vmem>>, vector<16xf32>,
        %get3A_443 = arith.index_cast %scan3A_436 : i32 to index
        %get3A_444 = arith.constant 0 : index
        %get3A_445 = tpu.vector_load %arg11[%get3A_443, %get3A_444] {strides = array<i32>} : memref<80x64xf32, #tpu.memory_space<vmem>>, vector<16xf32>,
        %get3A_446 = arith.index_cast %scan3A_436 : i32 to index
        %get3A_447 = arith.constant 16 : index
        %get3A_448 = tpu.vector_load %arg11[%get3A_446, %get3A_447] {strides = array<i32>} : memref<80x64xf32, #tpu.memory_space<vmem>>, vector<16xf32>,
        %mul3A_449 = arith.mulf %get3A_439, %get3A_445 : vector<16xf32>
        %mul3A_450 = arith.mulf %get3A_442, %get3A_448 : vector<16xf32>
        %add3A_451 = arith.addf %mul3A_449, %mul3A_450 : vector<16xf32>
        %reduce_sum3A_452 = arith.constant true
        %reduce_sum3A_453 = vector.broadcast %reduce_sum3A_452 : i1 to vector<16xi1>
        %reduce_sum3A_454 = tpu.scan <sum>, %add3A_451 masked %reduce_sum3A_453 : vector<16xf32>, vector<16xi1> -> vector<16xf32>
        %reduce_sum3A_455 = vector.extract %reduce_sum3A_454[15] : f32 from vector<16xf32>
        %mul3A_456 = arith.constant 0.176776692 : f32
        %mul3A_457 = arith.mulf %reduce_sum3A_455, %mul3A_456 : f32
        %broadcast_in_dim3A_458 = vector.broadcast %mul3A_457 : f32 to vector<16xf32>
        %exp3A_459 = math.exp %broadcast_in_dim3A_458 : vector<16xf32>
        %eq3A_460 = arith.constant 0 : i32
        %eq3A_461 = vector.broadcast %eq3A_460 : i32 to vector<16xi32>
        %eq3A_462 = arith.cmpi eq, %iota3A, %eq3A_461 : vector<16xi32>
        %select_n3A_463 = arith.select %eq3A_462, %exp3A_459, %broadcast_in_dim3A_0 : vector<16xi1>, vector<16xf32>
        %mul3A_464 = arith.mulf %get3A_439, %exp3A_459 : vector<16xf32>
        %swap3A_465 = arith.index_cast %scan3A_436 : i32 to index
        %swap3A_466 = arith.constant 0 : index
        %swap3A_467 = tpu.vector_load %arg10[%swap3A_465, %swap3A_466] {strides = array<i32>} : memref<80x64xf32, #tpu.memory_space<vmem>>, vector<16xf32>,
        tpu.vector_store %arg10[%swap3A_465, %swap3A_466], %mul3A_464 {strides = array<i32>} : memref<80x64xf32, #tpu.memory_space<vmem>>, vector<16xf32>,
        %mul3A_468 = arith.mulf %get3A_442, %exp3A_459 : vector<16xf32>
        %swap3A_469 = arith.index_cast %scan3A_436 : i32 to index
        %swap3A_470 = arith.constant 16 : index
        %swap3A_471 = tpu.vector_load %arg10[%swap3A_469, %swap3A_470] {strides = array<i32>} : memref<80x64xf32, #tpu.memory_space<vmem>>, vector<16xf32>,
        tpu.vector_store %arg10[%swap3A_469, %swap3A_470], %mul3A_468 {strides = array<i32>} : memref<80x64xf32, #tpu.memory_space<vmem>>, vector<16xf32>,
        %get3A_472 = arith.index_cast %scan3A_436 : i32 to index
        %get3A_473 = arith.constant 32 : index
        %get3A_474 = tpu.vector_load %arg10[%get3A_472, %get3A_473] {strides = array<i32>} : memref<80x64xf32, #tpu.memory_space<vmem>>, vector<16xf32>,
        %get3A_475 = arith.index_cast %scan3A_436 : i32 to index
        %get3A_476 = arith.constant 48 : index
        %get3A_477 = tpu.vector_load %arg10[%get3A_475, %get3A_476] {strides = array<i32>} : memref<80x64xf32, #tpu.memory_space<vmem>>, vector<16xf32>,
        %get3A_478 = arith.index_cast %scan3A_436 : i32 to index
        %get3A_479 = arith.constant 32 : index
        %get3A_480 = tpu.vector_load %arg11[%get3A_478, %get3A_479] {strides = array<i32>} : memref<80x64xf32, #tpu.memory_space<vmem>>, vector<16xf32>,
        %get3A_481 = arith.index_cast %scan3A_436 : i32 to index
        %get3A_482 = arith.constant 48 : index
        %get3A_483 = tpu.vector_load %arg11[%get3A_481, %get3A_482] {strides = array<i32>} : memref<80x64xf32, #tpu.memory_space<vmem>>, vector<16xf32>,
        %mul3A_484 = arith.mulf %get3A_474, %get3A_480 : vector<16xf32>
        %mul3A_485 = arith.mulf %get3A_477, %get3A_483 : vector<16xf32>
        %add3A_486 = arith.addf %mul3A_484, %mul3A_485 : vector<16xf32>
        %reduce_sum3A_487 = arith.constant true
        %reduce_sum3A_488 = vector.broadcast %reduce_sum3A_487 : i1 to vector<16xi1>
        %reduce_sum3A_489 = tpu.scan <sum>, %add3A_486 masked %reduce_sum3A_488 : vector<16xf32>, vector<16xi1> -> vector<16xf32>
        %reduce_sum3A_490 = vector.extract %reduce_sum3A_489[15] : f32 from vector<16xf32>
        %mul3A_491 = arith.constant 0.176776692 : f32
        %mul3A_492 = arith.mulf %reduce_sum3A_490, %mul3A_491 : f32
        %broadcast_in_dim3A_493 = vector.broadcast %mul3A_492 : f32 to vector<16xf32>
        %exp3A_494 = math.exp %broadcast_in_dim3A_493 : vector<16xf32>
        %eq3A_495 = arith.constant 1 : i32
        %eq3A_496 = vector.broadcast %eq3A_495 : i32 to vector<16xi32>
        %eq3A_497 = arith.cmpi eq, %iota3A, %eq3A_496 : vector<16xi32>
        %select_n3A_498 = arith.select %eq3A_497, %exp3A_494, %select_n3A_463 : vector<16xi1>, vector<16xf32>
        %mul3A_499 = arith.mulf %get3A_474, %exp3A_494 : vector<16xf32>
        %swap3A_500 = arith.index_cast %scan3A_436 : i32 to index
        %swap3A_501 = arith.constant 32 : index
        %swap3A_502 = tpu.vector_load %arg10[%swap3A_500, %swap3A_501] {strides = array<i32>} : memref<80x64xf32, #tpu.memory_space<vmem>>, vector<16xf32>,
        tpu.vector_store %arg10[%swap3A_500, %swap3A_501], %mul3A_499 {strides = array<i32>} : memref<80x64xf32, #tpu.memory_space<vmem>>, vector<16xf32>,
        %mul3A_503 = arith.mulf %get3A_477, %exp3A_494 : vector<16xf32>
        %swap3A_504 = arith.index_cast %scan3A_436 : i32 to index
        %swap3A_505 = arith.constant 48 : index
        %swap3A_506 = tpu.vector_load %arg10[%swap3A_504, %swap3A_505] {strides = array<i32>} : memref<80x64xf32, #tpu.memory_space<vmem>>, vector<16xf32>,
        tpu.vector_store %arg10[%swap3A_504, %swap3A_505], %mul3A_503 {strides = array<i32>} : memref<80x64xf32, #tpu.memory_space<vmem>>, vector<16xf32>,
        %swap3A_507 = arith.index_cast %scan3A_436 : i32 to index
        %swap3A_508 = arith.constant 0 : index
        %swap3A_509 = tpu.vector_load %arg12[%swap3A_507, %swap3A_508] {strides = array<i32>} : memref<128x16xf32, #tpu.memory_space<vmem>>, vector<16xf32>,
        tpu.vector_store %arg12[%swap3A_507, %swap3A_508], %select_n3A_498 {strides = array<i32>} : memref<128x16xf32, #tpu.memory_space<vmem>>, vector<16xf32>,
      }
      %scan3A_213 = arith.constant 80 : i32
      "tpu.region"() ({
        %run_scoped3A = tpu.sem_alloc : memref<!tpu.dma_semaphore, #tpu.memory_space<semaphore_mem>>
        %dma_start3A_214 = arith.constant 0 : i32
        %dma_start3A_215 = arith.constant 0 : i32
        %dma_start3A_216 = tpu.memref_slice %arg14[%dma_start3A_214, %dma_start3A_215] : memref<10000x64xf32, #tpu.memory_space<vmem_shared>> -> memref<10000x64xf32, #tpu.memory_space<vmem_shared>>
        tpu.enqueue_indirect_dma source(%arg10 : memref<80x64xf32, #tpu.memory_space<vmem>>) target(%dma_start3A_216 : memref<10000x64xf32, #tpu.memory_space<vmem_shared>>) offsets(%arg8 : memref<80xi32, #tpu.memory_space<vmem>>) semaphore(%run_scoped3A : memref<!tpu.dma_semaphore, #tpu.memory_space<semaphore_mem>>) {add = true}
        %dma_wait3A_217 = arith.constant 0 : i32
        %dma_wait3A_218 = arith.constant 0 : i32
        %dma_wait3A_219 = tpu.memref_slice %arg14[%dma_wait3A_217, %dma_wait3A_218] : memref<10000x64xf32, #tpu.memory_space<vmem_shared>> -> memref<10000x64xf32, #tpu.memory_space<vmem_shared>>
        tpu.wait_indirect_dma semaphore(%run_scoped3A : memref<!tpu.dma_semaphore, #tpu.memory_space<semaphore_mem>>) src(%arg10 : memref<80x64xf32, #tpu.memory_space<vmem>>) dst(%dma_wait3A_219 : memref<10000x64xf32, #tpu.memory_space<vmem_shared>>)
        tpu.yield
      }) : () -> ()
      "tpu.region"() ({
        %run_scoped3A = tpu.sem_alloc : memref<!tpu.dma_semaphore, #tpu.memory_space<semaphore_mem>>
        %dma_start3A_214 = arith.constant 0 : i32
        %dma_start3A_215 = arith.constant 0 : i32
        %dma_start3A_216 = tpu.memref_slice %arg12[%dma_start3A_214, %dma_start3A_215] : memref<128x16xf32, #tpu.memory_space<vmem>> -> memref<80x16xf32, #tpu.memory_space<vmem>>
        %dma_start3A_217 = arith.constant 0 : i32
        %dma_start3A_218 = arith.constant 0 : i32
        %dma_start3A_219 = tpu.memref_slice %arg15[%dma_start3A_217, %dma_start3A_218] : memref<10000x16xf32, #tpu.memory_space<vmem_shared>> -> memref<10000x16xf32, #tpu.memory_space<vmem_shared>>
        tpu.enqueue_indirect_dma source(%dma_start3A_216 : memref<80x16xf32, #tpu.memory_space<vmem>>) target(%dma_start3A_219 : memref<10000x16xf32, #tpu.memory_space<vmem_shared>>) offsets(%arg8 : memref<80xi32, #tpu.memory_space<vmem>>) semaphore(%run_scoped3A : memref<!tpu.dma_semaphore, #tpu.memory_space<semaphore_mem>>) {add = true}
        %dma_wait3A_220 = arith.constant 0 : i32
        %dma_wait3A_221 = arith.constant 0 : i32
        %dma_wait3A_222 = tpu.memref_slice %arg12[%dma_wait3A_220, %dma_wait3A_221] : memref<128x16xf32, #tpu.memory_space<vmem>> -> memref<80x16xf32, #tpu.memory_space<vmem>>
        %dma_wait3A_223 = arith.constant 0 : i32
        %dma_wait3A_224 = arith.constant 0 : i32
        %dma_wait3A_225 = tpu.memref_slice %arg15[%dma_wait3A_223, %dma_wait3A_224] : memref<10000x16xf32, #tpu.memory_space<vmem_shared>> -> memref<10000x16xf32, #tpu.memory_space<vmem_shared>>
        tpu.wait_indirect_dma semaphore(%run_scoped3A : memref<!tpu.dma_semaphore, #tpu.memory_space<semaphore_mem>>) src(%dma_wait3A_222 : memref<80x16xf32, #tpu.memory_space<vmem>>) dst(%dma_wait3A_225 : memref<10000x16xf32, #tpu.memory_space<vmem_shared>>)
        tpu.yield
      }) : () -> ()
    }
    %scan3A_38 = arith.constant 250 : i32
    %barrier3A_39 = arith.constant 0 : index
    tpu.barrier barrier_id(%barrier3A_39)
    %mul3A_40 = arith.constant 10000 : i32
    %mul3A_41 = arith.muli %arg0, %mul3A_40 : i32
    %add3A_42 = arith.addi %mul3A_41, %multiple_of3A : i32
    %multiple_of3A_43 = tpu.assume_multiple %add3A_42, 8 : i32
    %add3A_44 = arith.constant 0 : i32
    %add3A_45 = arith.addi %multiple_of3A, %add3A_44 : i32
    "tpu.region"() ({
      %run_scoped3A = tpu.sem_alloc : memref<!tpu.dma_semaphore, #tpu.memory_space<semaphore_mem>>
      %dma_start3A = arith.constant 0 : i32
      %dma_start3A_89 = arith.constant 0 : i32
      %dma_start3A_90 = tpu.memref_slice %arg13[%dma_start3A, %dma_start3A_89] : memref<128x64xf32, #tpu.memory_space<vmem>> -> memref<128x64xf32, #tpu.memory_space<vmem>>
      %dma_start3A_91 = arith.constant 0 : i32
      %dma_start3A_92 = tpu.memref_slice %arg14[%add3A_45, %dma_start3A_91] : memref<10000x64xf32, #tpu.memory_space<vmem_shared>> -> memref<128x64xf32, #tpu.memory_space<vmem_shared>>
      %dma_start3A_93 = arith.constant 0 : i32
      %dma_start3A_94 = arith.constant 0 : i32
      %dma_start3A_95 = tpu.memref_slice %arg13[%dma_start3A_93, %dma_start3A_94] : memref<128x64xf32, #tpu.memory_space<vmem>> -> memref<128x64xf32, #tpu.memory_space<vmem>>
      %dma_start3A_96 = arith.constant 0 : i32
      %dma_start3A_97 = tpu.memref_slice %arg14[%add3A_45, %dma_start3A_96] : memref<10000x64xf32, #tpu.memory_space<vmem_shared>> -> memref<128x64xf32, #tpu.memory_space<vmem_shared>>
      tpu.enqueue_dma source(%dma_start3A_97 : memref<128x64xf32, #tpu.memory_space<vmem_shared>>) target(%dma_start3A_95 : memref<128x64xf32, #tpu.memory_space<vmem>>) target_semaphore(%run_scoped3A : memref<!tpu.dma_semaphore, #tpu.memory_space<semaphore_mem>>)
      %dma_wait3A = arith.constant 0 : i32
      %dma_wait3A_98 = arith.constant 0 : i32
      %dma_wait3A_99 = tpu.memref_slice %arg13[%dma_wait3A, %dma_wait3A_98] : memref<128x64xf32, #tpu.memory_space<vmem>> -> memref<128x64xf32, #tpu.memory_space<vmem>>
      %dma_wait3A_100 = arith.constant 0 : i32
      %dma_wait3A_101 = tpu.memref_slice %arg14[%add3A_45, %dma_wait3A_100] : memref<10000x64xf32, #tpu.memory_space<vmem_shared>> -> memref<128x64xf32, #tpu.memory_space<vmem_shared>>
      %dma_wait3A_102 = arith.constant 0 : i32
      %dma_wait3A_103 = arith.constant 0 : i32
      %dma_wait3A_104 = tpu.memref_slice %arg13[%dma_wait3A_102, %dma_wait3A_103] : memref<128x64xf32, #tpu.memory_space<vmem>> -> memref<128x64xf32, #tpu.memory_space<vmem>>
      %dma_wait3A_105 = arith.constant 0 : i32
      %dma_wait3A_106 = tpu.memref_slice %arg14[%add3A_45, %dma_wait3A_105] : memref<10000x64xf32, #tpu.memory_space<vmem_shared>> -> memref<128x64xf32, #tpu.memory_space<vmem_shared>>
      tpu.wait_dma2 semaphore(%run_scoped3A : memref<!tpu.dma_semaphore, #tpu.memory_space<semaphore_mem>>) src(%dma_wait3A_106 : memref<128x64xf32, #tpu.memory_space<vmem_shared>>) dst(%dma_wait3A_104 : memref<128x64xf32, #tpu.memory_space<vmem>>)
      tpu.yield
    }) : () -> ()
    %add3A_46 = arith.constant 0 : i32
    %add3A_47 = arith.addi %multiple_of3A_43, %add3A_46 : i32
    "tpu.region"() ({
      %run_scoped3A = tpu.sem_alloc : memref<!tpu.dma_semaphore, #tpu.memory_space<semaphore_mem>>
      %dma_start3A = arith.constant 0 : i32
      %dma_start3A_89 = arith.constant 0 : i32
      %dma_start3A_90 = tpu.memref_slice %arg13[%dma_start3A, %dma_start3A_89] : memref<128x64xf32, #tpu.memory_space<vmem>> -> memref<128x64xf32, #tpu.memory_space<vmem>>
      %dma_start3A_91 = arith.constant 0 : i32
      %dma_start3A_92 = tpu.memref_slice %arg5[%add3A_47, %dma_start3A_91] : memref<20000x64xf32, #tpu.memory_space<hbm>> -> memref<128x64xf32, #tpu.memory_space<hbm>>
      %dma_start3A_93 = arith.constant 0 : i32
      %dma_start3A_94 = tpu.memref_slice %arg5[%add3A_47, %dma_start3A_93] : memref<20000x64xf32, #tpu.memory_space<hbm>> -> memref<128x64xf32, #tpu.memory_space<hbm>>
      %dma_start3A_95 = arith.constant 0 : i32
      %dma_start3A_96 = arith.constant 0 : i32
      %dma_start3A_97 = tpu.memref_slice %arg13[%dma_start3A_95, %dma_start3A_96] : memref<128x64xf32, #tpu.memory_space<vmem>> -> memref<128x64xf32, #tpu.memory_space<vmem>>
      tpu.enqueue_dma source(%dma_start3A_97 : memref<128x64xf32, #tpu.memory_space<vmem>>) target(%dma_start3A_94 : memref<128x64xf32, #tpu.memory_space<hbm>>) target_semaphore(%run_scoped3A : memref<!tpu.dma_semaphore, #tpu.memory_space<semaphore_mem>>)
      %dma_wait3A = arith.constant 0 : i32
      %dma_wait3A_98 = arith.constant 0 : i32
      %dma_wait3A_99 = tpu.memref_slice %arg13[%dma_wait3A, %dma_wait3A_98] : memref<128x64xf32, #tpu.memory_space<vmem>> -> memref<128x64xf32, #tpu.memory_space<vmem>>
      %dma_wait3A_100 = arith.constant 0 : i32
      %dma_wait3A_101 = tpu.memref_slice %arg5[%add3A_47, %dma_wait3A_100] : memref<20000x64xf32, #tpu.memory_space<hbm>> -> memref<128x64xf32, #tpu.memory_space<hbm>>
      %dma_wait3A_102 = arith.constant 0 : i32
      %dma_wait3A_103 = tpu.memref_slice %arg5[%add3A_47, %dma_wait3A_102] : memref<20000x64xf32, #tpu.memory_space<hbm>> -> memref<128x64xf32, #tpu.memory_space<hbm>>
      %dma_wait3A_104 = arith.constant 0 : i32
      %dma_wait3A_105 = arith.constant 0 : i32
      %dma_wait3A_106 = tpu.memref_slice %arg13[%dma_wait3A_104, %dma_wait3A_105] : memref<128x64xf32, #tpu.memory_space<vmem>> -> memref<128x64xf32, #tpu.memory_space<vmem>>
      tpu.wait_dma2 semaphore(%run_scoped3A : memref<!tpu.dma_semaphore, #tpu.memory_space<semaphore_mem>>) src(%dma_wait3A_106 : memref<128x64xf32, #tpu.memory_space<vmem>>) dst(%dma_wait3A_103 : memref<128x64xf32, #tpu.memory_space<hbm>>)
      tpu.yield
    }) : () -> ()
    %add3A_48 = arith.constant 0 : i32
    %add3A_49 = arith.addi %multiple_of3A, %add3A_48 : i32
    "tpu.region"() ({
      %run_scoped3A = tpu.sem_alloc : memref<!tpu.dma_semaphore, #tpu.memory_space<semaphore_mem>>
      %dma_start3A = arith.constant 0 : i32
      %dma_start3A_89 = arith.constant 0 : i32
      %dma_start3A_90 = tpu.memref_slice %arg12[%dma_start3A, %dma_start3A_89] : memref<128x16xf32, #tpu.memory_space<vmem>> -> memref<128x16xf32, #tpu.memory_space<vmem>>
      %dma_start3A_91 = arith.constant 0 : i32
      %dma_start3A_92 = tpu.memref_slice %arg15[%add3A_49, %dma_start3A_91] : memref<10000x16xf32, #tpu.memory_space<vmem_shared>> -> memref<128x16xf32, #tpu.memory_space<vmem_shared>>
      %dma_start3A_93 = arith.constant 0 : i32
      %dma_start3A_94 = arith.constant 0 : i32
      %dma_start3A_95 = tpu.memref_slice %arg12[%dma_start3A_93, %dma_start3A_94] : memref<128x16xf32, #tpu.memory_space<vmem>> -> memref<128x16xf32, #tpu.memory_space<vmem>>
      %dma_start3A_96 = arith.constant 0 : i32
      %dma_start3A_97 = tpu.memref_slice %arg15[%add3A_49, %dma_start3A_96] : memref<10000x16xf32, #tpu.memory_space<vmem_shared>> -> memref<128x16xf32, #tpu.memory_space<vmem_shared>>
      tpu.enqueue_dma source(%dma_start3A_97 : memref<128x16xf32, #tpu.memory_space<vmem_shared>>) target(%dma_start3A_95 : memref<128x16xf32, #tpu.memory_space<vmem>>) target_semaphore(%run_scoped3A : memref<!tpu.dma_semaphore, #tpu.memory_space<semaphore_mem>>)
      %dma_wait3A = arith.constant 0 : i32
      %dma_wait3A_98 = arith.constant 0 : i32
      %dma_wait3A_99 = tpu.memref_slice %arg12[%dma_wait3A, %dma_wait3A_98] : memref<128x16xf32, #tpu.memory_space<vmem>> -> memref<128x16xf32, #tpu.memory_space<vmem>>
      %dma_wait3A_100 = arith.constant 0 : i32
      %dma_wait3A_101 = tpu.memref_slice %arg15[%add3A_49, %dma_wait3A_100] : memref<10000x16xf32, #tpu.memory_space<vmem_shared>> -> memref<128x16xf32, #tpu.memory_space<vmem_shared>>
      %dma_wait3A_102 = arith.constant 0 : i32
      %dma_wait3A_103 = arith.constant 0 : i32
      %dma_wait3A_104 = tpu.memref_slice %arg12[%dma_wait3A_102, %dma_wait3A_103] : memref<128x16xf32, #tpu.memory_space<vmem>> -> memref<128x16xf32, #tpu.memory_space<vmem>>
      %dma_wait3A_105 = arith.constant 0 : i32
      %dma_wait3A_106 = tpu.memref_slice %arg15[%add3A_49, %dma_wait3A_105] : memref<10000x16xf32, #tpu.memory_space<vmem_shared>> -> memref<128x16xf32, #tpu.memory_space<vmem_shared>>
      tpu.wait_dma2 semaphore(%run_scoped3A : memref<!tpu.dma_semaphore, #tpu.memory_space<semaphore_mem>>) src(%dma_wait3A_106 : memref<128x16xf32, #tpu.memory_space<vmem_shared>>) dst(%dma_wait3A_104 : memref<128x16xf32, #tpu.memory_space<vmem>>)
      tpu.yield
    }) : () -> ()
    %add3A_50 = arith.constant 0 : i32
    %add3A_51 = arith.addi %multiple_of3A_43, %add3A_50 : i32
    "tpu.region"() ({
      %run_scoped3A = tpu.sem_alloc : memref<!tpu.dma_semaphore, #tpu.memory_space<semaphore_mem>>
      %dma_start3A = arith.constant 0 : i32
      %dma_start3A_89 = arith.constant 0 : i32
      %dma_start3A_90 = tpu.memref_slice %arg12[%dma_start3A, %dma_start3A_89] : memref<128x16xf32, #tpu.memory_space<vmem>> -> memref<128x16xf32, #tpu.memory_space<vmem>>
      %dma_start3A_91 = arith.constant 0 : i32
      %dma_start3A_92 = tpu.memref_slice %arg6[%add3A_51, %dma_start3A_91] : memref<20000x16xf32, #tpu.memory_space<hbm>> -> memref<128x16xf32, #tpu.memory_space<hbm>>
      %dma_start3A_93 = arith.constant 0 : i32
      %dma_start3A_94 = tpu.memref_slice %arg6[%add3A_51, %dma_start3A_93] : memref<20000x16xf32, #tpu.memory_space<hbm>> -> memref<128x16xf32, #tpu.memory_space<hbm>>
      %dma_start3A_95 = arith.constant 0 : i32
      %dma_start3A_96 = arith.constant 0 : i32
      %dma_start3A_97 = tpu.memref_slice %arg12[%dma_start3A_95, %dma_start3A_96] : memref<128x16xf32, #tpu.memory_space<vmem>> -> memref<128x16xf32, #tpu.memory_space<vmem>>
      tpu.enqueue_dma source(%dma_start3A_97 : memref<128x16xf32, #tpu.memory_space<vmem>>) target(%dma_start3A_94 : memref<128x16xf32, #tpu.memory_space<hbm>>) target_semaphore(%run_scoped3A : memref<!tpu.dma_semaphore, #tpu.memory_space<semaphore_mem>>)
      %dma_wait3A = arith.constant 0 : i32
      %dma_wait3A_98 = arith.constant 0 : i32
      %dma_wait3A_99 = tpu.memref_slice %arg12[%dma_wait3A, %dma_wait3A_98] : memref<128x16xf32, #tpu.memory_space<vmem>> -> memref<128x16xf32, #tpu.memory_space<vmem>>
      %dma_wait3A_100 = arith.constant 0 : i32
      %dma_wait3A_101 = tpu.memref_slice %arg6[%add3A_51, %dma_wait3A_100] : memref<20000x16xf32, #tpu.memory_space<hbm>> -> memref<128x16xf32, #tpu.memory_space<hbm>>
      %dma_wait3A_102 = arith.constant 0 : i32
      %dma_wait3A_103 = tpu.memref_slice %arg6[%add3A_51, %dma_wait3A_102] : memref<20000x16xf32, #tpu.memory_space<hbm>> -> memref<128x16xf32, #tpu.memory_space<hbm>>
      %dma_wait3A_104 = arith.constant 0 : i32
      %dma_wait3A_105 = arith.constant 0 : i32
      %dma_wait3A_106 = tpu.memref_slice %arg12[%dma_wait3A_104, %dma_wait3A_105] : memref<128x16xf32, #tpu.memory_space<vmem>> -> memref<128x16xf32, #tpu.memory_space<vmem>>
      tpu.wait_dma2 semaphore(%run_scoped3A : memref<!tpu.dma_semaphore, #tpu.memory_space<semaphore_mem>>) src(%dma_wait3A_106 : memref<128x16xf32, #tpu.memory_space<vmem>>) dst(%dma_wait3A_103 : memref<128x16xf32, #tpu.memory_space<hbm>>)
      tpu.yield
    }) : () -> ()
    %add3A_52 = arith.constant 128 : i32
    %add3A_53 = arith.addi %multiple_of3A, %add3A_52 : i32
    "tpu.region"() ({
      %run_scoped3A = tpu.sem_alloc : memref<!tpu.dma_semaphore, #tpu.memory_space<semaphore_mem>>
      %dma_start3A = arith.constant 0 : i32
      %dma_start3A_89 = arith.constant 0 : i32
      %dma_start3A_90 = tpu.memref_slice %arg13[%dma_start3A, %dma_start3A_89] : memref<128x64xf32, #tpu.memory_space<vmem>> -> memref<128x64xf32, #tpu.memory_space<vmem>>
      %dma_start3A_91 = arith.constant 0 : i32
      %dma_start3A_92 = tpu.memref_slice %arg14[%add3A_53, %dma_start3A_91] : memref<10000x64xf32, #tpu.memory_space<vmem_shared>> -> memref<128x64xf32, #tpu.memory_space<vmem_shared>>
      %dma_start3A_93 = arith.constant 0 : i32
      %dma_start3A_94 = arith.constant 0 : i32
      %dma_start3A_95 = tpu.memref_slice %arg13[%dma_start3A_93, %dma_start3A_94] : memref<128x64xf32, #tpu.memory_space<vmem>> -> memref<128x64xf32, #tpu.memory_space<vmem>>
      %dma_start3A_96 = arith.constant 0 : i32
      %dma_start3A_97 = tpu.memref_slice %arg14[%add3A_53, %dma_start3A_96] : memref<10000x64xf32, #tpu.memory_space<vmem_shared>> -> memref<128x64xf32, #tpu.memory_space<vmem_shared>>
      tpu.enqueue_dma source(%dma_start3A_97 : memref<128x64xf32, #tpu.memory_space<vmem_shared>>) target(%dma_start3A_95 : memref<128x64xf32, #tpu.memory_space<vmem>>) target_semaphore(%run_scoped3A : memref<!tpu.dma_semaphore, #tpu.memory_space<semaphore_mem>>)
      %dma_wait3A = arith.constant 0 : i32
      %dma_wait3A_98 = arith.constant 0 : i32
      %dma_wait3A_99 = tpu.memref_slice %arg13[%dma_wait3A, %dma_wait3A_98] : memref<128x64xf32, #tpu.memory_space<vmem>> -> memref<128x64xf32, #tpu.memory_space<vmem>>
      %dma_wait3A_100 = arith.constant 0 : i32
      %dma_wait3A_101 = tpu.memref_slice %arg14[%add3A_53, %dma_wait3A_100] : memref<10000x64xf32, #tpu.memory_space<vmem_shared>> -> memref<128x64xf32, #tpu.memory_space<vmem_shared>>
      %dma_wait3A_102 = arith.constant 0 : i32
      %dma_wait3A_103 = arith.constant 0 : i32
      %dma_wait3A_104 = tpu.memref_slice %arg13[%dma_wait3A_102, %dma_wait3A_103] : memref<128x64xf32, #tpu.memory_space<vmem>> -> memref<128x64xf32, #tpu.memory_space<vmem>>
      %dma_wait3A_105 = arith.constant 0 : i32
      %dma_wait3A_106 = tpu.memref_slice %arg14[%add3A_53, %dma_wait3A_105] : memref<10000x64xf32, #tpu.memory_space<vmem_shared>> -> memref<128x64xf32, #tpu.memory_space<vmem_shared>>
      tpu.wait_dma2 semaphore(%run_scoped3A : memref<!tpu.dma_semaphore, #tpu.memory_space<semaphore_mem>>) src(%dma_wait3A_106 : memref<128x64xf32, #tpu.memory_space<vmem_shared>>) dst(%dma_wait3A_104 : memref<128x64xf32, #tpu.memory_space<vmem>>)
      tpu.yield
    }) : () -> ()
    %add3A_54 = arith.constant 128 : i32
    %add3A_55 = arith.addi %multiple_of3A_43, %add3A_54 : i32
    "tpu.region"() ({
      %run_scoped3A = tpu.sem_alloc : memref<!tpu.dma_semaphore, #tpu.memory_space<semaphore_mem>>
      %dma_start3A = arith.constant 0 : i32
      %dma_start3A_89 = arith.constant 0 : i32
      %dma_start3A_90 = tpu.memref_slice %arg13[%dma_start3A, %dma_start3A_89] : memref<128x64xf32, #tpu.memory_space<vmem>> -> memref<128x64xf32, #tpu.memory_space<vmem>>
      %dma_start3A_91 = arith.constant 0 : i32
      %dma_start3A_92 = tpu.memref_slice %arg5[%add3A_55, %dma_start3A_91] : memref<20000x64xf32, #tpu.memory_space<hbm>> -> memref<128x64xf32, #tpu.memory_space<hbm>>
      %dma_start3A_93 = arith.constant 0 : i32
      %dma_start3A_94 = tpu.memref_slice %arg5[%add3A_55, %dma_start3A_93] : memref<20000x64xf32, #tpu.memory_space<hbm>> -> memref<128x64xf32, #tpu.memory_space<hbm>>
      %dma_start3A_95 = arith.constant 0 : i32
      %dma_start3A_96 = arith.constant 0 : i32
      %dma_start3A_97 = tpu.memref_slice %arg13[%dma_start3A_95, %dma_start3A_96] : memref<128x64xf32, #tpu.memory_space<vmem>> -> memref<128x64xf32, #tpu.memory_space<vmem>>
      tpu.enqueue_dma source(%dma_start3A_97 : memref<128x64xf32, #tpu.memory_space<vmem>>) target(%dma_start3A_94 : memref<128x64xf32, #tpu.memory_space<hbm>>) target_semaphore(%run_scoped3A : memref<!tpu.dma_semaphore, #tpu.memory_space<semaphore_mem>>)
      %dma_wait3A = arith.constant 0 : i32
      %dma_wait3A_98 = arith.constant 0 : i32
      %dma_wait3A_99 = tpu.memref_slice %arg13[%dma_wait3A, %dma_wait3A_98] : memref<128x64xf32, #tpu.memory_space<vmem>> -> memref<128x64xf32, #tpu.memory_space<vmem>>
      %dma_wait3A_100 = arith.constant 0 : i32
      %dma_wait3A_101 = tpu.memref_slice %arg5[%add3A_55, %dma_wait3A_100] : memref<20000x64xf32, #tpu.memory_space<hbm>> -> memref<128x64xf32, #tpu.memory_space<hbm>>
      %dma_wait3A_102 = arith.constant 0 : i32
      %dma_wait3A_103 = tpu.memref_slice %arg5[%add3A_55, %dma_wait3A_102] : memref<20000x64xf32, #tpu.memory_space<hbm>> -> memref<128x64xf32, #tpu.memory_space<hbm>>
      %dma_wait3A_104 = arith.constant 0 : i32
      %dma_wait3A_105 = arith.constant 0 : i32
      %dma_wait3A_106 = tpu.memref_slice %arg13[%dma_wait3A_104, %dma_wait3A_105] : memref<128x64xf32, #tpu.memory_space<vmem>> -> memref<128x64xf32, #tpu.memory_space<vmem>>
      tpu.wait_dma2 semaphore(%run_scoped3A : memref<!tpu.dma_semaphore, #tpu.memory_space<semaphore_mem>>) src(%dma_wait3A_106 : memref<128x64xf32, #tpu.memory_space<vmem>>) dst(%dma_wait3A_103 : memref<128x64xf32, #tpu.memory_space<hbm>>)
      tpu.yield
    }) : () -> ()
    %add3A_56 = arith.constant 128 : i32
    %add3A_57 = arith.addi %multiple_of3A, %add3A_56 : i32
    "tpu.region"() ({
      %run_scoped3A = tpu.sem_alloc : memref<!tpu.dma_semaphore, #tpu.memory_space<semaphore_mem>>
      %dma_start3A = arith.constant 0 : i32
      %dma_start3A_89 = arith.constant 0 : i32
      %dma_start3A_90 = tpu.memref_slice %arg12[%dma_start3A, %dma_start3A_89] : memref<128x16xf32, #tpu.memory_space<vmem>> -> memref<128x16xf32, #tpu.memory_space<vmem>>
      %dma_start3A_91 = arith.constant 0 : i32
      %dma_start3A_92 = tpu.memref_slice %arg15[%add3A_57, %dma_start3A_91] : memref<10000x16xf32, #tpu.memory_space<vmem_shared>> -> memref<128x16xf32, #tpu.memory_space<vmem_shared>>
      %dma_start3A_93 = arith.constant 0 : i32
      %dma_start3A_94 = arith.constant 0 : i32
      %dma_start3A_95 = tpu.memref_slice %arg12[%dma_start3A_93, %dma_start3A_94] : memref<128x16xf32, #tpu.memory_space<vmem>> -> memref<128x16xf32, #tpu.memory_space<vmem>>
      %dma_start3A_96 = arith.constant 0 : i32
      %dma_start3A_97 = tpu.memref_slice %arg15[%add3A_57, %dma_start3A_96] : memref<10000x16xf32, #tpu.memory_space<vmem_shared>> -> memref<128x16xf32, #tpu.memory_space<vmem_shared>>
      tpu.enqueue_dma source(%dma_start3A_97 : memref<128x16xf32, #tpu.memory_space<vmem_shared>>) target(%dma_start3A_95 : memref<128x16xf32, #tpu.memory_space<vmem>>) target_semaphore(%run_scoped3A : memref<!tpu.dma_semaphore, #tpu.memory_space<semaphore_mem>>)
      %dma_wait3A = arith.constant 0 : i32
      %dma_wait3A_98 = arith.constant 0 : i32
      %dma_wait3A_99 = tpu.memref_slice %arg12[%dma_wait3A, %dma_wait3A_98] : memref<128x16xf32, #tpu.memory_space<vmem>> -> memref<128x16xf32, #tpu.memory_space<vmem>>
      %dma_wait3A_100 = arith.constant 0 : i32
      %dma_wait3A_101 = tpu.memref_slice %arg15[%add3A_57, %dma_wait3A_100] : memref<10000x16xf32, #tpu.memory_space<vmem_shared>> -> memref<128x16xf32, #tpu.memory_space<vmem_shared>>
      %dma_wait3A_102 = arith.constant 0 : i32
      %dma_wait3A_103 = arith.constant 0 : i32
      %dma_wait3A_104 = tpu.memref_slice %arg12[%dma_wait3A_102, %dma_wait3A_103] : memref<128x16xf32, #tpu.memory_space<vmem>> -> memref<128x16xf32, #tpu.memory_space<vmem>>
      %dma_wait3A_105 = arith.constant 0 : i32
      %dma_wait3A_106 = tpu.memref_slice %arg15[%add3A_57, %dma_wait3A_105] : memref<10000x16xf32, #tpu.memory_space<vmem_shared>> -> memref<128x16xf32, #tpu.memory_space<vmem_shared>>
      tpu.wait_dma2 semaphore(%run_scoped3A : memref<!tpu.dma_semaphore, #tpu.memory_space<semaphore_mem>>) src(%dma_wait3A_106 : memref<128x16xf32, #tpu.memory_space<vmem_shared>>) dst(%dma_wait3A_104 : memref<128x16xf32, #tpu.memory_space<vmem>>)
      tpu.yield
    }) : () -> ()
    %add3A_58 = arith.constant 128 : i32
    %add3A_59 = arith.addi %multiple_of3A_43, %add3A_58 : i32
    "tpu.region"() ({
      %run_scoped3A = tpu.sem_alloc : memref<!tpu.dma_semaphore, #tpu.memory_space<semaphore_mem>>
      %dma_start3A = arith.constant 0 : i32
      %dma_start3A_89 = arith.constant 0 : i32
      %dma_start3A_90 = tpu.memref_slice %arg12[%dma_start3A, %dma_start3A_89] : memref<128x16xf32, #tpu.memory_space<vmem>> -> memref<128x16xf32, #tpu.memory_space<vmem>>
      %dma_start3A_91 = arith.constant 0 : i32
      %dma_start3A_92 = tpu.memref_slice %arg6[%add3A_59, %dma_start3A_91] : memref<20000x16xf32, #tpu.memory_space<hbm>> -> memref<128x16xf32, #tpu.memory_space<hbm>>
      %dma_start3A_93 = arith.constant 0 : i32
      %dma_start3A_94 = tpu.memref_slice %arg6[%add3A_59, %dma_start3A_93] : memref<20000x16xf32, #tpu.memory_space<hbm>> -> memref<128x16xf32, #tpu.memory_space<hbm>>
      %dma_start3A_95 = arith.constant 0 : i32
      %dma_start3A_96 = arith.constant 0 : i32
      %dma_start3A_97 = tpu.memref_slice %arg12[%dma_start3A_95, %dma_start3A_96] : memref<128x16xf32, #tpu.memory_space<vmem>> -> memref<128x16xf32, #tpu.memory_space<vmem>>
      tpu.enqueue_dma source(%dma_start3A_97 : memref<128x16xf32, #tpu.memory_space<vmem>>) target(%dma_start3A_94 : memref<128x16xf32, #tpu.memory_space<hbm>>) target_semaphore(%run_scoped3A : memref<!tpu.dma_semaphore, #tpu.memory_space<semaphore_mem>>)
      %dma_wait3A = arith.constant 0 : i32
      %dma_wait3A_98 = arith.constant 0 : i32
      %dma_wait3A_99 = tpu.memref_slice %arg12[%dma_wait3A, %dma_wait3A_98] : memref<128x16xf32, #tpu.memory_space<vmem>> -> memref<128x16xf32, #tpu.memory_space<vmem>>
      %dma_wait3A_100 = arith.constant 0 : i32
      %dma_wait3A_101 = tpu.memref_slice %arg6[%add3A_59, %dma_wait3A_100] : memref<20000x16xf32, #tpu.memory_space<hbm>> -> memref<128x16xf32, #tpu.memory_space<hbm>>
      %dma_wait3A_102 = arith.constant 0 : i32
      %dma_wait3A_103 = tpu.memref_slice %arg6[%add3A_59, %dma_wait3A_102] : memref<20000x16xf32, #tpu.memory_space<hbm>> -> memref<128x16xf32, #tpu.memory_space<hbm>>
      %dma_wait3A_104 = arith.constant 0 : i32
      %dma_wait3A_105 = arith.constant 0 : i32
      %dma_wait3A_106 = tpu.memref_slice %arg12[%dma_wait3A_104, %dma_wait3A_105] : memref<128x16xf32, #tpu.memory_space<vmem>> -> memref<128x16xf32, #tpu.memory_space<vmem>>
      tpu.wait_dma2 semaphore(%run_scoped3A : memref<!tpu.dma_semaphore, #tpu.memory_space<semaphore_mem>>) src(%dma_wait3A_106 : memref<128x16xf32, #tpu.memory_space<vmem>>) dst(%dma_wait3A_103 : memref<128x16xf32, #tpu.memory_space<hbm>>)
      tpu.yield
    }) : () -> ()
    %add3A_60 = arith.constant 256 : i32
    %add3A_61 = arith.addi %multiple_of3A, %add3A_60 : i32
    "tpu.region"() ({
      %run_scoped3A = tpu.sem_alloc : memref<!tpu.dma_semaphore, #tpu.memory_space<semaphore_mem>>
      %dma_start3A = arith.constant 0 : i32
      %dma_start3A_89 = arith.constant 0 : i32
      %dma_start3A_90 = tpu.memref_slice %arg13[%dma_start3A, %dma_start3A_89] : memref<128x64xf32, #tpu.memory_space<vmem>> -> memref<128x64xf32, #tpu.memory_space<vmem>>
      %dma_start3A_91 = arith.constant 0 : i32
      %dma_start3A_92 = tpu.memref_slice %arg14[%add3A_61, %dma_start3A_91] : memref<10000x64xf32, #tpu.memory_space<vmem_shared>> -> memref<128x64xf32, #tpu.memory_space<vmem_shared>>
      %dma_start3A_93 = arith.constant 0 : i32
      %dma_start3A_94 = arith.constant 0 : i32
      %dma_start3A_95 = tpu.memref_slice %arg13[%dma_start3A_93, %dma_start3A_94] : memref<128x64xf32, #tpu.memory_space<vmem>> -> memref<128x64xf32, #tpu.memory_space<vmem>>
      %dma_start3A_96 = arith.constant 0 : i32
      %dma_start3A_97 = tpu.memref_slice %arg14[%add3A_61, %dma_start3A_96] : memref<10000x64xf32, #tpu.memory_space<vmem_shared>> -> memref<128x64xf32, #tpu.memory_space<vmem_shared>>
      tpu.enqueue_dma source(%dma_start3A_97 : memref<128x64xf32, #tpu.memory_space<vmem_shared>>) target(%dma_start3A_95 : memref<128x64xf32, #tpu.memory_space<vmem>>) target_semaphore(%run_scoped3A : memref<!tpu.dma_semaphore, #tpu.memory_space<semaphore_mem>>)
      %dma_wait3A = arith.constant 0 : i32
      %dma_wait3A_98 = arith.constant 0 : i32
      %dma_wait3A_99 = tpu.memref_slice %arg13[%dma_wait3A, %dma_wait3A_98] : memref<128x64xf32, #tpu.memory_space<vmem>> -> memref<128x64xf32, #tpu.memory_space<vmem>>
      %dma_wait3A_100 = arith.constant 0 : i32
      %dma_wait3A_101 = tpu.memref_slice %arg14[%add3A_61, %dma_wait3A_100] : memref<10000x64xf32, #tpu.memory_space<vmem_shared>> -> memref<128x64xf32, #tpu.memory_space<vmem_shared>>
      %dma_wait3A_102 = arith.constant 0 : i32
      %dma_wait3A_103 = arith.constant 0 : i32
      %dma_wait3A_104 = tpu.memref_slice %arg13[%dma_wait3A_102, %dma_wait3A_103] : memref<128x64xf32, #tpu.memory_space<vmem>> -> memref<128x64xf32, #tpu.memory_space<vmem>>
      %dma_wait3A_105 = arith.constant 0 : i32
      %dma_wait3A_106 = tpu.memref_slice %arg14[%add3A_61, %dma_wait3A_105] : memref<10000x64xf32, #tpu.memory_space<vmem_shared>> -> memref<128x64xf32, #tpu.memory_space<vmem_shared>>
      tpu.wait_dma2 semaphore(%run_scoped3A : memref<!tpu.dma_semaphore, #tpu.memory_space<semaphore_mem>>) src(%dma_wait3A_106 : memref<128x64xf32, #tpu.memory_space<vmem_shared>>) dst(%dma_wait3A_104 : memref<128x64xf32, #tpu.memory_space<vmem>>)
      tpu.yield
    }) : () -> ()
    %add3A_62 = arith.constant 256 : i32
    %add3A_63 = arith.addi %multiple_of3A_43, %add3A_62 : i32
    "tpu.region"() ({
      %run_scoped3A = tpu.sem_alloc : memref<!tpu.dma_semaphore, #tpu.memory_space<semaphore_mem>>
      %dma_start3A = arith.constant 0 : i32
      %dma_start3A_89 = arith.constant 0 : i32
      %dma_start3A_90 = tpu.memref_slice %arg13[%dma_start3A, %dma_start3A_89] : memref<128x64xf32, #tpu.memory_space<vmem>> -> memref<128x64xf32, #tpu.memory_space<vmem>>
      %dma_start3A_91 = arith.constant 0 : i32
      %dma_start3A_92 = tpu.memref_slice %arg5[%add3A_63, %dma_start3A_91] : memref<20000x64xf32, #tpu.memory_space<hbm>> -> memref<128x64xf32, #tpu.memory_space<hbm>>
      %dma_start3A_93 = arith.constant 0 : i32
      %dma_start3A_94 = tpu.memref_slice %arg5[%add3A_63, %dma_start3A_93] : memref<20000x64xf32, #tpu.memory_space<hbm>> -> memref<128x64xf32, #tpu.memory_space<hbm>>
      %dma_start3A_95 = arith.constant 0 : i32
      %dma_start3A_96 = arith.constant 0 : i32
      %dma_start3A_97 = tpu.memref_slice %arg13[%dma_start3A_95, %dma_start3A_96] : memref<128x64xf32, #tpu.memory_space<vmem>> -> memref<128x64xf32, #tpu.memory_space<vmem>>
      tpu.enqueue_dma source(%dma_start3A_97 : memref<128x64xf32, #tpu.memory_space<vmem>>) target(%dma_start3A_94 : memref<128x64xf32, #tpu.memory_space<hbm>>) target_semaphore(%run_scoped3A : memref<!tpu.dma_semaphore, #tpu.memory_space<semaphore_mem>>)
      %dma_wait3A = arith.constant 0 : i32
      %dma_wait3A_98 = arith.constant 0 : i32
      %dma_wait3A_99 = tpu.memref_slice %arg13[%dma_wait3A, %dma_wait3A_98] : memref<128x64xf32, #tpu.memory_space<vmem>> -> memref<128x64xf32, #tpu.memory_space<vmem>>
      %dma_wait3A_100 = arith.constant 0 : i32
      %dma_wait3A_101 = tpu.memref_slice %arg5[%add3A_63, %dma_wait3A_100] : memref<20000x64xf32, #tpu.memory_space<hbm>> -> memref<128x64xf32, #tpu.memory_space<hbm>>
      %dma_wait3A_102 = arith.constant 0 : i32
      %dma_wait3A_103 = tpu.memref_slice %arg5[%add3A_63, %dma_wait3A_102] : memref<20000x64xf32, #tpu.memory_space<hbm>> -> memref<128x64xf32, #tpu.memory_space<hbm>>
      %dma_wait3A_104 = arith.constant 0 : i32
      %dma_wait3A_105 = arith.constant 0 : i32
      %dma_wait3A_106 = tpu.memref_slice %arg13[%dma_wait3A_104, %dma_wait3A_105] : memref<128x64xf32, #tpu.memory_space<vmem>> -> memref<128x64xf32, #tpu.memory_space<vmem>>
      tpu.wait_dma2 semaphore(%run_scoped3A : memref<!tpu.dma_semaphore, #tpu.memory_space<semaphore_mem>>) src(%dma_wait3A_106 : memref<128x64xf32, #tpu.memory_space<vmem>>) dst(%dma_wait3A_103 : memref<128x64xf32, #tpu.memory_space<hbm>>)
      tpu.yield
    }) : () -> ()
    %add3A_64 = arith.constant 256 : i32
    %add3A_65 = arith.addi %multiple_of3A, %add3A_64 : i32
    "tpu.region"() ({
      %run_scoped3A = tpu.sem_alloc : memref<!tpu.dma_semaphore, #tpu.memory_space<semaphore_mem>>
      %dma_start3A = arith.constant 0 : i32
      %dma_start3A_89 = arith.constant 0 : i32
      %dma_start3A_90 = tpu.memref_slice %arg12[%dma_start3A, %dma_start3A_89] : memref<128x16xf32, #tpu.memory_space<vmem>> -> memref<128x16xf32, #tpu.memory_space<vmem>>
      %dma_start3A_91 = arith.constant 0 : i32
      %dma_start3A_92 = tpu.memref_slice %arg15[%add3A_65, %dma_start3A_91] : memref<10000x16xf32, #tpu.memory_space<vmem_shared>> -> memref<128x16xf32, #tpu.memory_space<vmem_shared>>
      %dma_start3A_93 = arith.constant 0 : i32
      %dma_start3A_94 = arith.constant 0 : i32
      %dma_start3A_95 = tpu.memref_slice %arg12[%dma_start3A_93, %dma_start3A_94] : memref<128x16xf32, #tpu.memory_space<vmem>> -> memref<128x16xf32, #tpu.memory_space<vmem>>
      %dma_start3A_96 = arith.constant 0 : i32
      %dma_start3A_97 = tpu.memref_slice %arg15[%add3A_65, %dma_start3A_96] : memref<10000x16xf32, #tpu.memory_space<vmem_shared>> -> memref<128x16xf32, #tpu.memory_space<vmem_shared>>
      tpu.enqueue_dma source(%dma_start3A_97 : memref<128x16xf32, #tpu.memory_space<vmem_shared>>) target(%dma_start3A_95 : memref<128x16xf32, #tpu.memory_space<vmem>>) target_semaphore(%run_scoped3A : memref<!tpu.dma_semaphore, #tpu.memory_space<semaphore_mem>>)
      %dma_wait3A = arith.constant 0 : i32
      %dma_wait3A_98 = arith.constant 0 : i32
      %dma_wait3A_99 = tpu.memref_slice %arg12[%dma_wait3A, %dma_wait3A_98] : memref<128x16xf32, #tpu.memory_space<vmem>> -> memref<128x16xf32, #tpu.memory_space<vmem>>
      %dma_wait3A_100 = arith.constant 0 : i32
      %dma_wait3A_101 = tpu.memref_slice %arg15[%add3A_65, %dma_wait3A_100] : memref<10000x16xf32, #tpu.memory_space<vmem_shared>> -> memref<128x16xf32, #tpu.memory_space<vmem_shared>>
      %dma_wait3A_102 = arith.constant 0 : i32
      %dma_wait3A_103 = arith.constant 0 : i32
      %dma_wait3A_104 = tpu.memref_slice %arg12[%dma_wait3A_102, %dma_wait3A_103] : memref<128x16xf32, #tpu.memory_space<vmem>> -> memref<128x16xf32, #tpu.memory_space<vmem>>
      %dma_wait3A_105 = arith.constant 0 : i32
      %dma_wait3A_106 = tpu.memref_slice %arg15[%add3A_65, %dma_wait3A_105] : memref<10000x16xf32, #tpu.memory_space<vmem_shared>> -> memref<128x16xf32, #tpu.memory_space<vmem_shared>>
      tpu.wait_dma2 semaphore(%run_scoped3A : memref<!tpu.dma_semaphore, #tpu.memory_space<semaphore_mem>>) src(%dma_wait3A_106 : memref<128x16xf32, #tpu.memory_space<vmem_shared>>) dst(%dma_wait3A_104 : memref<128x16xf32, #tpu.memory_space<vmem>>)
      tpu.yield
    }) : () -> ()
    %add3A_66 = arith.constant 256 : i32
    %add3A_67 = arith.addi %multiple_of3A_43, %add3A_66 : i32
    "tpu.region"() ({
      %run_scoped3A = tpu.sem_alloc : memref<!tpu.dma_semaphore, #tpu.memory_space<semaphore_mem>>
      %dma_start3A = arith.constant 0 : i32
      %dma_start3A_89 = arith.constant 0 : i32
      %dma_start3A_90 = tpu.memref_slice %arg12[%dma_start3A, %dma_start3A_89] : memref<128x16xf32, #tpu.memory_space<vmem>> -> memref<128x16xf32, #tpu.memory_space<vmem>>
      %dma_start3A_91 = arith.constant 0 : i32
      %dma_start3A_92 = tpu.memref_slice %arg6[%add3A_67, %dma_start3A_91] : memref<20000x16xf32, #tpu.memory_space<hbm>> -> memref<128x16xf32, #tpu.memory_space<hbm>>
      %dma_start3A_93 = arith.constant 0 : i32
      %dma_start3A_94 = tpu.memref_slice %arg6[%add3A_67, %dma_start3A_93] : memref<20000x16xf32, #tpu.memory_space<hbm>> -> memref<128x16xf32, #tpu.memory_space<hbm>>
      %dma_start3A_95 = arith.constant 0 : i32
      %dma_start3A_96 = arith.constant 0 : i32
      %dma_start3A_97 = tpu.memref_slice %arg12[%dma_start3A_95, %dma_start3A_96] : memref<128x16xf32, #tpu.memory_space<vmem>> -> memref<128x16xf32, #tpu.memory_space<vmem>>
      tpu.enqueue_dma source(%dma_start3A_97 : memref<128x16xf32, #tpu.memory_space<vmem>>) target(%dma_start3A_94 : memref<128x16xf32, #tpu.memory_space<hbm>>) target_semaphore(%run_scoped3A : memref<!tpu.dma_semaphore, #tpu.memory_space<semaphore_mem>>)
      %dma_wait3A = arith.constant 0 : i32
      %dma_wait3A_98 = arith.constant 0 : i32
      %dma_wait3A_99 = tpu.memref_slice %arg12[%dma_wait3A, %dma_wait3A_98] : memref<128x16xf32, #tpu.memory_space<vmem>> -> memref<128x16xf32, #tpu.memory_space<vmem>>
      %dma_wait3A_100 = arith.constant 0 : i32
      %dma_wait3A_101 = tpu.memref_slice %arg6[%add3A_67, %dma_wait3A_100] : memref<20000x16xf32, #tpu.memory_space<hbm>> -> memref<128x16xf32, #tpu.memory_space<hbm>>
      %dma_wait3A_102 = arith.constant 0 : i32
      %dma_wait3A_103 = tpu.memref_slice %arg6[%add3A_67, %dma_wait3A_102] : memref<20000x16xf32, #tpu.memory_space<hbm>> -> memref<128x16xf32, #tpu.memory_space<hbm>>
      %dma_wait3A_104 = arith.constant 0 : i32
      %dma_wait3A_105 = arith.constant 0 : i32
      %dma_wait3A_106 = tpu.memref_slice %arg12[%dma_wait3A_104, %dma_wait3A_105] : memref<128x16xf32, #tpu.memory_space<vmem>> -> memref<128x16xf32, #tpu.memory_space<vmem>>
      tpu.wait_dma2 semaphore(%run_scoped3A : memref<!tpu.dma_semaphore, #tpu.memory_space<semaphore_mem>>) src(%dma_wait3A_106 : memref<128x16xf32, #tpu.memory_space<vmem>>) dst(%dma_wait3A_103 : memref<128x16xf32, #tpu.memory_space<hbm>>)
      tpu.yield
    }) : () -> ()
    %add3A_68 = arith.constant 384 : i32
    %add3A_69 = arith.addi %multiple_of3A, %add3A_68 : i32
    "tpu.region"() ({
      %run_scoped3A = tpu.sem_alloc : memref<!tpu.dma_semaphore, #tpu.memory_space<semaphore_mem>>
      %dma_start3A = arith.constant 0 : i32
      %dma_start3A_89 = arith.constant 0 : i32
      %dma_start3A_90 = tpu.memref_slice %arg13[%dma_start3A, %dma_start3A_89] : memref<128x64xf32, #tpu.memory_space<vmem>> -> memref<128x64xf32, #tpu.memory_space<vmem>>
      %dma_start3A_91 = arith.constant 0 : i32
      %dma_start3A_92 = tpu.memref_slice %arg14[%add3A_69, %dma_start3A_91] : memref<10000x64xf32, #tpu.memory_space<vmem_shared>> -> memref<128x64xf32, #tpu.memory_space<vmem_shared>>
      %dma_start3A_93 = arith.constant 0 : i32
      %dma_start3A_94 = arith.constant 0 : i32
      %dma_start3A_95 = tpu.memref_slice %arg13[%dma_start3A_93, %dma_start3A_94] : memref<128x64xf32, #tpu.memory_space<vmem>> -> memref<128x64xf32, #tpu.memory_space<vmem>>
      %dma_start3A_96 = arith.constant 0 : i32
      %dma_start3A_97 = tpu.memref_slice %arg14[%add3A_69, %dma_start3A_96] : memref<10000x64xf32, #tpu.memory_space<vmem_shared>> -> memref<128x64xf32, #tpu.memory_space<vmem_shared>>
      tpu.enqueue_dma source(%dma_start3A_97 : memref<128x64xf32, #tpu.memory_space<vmem_shared>>) target(%dma_start3A_95 : memref<128x64xf32, #tpu.memory_space<vmem>>) target_semaphore(%run_scoped3A : memref<!tpu.dma_semaphore, #tpu.memory_space<semaphore_mem>>)
      %dma_wait3A = arith.constant 0 : i32
      %dma_wait3A_98 = arith.constant 0 : i32
      %dma_wait3A_99 = tpu.memref_slice %arg13[%dma_wait3A, %dma_wait3A_98] : memref<128x64xf32, #tpu.memory_space<vmem>> -> memref<128x64xf32, #tpu.memory_space<vmem>>
      %dma_wait3A_100 = arith.constant 0 : i32
      %dma_wait3A_101 = tpu.memref_slice %arg14[%add3A_69, %dma_wait3A_100] : memref<10000x64xf32, #tpu.memory_space<vmem_shared>> -> memref<128x64xf32, #tpu.memory_space<vmem_shared>>
      %dma_wait3A_102 = arith.constant 0 : i32
      %dma_wait3A_103 = arith.constant 0 : i32
      %dma_wait3A_104 = tpu.memref_slice %arg13[%dma_wait3A_102, %dma_wait3A_103] : memref<128x64xf32, #tpu.memory_space<vmem>> -> memref<128x64xf32, #tpu.memory_space<vmem>>
      %dma_wait3A_105 = arith.constant 0 : i32
      %dma_wait3A_106 = tpu.memref_slice %arg14[%add3A_69, %dma_wait3A_105] : memref<10000x64xf32, #tpu.memory_space<vmem_shared>> -> memref<128x64xf32, #tpu.memory_space<vmem_shared>>
      tpu.wait_dma2 semaphore(%run_scoped3A : memref<!tpu.dma_semaphore, #tpu.memory_space<semaphore_mem>>) src(%dma_wait3A_106 : memref<128x64xf32, #tpu.memory_space<vmem_shared>>) dst(%dma_wait3A_104 : memref<128x64xf32, #tpu.memory_space<vmem>>)
      tpu.yield
    }) : () -> ()
    %add3A_70 = arith.constant 384 : i32
    %add3A_71 = arith.addi %multiple_of3A_43, %add3A_70 : i32
    "tpu.region"() ({
      %run_scoped3A = tpu.sem_alloc : memref<!tpu.dma_semaphore, #tpu.memory_space<semaphore_mem>>
      %dma_start3A = arith.constant 0 : i32
      %dma_start3A_89 = arith.constant 0 : i32
      %dma_start3A_90 = tpu.memref_slice %arg13[%dma_start3A, %dma_start3A_89] : memref<128x64xf32, #tpu.memory_space<vmem>> -> memref<128x64xf32, #tpu.memory_space<vmem>>
      %dma_start3A_91 = arith.constant 0 : i32
      %dma_start3A_92 = tpu.memref_slice %arg5[%add3A_71, %dma_start3A_91] : memref<20000x64xf32, #tpu.memory_space<hbm>> -> memref<128x64xf32, #tpu.memory_space<hbm>>
      %dma_start3A_93 = arith.constant 0 : i32
      %dma_start3A_94 = tpu.memref_slice %arg5[%add3A_71, %dma_start3A_93] : memref<20000x64xf32, #tpu.memory_space<hbm>> -> memref<128x64xf32, #tpu.memory_space<hbm>>
      %dma_start3A_95 = arith.constant 0 : i32
      %dma_start3A_96 = arith.constant 0 : i32
      %dma_start3A_97 = tpu.memref_slice %arg13[%dma_start3A_95, %dma_start3A_96] : memref<128x64xf32, #tpu.memory_space<vmem>> -> memref<128x64xf32, #tpu.memory_space<vmem>>
      tpu.enqueue_dma source(%dma_start3A_97 : memref<128x64xf32, #tpu.memory_space<vmem>>) target(%dma_start3A_94 : memref<128x64xf32, #tpu.memory_space<hbm>>) target_semaphore(%run_scoped3A : memref<!tpu.dma_semaphore, #tpu.memory_space<semaphore_mem>>)
      %dma_wait3A = arith.constant 0 : i32
      %dma_wait3A_98 = arith.constant 0 : i32
      %dma_wait3A_99 = tpu.memref_slice %arg13[%dma_wait3A, %dma_wait3A_98] : memref<128x64xf32, #tpu.memory_space<vmem>> -> memref<128x64xf32, #tpu.memory_space<vmem>>
      %dma_wait3A_100 = arith.constant 0 : i32
      %dma_wait3A_101 = tpu.memref_slice %arg5[%add3A_71, %dma_wait3A_100] : memref<20000x64xf32, #tpu.memory_space<hbm>> -> memref<128x64xf32, #tpu.memory_space<hbm>>
      %dma_wait3A_102 = arith.constant 0 : i32
      %dma_wait3A_103 = tpu.memref_slice %arg5[%add3A_71, %dma_wait3A_102] : memref<20000x64xf32, #tpu.memory_space<hbm>> -> memref<128x64xf32, #tpu.memory_space<hbm>>
      %dma_wait3A_104 = arith.constant 0 : i32
      %dma_wait3A_105 = arith.constant 0 : i32
      %dma_wait3A_106 = tpu.memref_slice %arg13[%dma_wait3A_104, %dma_wait3A_105] : memref<128x64xf32, #tpu.memory_space<vmem>> -> memref<128x64xf32, #tpu.memory_space<vmem>>
      tpu.wait_dma2 semaphore(%run_scoped3A : memref<!tpu.dma_semaphore, #tpu.memory_space<semaphore_mem>>) src(%dma_wait3A_106 : memref<128x64xf32, #tpu.memory_space<vmem>>) dst(%dma_wait3A_103 : memref<128x64xf32, #tpu.memory_space<hbm>>)
      tpu.yield
    }) : () -> ()
    %add3A_72 = arith.constant 384 : i32
    %add3A_73 = arith.addi %multiple_of3A, %add3A_72 : i32
    "tpu.region"() ({
      %run_scoped3A = tpu.sem_alloc : memref<!tpu.dma_semaphore, #tpu.memory_space<semaphore_mem>>
      %dma_start3A = arith.constant 0 : i32
      %dma_start3A_89 = arith.constant 0 : i32
      %dma_start3A_90 = tpu.memref_slice %arg12[%dma_start3A, %dma_start3A_89] : memref<128x16xf32, #tpu.memory_space<vmem>> -> memref<128x16xf32, #tpu.memory_space<vmem>>
      %dma_start3A_91 = arith.constant 0 : i32
      %dma_start3A_92 = tpu.memref_slice %arg15[%add3A_73, %dma_start3A_91] : memref<10000x16xf32, #tpu.memory_space<vmem_shared>> -> memref<128x16xf32, #tpu.memory_space<vmem_shared>>
      %dma_start3A_93 = arith.constant 0 : i32
      %dma_start3A_94 = arith.constant 0 : i32
      %dma_start3A_95 = tpu.memref_slice %arg12[%dma_start3A_93, %dma_start3A_94] : memref<128x16xf32, #tpu.memory_space<vmem>> -> memref<128x16xf32, #tpu.memory_space<vmem>>
      %dma_start3A_96 = arith.constant 0 : i32
      %dma_start3A_97 = tpu.memref_slice %arg15[%add3A_73, %dma_start3A_96] : memref<10000x16xf32, #tpu.memory_space<vmem_shared>> -> memref<128x16xf32, #tpu.memory_space<vmem_shared>>
      tpu.enqueue_dma source(%dma_start3A_97 : memref<128x16xf32, #tpu.memory_space<vmem_shared>>) target(%dma_start3A_95 : memref<128x16xf32, #tpu.memory_space<vmem>>) target_semaphore(%run_scoped3A : memref<!tpu.dma_semaphore, #tpu.memory_space<semaphore_mem>>)
      %dma_wait3A = arith.constant 0 : i32
      %dma_wait3A_98 = arith.constant 0 : i32
      %dma_wait3A_99 = tpu.memref_slice %arg12[%dma_wait3A, %dma_wait3A_98] : memref<128x16xf32, #tpu.memory_space<vmem>> -> memref<128x16xf32, #tpu.memory_space<vmem>>
      %dma_wait3A_100 = arith.constant 0 : i32
      %dma_wait3A_101 = tpu.memref_slice %arg15[%add3A_73, %dma_wait3A_100] : memref<10000x16xf32, #tpu.memory_space<vmem_shared>> -> memref<128x16xf32, #tpu.memory_space<vmem_shared>>
      %dma_wait3A_102 = arith.constant 0 : i32
      %dma_wait3A_103 = arith.constant 0 : i32
      %dma_wait3A_104 = tpu.memref_slice %arg12[%dma_wait3A_102, %dma_wait3A_103] : memref<128x16xf32, #tpu.memory_space<vmem>> -> memref<128x16xf32, #tpu.memory_space<vmem>>
      %dma_wait3A_105 = arith.constant 0 : i32
      %dma_wait3A_106 = tpu.memref_slice %arg15[%add3A_73, %dma_wait3A_105] : memref<10000x16xf32, #tpu.memory_space<vmem_shared>> -> memref<128x16xf32, #tpu.memory_space<vmem_shared>>
      tpu.wait_dma2 semaphore(%run_scoped3A : memref<!tpu.dma_semaphore, #tpu.memory_space<semaphore_mem>>) src(%dma_wait3A_106 : memref<128x16xf32, #tpu.memory_space<vmem_shared>>) dst(%dma_wait3A_104 : memref<128x16xf32, #tpu.memory_space<vmem>>)
      tpu.yield
    }) : () -> ()
    %add3A_74 = arith.constant 384 : i32
    %add3A_75 = arith.addi %multiple_of3A_43, %add3A_74 : i32
    "tpu.region"() ({
      %run_scoped3A = tpu.sem_alloc : memref<!tpu.dma_semaphore, #tpu.memory_space<semaphore_mem>>
      %dma_start3A = arith.constant 0 : i32
      %dma_start3A_89 = arith.constant 0 : i32
      %dma_start3A_90 = tpu.memref_slice %arg12[%dma_start3A, %dma_start3A_89] : memref<128x16xf32, #tpu.memory_space<vmem>> -> memref<128x16xf32, #tpu.memory_space<vmem>>
      %dma_start3A_91 = arith.constant 0 : i32
      %dma_start3A_92 = tpu.memref_slice %arg6[%add3A_75, %dma_start3A_91] : memref<20000x16xf32, #tpu.memory_space<hbm>> -> memref<128x16xf32, #tpu.memory_space<hbm>>
      %dma_start3A_93 = arith.constant 0 : i32
      %dma_start3A_94 = tpu.memref_slice %arg6[%add3A_75, %dma_start3A_93] : memref<20000x16xf32, #tpu.memory_space<hbm>> -> memref<128x16xf32, #tpu.memory_space<hbm>>
      %dma_start3A_95 = arith.constant 0 : i32
      %dma_start3A_96 = arith.constant 0 : i32
      %dma_start3A_97 = tpu.memref_slice %arg12[%dma_start3A_95, %dma_start3A_96] : memref<128x16xf32, #tpu.memory_space<vmem>> -> memref<128x16xf32, #tpu.memory_space<vmem>>
      tpu.enqueue_dma source(%dma_start3A_97 : memref<128x16xf32, #tpu.memory_space<vmem>>) target(%dma_start3A_94 : memref<128x16xf32, #tpu.memory_space<hbm>>) target_semaphore(%run_scoped3A : memref<!tpu.dma_semaphore, #tpu.memory_space<semaphore_mem>>)
      %dma_wait3A = arith.constant 0 : i32
      %dma_wait3A_98 = arith.constant 0 : i32
      %dma_wait3A_99 = tpu.memref_slice %arg12[%dma_wait3A, %dma_wait3A_98] : memref<128x16xf32, #tpu.memory_space<vmem>> -> memref<128x16xf32, #tpu.memory_space<vmem>>
      %dma_wait3A_100 = arith.constant 0 : i32
      %dma_wait3A_101 = tpu.memref_slice %arg6[%add3A_75, %dma_wait3A_100] : memref<20000x16xf32, #tpu.memory_space<hbm>> -> memref<128x16xf32, #tpu.memory_space<hbm>>
      %dma_wait3A_102 = arith.constant 0 : i32
      %dma_wait3A_103 = tpu.memref_slice %arg6[%add3A_75, %dma_wait3A_102] : memref<20000x16xf32, #tpu.memory_space<hbm>> -> memref<128x16xf32, #tpu.memory_space<hbm>>
      %dma_wait3A_104 = arith.constant 0 : i32
      %dma_wait3A_105 = arith.constant 0 : i32
      %dma_wait3A_106 = tpu.memref_slice %arg12[%dma_wait3A_104, %dma_wait3A_105] : memref<128x16xf32, #tpu.memory_space<vmem>> -> memref<128x16xf32, #tpu.memory_space<vmem>>
      tpu.wait_dma2 semaphore(%run_scoped3A : memref<!tpu.dma_semaphore, #tpu.memory_space<semaphore_mem>>) src(%dma_wait3A_106 : memref<128x16xf32, #tpu.memory_space<vmem>>) dst(%dma_wait3A_103 : memref<128x16xf32, #tpu.memory_space<hbm>>)
      tpu.yield
    }) : () -> ()
    %add3A_76 = arith.constant 512 : i32
    %add3A_77 = arith.addi %multiple_of3A, %add3A_76 : i32
    "tpu.region"() ({
      %run_scoped3A = tpu.sem_alloc : memref<!tpu.dma_semaphore, #tpu.memory_space<semaphore_mem>>
      %dma_start3A = arith.constant 0 : i32
      %dma_start3A_89 = arith.constant 0 : i32
      %dma_start3A_90 = tpu.memref_slice %arg13[%dma_start3A, %dma_start3A_89] : memref<128x64xf32, #tpu.memory_space<vmem>> -> memref<112x64xf32, #tpu.memory_space<vmem>>
      %dma_start3A_91 = arith.constant 0 : i32
      %dma_start3A_92 = tpu.memref_slice %arg14[%add3A_77, %dma_start3A_91] : memref<10000x64xf32, #tpu.memory_space<vmem_shared>> -> memref<112x64xf32, #tpu.memory_space<vmem_shared>>
      %dma_start3A_93 = arith.constant 0 : i32
      %dma_start3A_94 = arith.constant 0 : i32
      %dma_start3A_95 = tpu.memref_slice %arg13[%dma_start3A_93, %dma_start3A_94] : memref<128x64xf32, #tpu.memory_space<vmem>> -> memref<112x64xf32, #tpu.memory_space<vmem>>
      %dma_start3A_96 = arith.constant 0 : i32
      %dma_start3A_97 = tpu.memref_slice %arg14[%add3A_77, %dma_start3A_96] : memref<10000x64xf32, #tpu.memory_space<vmem_shared>> -> memref<112x64xf32, #tpu.memory_space<vmem_shared>>
      tpu.enqueue_dma source(%dma_start3A_97 : memref<112x64xf32, #tpu.memory_space<vmem_shared>>) target(%dma_start3A_95 : memref<112x64xf32, #tpu.memory_space<vmem>>) target_semaphore(%run_scoped3A : memref<!tpu.dma_semaphore, #tpu.memory_space<semaphore_mem>>)
      %dma_wait3A = arith.constant 0 : i32
      %dma_wait3A_98 = arith.constant 0 : i32
      %dma_wait3A_99 = tpu.memref_slice %arg13[%dma_wait3A, %dma_wait3A_98] : memref<128x64xf32, #tpu.memory_space<vmem>> -> memref<112x64xf32, #tpu.memory_space<vmem>>
      %dma_wait3A_100 = arith.constant 0 : i32
      %dma_wait3A_101 = tpu.memref_slice %arg14[%add3A_77, %dma_wait3A_100] : memref<10000x64xf32, #tpu.memory_space<vmem_shared>> -> memref<112x64xf32, #tpu.memory_space<vmem_shared>>
      %dma_wait3A_102 = arith.constant 0 : i32
      %dma_wait3A_103 = arith.constant 0 : i32
      %dma_wait3A_104 = tpu.memref_slice %arg13[%dma_wait3A_102, %dma_wait3A_103] : memref<128x64xf32, #tpu.memory_space<vmem>> -> memref<112x64xf32, #tpu.memory_space<vmem>>
      %dma_wait3A_105 = arith.constant 0 : i32
      %dma_wait3A_106 = tpu.memref_slice %arg14[%add3A_77, %dma_wait3A_105] : memref<10000x64xf32, #tpu.memory_space<vmem_shared>> -> memref<112x64xf32, #tpu.memory_space<vmem_shared>>
      tpu.wait_dma2 semaphore(%run_scoped3A : memref<!tpu.dma_semaphore, #tpu.memory_space<semaphore_mem>>) src(%dma_wait3A_106 : memref<112x64xf32, #tpu.memory_space<vmem_shared>>) dst(%dma_wait3A_104 : memref<112x64xf32, #tpu.memory_space<vmem>>)
      tpu.yield
    }) : () -> ()
    %add3A_78 = arith.constant 512 : i32
    %add3A_79 = arith.addi %multiple_of3A_43, %add3A_78 : i32
    "tpu.region"() ({
      %run_scoped3A = tpu.sem_alloc : memref<!tpu.dma_semaphore, #tpu.memory_space<semaphore_mem>>
      %dma_start3A = arith.constant 0 : i32
      %dma_start3A_89 = arith.constant 0 : i32
      %dma_start3A_90 = tpu.memref_slice %arg13[%dma_start3A, %dma_start3A_89] : memref<128x64xf32, #tpu.memory_space<vmem>> -> memref<112x64xf32, #tpu.memory_space<vmem>>
      %dma_start3A_91 = arith.constant 0 : i32
      %dma_start3A_92 = tpu.memref_slice %arg5[%add3A_79, %dma_start3A_91] : memref<20000x64xf32, #tpu.memory_space<hbm>> -> memref<112x64xf32, #tpu.memory_space<hbm>>
      %dma_start3A_93 = arith.constant 0 : i32
      %dma_start3A_94 = tpu.memref_slice %arg5[%add3A_79, %dma_start3A_93] : memref<20000x64xf32, #tpu.memory_space<hbm>> -> memref<112x64xf32, #tpu.memory_space<hbm>>
      %dma_start3A_95 = arith.constant 0 : i32
      %dma_start3A_96 = arith.constant 0 : i32
      %dma_start3A_97 = tpu.memref_slice %arg13[%dma_start3A_95, %dma_start3A_96] : memref<128x64xf32, #tpu.memory_space<vmem>> -> memref<112x64xf32, #tpu.memory_space<vmem>>
      tpu.enqueue_dma source(%dma_start3A_97 : memref<112x64xf32, #tpu.memory_space<vmem>>) target(%dma_start3A_94 : memref<112x64xf32, #tpu.memory_space<hbm>>) target_semaphore(%run_scoped3A : memref<!tpu.dma_semaphore, #tpu.memory_space<semaphore_mem>>)
      %dma_wait3A = arith.constant 0 : i32
      %dma_wait3A_98 = arith.constant 0 : i32
      %dma_wait3A_99 = tpu.memref_slice %arg13[%dma_wait3A, %dma_wait3A_98] : memref<128x64xf32, #tpu.memory_space<vmem>> -> memref<112x64xf32, #tpu.memory_space<vmem>>
      %dma_wait3A_100 = arith.constant 0 : i32
      %dma_wait3A_101 = tpu.memref_slice %arg5[%add3A_79, %dma_wait3A_100] : memref<20000x64xf32, #tpu.memory_space<hbm>> -> memref<112x64xf32, #tpu.memory_space<hbm>>
      %dma_wait3A_102 = arith.constant 0 : i32
      %dma_wait3A_103 = tpu.memref_slice %arg5[%add3A_79, %dma_wait3A_102] : memref<20000x64xf32, #tpu.memory_space<hbm>> -> memref<112x64xf32, #tpu.memory_space<hbm>>
      %dma_wait3A_104 = arith.constant 0 : i32
      %dma_wait3A_105 = arith.constant 0 : i32
      %dma_wait3A_106 = tpu.memref_slice %arg13[%dma_wait3A_104, %dma_wait3A_105] : memref<128x64xf32, #tpu.memory_space<vmem>> -> memref<112x64xf32, #tpu.memory_space<vmem>>
      tpu.wait_dma2 semaphore(%run_scoped3A : memref<!tpu.dma_semaphore, #tpu.memory_space<semaphore_mem>>) src(%dma_wait3A_106 : memref<112x64xf32, #tpu.memory_space<vmem>>) dst(%dma_wait3A_103 : memref<112x64xf32, #tpu.memory_space<hbm>>)
      tpu.yield
    }) : () -> ()
    %add3A_80 = arith.constant 512 : i32
    %add3A_81 = arith.addi %multiple_of3A, %add3A_80 : i32
    "tpu.region"() ({
      %run_scoped3A = tpu.sem_alloc : memref<!tpu.dma_semaphore, #tpu.memory_space<semaphore_mem>>
      %dma_start3A = arith.constant 0 : i32
      %dma_start3A_89 = arith.constant 0 : i32
      %dma_start3A_90 = tpu.memref_slice %arg12[%dma_start3A, %dma_start3A_89] : memref<128x16xf32, #tpu.memory_space<vmem>> -> memref<112x16xf32, #tpu.memory_space<vmem>>
      %dma_start3A_91 = arith.constant 0 : i32
      %dma_start3A_92 = tpu.memref_slice %arg15[%add3A_81, %dma_start3A_91] : memref<10000x16xf32, #tpu.memory_space<vmem_shared>> -> memref<112x16xf32, #tpu.memory_space<vmem_shared>>
      %dma_start3A_93 = arith.constant 0 : i32
      %dma_start3A_94 = arith.constant 0 : i32
      %dma_start3A_95 = tpu.memref_slice %arg12[%dma_start3A_93, %dma_start3A_94] : memref<128x16xf32, #tpu.memory_space<vmem>> -> memref<112x16xf32, #tpu.memory_space<vmem>>
      %dma_start3A_96 = arith.constant 0 : i32
      %dma_start3A_97 = tpu.memref_slice %arg15[%add3A_81, %dma_start3A_96] : memref<10000x16xf32, #tpu.memory_space<vmem_shared>> -> memref<112x16xf32, #tpu.memory_space<vmem_shared>>
      tpu.enqueue_dma source(%dma_start3A_97 : memref<112x16xf32, #tpu.memory_space<vmem_shared>>) target(%dma_start3A_95 : memref<112x16xf32, #tpu.memory_space<vmem>>) target_semaphore(%run_scoped3A : memref<!tpu.dma_semaphore, #tpu.memory_space<semaphore_mem>>)
      %dma_wait3A = arith.constant 0 : i32
      %dma_wait3A_98 = arith.constant 0 : i32
      %dma_wait3A_99 = tpu.memref_slice %arg12[%dma_wait3A, %dma_wait3A_98] : memref<128x16xf32, #tpu.memory_space<vmem>> -> memref<112x16xf32, #tpu.memory_space<vmem>>
      %dma_wait3A_100 = arith.constant 0 : i32
      %dma_wait3A_101 = tpu.memref_slice %arg15[%add3A_81, %dma_wait3A_100] : memref<10000x16xf32, #tpu.memory_space<vmem_shared>> -> memref<112x16xf32, #tpu.memory_space<vmem_shared>>
      %dma_wait3A_102 = arith.constant 0 : i32
      %dma_wait3A_103 = arith.constant 0 : i32
      %dma_wait3A_104 = tpu.memref_slice %arg12[%dma_wait3A_102, %dma_wait3A_103] : memref<128x16xf32, #tpu.memory_space<vmem>> -> memref<112x16xf32, #tpu.memory_space<vmem>>
      %dma_wait3A_105 = arith.constant 0 : i32
      %dma_wait3A_106 = tpu.memref_slice %arg15[%add3A_81, %dma_wait3A_105] : memref<10000x16xf32, #tpu.memory_space<vmem_shared>> -> memref<112x16xf32, #tpu.memory_space<vmem_shared>>
      tpu.wait_dma2 semaphore(%run_scoped3A : memref<!tpu.dma_semaphore, #tpu.memory_space<semaphore_mem>>) src(%dma_wait3A_106 : memref<112x16xf32, #tpu.memory_space<vmem_shared>>) dst(%dma_wait3A_104 : memref<112x16xf32, #tpu.memory_space<vmem>>)
      tpu.yield
    }) : () -> ()
    %add3A_82 = arith.constant 512 : i32
    %add3A_83 = arith.addi %multiple_of3A_43, %add3A_82 : i32
    "tpu.region"() ({
      %run_scoped3A = tpu.sem_alloc : memref<!tpu.dma_semaphore, #tpu.memory_space<semaphore_mem>>
      %dma_start3A = arith.constant 0 : i32
      %dma_start3A_89 = arith.constant 0 : i32
      %dma_start3A_90 = tpu.memref_slice %arg12[%dma_start3A, %dma_start3A_89] : memref<128x16xf32, #tpu.memory_space<vmem>> -> memref<112x16xf32, #tpu.memory_space<vmem>>
      %dma_start3A_91 = arith.constant 0 : i32
      %dma_start3A_92 = tpu.memref_slice %arg6[%add3A_83, %dma_start3A_91] : memref<20000x16xf32, #tpu.memory_space<hbm>> -> memref<112x16xf32, #tpu.memory_space<hbm>>
      %dma_start3A_93 = arith.constant 0 : i32
      %dma_start3A_94 = tpu.memref_slice %arg6[%add3A_83, %dma_start3A_93] : memref<20000x16xf32, #tpu.memory_space<hbm>> -> memref<112x16xf32, #tpu.memory_space<hbm>>
      %dma_start3A_95 = arith.constant 0 : i32
      %dma_start3A_96 = arith.constant 0 : i32
      %dma_start3A_97 = tpu.memref_slice %arg12[%dma_start3A_95, %dma_start3A_96] : memref<128x16xf32, #tpu.memory_space<vmem>> -> memref<112x16xf32, #tpu.memory_space<vmem>>
      tpu.enqueue_dma source(%dma_start3A_97 : memref<112x16xf32, #tpu.memory_space<vmem>>) target(%dma_start3A_94 : memref<112x16xf32, #tpu.memory_space<hbm>>) target_semaphore(%run_scoped3A : memref<!tpu.dma_semaphore, #tpu.memory_space<semaphore_mem>>)
      %dma_wait3A = arith.constant 0 : i32
      %dma_wait3A_98 = arith.constant 0 : i32
      %dma_wait3A_99 = tpu.memref_slice %arg12[%dma_wait3A, %dma_wait3A_98] : memref<128x16xf32, #tpu.memory_space<vmem>> -> memref<112x16xf32, #tpu.memory_space<vmem>>
      %dma_wait3A_100 = arith.constant 0 : i32
      %dma_wait3A_101 = tpu.memref_slice %arg6[%add3A_83, %dma_wait3A_100] : memref<20000x16xf32, #tpu.memory_space<hbm>> -> memref<112x16xf32, #tpu.memory_space<hbm>>
      %dma_wait3A_102 = arith.constant 0 : i32
      %dma_wait3A_103 = tpu.memref_slice %arg6[%add3A_83, %dma_wait3A_102] : memref<20000x16xf32, #tpu.memory_space<hbm>> -> memref<112x16xf32, #tpu.memory_space<hbm>>
      %dma_wait3A_104 = arith.constant 0 : i32
      %dma_wait3A_105 = arith.constant 0 : i32
      %dma_wait3A_106 = tpu.memref_slice %arg12[%dma_wait3A_104, %dma_wait3A_105] : memref<128x16xf32, #tpu.memory_space<vmem>> -> memref<112x16xf32, #tpu.memory_space<vmem>>
      tpu.wait_dma2 semaphore(%run_scoped3A : memref<!tpu.dma_semaphore, #tpu.memory_space<semaphore_mem>>) src(%dma_wait3A_106 : memref<112x16xf32, #tpu.memory_space<vmem>>) dst(%dma_wait3A_103 : memref<112x16xf32, #tpu.memory_space<hbm>>)
      tpu.yield
    }) : () -> ()
    %eq3A_84 = arith.constant 0 : i32
    %eq3A_85 = arith.cmpi eq, %arg1, %eq3A_84 : i32
    %convert_element_type3A_86 = arith.extui %eq3A_85 : i1 to i32
    %cond3A_87 = arith.constant 0 : i32
    %cond3A_88 = arith.cmpi ne, %convert_element_type3A_86, %cond3A_87 : i32
    scf.if %cond3A_88 {
      %mul3A_89 = arith.constant 10000 : i32
      %mul3A_90 = arith.muli %arg0, %mul3A_89 : i32
      %add3A_91 = arith.constant 9984 : i32
      %add3A_92 = arith.addi %mul3A_90, %add3A_91 : i32
      %multiple_of3A_93 = tpu.assume_multiple %add3A_92, 8 : i32
      "tpu.region"() ({
        %run_scoped3A = tpu.sem_alloc : memref<!tpu.dma_semaphore, #tpu.memory_space<semaphore_mem>>
        %dma_start3A = arith.constant 0 : i32
        %dma_start3A_94 = arith.constant 0 : i32
        %dma_start3A_95 = tpu.memref_slice %arg13[%dma_start3A, %dma_start3A_94] : memref<128x64xf32, #tpu.memory_space<vmem>> -> memref<16x64xf32, #tpu.memory_space<vmem>>
        %dma_start3A_96 = arith.constant 9984 : i32
        %dma_start3A_97 = arith.constant 0 : i32
        %dma_start3A_98 = tpu.memref_slice %arg14[%dma_start3A_96, %dma_start3A_97] : memref<10000x64xf32, #tpu.memory_space<vmem_shared>> -> memref<16x64xf32, #tpu.memory_space<vmem_shared>>
        %dma_start3A_99 = arith.constant 0 : i32
        %dma_start3A_100 = arith.constant 0 : i32
        %dma_start3A_101 = tpu.memref_slice %arg13[%dma_start3A_99, %dma_start3A_100] : memref<128x64xf32, #tpu.memory_space<vmem>> -> memref<16x64xf32, #tpu.memory_space<vmem>>
        %dma_start3A_102 = arith.constant 9984 : i32
        %dma_start3A_103 = arith.constant 0 : i32
        %dma_start3A_104 = tpu.memref_slice %arg14[%dma_start3A_102, %dma_start3A_103] : memref<10000x64xf32, #tpu.memory_space<vmem_shared>> -> memref<16x64xf32, #tpu.memory_space<vmem_shared>>
        tpu.enqueue_dma source(%dma_start3A_104 : memref<16x64xf32, #tpu.memory_space<vmem_shared>>) target(%dma_start3A_101 : memref<16x64xf32, #tpu.memory_space<vmem>>) target_semaphore(%run_scoped3A : memref<!tpu.dma_semaphore, #tpu.memory_space<semaphore_mem>>)
        %dma_wait3A = arith.constant 0 : i32
        %dma_wait3A_105 = arith.constant 0 : i32
        %dma_wait3A_106 = tpu.memref_slice %arg13[%dma_wait3A, %dma_wait3A_105] : memref<128x64xf32, #tpu.memory_space<vmem>> -> memref<16x64xf32, #tpu.memory_space<vmem>>
        %dma_wait3A_107 = arith.constant 9984 : i32
        %dma_wait3A_108 = arith.constant 0 : i32
        %dma_wait3A_109 = tpu.memref_slice %arg14[%dma_wait3A_107, %dma_wait3A_108] : memref<10000x64xf32, #tpu.memory_space<vmem_shared>> -> memref<16x64xf32, #tpu.memory_space<vmem_shared>>
        %dma_wait3A_110 = arith.constant 0 : i32
        %dma_wait3A_111 = arith.constant 0 : i32
        %dma_wait3A_112 = tpu.memref_slice %arg13[%dma_wait3A_110, %dma_wait3A_111] : memref<128x64xf32, #tpu.memory_space<vmem>> -> memref<16x64xf32, #tpu.memory_space<vmem>>
        %dma_wait3A_113 = arith.constant 9984 : i32
        %dma_wait3A_114 = arith.constant 0 : i32
        %dma_wait3A_115 = tpu.memref_slice %arg14[%dma_wait3A_113, %dma_wait3A_114] : memref<10000x64xf32, #tpu.memory_space<vmem_shared>> -> memref<16x64xf32, #tpu.memory_space<vmem_shared>>
        tpu.wait_dma2 semaphore(%run_scoped3A : memref<!tpu.dma_semaphore, #tpu.memory_space<semaphore_mem>>) src(%dma_wait3A_115 : memref<16x64xf32, #tpu.memory_space<vmem_shared>>) dst(%dma_wait3A_112 : memref<16x64xf32, #tpu.memory_space<vmem>>)
        tpu.yield
      }) : () -> ()
      "tpu.region"() ({
        %run_scoped3A = tpu.sem_alloc : memref<!tpu.dma_semaphore, #tpu.memory_space<semaphore_mem>>
        %dma_start3A = arith.constant 0 : i32
        %dma_start3A_94 = arith.constant 0 : i32
        %dma_start3A_95 = tpu.memref_slice %arg13[%dma_start3A, %dma_start3A_94] : memref<128x64xf32, #tpu.memory_space<vmem>> -> memref<16x64xf32, #tpu.memory_space<vmem>>
        %dma_start3A_96 = arith.constant 0 : i32
        %dma_start3A_97 = tpu.memref_slice %arg5[%multiple_of3A_93, %dma_start3A_96] : memref<20000x64xf32, #tpu.memory_space<hbm>> -> memref<16x64xf32, #tpu.memory_space<hbm>>
        %dma_start3A_98 = arith.constant 0 : i32
        %dma_start3A_99 = tpu.memref_slice %arg5[%multiple_of3A_93, %dma_start3A_98] : memref<20000x64xf32, #tpu.memory_space<hbm>> -> memref<16x64xf32, #tpu.memory_space<hbm>>
        %dma_start3A_100 = arith.constant 0 : i32
        %dma_start3A_101 = arith.constant 0 : i32
        %dma_start3A_102 = tpu.memref_slice %arg13[%dma_start3A_100, %dma_start3A_101] : memref<128x64xf32, #tpu.memory_space<vmem>> -> memref<16x64xf32, #tpu.memory_space<vmem>>
        tpu.enqueue_dma source(%dma_start3A_102 : memref<16x64xf32, #tpu.memory_space<vmem>>) target(%dma_start3A_99 : memref<16x64xf32, #tpu.memory_space<hbm>>) target_semaphore(%run_scoped3A : memref<!tpu.dma_semaphore, #tpu.memory_space<semaphore_mem>>)
        %dma_wait3A = arith.constant 0 : i32
        %dma_wait3A_103 = arith.constant 0 : i32
        %dma_wait3A_104 = tpu.memref_slice %arg13[%dma_wait3A, %dma_wait3A_103] : memref<128x64xf32, #tpu.memory_space<vmem>> -> memref<16x64xf32, #tpu.memory_space<vmem>>
        %dma_wait3A_105 = arith.constant 0 : i32
        %dma_wait3A_106 = tpu.memref_slice %arg5[%multiple_of3A_93, %dma_wait3A_105] : memref<20000x64xf32, #tpu.memory_space<hbm>> -> memref<16x64xf32, #tpu.memory_space<hbm>>
        %dma_wait3A_107 = arith.constant 0 : i32
        %dma_wait3A_108 = tpu.memref_slice %arg5[%multiple_of3A_93, %dma_wait3A_107] : memref<20000x64xf32, #tpu.memory_space<hbm>> -> memref<16x64xf32, #tpu.memory_space<hbm>>
        %dma_wait3A_109 = arith.constant 0 : i32
        %dma_wait3A_110 = arith.constant 0 : i32
        %dma_wait3A_111 = tpu.memref_slice %arg13[%dma_wait3A_109, %dma_wait3A_110] : memref<128x64xf32, #tpu.memory_space<vmem>> -> memref<16x64xf32, #tpu.memory_space<vmem>>
        tpu.wait_dma2 semaphore(%run_scoped3A : memref<!tpu.dma_semaphore, #tpu.memory_space<semaphore_mem>>) src(%dma_wait3A_111 : memref<16x64xf32, #tpu.memory_space<vmem>>) dst(%dma_wait3A_108 : memref<16x64xf32, #tpu.memory_space<hbm>>)
        tpu.yield
      }) : () -> ()
      "tpu.region"() ({
        %run_scoped3A = tpu.sem_alloc : memref<!tpu.dma_semaphore, #tpu.memory_space<semaphore_mem>>
        %dma_start3A = arith.constant 0 : i32
        %dma_start3A_94 = arith.constant 0 : i32
        %dma_start3A_95 = tpu.memref_slice %arg12[%dma_start3A, %dma_start3A_94] : memref<128x16xf32, #tpu.memory_space<vmem>> -> memref<16x16xf32, #tpu.memory_space<vmem>>
        %dma_start3A_96 = arith.constant 9984 : i32
        %dma_start3A_97 = arith.constant 0 : i32
        %dma_start3A_98 = tpu.memref_slice %arg15[%dma_start3A_96, %dma_start3A_97] : memref<10000x16xf32, #tpu.memory_space<vmem_shared>> -> memref<16x16xf32, #tpu.memory_space<vmem_shared>>
        %dma_start3A_99 = arith.constant 0 : i32
        %dma_start3A_100 = arith.constant 0 : i32
        %dma_start3A_101 = tpu.memref_slice %arg12[%dma_start3A_99, %dma_start3A_100] : memref<128x16xf32, #tpu.memory_space<vmem>> -> memref<16x16xf32, #tpu.memory_space<vmem>>
        %dma_start3A_102 = arith.constant 9984 : i32
        %dma_start3A_103 = arith.constant 0 : i32
        %dma_start3A_104 = tpu.memref_slice %arg15[%dma_start3A_102, %dma_start3A_103] : memref<10000x16xf32, #tpu.memory_space<vmem_shared>> -> memref<16x16xf32, #tpu.memory_space<vmem_shared>>
        tpu.enqueue_dma source(%dma_start3A_104 : memref<16x16xf32, #tpu.memory_space<vmem_shared>>) target(%dma_start3A_101 : memref<16x16xf32, #tpu.memory_space<vmem>>) target_semaphore(%run_scoped3A : memref<!tpu.dma_semaphore, #tpu.memory_space<semaphore_mem>>)
        %dma_wait3A = arith.constant 0 : i32
        %dma_wait3A_105 = arith.constant 0 : i32
        %dma_wait3A_106 = tpu.memref_slice %arg12[%dma_wait3A, %dma_wait3A_105] : memref<128x16xf32, #tpu.memory_space<vmem>> -> memref<16x16xf32, #tpu.memory_space<vmem>>
        %dma_wait3A_107 = arith.constant 9984 : i32
        %dma_wait3A_108 = arith.constant 0 : i32
        %dma_wait3A_109 = tpu.memref_slice %arg15[%dma_wait3A_107, %dma_wait3A_108] : memref<10000x16xf32, #tpu.memory_space<vmem_shared>> -> memref<16x16xf32, #tpu.memory_space<vmem_shared>>
        %dma_wait3A_110 = arith.constant 0 : i32
        %dma_wait3A_111 = arith.constant 0 : i32
        %dma_wait3A_112 = tpu.memref_slice %arg12[%dma_wait3A_110, %dma_wait3A_111] : memref<128x16xf32, #tpu.memory_space<vmem>> -> memref<16x16xf32, #tpu.memory_space<vmem>>
        %dma_wait3A_113 = arith.constant 9984 : i32
        %dma_wait3A_114 = arith.constant 0 : i32
        %dma_wait3A_115 = tpu.memref_slice %arg15[%dma_wait3A_113, %dma_wait3A_114] : memref<10000x16xf32, #tpu.memory_space<vmem_shared>> -> memref<16x16xf32, #tpu.memory_space<vmem_shared>>
        tpu.wait_dma2 semaphore(%run_scoped3A : memref<!tpu.dma_semaphore, #tpu.memory_space<semaphore_mem>>) src(%dma_wait3A_115 : memref<16x16xf32, #tpu.memory_space<vmem_shared>>) dst(%dma_wait3A_112 : memref<16x16xf32, #tpu.memory_space<vmem>>)
        tpu.yield
      }) : () -> ()
      "tpu.region"() ({
        %run_scoped3A = tpu.sem_alloc : memref<!tpu.dma_semaphore, #tpu.memory_space<semaphore_mem>>
        %dma_start3A = arith.constant 0 : i32
        %dma_start3A_94 = arith.constant 0 : i32
        %dma_start3A_95 = tpu.memref_slice %arg12[%dma_start3A, %dma_start3A_94] : memref<128x16xf32, #tpu.memory_space<vmem>> -> memref<16x16xf32, #tpu.memory_space<vmem>>
        %dma_start3A_96 = arith.constant 0 : i32
        %dma_start3A_97 = tpu.memref_slice %arg6[%multiple_of3A_93, %dma_start3A_96] : memref<20000x16xf32, #tpu.memory_space<hbm>> -> memref<16x16xf32, #tpu.memory_space<hbm>>
        %dma_start3A_98 = arith.constant 0 : i32
        %dma_start3A_99 = tpu.memref_slice %arg6[%multiple_of3A_93, %dma_start3A_98] : memref<20000x16xf32, #tpu.memory_space<hbm>> -> memref<16x16xf32, #tpu.memory_space<hbm>>
        %dma_start3A_100 = arith.constant 0 : i32
        %dma_start3A_101 = arith.constant 0 : i32
        %dma_start3A_102 = tpu.memref_slice %arg12[%dma_start3A_100, %dma_start3A_101] : memref<128x16xf32, #tpu.memory_space<vmem>> -> memref<16x16xf32, #tpu.memory_space<vmem>>
        tpu.enqueue_dma source(%dma_start3A_102 : memref<16x16xf32, #tpu.memory_space<vmem>>) target(%dma_start3A_99 : memref<16x16xf32, #tpu.memory_space<hbm>>) target_semaphore(%run_scoped3A : memref<!tpu.dma_semaphore, #tpu.memory_space<semaphore_mem>>)
        %dma_wait3A = arith.constant 0 : i32
        %dma_wait3A_103 = arith.constant 0 : i32
        %dma_wait3A_104 = tpu.memref_slice %arg12[%dma_wait3A, %dma_wait3A_103] : memref<128x16xf32, #tpu.memory_space<vmem>> -> memref<16x16xf32, #tpu.memory_space<vmem>>
        %dma_wait3A_105 = arith.constant 0 : i32
        %dma_wait3A_106 = tpu.memref_slice %arg6[%multiple_of3A_93, %dma_wait3A_105] : memref<20000x16xf32, #tpu.memory_space<hbm>> -> memref<16x16xf32, #tpu.memory_space<hbm>>
        %dma_wait3A_107 = arith.constant 0 : i32
        %dma_wait3A_108 = tpu.memref_slice %arg6[%multiple_of3A_93, %dma_wait3A_107] : memref<20000x16xf32, #tpu.memory_space<hbm>> -> memref<16x16xf32, #tpu.memory_space<hbm>>
        %dma_wait3A_109 = arith.constant 0 : i32
        %dma_wait3A_110 = arith.constant 0 : i32
        %dma_wait3A_111 = tpu.memref_slice %arg12[%dma_wait3A_109, %dma_wait3A_110] : memref<128x16xf32, #tpu.memory_space<vmem>> -> memref<16x16xf32, #tpu.memory_space<vmem>>
        tpu.wait_dma2 semaphore(%run_scoped3A : memref<!tpu.dma_semaphore, #tpu.memory_space<semaphore_mem>>) src(%dma_wait3A_111 : memref<16x16xf32, #tpu.memory_space<vmem>>) dst(%dma_wait3A_108 : memref<16x16xf32, #tpu.memory_space<hbm>>)
        tpu.yield
      }) : () -> ()
    } else {
    }
    return
  }
}

#map = affine_map<(d0, d1) -> (0, 0)>
#map1 = affine_map<(d0, d1) -> (0)>
module attributes {stable_mosaic.version = 14 : i64} {
  func.func @_edge_body(%arg0: i32, %arg1: i32, %arg2: memref<20000x64xf32, #tpu.memory_space<hbm>>, %arg3: memref<320000xi32, #tpu.memory_space<hbm>>, %arg4: memref<320000xi32, #tpu.memory_space<hbm>>, %arg5: memref<20000x64xf32, #tpu.memory_space<hbm>>, %arg6: memref<20000x16xf32, #tpu.memory_space<hbm>>, %arg7: memref<80xi32, #tpu.memory_space<vmem>>, %arg8: memref<80xi32, #tpu.memory_space<vmem>>, %arg9: memref<80xi32, #tpu.memory_space<vmem>>, %arg10: memref<80x64xf32, #tpu.memory_space<vmem>>, %arg11: memref<80x64xf32, #tpu.memory_space<vmem>>, %arg12: memref<128x16xf32, #tpu.memory_space<vmem>>, %arg13: memref<128x64xf32, #tpu.memory_space<vmem>>, %arg14: memref<10000x64xf32, #tpu.memory_space<vmem_shared>>, %arg15: memref<10000x16xf32, #tpu.memory_space<vmem_shared>>, %arg16: memref<!tpu.dma_semaphore, #tpu.memory_space<semaphore_mem>>, %arg17: memref<!tpu.dma_semaphore, #tpu.memory_space<semaphore_mem>>) attributes {dimension_semantics = [#tpu.dimension_semantics<core_parallel>, #tpu.dimension_semantics<subcore_parallel>], iteration_bounds = array<i64: 2, 16>, scalar_prefetch = 0 : i64, scratch_operands = 11 : i64, tpu.core_type = #tpu.core_type<sc_vector_subcore>, window_params = [{transform_indices = #map}, {transform_indices = #map1}, {transform_indices = #map1}, {transform_indices = #map}, {transform_indices = #map}]} {
    %broadcast_in_dim3A = arith.constant 0.000000e+00 : f32
    %broadcast_in_dim3A_0 = vector.broadcast %broadcast_in_dim3A : f32 to vector<16xf32>
    %scan3A = arith.constant 0 : i32
    %scan3A_1 = arith.constant 0 : i32
    %scan3A_2 = arith.constant 128 : i32
    %scan3A_3 = arith.addi %scan3A_1, %scan3A_2 : i32
    %scan3A_4 = arith.constant 1 : i32
    scf.for %scan3A_89 = %scan3A_1 to %scan3A_3 step %scan3A_4  : i32 {
      %swap3A = arith.index_cast %scan3A_89 : i32 to index
      %swap3A_90 = arith.constant 0 : index
      %swap3A_91 = tpu.vector_load %arg13[%swap3A, %swap3A_90] {strides = array<i32>} : memref<128x64xf32, #tpu.memory_space<vmem>>, vector<16xf32>,
      tpu.vector_store %arg13[%swap3A, %swap3A_90], %broadcast_in_dim3A_0 {strides = array<i32>} : memref<128x64xf32, #tpu.memory_space<vmem>>, vector<16xf32>,
      %swap3A_92 = arith.index_cast %scan3A_89 : i32 to index
      %swap3A_93 = arith.constant 16 : index
      %swap3A_94 = tpu.vector_load %arg13[%swap3A_92, %swap3A_93] {strides = array<i32>} : memref<128x64xf32, #tpu.memory_space<vmem>>, vector<16xf32>,
      tpu.vector_store %arg13[%swap3A_92, %swap3A_93], %broadcast_in_dim3A_0 {strides = array<i32>} : memref<128x64xf32, #tpu.memory_space<vmem>>, vector<16xf32>,
      %swap3A_95 = arith.index_cast %scan3A_89 : i32 to index
      %swap3A_96 = arith.constant 32 : index
      %swap3A_97 = tpu.vector_load %arg13[%swap3A_95, %swap3A_96] {strides = array<i32>} : memref<128x64xf32, #tpu.memory_space<vmem>>, vector<16xf32>,
      tpu.vector_store %arg13[%swap3A_95, %swap3A_96], %broadcast_in_dim3A_0 {strides = array<i32>} : memref<128x64xf32, #tpu.memory_space<vmem>>, vector<16xf32>,
      %swap3A_98 = arith.index_cast %scan3A_89 : i32 to index
      %swap3A_99 = arith.constant 48 : index
      %swap3A_100 = tpu.vector_load %arg13[%swap3A_98, %swap3A_99] {strides = array<i32>} : memref<128x64xf32, #tpu.memory_space<vmem>>, vector<16xf32>,
      tpu.vector_store %arg13[%swap3A_98, %swap3A_99], %broadcast_in_dim3A_0 {strides = array<i32>} : memref<128x64xf32, #tpu.memory_space<vmem>>, vector<16xf32>,
      %swap3A_101 = arith.index_cast %scan3A_89 : i32 to index
      %swap3A_102 = arith.constant 0 : index
      %swap3A_103 = tpu.vector_load %arg12[%swap3A_101, %swap3A_102] {strides = array<i32>} : memref<128x16xf32, #tpu.memory_space<vmem>>, vector<16xf32>,
      tpu.vector_store %arg12[%swap3A_101, %swap3A_102], %broadcast_in_dim3A_0 {strides = array<i32>} : memref<128x16xf32, #tpu.memory_space<vmem>>, vector<16xf32>,
    }
    %scan3A_5 = arith.constant 128 : i32
    %mul3A = arith.constant 624 : i32
    %mul3A_6 = arith.muli %arg1, %mul3A : i32
    %multiple_of3A = tpu.assume_multiple %mul3A_6, 8 : i32
    %add3A = arith.constant 0 : i32
    %add3A_7 = arith.addi %multiple_of3A, %add3A : i32
    "tpu.region"() ({
      %run_scoped3A = tpu.sem_alloc : memref<!tpu.dma_semaphore, #tpu.memory_space<semaphore_mem>>
      %dma_start3A = arith.constant 0 : i32
      %dma_start3A_89 = tpu.memref_slice %arg14[%add3A_7, %dma_start3A] : memref<10000x64xf32, #tpu.memory_space<vmem_shared>> -> memref<128x64xf32, #tpu.memory_space<vmem_shared>>
      %dma_start3A_90 = arith.constant 0 : i32
      %dma_start3A_91 = tpu.memref_slice %arg14[%add3A_7, %dma_start3A_90] : memref<10000x64xf32, #tpu.memory_space<vmem_shared>> -> memref<128x64xf32, #tpu.memory_space<vmem_shared>>
      tpu.enqueue_dma source(%arg13 : memref<128x64xf32, #tpu.memory_space<vmem>>) target(%dma_start3A_91 : memref<128x64xf32, #tpu.memory_space<vmem_shared>>) target_semaphore(%run_scoped3A : memref<!tpu.dma_semaphore, #tpu.memory_space<semaphore_mem>>)
      %dma_wait3A = arith.constant 0 : i32
      %dma_wait3A_92 = tpu.memref_slice %arg14[%add3A_7, %dma_wait3A] : memref<10000x64xf32, #tpu.memory_space<vmem_shared>> -> memref<128x64xf32, #tpu.memory_space<vmem_shared>>
      %dma_wait3A_93 = arith.constant 0 : i32
      %dma_wait3A_94 = tpu.memref_slice %arg14[%add3A_7, %dma_wait3A_93] : memref<10000x64xf32, #tpu.memory_space<vmem_shared>> -> memref<128x64xf32, #tpu.memory_space<vmem_shared>>
      tpu.wait_dma2 semaphore(%run_scoped3A : memref<!tpu.dma_semaphore, #tpu.memory_space<semaphore_mem>>) src(%arg13 : memref<128x64xf32, #tpu.memory_space<vmem>>) dst(%dma_wait3A_94 : memref<128x64xf32, #tpu.memory_space<vmem_shared>>)
      tpu.yield
    }) : () -> ()
    %add3A_8 = arith.constant 0 : i32
    %add3A_9 = arith.addi %multiple_of3A, %add3A_8 : i32
    "tpu.region"() ({
      %run_scoped3A = tpu.sem_alloc : memref<!tpu.dma_semaphore, #tpu.memory_space<semaphore_mem>>
      %dma_start3A = arith.constant 0 : i32
      %dma_start3A_89 = arith.constant 0 : i32
      %dma_start3A_90 = tpu.memref_slice %arg12[%dma_start3A, %dma_start3A_89] : memref<128x16xf32, #tpu.memory_space<vmem>> -> memref<128x16xf32, #tpu.memory_space<vmem>>
      %dma_start3A_91 = arith.constant 0 : i32
      %dma_start3A_92 = tpu.memref_slice %arg15[%add3A_9, %dma_start3A_91] : memref<10000x16xf32, #tpu.memory_space<vmem_shared>> -> memref<128x16xf32, #tpu.memory_space<vmem_shared>>
      %dma_start3A_93 = arith.constant 0 : i32
      %dma_start3A_94 = tpu.memref_slice %arg15[%add3A_9, %dma_start3A_93] : memref<10000x16xf32, #tpu.memory_space<vmem_shared>> -> memref<128x16xf32, #tpu.memory_space<vmem_shared>>
      %dma_start3A_95 = arith.constant 0 : i32
      %dma_start3A_96 = arith.constant 0 : i32
      %dma_start3A_97 = tpu.memref_slice %arg12[%dma_start3A_95, %dma_start3A_96] : memref<128x16xf32, #tpu.memory_space<vmem>> -> memref<128x16xf32, #tpu.memory_space<vmem>>
      tpu.enqueue_dma source(%dma_start3A_97 : memref<128x16xf32, #tpu.memory_space<vmem>>) target(%dma_start3A_94 : memref<128x16xf32, #tpu.memory_space<vmem_shared>>) target_semaphore(%run_scoped3A : memref<!tpu.dma_semaphore, #tpu.memory_space<semaphore_mem>>)
      %dma_wait3A = arith.constant 0 : i32
      %dma_wait3A_98 = arith.constant 0 : i32
      %dma_wait3A_99 = tpu.memref_slice %arg12[%dma_wait3A, %dma_wait3A_98] : memref<128x16xf32, #tpu.memory_space<vmem>> -> memref<128x16xf32, #tpu.memory_space<vmem>>
      %dma_wait3A_100 = arith.constant 0 : i32
      %dma_wait3A_101 = tpu.memref_slice %arg15[%add3A_9, %dma_wait3A_100] : memref<10000x16xf32, #tpu.memory_space<vmem_shared>> -> memref<128x16xf32, #tpu.memory_space<vmem_shared>>
      %dma_wait3A_102 = arith.constant 0 : i32
      %dma_wait3A_103 = tpu.memref_slice %arg15[%add3A_9, %dma_wait3A_102] : memref<10000x16xf32, #tpu.memory_space<vmem_shared>> -> memref<128x16xf32, #tpu.memory_space<vmem_shared>>
      %dma_wait3A_104 = arith.constant 0 : i32
      %dma_wait3A_105 = arith.constant 0 : i32
      %dma_wait3A_106 = tpu.memref_slice %arg12[%dma_wait3A_104, %dma_wait3A_105] : memref<128x16xf32, #tpu.memory_space<vmem>> -> memref<128x16xf32, #tpu.memory_space<vmem>>
      tpu.wait_dma2 semaphore(%run_scoped3A : memref<!tpu.dma_semaphore, #tpu.memory_space<semaphore_mem>>) src(%dma_wait3A_106 : memref<128x16xf32, #tpu.memory_space<vmem>>) dst(%dma_wait3A_103 : memref<128x16xf32, #tpu.memory_space<vmem_shared>>)
      tpu.yield
    }) : () -> ()
    %add3A_10 = arith.constant 128 : i32
    %add3A_11 = arith.addi %multiple_of3A, %add3A_10 : i32
    "tpu.region"() ({
      %run_scoped3A = tpu.sem_alloc : memref<!tpu.dma_semaphore, #tpu.memory_space<semaphore_mem>>
      %dma_start3A = arith.constant 0 : i32
      %dma_start3A_89 = tpu.memref_slice %arg14[%add3A_11, %dma_start3A] : memref<10000x64xf32, #tpu.memory_space<vmem_shared>> -> memref<128x64xf32, #tpu.memory_space<vmem_shared>>
      %dma_start3A_90 = arith.constant 0 : i32
      %dma_start3A_91 = tpu.memref_slice %arg14[%add3A_11, %dma_start3A_90] : memref<10000x64xf32, #tpu.memory_space<vmem_shared>> -> memref<128x64xf32, #tpu.memory_space<vmem_shared>>
      tpu.enqueue_dma source(%arg13 : memref<128x64xf32, #tpu.memory_space<vmem>>) target(%dma_start3A_91 : memref<128x64xf32, #tpu.memory_space<vmem_shared>>) target_semaphore(%run_scoped3A : memref<!tpu.dma_semaphore, #tpu.memory_space<semaphore_mem>>)
      %dma_wait3A = arith.constant 0 : i32
      %dma_wait3A_92 = tpu.memref_slice %arg14[%add3A_11, %dma_wait3A] : memref<10000x64xf32, #tpu.memory_space<vmem_shared>> -> memref<128x64xf32, #tpu.memory_space<vmem_shared>>
      %dma_wait3A_93 = arith.constant 0 : i32
      %dma_wait3A_94 = tpu.memref_slice %arg14[%add3A_11, %dma_wait3A_93] : memref<10000x64xf32, #tpu.memory_space<vmem_shared>> -> memref<128x64xf32, #tpu.memory_space<vmem_shared>>
      tpu.wait_dma2 semaphore(%run_scoped3A : memref<!tpu.dma_semaphore, #tpu.memory_space<semaphore_mem>>) src(%arg13 : memref<128x64xf32, #tpu.memory_space<vmem>>) dst(%dma_wait3A_94 : memref<128x64xf32, #tpu.memory_space<vmem_shared>>)
      tpu.yield
    }) : () -> ()
    %add3A_12 = arith.constant 128 : i32
    %add3A_13 = arith.addi %multiple_of3A, %add3A_12 : i32
    "tpu.region"() ({
      %run_scoped3A = tpu.sem_alloc : memref<!tpu.dma_semaphore, #tpu.memory_space<semaphore_mem>>
      %dma_start3A = arith.constant 0 : i32
      %dma_start3A_89 = arith.constant 0 : i32
      %dma_start3A_90 = tpu.memref_slice %arg12[%dma_start3A, %dma_start3A_89] : memref<128x16xf32, #tpu.memory_space<vmem>> -> memref<128x16xf32, #tpu.memory_space<vmem>>
      %dma_start3A_91 = arith.constant 0 : i32
      %dma_start3A_92 = tpu.memref_slice %arg15[%add3A_13, %dma_start3A_91] : memref<10000x16xf32, #tpu.memory_space<vmem_shared>> -> memref<128x16xf32, #tpu.memory_space<vmem_shared>>
      %dma_start3A_93 = arith.constant 0 : i32
      %dma_start3A_94 = tpu.memref_slice %arg15[%add3A_13, %dma_start3A_93] : memref<10000x16xf32, #tpu.memory_space<vmem_shared>> -> memref<128x16xf32, #tpu.memory_space<vmem_shared>>
      %dma_start3A_95 = arith.constant 0 : i32
      %dma_start3A_96 = arith.constant 0 : i32
      %dma_start3A_97 = tpu.memref_slice %arg12[%dma_start3A_95, %dma_start3A_96] : memref<128x16xf32, #tpu.memory_space<vmem>> -> memref<128x16xf32, #tpu.memory_space<vmem>>
      tpu.enqueue_dma source(%dma_start3A_97 : memref<128x16xf32, #tpu.memory_space<vmem>>) target(%dma_start3A_94 : memref<128x16xf32, #tpu.memory_space<vmem_shared>>) target_semaphore(%run_scoped3A : memref<!tpu.dma_semaphore, #tpu.memory_space<semaphore_mem>>)
      %dma_wait3A = arith.constant 0 : i32
      %dma_wait3A_98 = arith.constant 0 : i32
      %dma_wait3A_99 = tpu.memref_slice %arg12[%dma_wait3A, %dma_wait3A_98] : memref<128x16xf32, #tpu.memory_space<vmem>> -> memref<128x16xf32, #tpu.memory_space<vmem>>
      %dma_wait3A_100 = arith.constant 0 : i32
      %dma_wait3A_101 = tpu.memref_slice %arg15[%add3A_13, %dma_wait3A_100] : memref<10000x16xf32, #tpu.memory_space<vmem_shared>> -> memref<128x16xf32, #tpu.memory_space<vmem_shared>>
      %dma_wait3A_102 = arith.constant 0 : i32
      %dma_wait3A_103 = tpu.memref_slice %arg15[%add3A_13, %dma_wait3A_102] : memref<10000x16xf32, #tpu.memory_space<vmem_shared>> -> memref<128x16xf32, #tpu.memory_space<vmem_shared>>
      %dma_wait3A_104 = arith.constant 0 : i32
      %dma_wait3A_105 = arith.constant 0 : i32
      %dma_wait3A_106 = tpu.memref_slice %arg12[%dma_wait3A_104, %dma_wait3A_105] : memref<128x16xf32, #tpu.memory_space<vmem>> -> memref<128x16xf32, #tpu.memory_space<vmem>>
      tpu.wait_dma2 semaphore(%run_scoped3A : memref<!tpu.dma_semaphore, #tpu.memory_space<semaphore_mem>>) src(%dma_wait3A_106 : memref<128x16xf32, #tpu.memory_space<vmem>>) dst(%dma_wait3A_103 : memref<128x16xf32, #tpu.memory_space<vmem_shared>>)
      tpu.yield
    }) : () -> ()
    %add3A_14 = arith.constant 256 : i32
    %add3A_15 = arith.addi %multiple_of3A, %add3A_14 : i32
    "tpu.region"() ({
      %run_scoped3A = tpu.sem_alloc : memref<!tpu.dma_semaphore, #tpu.memory_space<semaphore_mem>>
      %dma_start3A = arith.constant 0 : i32
      %dma_start3A_89 = tpu.memref_slice %arg14[%add3A_15, %dma_start3A] : memref<10000x64xf32, #tpu.memory_space<vmem_shared>> -> memref<128x64xf32, #tpu.memory_space<vmem_shared>>
      %dma_start3A_90 = arith.constant 0 : i32
      %dma_start3A_91 = tpu.memref_slice %arg14[%add3A_15, %dma_start3A_90] : memref<10000x64xf32, #tpu.memory_space<vmem_shared>> -> memref<128x64xf32, #tpu.memory_space<vmem_shared>>
      tpu.enqueue_dma source(%arg13 : memref<128x64xf32, #tpu.memory_space<vmem>>) target(%dma_start3A_91 : memref<128x64xf32, #tpu.memory_space<vmem_shared>>) target_semaphore(%run_scoped3A : memref<!tpu.dma_semaphore, #tpu.memory_space<semaphore_mem>>)
      %dma_wait3A = arith.constant 0 : i32
      %dma_wait3A_92 = tpu.memref_slice %arg14[%add3A_15, %dma_wait3A] : memref<10000x64xf32, #tpu.memory_space<vmem_shared>> -> memref<128x64xf32, #tpu.memory_space<vmem_shared>>
      %dma_wait3A_93 = arith.constant 0 : i32
      %dma_wait3A_94 = tpu.memref_slice %arg14[%add3A_15, %dma_wait3A_93] : memref<10000x64xf32, #tpu.memory_space<vmem_shared>> -> memref<128x64xf32, #tpu.memory_space<vmem_shared>>
      tpu.wait_dma2 semaphore(%run_scoped3A : memref<!tpu.dma_semaphore, #tpu.memory_space<semaphore_mem>>) src(%arg13 : memref<128x64xf32, #tpu.memory_space<vmem>>) dst(%dma_wait3A_94 : memref<128x64xf32, #tpu.memory_space<vmem_shared>>)
      tpu.yield
    }) : () -> ()
    %add3A_16 = arith.constant 256 : i32
    %add3A_17 = arith.addi %multiple_of3A, %add3A_16 : i32
    "tpu.region"() ({
      %run_scoped3A = tpu.sem_alloc : memref<!tpu.dma_semaphore, #tpu.memory_space<semaphore_mem>>
      %dma_start3A = arith.constant 0 : i32
      %dma_start3A_89 = arith.constant 0 : i32
      %dma_start3A_90 = tpu.memref_slice %arg12[%dma_start3A, %dma_start3A_89] : memref<128x16xf32, #tpu.memory_space<vmem>> -> memref<128x16xf32, #tpu.memory_space<vmem>>
      %dma_start3A_91 = arith.constant 0 : i32
      %dma_start3A_92 = tpu.memref_slice %arg15[%add3A_17, %dma_start3A_91] : memref<10000x16xf32, #tpu.memory_space<vmem_shared>> -> memref<128x16xf32, #tpu.memory_space<vmem_shared>>
      %dma_start3A_93 = arith.constant 0 : i32
      %dma_start3A_94 = tpu.memref_slice %arg15[%add3A_17, %dma_start3A_93] : memref<10000x16xf32, #tpu.memory_space<vmem_shared>> -> memref<128x16xf32, #tpu.memory_space<vmem_shared>>
      %dma_start3A_95 = arith.constant 0 : i32
      %dma_start3A_96 = arith.constant 0 : i32
      %dma_start3A_97 = tpu.memref_slice %arg12[%dma_start3A_95, %dma_start3A_96] : memref<128x16xf32, #tpu.memory_space<vmem>> -> memref<128x16xf32, #tpu.memory_space<vmem>>
      tpu.enqueue_dma source(%dma_start3A_97 : memref<128x16xf32, #tpu.memory_space<vmem>>) target(%dma_start3A_94 : memref<128x16xf32, #tpu.memory_space<vmem_shared>>) target_semaphore(%run_scoped3A : memref<!tpu.dma_semaphore, #tpu.memory_space<semaphore_mem>>)
      %dma_wait3A = arith.constant 0 : i32
      %dma_wait3A_98 = arith.constant 0 : i32
      %dma_wait3A_99 = tpu.memref_slice %arg12[%dma_wait3A, %dma_wait3A_98] : memref<128x16xf32, #tpu.memory_space<vmem>> -> memref<128x16xf32, #tpu.memory_space<vmem>>
      %dma_wait3A_100 = arith.constant 0 : i32
      %dma_wait3A_101 = tpu.memref_slice %arg15[%add3A_17, %dma_wait3A_100] : memref<10000x16xf32, #tpu.memory_space<vmem_shared>> -> memref<128x16xf32, #tpu.memory_space<vmem_shared>>
      %dma_wait3A_102 = arith.constant 0 : i32
      %dma_wait3A_103 = tpu.memref_slice %arg15[%add3A_17, %dma_wait3A_102] : memref<10000x16xf32, #tpu.memory_space<vmem_shared>> -> memref<128x16xf32, #tpu.memory_space<vmem_shared>>
      %dma_wait3A_104 = arith.constant 0 : i32
      %dma_wait3A_105 = arith.constant 0 : i32
      %dma_wait3A_106 = tpu.memref_slice %arg12[%dma_wait3A_104, %dma_wait3A_105] : memref<128x16xf32, #tpu.memory_space<vmem>> -> memref<128x16xf32, #tpu.memory_space<vmem>>
      tpu.wait_dma2 semaphore(%run_scoped3A : memref<!tpu.dma_semaphore, #tpu.memory_space<semaphore_mem>>) src(%dma_wait3A_106 : memref<128x16xf32, #tpu.memory_space<vmem>>) dst(%dma_wait3A_103 : memref<128x16xf32, #tpu.memory_space<vmem_shared>>)
      tpu.yield
    }) : () -> ()
    %add3A_18 = arith.constant 384 : i32
    %add3A_19 = arith.addi %multiple_of3A, %add3A_18 : i32
    "tpu.region"() ({
      %run_scoped3A = tpu.sem_alloc : memref<!tpu.dma_semaphore, #tpu.memory_space<semaphore_mem>>
      %dma_start3A = arith.constant 0 : i32
      %dma_start3A_89 = tpu.memref_slice %arg14[%add3A_19, %dma_start3A] : memref<10000x64xf32, #tpu.memory_space<vmem_shared>> -> memref<128x64xf32, #tpu.memory_space<vmem_shared>>
      %dma_start3A_90 = arith.constant 0 : i32
      %dma_start3A_91 = tpu.memref_slice %arg14[%add3A_19, %dma_start3A_90] : memref<10000x64xf32, #tpu.memory_space<vmem_shared>> -> memref<128x64xf32, #tpu.memory_space<vmem_shared>>
      tpu.enqueue_dma source(%arg13 : memref<128x64xf32, #tpu.memory_space<vmem>>) target(%dma_start3A_91 : memref<128x64xf32, #tpu.memory_space<vmem_shared>>) target_semaphore(%run_scoped3A : memref<!tpu.dma_semaphore, #tpu.memory_space<semaphore_mem>>)
      %dma_wait3A = arith.constant 0 : i32
      %dma_wait3A_92 = tpu.memref_slice %arg14[%add3A_19, %dma_wait3A] : memref<10000x64xf32, #tpu.memory_space<vmem_shared>> -> memref<128x64xf32, #tpu.memory_space<vmem_shared>>
      %dma_wait3A_93 = arith.constant 0 : i32
      %dma_wait3A_94 = tpu.memref_slice %arg14[%add3A_19, %dma_wait3A_93] : memref<10000x64xf32, #tpu.memory_space<vmem_shared>> -> memref<128x64xf32, #tpu.memory_space<vmem_shared>>
      tpu.wait_dma2 semaphore(%run_scoped3A : memref<!tpu.dma_semaphore, #tpu.memory_space<semaphore_mem>>) src(%arg13 : memref<128x64xf32, #tpu.memory_space<vmem>>) dst(%dma_wait3A_94 : memref<128x64xf32, #tpu.memory_space<vmem_shared>>)
      tpu.yield
    }) : () -> ()
    %add3A_20 = arith.constant 384 : i32
    %add3A_21 = arith.addi %multiple_of3A, %add3A_20 : i32
    "tpu.region"() ({
      %run_scoped3A = tpu.sem_alloc : memref<!tpu.dma_semaphore, #tpu.memory_space<semaphore_mem>>
      %dma_start3A = arith.constant 0 : i32
      %dma_start3A_89 = arith.constant 0 : i32
      %dma_start3A_90 = tpu.memref_slice %arg12[%dma_start3A, %dma_start3A_89] : memref<128x16xf32, #tpu.memory_space<vmem>> -> memref<128x16xf32, #tpu.memory_space<vmem>>
      %dma_start3A_91 = arith.constant 0 : i32
      %dma_start3A_92 = tpu.memref_slice %arg15[%add3A_21, %dma_start3A_91] : memref<10000x16xf32, #tpu.memory_space<vmem_shared>> -> memref<128x16xf32, #tpu.memory_space<vmem_shared>>
      %dma_start3A_93 = arith.constant 0 : i32
      %dma_start3A_94 = tpu.memref_slice %arg15[%add3A_21, %dma_start3A_93] : memref<10000x16xf32, #tpu.memory_space<vmem_shared>> -> memref<128x16xf32, #tpu.memory_space<vmem_shared>>
      %dma_start3A_95 = arith.constant 0 : i32
      %dma_start3A_96 = arith.constant 0 : i32
      %dma_start3A_97 = tpu.memref_slice %arg12[%dma_start3A_95, %dma_start3A_96] : memref<128x16xf32, #tpu.memory_space<vmem>> -> memref<128x16xf32, #tpu.memory_space<vmem>>
      tpu.enqueue_dma source(%dma_start3A_97 : memref<128x16xf32, #tpu.memory_space<vmem>>) target(%dma_start3A_94 : memref<128x16xf32, #tpu.memory_space<vmem_shared>>) target_semaphore(%run_scoped3A : memref<!tpu.dma_semaphore, #tpu.memory_space<semaphore_mem>>)
      %dma_wait3A = arith.constant 0 : i32
      %dma_wait3A_98 = arith.constant 0 : i32
      %dma_wait3A_99 = tpu.memref_slice %arg12[%dma_wait3A, %dma_wait3A_98] : memref<128x16xf32, #tpu.memory_space<vmem>> -> memref<128x16xf32, #tpu.memory_space<vmem>>
      %dma_wait3A_100 = arith.constant 0 : i32
      %dma_wait3A_101 = tpu.memref_slice %arg15[%add3A_21, %dma_wait3A_100] : memref<10000x16xf32, #tpu.memory_space<vmem_shared>> -> memref<128x16xf32, #tpu.memory_space<vmem_shared>>
      %dma_wait3A_102 = arith.constant 0 : i32
      %dma_wait3A_103 = tpu.memref_slice %arg15[%add3A_21, %dma_wait3A_102] : memref<10000x16xf32, #tpu.memory_space<vmem_shared>> -> memref<128x16xf32, #tpu.memory_space<vmem_shared>>
      %dma_wait3A_104 = arith.constant 0 : i32
      %dma_wait3A_105 = arith.constant 0 : i32
      %dma_wait3A_106 = tpu.memref_slice %arg12[%dma_wait3A_104, %dma_wait3A_105] : memref<128x16xf32, #tpu.memory_space<vmem>> -> memref<128x16xf32, #tpu.memory_space<vmem>>
      tpu.wait_dma2 semaphore(%run_scoped3A : memref<!tpu.dma_semaphore, #tpu.memory_space<semaphore_mem>>) src(%dma_wait3A_106 : memref<128x16xf32, #tpu.memory_space<vmem>>) dst(%dma_wait3A_103 : memref<128x16xf32, #tpu.memory_space<vmem_shared>>)
      tpu.yield
    }) : () -> ()
    %add3A_22 = arith.constant 512 : i32
    %add3A_23 = arith.addi %multiple_of3A, %add3A_22 : i32
    "tpu.region"() ({
      %run_scoped3A = tpu.sem_alloc : memref<!tpu.dma_semaphore, #tpu.memory_space<semaphore_mem>>
      %dma_start3A = arith.constant 0 : i32
      %dma_start3A_89 = arith.constant 0 : i32
      %dma_start3A_90 = tpu.memref_slice %arg13[%dma_start3A, %dma_start3A_89] : memref<128x64xf32, #tpu.memory_space<vmem>> -> memref<112x64xf32, #tpu.memory_space<vmem>>
      %dma_start3A_91 = arith.constant 0 : i32
      %dma_start3A_92 = tpu.memref_slice %arg14[%add3A_23, %dma_start3A_91] : memref<10000x64xf32, #tpu.memory_space<vmem_shared>> -> memref<112x64xf32, #tpu.memory_space<vmem_shared>>
      %dma_start3A_93 = arith.constant 0 : i32
      %dma_start3A_94 = tpu.memref_slice %arg14[%add3A_23, %dma_start3A_93] : memref<10000x64xf32, #tpu.memory_space<vmem_shared>> -> memref<112x64xf32, #tpu.memory_space<vmem_shared>>
      %dma_start3A_95 = arith.constant 0 : i32
      %dma_start3A_96 = arith.constant 0 : i32
      %dma_start3A_97 = tpu.memref_slice %arg13[%dma_start3A_95, %dma_start3A_96] : memref<128x64xf32, #tpu.memory_space<vmem>> -> memref<112x64xf32, #tpu.memory_space<vmem>>
      tpu.enqueue_dma source(%dma_start3A_97 : memref<112x64xf32, #tpu.memory_space<vmem>>) target(%dma_start3A_94 : memref<112x64xf32, #tpu.memory_space<vmem_shared>>) target_semaphore(%run_scoped3A : memref<!tpu.dma_semaphore, #tpu.memory_space<semaphore_mem>>)
      %dma_wait3A = arith.constant 0 : i32
      %dma_wait3A_98 = arith.constant 0 : i32
      %dma_wait3A_99 = tpu.memref_slice %arg13[%dma_wait3A, %dma_wait3A_98] : memref<128x64xf32, #tpu.memory_space<vmem>> -> memref<112x64xf32, #tpu.memory_space<vmem>>
      %dma_wait3A_100 = arith.constant 0 : i32
      %dma_wait3A_101 = tpu.memref_slice %arg14[%add3A_23, %dma_wait3A_100] : memref<10000x64xf32, #tpu.memory_space<vmem_shared>> -> memref<112x64xf32, #tpu.memory_space<vmem_shared>>
      %dma_wait3A_102 = arith.constant 0 : i32
      %dma_wait3A_103 = tpu.memref_slice %arg14[%add3A_23, %dma_wait3A_102] : memref<10000x64xf32, #tpu.memory_space<vmem_shared>> -> memref<112x64xf32, #tpu.memory_space<vmem_shared>>
      %dma_wait3A_104 = arith.constant 0 : i32
      %dma_wait3A_105 = arith.constant 0 : i32
      %dma_wait3A_106 = tpu.memref_slice %arg13[%dma_wait3A_104, %dma_wait3A_105] : memref<128x64xf32, #tpu.memory_space<vmem>> -> memref<112x64xf32, #tpu.memory_space<vmem>>
      tpu.wait_dma2 semaphore(%run_scoped3A : memref<!tpu.dma_semaphore, #tpu.memory_space<semaphore_mem>>) src(%dma_wait3A_106 : memref<112x64xf32, #tpu.memory_space<vmem>>) dst(%dma_wait3A_103 : memref<112x64xf32, #tpu.memory_space<vmem_shared>>)
      tpu.yield
    }) : () -> ()
    %add3A_24 = arith.constant 512 : i32
    %add3A_25 = arith.addi %multiple_of3A, %add3A_24 : i32
    "tpu.region"() ({
      %run_scoped3A = tpu.sem_alloc : memref<!tpu.dma_semaphore, #tpu.memory_space<semaphore_mem>>
      %dma_start3A = arith.constant 0 : i32
      %dma_start3A_89 = arith.constant 0 : i32
      %dma_start3A_90 = tpu.memref_slice %arg12[%dma_start3A, %dma_start3A_89] : memref<128x16xf32, #tpu.memory_space<vmem>> -> memref<112x16xf32, #tpu.memory_space<vmem>>
      %dma_start3A_91 = arith.constant 0 : i32
      %dma_start3A_92 = tpu.memref_slice %arg15[%add3A_25, %dma_start3A_91] : memref<10000x16xf32, #tpu.memory_space<vmem_shared>> -> memref<112x16xf32, #tpu.memory_space<vmem_shared>>
      %dma_start3A_93 = arith.constant 0 : i32
      %dma_start3A_94 = tpu.memref_slice %arg15[%add3A_25, %dma_start3A_93] : memref<10000x16xf32, #tpu.memory_space<vmem_shared>> -> memref<112x16xf32, #tpu.memory_space<vmem_shared>>
      %dma_start3A_95 = arith.constant 0 : i32
      %dma_start3A_96 = arith.constant 0 : i32
      %dma_start3A_97 = tpu.memref_slice %arg12[%dma_start3A_95, %dma_start3A_96] : memref<128x16xf32, #tpu.memory_space<vmem>> -> memref<112x16xf32, #tpu.memory_space<vmem>>
      tpu.enqueue_dma source(%dma_start3A_97 : memref<112x16xf32, #tpu.memory_space<vmem>>) target(%dma_start3A_94 : memref<112x16xf32, #tpu.memory_space<vmem_shared>>) target_semaphore(%run_scoped3A : memref<!tpu.dma_semaphore, #tpu.memory_space<semaphore_mem>>)
      %dma_wait3A = arith.constant 0 : i32
      %dma_wait3A_98 = arith.constant 0 : i32
      %dma_wait3A_99 = tpu.memref_slice %arg12[%dma_wait3A, %dma_wait3A_98] : memref<128x16xf32, #tpu.memory_space<vmem>> -> memref<112x16xf32, #tpu.memory_space<vmem>>
      %dma_wait3A_100 = arith.constant 0 : i32
      %dma_wait3A_101 = tpu.memref_slice %arg15[%add3A_25, %dma_wait3A_100] : memref<10000x16xf32, #tpu.memory_space<vmem_shared>> -> memref<112x16xf32, #tpu.memory_space<vmem_shared>>
      %dma_wait3A_102 = arith.constant 0 : i32
      %dma_wait3A_103 = tpu.memref_slice %arg15[%add3A_25, %dma_wait3A_102] : memref<10000x16xf32, #tpu.memory_space<vmem_shared>> -> memref<112x16xf32, #tpu.memory_space<vmem_shared>>
      %dma_wait3A_104 = arith.constant 0 : i32
      %dma_wait3A_105 = arith.constant 0 : i32
      %dma_wait3A_106 = tpu.memref_slice %arg12[%dma_wait3A_104, %dma_wait3A_105] : memref<128x16xf32, #tpu.memory_space<vmem>> -> memref<112x16xf32, #tpu.memory_space<vmem>>
      tpu.wait_dma2 semaphore(%run_scoped3A : memref<!tpu.dma_semaphore, #tpu.memory_space<semaphore_mem>>) src(%dma_wait3A_106 : memref<112x16xf32, #tpu.memory_space<vmem>>) dst(%dma_wait3A_103 : memref<112x16xf32, #tpu.memory_space<vmem_shared>>)
      tpu.yield
    }) : () -> ()
    %eq3A = arith.constant 0 : i32
    %eq3A_26 = arith.cmpi eq, %arg1, %eq3A : i32
    %convert_element_type3A = arith.extui %eq3A_26 : i1 to i32
    %cond3A = arith.constant 0 : i32
    %cond3A_27 = arith.cmpi ne, %convert_element_type3A, %cond3A : i32
    scf.if %cond3A_27 {
      "tpu.region"() ({
        %run_scoped3A = tpu.sem_alloc : memref<!tpu.dma_semaphore, #tpu.memory_space<semaphore_mem>>
        %dma_start3A = arith.constant 0 : i32
        %dma_start3A_89 = arith.constant 0 : i32
        %dma_start3A_90 = tpu.memref_slice %arg13[%dma_start3A, %dma_start3A_89] : memref<128x64xf32, #tpu.memory_space<vmem>> -> memref<16x64xf32, #tpu.memory_space<vmem>>
        %dma_start3A_91 = arith.constant 9984 : i32
        %dma_start3A_92 = arith.constant 0 : i32
        %dma_start3A_93 = tpu.memref_slice %arg14[%dma_start3A_91, %dma_start3A_92] : memref<10000x64xf32, #tpu.memory_space<vmem_shared>> -> memref<16x64xf32, #tpu.memory_space<vmem_shared>>
        %dma_start3A_94 = arith.constant 9984 : i32
        %dma_start3A_95 = arith.constant 0 : i32
        %dma_start3A_96 = tpu.memref_slice %arg14[%dma_start3A_94, %dma_start3A_95] : memref<10000x64xf32, #tpu.memory_space<vmem_shared>> -> memref<16x64xf32, #tpu.memory_space<vmem_shared>>
        %dma_start3A_97 = arith.constant 0 : i32
        %dma_start3A_98 = arith.constant 0 : i32
        %dma_start3A_99 = tpu.memref_slice %arg13[%dma_start3A_97, %dma_start3A_98] : memref<128x64xf32, #tpu.memory_space<vmem>> -> memref<16x64xf32, #tpu.memory_space<vmem>>
        tpu.enqueue_dma source(%dma_start3A_99 : memref<16x64xf32, #tpu.memory_space<vmem>>) target(%dma_start3A_96 : memref<16x64xf32, #tpu.memory_space<vmem_shared>>) target_semaphore(%run_scoped3A : memref<!tpu.dma_semaphore, #tpu.memory_space<semaphore_mem>>)
        %dma_wait3A = arith.constant 0 : i32
        %dma_wait3A_100 = arith.constant 0 : i32
        %dma_wait3A_101 = tpu.memref_slice %arg13[%dma_wait3A, %dma_wait3A_100] : memref<128x64xf32, #tpu.memory_space<vmem>> -> memref<16x64xf32, #tpu.memory_space<vmem>>
        %dma_wait3A_102 = arith.constant 9984 : i32
        %dma_wait3A_103 = arith.constant 0 : i32
        %dma_wait3A_104 = tpu.memref_slice %arg14[%dma_wait3A_102, %dma_wait3A_103] : memref<10000x64xf32, #tpu.memory_space<vmem_shared>> -> memref<16x64xf32, #tpu.memory_space<vmem_shared>>
        %dma_wait3A_105 = arith.constant 9984 : i32
        %dma_wait3A_106 = arith.constant 0 : i32
        %dma_wait3A_107 = tpu.memref_slice %arg14[%dma_wait3A_105, %dma_wait3A_106] : memref<10000x64xf32, #tpu.memory_space<vmem_shared>> -> memref<16x64xf32, #tpu.memory_space<vmem_shared>>
        %dma_wait3A_108 = arith.constant 0 : i32
        %dma_wait3A_109 = arith.constant 0 : i32
        %dma_wait3A_110 = tpu.memref_slice %arg13[%dma_wait3A_108, %dma_wait3A_109] : memref<128x64xf32, #tpu.memory_space<vmem>> -> memref<16x64xf32, #tpu.memory_space<vmem>>
        tpu.wait_dma2 semaphore(%run_scoped3A : memref<!tpu.dma_semaphore, #tpu.memory_space<semaphore_mem>>) src(%dma_wait3A_110 : memref<16x64xf32, #tpu.memory_space<vmem>>) dst(%dma_wait3A_107 : memref<16x64xf32, #tpu.memory_space<vmem_shared>>)
        tpu.yield
      }) : () -> ()
      "tpu.region"() ({
        %run_scoped3A = tpu.sem_alloc : memref<!tpu.dma_semaphore, #tpu.memory_space<semaphore_mem>>
        %dma_start3A = arith.constant 0 : i32
        %dma_start3A_89 = arith.constant 0 : i32
        %dma_start3A_90 = tpu.memref_slice %arg12[%dma_start3A, %dma_start3A_89] : memref<128x16xf32, #tpu.memory_space<vmem>> -> memref<16x16xf32, #tpu.memory_space<vmem>>
        %dma_start3A_91 = arith.constant 9984 : i32
        %dma_start3A_92 = arith.constant 0 : i32
        %dma_start3A_93 = tpu.memref_slice %arg15[%dma_start3A_91, %dma_start3A_92] : memref<10000x16xf32, #tpu.memory_space<vmem_shared>> -> memref<16x16xf32, #tpu.memory_space<vmem_shared>>
        %dma_start3A_94 = arith.constant 9984 : i32
        %dma_start3A_95 = arith.constant 0 : i32
        %dma_start3A_96 = tpu.memref_slice %arg15[%dma_start3A_94, %dma_start3A_95] : memref<10000x16xf32, #tpu.memory_space<vmem_shared>> -> memref<16x16xf32, #tpu.memory_space<vmem_shared>>
        %dma_start3A_97 = arith.constant 0 : i32
        %dma_start3A_98 = arith.constant 0 : i32
        %dma_start3A_99 = tpu.memref_slice %arg12[%dma_start3A_97, %dma_start3A_98] : memref<128x16xf32, #tpu.memory_space<vmem>> -> memref<16x16xf32, #tpu.memory_space<vmem>>
        tpu.enqueue_dma source(%dma_start3A_99 : memref<16x16xf32, #tpu.memory_space<vmem>>) target(%dma_start3A_96 : memref<16x16xf32, #tpu.memory_space<vmem_shared>>) target_semaphore(%run_scoped3A : memref<!tpu.dma_semaphore, #tpu.memory_space<semaphore_mem>>)
        %dma_wait3A = arith.constant 0 : i32
        %dma_wait3A_100 = arith.constant 0 : i32
        %dma_wait3A_101 = tpu.memref_slice %arg12[%dma_wait3A, %dma_wait3A_100] : memref<128x16xf32, #tpu.memory_space<vmem>> -> memref<16x16xf32, #tpu.memory_space<vmem>>
        %dma_wait3A_102 = arith.constant 9984 : i32
        %dma_wait3A_103 = arith.constant 0 : i32
        %dma_wait3A_104 = tpu.memref_slice %arg15[%dma_wait3A_102, %dma_wait3A_103] : memref<10000x16xf32, #tpu.memory_space<vmem_shared>> -> memref<16x16xf32, #tpu.memory_space<vmem_shared>>
        %dma_wait3A_105 = arith.constant 9984 : i32
        %dma_wait3A_106 = arith.constant 0 : i32
        %dma_wait3A_107 = tpu.memref_slice %arg15[%dma_wait3A_105, %dma_wait3A_106] : memref<10000x16xf32, #tpu.memory_space<vmem_shared>> -> memref<16x16xf32, #tpu.memory_space<vmem_shared>>
        %dma_wait3A_108 = arith.constant 0 : i32
        %dma_wait3A_109 = arith.constant 0 : i32
        %dma_wait3A_110 = tpu.memref_slice %arg12[%dma_wait3A_108, %dma_wait3A_109] : memref<128x16xf32, #tpu.memory_space<vmem>> -> memref<16x16xf32, #tpu.memory_space<vmem>>
        tpu.wait_dma2 semaphore(%run_scoped3A : memref<!tpu.dma_semaphore, #tpu.memory_space<semaphore_mem>>) src(%dma_wait3A_110 : memref<16x16xf32, #tpu.memory_space<vmem>>) dst(%dma_wait3A_107 : memref<16x16xf32, #tpu.memory_space<vmem_shared>>)
        tpu.yield
      }) : () -> ()
    } else {
    }
    %barrier3A = arith.constant 0 : index
    tpu.barrier barrier_id(%barrier3A)
    %mul3A_28 = arith.constant 10000 : i32
    %mul3A_29 = arith.muli %arg0, %mul3A_28 : i32
    %mul3A_30 = arith.constant 20000 : i32
    %mul3A_31 = arith.muli %arg1, %mul3A_30 : i32
    %multiple_of3A_32 = tpu.assume_multiple %mul3A_31, 8 : i32
    %scan3A_33 = arith.constant 0 : i32
    %scan3A_34 = arith.constant 0 : i32
    %scan3A_35 = arith.constant 250 : i32
    %scan3A_36 = arith.addi %scan3A_34, %scan3A_35 : i32
    %scan3A_37 = arith.constant 1 : i32
    scf.for %scan3A_89 = %scan3A_34 to %scan3A_36 step %scan3A_37  : i32 {
      %mul3A_90 = arith.constant 80 : i32
      %mul3A_91 = arith.muli %scan3A_89, %mul3A_90 : i32
      %add3A_92 = arith.addi %multiple_of3A_32, %mul3A_91 : i32
      "tpu.region"() ({
        %run_scoped3A = tpu.sem_alloc : memref<!tpu.dma_semaphore, #tpu.memory_space<semaphore_mem>>
        %dma_start3A_214 = tpu.memref_slice %arg3[%add3A_92] : memref<320000xi32, #tpu.memory_space<hbm>> -> memref<80xi32, #tpu.memory_space<hbm>>
        %dma_start3A_215 = tpu.memref_slice %arg3[%add3A_92] : memref<320000xi32, #tpu.memory_space<hbm>> -> memref<80xi32, #tpu.memory_space<hbm>>
        tpu.enqueue_dma source(%dma_start3A_215 : memref<80xi32, #tpu.memory_space<hbm>>) target(%arg7 : memref<80xi32, #tpu.memory_space<vmem>>) target_semaphore(%run_scoped3A : memref<!tpu.dma_semaphore, #tpu.memory_space<semaphore_mem>>)
        %dma_wait3A_216 = tpu.memref_slice %arg3[%add3A_92] : memref<320000xi32, #tpu.memory_space<hbm>> -> memref<80xi32, #tpu.memory_space<hbm>>
        %dma_wait3A_217 = tpu.memref_slice %arg3[%add3A_92] : memref<320000xi32, #tpu.memory_space<hbm>> -> memref<80xi32, #tpu.memory_space<hbm>>
        tpu.wait_dma2 semaphore(%run_scoped3A : memref<!tpu.dma_semaphore, #tpu.memory_space<semaphore_mem>>) src(%dma_wait3A_217 : memref<80xi32, #tpu.memory_space<hbm>>) dst(%arg7 : memref<80xi32, #tpu.memory_space<vmem>>)
        tpu.yield
      }) : () -> ()
      "tpu.region"() ({
        %run_scoped3A = tpu.sem_alloc : memref<!tpu.dma_semaphore, #tpu.memory_space<semaphore_mem>>
        %dma_start3A_214 = tpu.memref_slice %arg4[%add3A_92] : memref<320000xi32, #tpu.memory_space<hbm>> -> memref<80xi32, #tpu.memory_space<hbm>>
        %dma_start3A_215 = tpu.memref_slice %arg4[%add3A_92] : memref<320000xi32, #tpu.memory_space<hbm>> -> memref<80xi32, #tpu.memory_space<hbm>>
        tpu.enqueue_dma source(%dma_start3A_215 : memref<80xi32, #tpu.memory_space<hbm>>) target(%arg8 : memref<80xi32, #tpu.memory_space<vmem>>) target_semaphore(%run_scoped3A : memref<!tpu.dma_semaphore, #tpu.memory_space<semaphore_mem>>)
        %dma_wait3A_216 = tpu.memref_slice %arg4[%add3A_92] : memref<320000xi32, #tpu.memory_space<hbm>> -> memref<80xi32, #tpu.memory_space<hbm>>
        %dma_wait3A_217 = tpu.memref_slice %arg4[%add3A_92] : memref<320000xi32, #tpu.memory_space<hbm>> -> memref<80xi32, #tpu.memory_space<hbm>>
        tpu.wait_dma2 semaphore(%run_scoped3A : memref<!tpu.dma_semaphore, #tpu.memory_space<semaphore_mem>>) src(%dma_wait3A_217 : memref<80xi32, #tpu.memory_space<hbm>>) dst(%arg8 : memref<80xi32, #tpu.memory_space<vmem>>)
        tpu.yield
      }) : () -> ()
      %scan3A_93 = arith.constant 0 : i32
      %scan3A_94 = arith.constant 0 : i32
      %mul3A_95 = arith.constant 16 : i32
      %mul3A_96 = arith.muli %scan3A_94, %mul3A_95 : i32
      %get3A = arith.index_cast %mul3A_96 : i32 to index
      %get3A_97 = tpu.vector_load %arg7[%get3A] {strides = array<i32>} : memref<80xi32, #tpu.memory_space<vmem>>, vector<16xi32>,
      %add3A_98 = vector.broadcast %mul3A_29 : i32 to vector<16xi32>
      %add3A_99 = arith.addi %get3A_97, %add3A_98 : vector<16xi32>
      %mul3A_100 = arith.constant 16 : i32
      %mul3A_101 = arith.muli %scan3A_94, %mul3A_100 : i32
      %swap3A = arith.index_cast %mul3A_101 : i32 to index
      %swap3A_102 = tpu.vector_load %arg7[%swap3A] {strides = array<i32>} : memref<80xi32, #tpu.memory_space<vmem>>, vector<16xi32>,
      tpu.vector_store %arg7[%swap3A], %add3A_99 {strides = array<i32>} : memref<80xi32, #tpu.memory_space<vmem>>, vector<16xi32>,
      %mul3A_103 = arith.constant 16 : i32
      %mul3A_104 = arith.muli %scan3A_94, %mul3A_103 : i32
      %get3A_105 = arith.index_cast %mul3A_104 : i32 to index
      %get3A_106 = tpu.vector_load %arg8[%get3A_105] {strides = array<i32>} : memref<80xi32, #tpu.memory_space<vmem>>, vector<16xi32>,
      %add3A_107 = vector.broadcast %mul3A_29 : i32 to vector<16xi32>
      %add3A_108 = arith.addi %get3A_106, %add3A_107 : vector<16xi32>
      %mul3A_109 = arith.constant 16 : i32
      %mul3A_110 = arith.muli %scan3A_94, %mul3A_109 : i32
      %swap3A_111 = arith.index_cast %mul3A_110 : i32 to index
      %swap3A_112 = tpu.vector_load %arg9[%swap3A_111] {strides = array<i32>} : memref<80xi32, #tpu.memory_space<vmem>>, vector<16xi32>,
      tpu.vector_store %arg9[%swap3A_111], %add3A_108 {strides = array<i32>} : memref<80xi32, #tpu.memory_space<vmem>>, vector<16xi32>,
      %scan3A_113 = arith.constant 1 : i32
      %mul3A_114 = arith.constant 16 : i32
      %mul3A_115 = arith.muli %scan3A_113, %mul3A_114 : i32
      %get3A_116 = arith.index_cast %mul3A_115 : i32 to index
      %get3A_117 = tpu.vector_load %arg7[%get3A_116] {strides = array<i32>} : memref<80xi32, #tpu.memory_space<vmem>>, vector<16xi32>,
      %add3A_118 = vector.broadcast %mul3A_29 : i32 to vector<16xi32>
      %add3A_119 = arith.addi %get3A_117, %add3A_118 : vector<16xi32>
      %mul3A_120 = arith.constant 16 : i32
      %mul3A_121 = arith.muli %scan3A_113, %mul3A_120 : i32
      %swap3A_122 = arith.index_cast %mul3A_121 : i32 to index
      %swap3A_123 = tpu.vector_load %arg7[%swap3A_122] {strides = array<i32>} : memref<80xi32, #tpu.memory_space<vmem>>, vector<16xi32>,
      tpu.vector_store %arg7[%swap3A_122], %add3A_119 {strides = array<i32>} : memref<80xi32, #tpu.memory_space<vmem>>, vector<16xi32>,
      %mul3A_124 = arith.constant 16 : i32
      %mul3A_125 = arith.muli %scan3A_113, %mul3A_124 : i32
      %get3A_126 = arith.index_cast %mul3A_125 : i32 to index
      %get3A_127 = tpu.vector_load %arg8[%get3A_126] {strides = array<i32>} : memref<80xi32, #tpu.memory_space<vmem>>, vector<16xi32>,
      %add3A_128 = vector.broadcast %mul3A_29 : i32 to vector<16xi32>
      %add3A_129 = arith.addi %get3A_127, %add3A_128 : vector<16xi32>
      %mul3A_130 = arith.constant 16 : i32
      %mul3A_131 = arith.muli %scan3A_113, %mul3A_130 : i32
      %swap3A_132 = arith.index_cast %mul3A_131 : i32 to index
      %swap3A_133 = tpu.vector_load %arg9[%swap3A_132] {strides = array<i32>} : memref<80xi32, #tpu.memory_space<vmem>>, vector<16xi32>,
      tpu.vector_store %arg9[%swap3A_132], %add3A_129 {strides = array<i32>} : memref<80xi32, #tpu.memory_space<vmem>>, vector<16xi32>,
      %scan3A_134 = arith.constant 2 : i32
      %mul3A_135 = arith.constant 16 : i32
      %mul3A_136 = arith.muli %scan3A_134, %mul3A_135 : i32
      %get3A_137 = arith.index_cast %mul3A_136 : i32 to index
      %get3A_138 = tpu.vector_load %arg7[%get3A_137] {strides = array<i32>} : memref<80xi32, #tpu.memory_space<vmem>>, vector<16xi32>,
      %add3A_139 = vector.broadcast %mul3A_29 : i32 to vector<16xi32>
      %add3A_140 = arith.addi %get3A_138, %add3A_139 : vector<16xi32>
      %mul3A_141 = arith.constant 16 : i32
      %mul3A_142 = arith.muli %scan3A_134, %mul3A_141 : i32
      %swap3A_143 = arith.index_cast %mul3A_142 : i32 to index
      %swap3A_144 = tpu.vector_load %arg7[%swap3A_143] {strides = array<i32>} : memref<80xi32, #tpu.memory_space<vmem>>, vector<16xi32>,
      tpu.vector_store %arg7[%swap3A_143], %add3A_140 {strides = array<i32>} : memref<80xi32, #tpu.memory_space<vmem>>, vector<16xi32>,
      %mul3A_145 = arith.constant 16 : i32
      %mul3A_146 = arith.muli %scan3A_134, %mul3A_145 : i32
      %get3A_147 = arith.index_cast %mul3A_146 : i32 to index
      %get3A_148 = tpu.vector_load %arg8[%get3A_147] {strides = array<i32>} : memref<80xi32, #tpu.memory_space<vmem>>, vector<16xi32>,
      %add3A_149 = vector.broadcast %mul3A_29 : i32 to vector<16xi32>
      %add3A_150 = arith.addi %get3A_148, %add3A_149 : vector<16xi32>
      %mul3A_151 = arith.constant 16 : i32
      %mul3A_152 = arith.muli %scan3A_134, %mul3A_151 : i32
      %swap3A_153 = arith.index_cast %mul3A_152 : i32 to index
      %swap3A_154 = tpu.vector_load %arg9[%swap3A_153] {strides = array<i32>} : memref<80xi32, #tpu.memory_space<vmem>>, vector<16xi32>,
      tpu.vector_store %arg9[%swap3A_153], %add3A_150 {strides = array<i32>} : memref<80xi32, #tpu.memory_space<vmem>>, vector<16xi32>,
      %scan3A_155 = arith.constant 3 : i32
      %mul3A_156 = arith.constant 16 : i32
      %mul3A_157 = arith.muli %scan3A_155, %mul3A_156 : i32
      %get3A_158 = arith.index_cast %mul3A_157 : i32 to index
      %get3A_159 = tpu.vector_load %arg7[%get3A_158] {strides = array<i32>} : memref<80xi32, #tpu.memory_space<vmem>>, vector<16xi32>,
      %add3A_160 = vector.broadcast %mul3A_29 : i32 to vector<16xi32>
      %add3A_161 = arith.addi %get3A_159, %add3A_160 : vector<16xi32>
      %mul3A_162 = arith.constant 16 : i32
      %mul3A_163 = arith.muli %scan3A_155, %mul3A_162 : i32
      %swap3A_164 = arith.index_cast %mul3A_163 : i32 to index
      %swap3A_165 = tpu.vector_load %arg7[%swap3A_164] {strides = array<i32>} : memref<80xi32, #tpu.memory_space<vmem>>, vector<16xi32>,
      tpu.vector_store %arg7[%swap3A_164], %add3A_161 {strides = array<i32>} : memref<80xi32, #tpu.memory_space<vmem>>, vector<16xi32>,
      %mul3A_166 = arith.constant 16 : i32
      %mul3A_167 = arith.muli %scan3A_155, %mul3A_166 : i32
      %get3A_168 = arith.index_cast %mul3A_167 : i32 to index
      %get3A_169 = tpu.vector_load %arg8[%get3A_168] {strides = array<i32>} : memref<80xi32, #tpu.memory_space<vmem>>, vector<16xi32>,
      %add3A_170 = vector.broadcast %mul3A_29 : i32 to vector<16xi32>
      %add3A_171 = arith.addi %get3A_169, %add3A_170 : vector<16xi32>
      %mul3A_172 = arith.constant 16 : i32
      %mul3A_173 = arith.muli %scan3A_155, %mul3A_172 : i32
      %swap3A_174 = arith.index_cast %mul3A_173 : i32 to index
      %swap3A_175 = tpu.vector_load %arg9[%swap3A_174] {strides = array<i32>} : memref<80xi32, #tpu.memory_space<vmem>>, vector<16xi32>,
      tpu.vector_store %arg9[%swap3A_174], %add3A_171 {strides = array<i32>} : memref<80xi32, #tpu.memory_space<vmem>>, vector<16xi32>,
      %scan3A_176 = arith.constant 4 : i32
      %mul3A_177 = arith.constant 16 : i32
      %mul3A_178 = arith.muli %scan3A_176, %mul3A_177 : i32
      %get3A_179 = arith.index_cast %mul3A_178 : i32 to index
      %get3A_180 = tpu.vector_load %arg7[%get3A_179] {strides = array<i32>} : memref<80xi32, #tpu.memory_space<vmem>>, vector<16xi32>,
      %add3A_181 = vector.broadcast %mul3A_29 : i32 to vector<16xi32>
      %add3A_182 = arith.addi %get3A_180, %add3A_181 : vector<16xi32>
      %mul3A_183 = arith.constant 16 : i32
      %mul3A_184 = arith.muli %scan3A_176, %mul3A_183 : i32
      %swap3A_185 = arith.index_cast %mul3A_184 : i32 to index
      %swap3A_186 = tpu.vector_load %arg7[%swap3A_185] {strides = array<i32>} : memref<80xi32, #tpu.memory_space<vmem>>, vector<16xi32>,
      tpu.vector_store %arg7[%swap3A_185], %add3A_182 {strides = array<i32>} : memref<80xi32, #tpu.memory_space<vmem>>, vector<16xi32>,
      %mul3A_187 = arith.constant 16 : i32
      %mul3A_188 = arith.muli %scan3A_176, %mul3A_187 : i32
      %get3A_189 = arith.index_cast %mul3A_188 : i32 to index
      %get3A_190 = tpu.vector_load %arg8[%get3A_189] {strides = array<i32>} : memref<80xi32, #tpu.memory_space<vmem>>, vector<16xi32>,
      %add3A_191 = vector.broadcast %mul3A_29 : i32 to vector<16xi32>
      %add3A_192 = arith.addi %get3A_190, %add3A_191 : vector<16xi32>
      %mul3A_193 = arith.constant 16 : i32
      %mul3A_194 = arith.muli %scan3A_176, %mul3A_193 : i32
      %swap3A_195 = arith.index_cast %mul3A_194 : i32 to index
      %swap3A_196 = tpu.vector_load %arg9[%swap3A_195] {strides = array<i32>} : memref<80xi32, #tpu.memory_space<vmem>>, vector<16xi32>,
      tpu.vector_store %arg9[%swap3A_195], %add3A_192 {strides = array<i32>} : memref<80xi32, #tpu.memory_space<vmem>>, vector<16xi32>,
      %scan3A_197 = arith.constant 5 : i32
      %dma_start3A = arith.constant 0 : i32
      %dma_start3A_198 = arith.constant 0 : i32
      %dma_start3A_199 = tpu.memref_slice %arg2[%dma_start3A, %dma_start3A_198] : memref<20000x64xf32, #tpu.memory_space<hbm>> -> memref<20000x64xf32, #tpu.memory_space<hbm>>
      tpu.enqueue_indirect_dma source(%dma_start3A_199 : memref<20000x64xf32, #tpu.memory_space<hbm>>) target(%arg10 : memref<80x64xf32, #tpu.memory_space<vmem>>) offsets(%arg7 : memref<80xi32, #tpu.memory_space<vmem>>) semaphore(%arg16 : memref<!tpu.dma_semaphore, #tpu.memory_space<semaphore_mem>>)
      %dma_start3A_200 = arith.constant 0 : i32
      %dma_start3A_201 = arith.constant 0 : i32
      %dma_start3A_202 = tpu.memref_slice %arg2[%dma_start3A_200, %dma_start3A_201] : memref<20000x64xf32, #tpu.memory_space<hbm>> -> memref<20000x64xf32, #tpu.memory_space<hbm>>
      tpu.enqueue_indirect_dma source(%dma_start3A_202 : memref<20000x64xf32, #tpu.memory_space<hbm>>) target(%arg11 : memref<80x64xf32, #tpu.memory_space<vmem>>) offsets(%arg9 : memref<80xi32, #tpu.memory_space<vmem>>) semaphore(%arg17 : memref<!tpu.dma_semaphore, #tpu.memory_space<semaphore_mem>>)
      %dma_wait3A = arith.constant 0 : i32
      %dma_wait3A_203 = arith.constant 0 : i32
      %dma_wait3A_204 = tpu.memref_slice %arg2[%dma_wait3A, %dma_wait3A_203] : memref<20000x64xf32, #tpu.memory_space<hbm>> -> memref<20000x64xf32, #tpu.memory_space<hbm>>
      tpu.wait_indirect_dma semaphore(%arg16 : memref<!tpu.dma_semaphore, #tpu.memory_space<semaphore_mem>>) src(%dma_wait3A_204 : memref<20000x64xf32, #tpu.memory_space<hbm>>) dst(%arg10 : memref<80x64xf32, #tpu.memory_space<vmem>>)
      %dma_wait3A_205 = arith.constant 0 : i32
      %dma_wait3A_206 = arith.constant 0 : i32
      %dma_wait3A_207 = tpu.memref_slice %arg2[%dma_wait3A_205, %dma_wait3A_206] : memref<20000x64xf32, #tpu.memory_space<hbm>> -> memref<20000x64xf32, #tpu.memory_space<hbm>>
      tpu.wait_indirect_dma semaphore(%arg17 : memref<!tpu.dma_semaphore, #tpu.memory_space<semaphore_mem>>) src(%dma_wait3A_207 : memref<20000x64xf32, #tpu.memory_space<hbm>>) dst(%arg11 : memref<80x64xf32, #tpu.memory_space<vmem>>)
      %iota3A = tpu.iota {dimensions = array<i32: 0>} : vector<16xi32>
      %scan3A_208 = arith.constant 0 : i32
      %scan3A_209 = arith.constant 0 : i32
      %scan3A_210 = arith.constant 80 : i32
      %scan3A_211 = arith.addi %scan3A_209, %scan3A_210 : i32
      %scan3A_212 = arith.constant 4 : i32
      scf.for %scan3A_214 = %scan3A_209 to %scan3A_211 step %scan3A_212  : i32 {
        %get3A_215 = arith.index_cast %scan3A_214 : i32 to index
        %get3A_216 = arith.constant 0 : index
        %get3A_217 = tpu.vector_load %arg10[%get3A_215, %get3A_216] {strides = array<i32>} : memref<80x64xf32, #tpu.memory_space<vmem>>, vector<16xf32>,
        %get3A_218 = arith.index_cast %scan3A_214 : i32 to index
        %get3A_219 = arith.constant 16 : index
        %get3A_220 = tpu.vector_load %arg10[%get3A_218, %get3A_219] {strides = array<i32>} : memref<80x64xf32, #tpu.memory_space<vmem>>, vector<16xf32>,
        %get3A_221 = arith.index_cast %scan3A_214 : i32 to index
        %get3A_222 = arith.constant 0 : index
        %get3A_223 = tpu.vector_load %arg11[%get3A_221, %get3A_222] {strides = array<i32>} : memref<80x64xf32, #tpu.memory_space<vmem>>, vector<16xf32>,
        %get3A_224 = arith.index_cast %scan3A_214 : i32 to index
        %get3A_225 = arith.constant 16 : index
        %get3A_226 = tpu.vector_load %arg11[%get3A_224, %get3A_225] {strides = array<i32>} : memref<80x64xf32, #tpu.memory_space<vmem>>, vector<16xf32>,
        %mul3A_227 = arith.mulf %get3A_217, %get3A_223 : vector<16xf32>
        %mul3A_228 = arith.mulf %get3A_220, %get3A_226 : vector<16xf32>
        %add3A_229 = arith.addf %mul3A_227, %mul3A_228 : vector<16xf32>
        %reduce_sum3A = arith.constant true
        %reduce_sum3A_230 = vector.broadcast %reduce_sum3A : i1 to vector<16xi1>
        %reduce_sum3A_231 = tpu.scan <sum>, %add3A_229 masked %reduce_sum3A_230 : vector<16xf32>, vector<16xi1> -> vector<16xf32>
        %reduce_sum3A_232 = vector.extract %reduce_sum3A_231[15] : f32 from vector<16xf32>
        %mul3A_233 = arith.constant 0.176776692 : f32
        %mul3A_234 = arith.mulf %reduce_sum3A_232, %mul3A_233 : f32
        %broadcast_in_dim3A_235 = vector.broadcast %mul3A_234 : f32 to vector<16xf32>
        %exp3A = math.exp %broadcast_in_dim3A_235 : vector<16xf32>
        %eq3A_236 = arith.constant 0 : i32
        %eq3A_237 = vector.broadcast %eq3A_236 : i32 to vector<16xi32>
        %eq3A_238 = arith.cmpi eq, %iota3A, %eq3A_237 : vector<16xi32>
        %select_n3A = arith.select %eq3A_238, %exp3A, %broadcast_in_dim3A_0 : vector<16xi1>, vector<16xf32>
        %mul3A_239 = arith.mulf %get3A_217, %exp3A : vector<16xf32>
        %swap3A_240 = arith.index_cast %scan3A_214 : i32 to index
        %swap3A_241 = arith.constant 0 : index
        %swap3A_242 = tpu.vector_load %arg10[%swap3A_240, %swap3A_241] {strides = array<i32>} : memref<80x64xf32, #tpu.memory_space<vmem>>, vector<16xf32>,
        tpu.vector_store %arg10[%swap3A_240, %swap3A_241], %mul3A_239 {strides = array<i32>} : memref<80x64xf32, #tpu.memory_space<vmem>>, vector<16xf32>,
        %mul3A_243 = arith.mulf %get3A_220, %exp3A : vector<16xf32>
        %swap3A_244 = arith.index_cast %scan3A_214 : i32 to index
        %swap3A_245 = arith.constant 16 : index
        %swap3A_246 = tpu.vector_load %arg10[%swap3A_244, %swap3A_245] {strides = array<i32>} : memref<80x64xf32, #tpu.memory_space<vmem>>, vector<16xf32>,
        tpu.vector_store %arg10[%swap3A_244, %swap3A_245], %mul3A_243 {strides = array<i32>} : memref<80x64xf32, #tpu.memory_space<vmem>>, vector<16xf32>,
        %get3A_247 = arith.index_cast %scan3A_214 : i32 to index
        %get3A_248 = arith.constant 32 : index
        %get3A_249 = tpu.vector_load %arg10[%get3A_247, %get3A_248] {strides = array<i32>} : memref<80x64xf32, #tpu.memory_space<vmem>>, vector<16xf32>,
        %get3A_250 = arith.index_cast %scan3A_214 : i32 to index
        %get3A_251 = arith.constant 48 : index
        %get3A_252 = tpu.vector_load %arg10[%get3A_250, %get3A_251] {strides = array<i32>} : memref<80x64xf32, #tpu.memory_space<vmem>>, vector<16xf32>,
        %get3A_253 = arith.index_cast %scan3A_214 : i32 to index
        %get3A_254 = arith.constant 32 : index
        %get3A_255 = tpu.vector_load %arg11[%get3A_253, %get3A_254] {strides = array<i32>} : memref<80x64xf32, #tpu.memory_space<vmem>>, vector<16xf32>,
        %get3A_256 = arith.index_cast %scan3A_214 : i32 to index
        %get3A_257 = arith.constant 48 : index
        %get3A_258 = tpu.vector_load %arg11[%get3A_256, %get3A_257] {strides = array<i32>} : memref<80x64xf32, #tpu.memory_space<vmem>>, vector<16xf32>,
        %mul3A_259 = arith.mulf %get3A_249, %get3A_255 : vector<16xf32>
        %mul3A_260 = arith.mulf %get3A_252, %get3A_258 : vector<16xf32>
        %add3A_261 = arith.addf %mul3A_259, %mul3A_260 : vector<16xf32>
        %reduce_sum3A_262 = arith.constant true
        %reduce_sum3A_263 = vector.broadcast %reduce_sum3A_262 : i1 to vector<16xi1>
        %reduce_sum3A_264 = tpu.scan <sum>, %add3A_261 masked %reduce_sum3A_263 : vector<16xf32>, vector<16xi1> -> vector<16xf32>
        %reduce_sum3A_265 = vector.extract %reduce_sum3A_264[15] : f32 from vector<16xf32>
        %mul3A_266 = arith.constant 0.176776692 : f32
        %mul3A_267 = arith.mulf %reduce_sum3A_265, %mul3A_266 : f32
        %broadcast_in_dim3A_268 = vector.broadcast %mul3A_267 : f32 to vector<16xf32>
        %exp3A_269 = math.exp %broadcast_in_dim3A_268 : vector<16xf32>
        %eq3A_270 = arith.constant 1 : i32
        %eq3A_271 = vector.broadcast %eq3A_270 : i32 to vector<16xi32>
        %eq3A_272 = arith.cmpi eq, %iota3A, %eq3A_271 : vector<16xi32>
        %select_n3A_273 = arith.select %eq3A_272, %exp3A_269, %select_n3A : vector<16xi1>, vector<16xf32>
        %mul3A_274 = arith.mulf %get3A_249, %exp3A_269 : vector<16xf32>
        %swap3A_275 = arith.index_cast %scan3A_214 : i32 to index
        %swap3A_276 = arith.constant 32 : index
        %swap3A_277 = tpu.vector_load %arg10[%swap3A_275, %swap3A_276] {strides = array<i32>} : memref<80x64xf32, #tpu.memory_space<vmem>>, vector<16xf32>,
        tpu.vector_store %arg10[%swap3A_275, %swap3A_276], %mul3A_274 {strides = array<i32>} : memref<80x64xf32, #tpu.memory_space<vmem>>, vector<16xf32>,
        %mul3A_278 = arith.mulf %get3A_252, %exp3A_269 : vector<16xf32>
        %swap3A_279 = arith.index_cast %scan3A_214 : i32 to index
        %swap3A_280 = arith.constant 48 : index
        %swap3A_281 = tpu.vector_load %arg10[%swap3A_279, %swap3A_280] {strides = array<i32>} : memref<80x64xf32, #tpu.memory_space<vmem>>, vector<16xf32>,
        tpu.vector_store %arg10[%swap3A_279, %swap3A_280], %mul3A_278 {strides = array<i32>} : memref<80x64xf32, #tpu.memory_space<vmem>>, vector<16xf32>,
        %swap3A_282 = arith.index_cast %scan3A_214 : i32 to index
        %swap3A_283 = arith.constant 0 : index
        %swap3A_284 = tpu.vector_load %arg12[%swap3A_282, %swap3A_283] {strides = array<i32>} : memref<128x16xf32, #tpu.memory_space<vmem>>, vector<16xf32>,
        tpu.vector_store %arg12[%swap3A_282, %swap3A_283], %select_n3A_273 {strides = array<i32>} : memref<128x16xf32, #tpu.memory_space<vmem>>, vector<16xf32>,
        %scan3A_285 = arith.constant 1 : i32
        %scan3A_286 = arith.addi %scan3A_214, %scan3A_285 : i32
        %get3A_287 = arith.index_cast %scan3A_286 : i32 to index
        %get3A_288 = arith.constant 0 : index
        %get3A_289 = tpu.vector_load %arg10[%get3A_287, %get3A_288] {strides = array<i32>} : memref<80x64xf32, #tpu.memory_space<vmem>>, vector<16xf32>,
        %get3A_290 = arith.index_cast %scan3A_286 : i32 to index
        %get3A_291 = arith.constant 16 : index
        %get3A_292 = tpu.vector_load %arg10[%get3A_290, %get3A_291] {strides = array<i32>} : memref<80x64xf32, #tpu.memory_space<vmem>>, vector<16xf32>,
        %get3A_293 = arith.index_cast %scan3A_286 : i32 to index
        %get3A_294 = arith.constant 0 : index
        %get3A_295 = tpu.vector_load %arg11[%get3A_293, %get3A_294] {strides = array<i32>} : memref<80x64xf32, #tpu.memory_space<vmem>>, vector<16xf32>,
        %get3A_296 = arith.index_cast %scan3A_286 : i32 to index
        %get3A_297 = arith.constant 16 : index
        %get3A_298 = tpu.vector_load %arg11[%get3A_296, %get3A_297] {strides = array<i32>} : memref<80x64xf32, #tpu.memory_space<vmem>>, vector<16xf32>,
        %mul3A_299 = arith.mulf %get3A_289, %get3A_295 : vector<16xf32>
        %mul3A_300 = arith.mulf %get3A_292, %get3A_298 : vector<16xf32>
        %add3A_301 = arith.addf %mul3A_299, %mul3A_300 : vector<16xf32>
        %reduce_sum3A_302 = arith.constant true
        %reduce_sum3A_303 = vector.broadcast %reduce_sum3A_302 : i1 to vector<16xi1>
        %reduce_sum3A_304 = tpu.scan <sum>, %add3A_301 masked %reduce_sum3A_303 : vector<16xf32>, vector<16xi1> -> vector<16xf32>
        %reduce_sum3A_305 = vector.extract %reduce_sum3A_304[15] : f32 from vector<16xf32>
        %mul3A_306 = arith.constant 0.176776692 : f32
        %mul3A_307 = arith.mulf %reduce_sum3A_305, %mul3A_306 : f32
        %broadcast_in_dim3A_308 = vector.broadcast %mul3A_307 : f32 to vector<16xf32>
        %exp3A_309 = math.exp %broadcast_in_dim3A_308 : vector<16xf32>
        %eq3A_310 = arith.constant 0 : i32
        %eq3A_311 = vector.broadcast %eq3A_310 : i32 to vector<16xi32>
        %eq3A_312 = arith.cmpi eq, %iota3A, %eq3A_311 : vector<16xi32>
        %select_n3A_313 = arith.select %eq3A_312, %exp3A_309, %broadcast_in_dim3A_0 : vector<16xi1>, vector<16xf32>
        %mul3A_314 = arith.mulf %get3A_289, %exp3A_309 : vector<16xf32>
        %swap3A_315 = arith.index_cast %scan3A_286 : i32 to index
        %swap3A_316 = arith.constant 0 : index
        %swap3A_317 = tpu.vector_load %arg10[%swap3A_315, %swap3A_316] {strides = array<i32>} : memref<80x64xf32, #tpu.memory_space<vmem>>, vector<16xf32>,
        tpu.vector_store %arg10[%swap3A_315, %swap3A_316], %mul3A_314 {strides = array<i32>} : memref<80x64xf32, #tpu.memory_space<vmem>>, vector<16xf32>,
        %mul3A_318 = arith.mulf %get3A_292, %exp3A_309 : vector<16xf32>
        %swap3A_319 = arith.index_cast %scan3A_286 : i32 to index
        %swap3A_320 = arith.constant 16 : index
        %swap3A_321 = tpu.vector_load %arg10[%swap3A_319, %swap3A_320] {strides = array<i32>} : memref<80x64xf32, #tpu.memory_space<vmem>>, vector<16xf32>,
        tpu.vector_store %arg10[%swap3A_319, %swap3A_320], %mul3A_318 {strides = array<i32>} : memref<80x64xf32, #tpu.memory_space<vmem>>, vector<16xf32>,
        %get3A_322 = arith.index_cast %scan3A_286 : i32 to index
        %get3A_323 = arith.constant 32 : index
        %get3A_324 = tpu.vector_load %arg10[%get3A_322, %get3A_323] {strides = array<i32>} : memref<80x64xf32, #tpu.memory_space<vmem>>, vector<16xf32>,
        %get3A_325 = arith.index_cast %scan3A_286 : i32 to index
        %get3A_326 = arith.constant 48 : index
        %get3A_327 = tpu.vector_load %arg10[%get3A_325, %get3A_326] {strides = array<i32>} : memref<80x64xf32, #tpu.memory_space<vmem>>, vector<16xf32>,
        %get3A_328 = arith.index_cast %scan3A_286 : i32 to index
        %get3A_329 = arith.constant 32 : index
        %get3A_330 = tpu.vector_load %arg11[%get3A_328, %get3A_329] {strides = array<i32>} : memref<80x64xf32, #tpu.memory_space<vmem>>, vector<16xf32>,
        %get3A_331 = arith.index_cast %scan3A_286 : i32 to index
        %get3A_332 = arith.constant 48 : index
        %get3A_333 = tpu.vector_load %arg11[%get3A_331, %get3A_332] {strides = array<i32>} : memref<80x64xf32, #tpu.memory_space<vmem>>, vector<16xf32>,
        %mul3A_334 = arith.mulf %get3A_324, %get3A_330 : vector<16xf32>
        %mul3A_335 = arith.mulf %get3A_327, %get3A_333 : vector<16xf32>
        %add3A_336 = arith.addf %mul3A_334, %mul3A_335 : vector<16xf32>
        %reduce_sum3A_337 = arith.constant true
        %reduce_sum3A_338 = vector.broadcast %reduce_sum3A_337 : i1 to vector<16xi1>
        %reduce_sum3A_339 = tpu.scan <sum>, %add3A_336 masked %reduce_sum3A_338 : vector<16xf32>, vector<16xi1> -> vector<16xf32>
        %reduce_sum3A_340 = vector.extract %reduce_sum3A_339[15] : f32 from vector<16xf32>
        %mul3A_341 = arith.constant 0.176776692 : f32
        %mul3A_342 = arith.mulf %reduce_sum3A_340, %mul3A_341 : f32
        %broadcast_in_dim3A_343 = vector.broadcast %mul3A_342 : f32 to vector<16xf32>
        %exp3A_344 = math.exp %broadcast_in_dim3A_343 : vector<16xf32>
        %eq3A_345 = arith.constant 1 : i32
        %eq3A_346 = vector.broadcast %eq3A_345 : i32 to vector<16xi32>
        %eq3A_347 = arith.cmpi eq, %iota3A, %eq3A_346 : vector<16xi32>
        %select_n3A_348 = arith.select %eq3A_347, %exp3A_344, %select_n3A_313 : vector<16xi1>, vector<16xf32>
        %mul3A_349 = arith.mulf %get3A_324, %exp3A_344 : vector<16xf32>
        %swap3A_350 = arith.index_cast %scan3A_286 : i32 to index
        %swap3A_351 = arith.constant 32 : index
        %swap3A_352 = tpu.vector_load %arg10[%swap3A_350, %swap3A_351] {strides = array<i32>} : memref<80x64xf32, #tpu.memory_space<vmem>>, vector<16xf32>,
        tpu.vector_store %arg10[%swap3A_350, %swap3A_351], %mul3A_349 {strides = array<i32>} : memref<80x64xf32, #tpu.memory_space<vmem>>, vector<16xf32>,
        %mul3A_353 = arith.mulf %get3A_327, %exp3A_344 : vector<16xf32>
        %swap3A_354 = arith.index_cast %scan3A_286 : i32 to index
        %swap3A_355 = arith.constant 48 : index
        %swap3A_356 = tpu.vector_load %arg10[%swap3A_354, %swap3A_355] {strides = array<i32>} : memref<80x64xf32, #tpu.memory_space<vmem>>, vector<16xf32>,
        tpu.vector_store %arg10[%swap3A_354, %swap3A_355], %mul3A_353 {strides = array<i32>} : memref<80x64xf32, #tpu.memory_space<vmem>>, vector<16xf32>,
        %swap3A_357 = arith.index_cast %scan3A_286 : i32 to index
        %swap3A_358 = arith.constant 0 : index
        %swap3A_359 = tpu.vector_load %arg12[%swap3A_357, %swap3A_358] {strides = array<i32>} : memref<128x16xf32, #tpu.memory_space<vmem>>, vector<16xf32>,
        tpu.vector_store %arg12[%swap3A_357, %swap3A_358], %select_n3A_348 {strides = array<i32>} : memref<128x16xf32, #tpu.memory_space<vmem>>, vector<16xf32>,
        %scan3A_360 = arith.constant 2 : i32
        %scan3A_361 = arith.addi %scan3A_214, %scan3A_360 : i32
        %get3A_362 = arith.index_cast %scan3A_361 : i32 to index
        %get3A_363 = arith.constant 0 : index
        %get3A_364 = tpu.vector_load %arg10[%get3A_362, %get3A_363] {strides = array<i32>} : memref<80x64xf32, #tpu.memory_space<vmem>>, vector<16xf32>,
        %get3A_365 = arith.index_cast %scan3A_361 : i32 to index
        %get3A_366 = arith.constant 16 : index
        %get3A_367 = tpu.vector_load %arg10[%get3A_365, %get3A_366] {strides = array<i32>} : memref<80x64xf32, #tpu.memory_space<vmem>>, vector<16xf32>,
        %get3A_368 = arith.index_cast %scan3A_361 : i32 to index
        %get3A_369 = arith.constant 0 : index
        %get3A_370 = tpu.vector_load %arg11[%get3A_368, %get3A_369] {strides = array<i32>} : memref<80x64xf32, #tpu.memory_space<vmem>>, vector<16xf32>,
        %get3A_371 = arith.index_cast %scan3A_361 : i32 to index
        %get3A_372 = arith.constant 16 : index
        %get3A_373 = tpu.vector_load %arg11[%get3A_371, %get3A_372] {strides = array<i32>} : memref<80x64xf32, #tpu.memory_space<vmem>>, vector<16xf32>,
        %mul3A_374 = arith.mulf %get3A_364, %get3A_370 : vector<16xf32>
        %mul3A_375 = arith.mulf %get3A_367, %get3A_373 : vector<16xf32>
        %add3A_376 = arith.addf %mul3A_374, %mul3A_375 : vector<16xf32>
        %reduce_sum3A_377 = arith.constant true
        %reduce_sum3A_378 = vector.broadcast %reduce_sum3A_377 : i1 to vector<16xi1>
        %reduce_sum3A_379 = tpu.scan <sum>, %add3A_376 masked %reduce_sum3A_378 : vector<16xf32>, vector<16xi1> -> vector<16xf32>
        %reduce_sum3A_380 = vector.extract %reduce_sum3A_379[15] : f32 from vector<16xf32>
        %mul3A_381 = arith.constant 0.176776692 : f32
        %mul3A_382 = arith.mulf %reduce_sum3A_380, %mul3A_381 : f32
        %broadcast_in_dim3A_383 = vector.broadcast %mul3A_382 : f32 to vector<16xf32>
        %exp3A_384 = math.exp %broadcast_in_dim3A_383 : vector<16xf32>
        %eq3A_385 = arith.constant 0 : i32
        %eq3A_386 = vector.broadcast %eq3A_385 : i32 to vector<16xi32>
        %eq3A_387 = arith.cmpi eq, %iota3A, %eq3A_386 : vector<16xi32>
        %select_n3A_388 = arith.select %eq3A_387, %exp3A_384, %broadcast_in_dim3A_0 : vector<16xi1>, vector<16xf32>
        %mul3A_389 = arith.mulf %get3A_364, %exp3A_384 : vector<16xf32>
        %swap3A_390 = arith.index_cast %scan3A_361 : i32 to index
        %swap3A_391 = arith.constant 0 : index
        %swap3A_392 = tpu.vector_load %arg10[%swap3A_390, %swap3A_391] {strides = array<i32>} : memref<80x64xf32, #tpu.memory_space<vmem>>, vector<16xf32>,
        tpu.vector_store %arg10[%swap3A_390, %swap3A_391], %mul3A_389 {strides = array<i32>} : memref<80x64xf32, #tpu.memory_space<vmem>>, vector<16xf32>,
        %mul3A_393 = arith.mulf %get3A_367, %exp3A_384 : vector<16xf32>
        %swap3A_394 = arith.index_cast %scan3A_361 : i32 to index
        %swap3A_395 = arith.constant 16 : index
        %swap3A_396 = tpu.vector_load %arg10[%swap3A_394, %swap3A_395] {strides = array<i32>} : memref<80x64xf32, #tpu.memory_space<vmem>>, vector<16xf32>,
        tpu.vector_store %arg10[%swap3A_394, %swap3A_395], %mul3A_393 {strides = array<i32>} : memref<80x64xf32, #tpu.memory_space<vmem>>, vector<16xf32>,
        %get3A_397 = arith.index_cast %scan3A_361 : i32 to index
        %get3A_398 = arith.constant 32 : index
        %get3A_399 = tpu.vector_load %arg10[%get3A_397, %get3A_398] {strides = array<i32>} : memref<80x64xf32, #tpu.memory_space<vmem>>, vector<16xf32>,
        %get3A_400 = arith.index_cast %scan3A_361 : i32 to index
        %get3A_401 = arith.constant 48 : index
        %get3A_402 = tpu.vector_load %arg10[%get3A_400, %get3A_401] {strides = array<i32>} : memref<80x64xf32, #tpu.memory_space<vmem>>, vector<16xf32>,
        %get3A_403 = arith.index_cast %scan3A_361 : i32 to index
        %get3A_404 = arith.constant 32 : index
        %get3A_405 = tpu.vector_load %arg11[%get3A_403, %get3A_404] {strides = array<i32>} : memref<80x64xf32, #tpu.memory_space<vmem>>, vector<16xf32>,
        %get3A_406 = arith.index_cast %scan3A_361 : i32 to index
        %get3A_407 = arith.constant 48 : index
        %get3A_408 = tpu.vector_load %arg11[%get3A_406, %get3A_407] {strides = array<i32>} : memref<80x64xf32, #tpu.memory_space<vmem>>, vector<16xf32>,
        %mul3A_409 = arith.mulf %get3A_399, %get3A_405 : vector<16xf32>
        %mul3A_410 = arith.mulf %get3A_402, %get3A_408 : vector<16xf32>
        %add3A_411 = arith.addf %mul3A_409, %mul3A_410 : vector<16xf32>
        %reduce_sum3A_412 = arith.constant true
        %reduce_sum3A_413 = vector.broadcast %reduce_sum3A_412 : i1 to vector<16xi1>
        %reduce_sum3A_414 = tpu.scan <sum>, %add3A_411 masked %reduce_sum3A_413 : vector<16xf32>, vector<16xi1> -> vector<16xf32>
        %reduce_sum3A_415 = vector.extract %reduce_sum3A_414[15] : f32 from vector<16xf32>
        %mul3A_416 = arith.constant 0.176776692 : f32
        %mul3A_417 = arith.mulf %reduce_sum3A_415, %mul3A_416 : f32
        %broadcast_in_dim3A_418 = vector.broadcast %mul3A_417 : f32 to vector<16xf32>
        %exp3A_419 = math.exp %broadcast_in_dim3A_418 : vector<16xf32>
        %eq3A_420 = arith.constant 1 : i32
        %eq3A_421 = vector.broadcast %eq3A_420 : i32 to vector<16xi32>
        %eq3A_422 = arith.cmpi eq, %iota3A, %eq3A_421 : vector<16xi32>
        %select_n3A_423 = arith.select %eq3A_422, %exp3A_419, %select_n3A_388 : vector<16xi1>, vector<16xf32>
        %mul3A_424 = arith.mulf %get3A_399, %exp3A_419 : vector<16xf32>
        %swap3A_425 = arith.index_cast %scan3A_361 : i32 to index
        %swap3A_426 = arith.constant 32 : index
        %swap3A_427 = tpu.vector_load %arg10[%swap3A_425, %swap3A_426] {strides = array<i32>} : memref<80x64xf32, #tpu.memory_space<vmem>>, vector<16xf32>,
        tpu.vector_store %arg10[%swap3A_425, %swap3A_426], %mul3A_424 {strides = array<i32>} : memref<80x64xf32, #tpu.memory_space<vmem>>, vector<16xf32>,
        %mul3A_428 = arith.mulf %get3A_402, %exp3A_419 : vector<16xf32>
        %swap3A_429 = arith.index_cast %scan3A_361 : i32 to index
        %swap3A_430 = arith.constant 48 : index
        %swap3A_431 = tpu.vector_load %arg10[%swap3A_429, %swap3A_430] {strides = array<i32>} : memref<80x64xf32, #tpu.memory_space<vmem>>, vector<16xf32>,
        tpu.vector_store %arg10[%swap3A_429, %swap3A_430], %mul3A_428 {strides = array<i32>} : memref<80x64xf32, #tpu.memory_space<vmem>>, vector<16xf32>,
        %swap3A_432 = arith.index_cast %scan3A_361 : i32 to index
        %swap3A_433 = arith.constant 0 : index
        %swap3A_434 = tpu.vector_load %arg12[%swap3A_432, %swap3A_433] {strides = array<i32>} : memref<128x16xf32, #tpu.memory_space<vmem>>, vector<16xf32>,
        tpu.vector_store %arg12[%swap3A_432, %swap3A_433], %select_n3A_423 {strides = array<i32>} : memref<128x16xf32, #tpu.memory_space<vmem>>, vector<16xf32>,
        %scan3A_435 = arith.constant 3 : i32
        %scan3A_436 = arith.addi %scan3A_214, %scan3A_435 : i32
        %get3A_437 = arith.index_cast %scan3A_436 : i32 to index
        %get3A_438 = arith.constant 0 : index
        %get3A_439 = tpu.vector_load %arg10[%get3A_437, %get3A_438] {strides = array<i32>} : memref<80x64xf32, #tpu.memory_space<vmem>>, vector<16xf32>,
        %get3A_440 = arith.index_cast %scan3A_436 : i32 to index
        %get3A_441 = arith.constant 16 : index
        %get3A_442 = tpu.vector_load %arg10[%get3A_440, %get3A_441] {strides = array<i32>} : memref<80x64xf32, #tpu.memory_space<vmem>>, vector<16xf32>,
        %get3A_443 = arith.index_cast %scan3A_436 : i32 to index
        %get3A_444 = arith.constant 0 : index
        %get3A_445 = tpu.vector_load %arg11[%get3A_443, %get3A_444] {strides = array<i32>} : memref<80x64xf32, #tpu.memory_space<vmem>>, vector<16xf32>,
        %get3A_446 = arith.index_cast %scan3A_436 : i32 to index
        %get3A_447 = arith.constant 16 : index
        %get3A_448 = tpu.vector_load %arg11[%get3A_446, %get3A_447] {strides = array<i32>} : memref<80x64xf32, #tpu.memory_space<vmem>>, vector<16xf32>,
        %mul3A_449 = arith.mulf %get3A_439, %get3A_445 : vector<16xf32>
        %mul3A_450 = arith.mulf %get3A_442, %get3A_448 : vector<16xf32>
        %add3A_451 = arith.addf %mul3A_449, %mul3A_450 : vector<16xf32>
        %reduce_sum3A_452 = arith.constant true
        %reduce_sum3A_453 = vector.broadcast %reduce_sum3A_452 : i1 to vector<16xi1>
        %reduce_sum3A_454 = tpu.scan <sum>, %add3A_451 masked %reduce_sum3A_453 : vector<16xf32>, vector<16xi1> -> vector<16xf32>
        %reduce_sum3A_455 = vector.extract %reduce_sum3A_454[15] : f32 from vector<16xf32>
        %mul3A_456 = arith.constant 0.176776692 : f32
        %mul3A_457 = arith.mulf %reduce_sum3A_455, %mul3A_456 : f32
        %broadcast_in_dim3A_458 = vector.broadcast %mul3A_457 : f32 to vector<16xf32>
        %exp3A_459 = math.exp %broadcast_in_dim3A_458 : vector<16xf32>
        %eq3A_460 = arith.constant 0 : i32
        %eq3A_461 = vector.broadcast %eq3A_460 : i32 to vector<16xi32>
        %eq3A_462 = arith.cmpi eq, %iota3A, %eq3A_461 : vector<16xi32>
        %select_n3A_463 = arith.select %eq3A_462, %exp3A_459, %broadcast_in_dim3A_0 : vector<16xi1>, vector<16xf32>
        %mul3A_464 = arith.mulf %get3A_439, %exp3A_459 : vector<16xf32>
        %swap3A_465 = arith.index_cast %scan3A_436 : i32 to index
        %swap3A_466 = arith.constant 0 : index
        %swap3A_467 = tpu.vector_load %arg10[%swap3A_465, %swap3A_466] {strides = array<i32>} : memref<80x64xf32, #tpu.memory_space<vmem>>, vector<16xf32>,
        tpu.vector_store %arg10[%swap3A_465, %swap3A_466], %mul3A_464 {strides = array<i32>} : memref<80x64xf32, #tpu.memory_space<vmem>>, vector<16xf32>,
        %mul3A_468 = arith.mulf %get3A_442, %exp3A_459 : vector<16xf32>
        %swap3A_469 = arith.index_cast %scan3A_436 : i32 to index
        %swap3A_470 = arith.constant 16 : index
        %swap3A_471 = tpu.vector_load %arg10[%swap3A_469, %swap3A_470] {strides = array<i32>} : memref<80x64xf32, #tpu.memory_space<vmem>>, vector<16xf32>,
        tpu.vector_store %arg10[%swap3A_469, %swap3A_470], %mul3A_468 {strides = array<i32>} : memref<80x64xf32, #tpu.memory_space<vmem>>, vector<16xf32>,
        %get3A_472 = arith.index_cast %scan3A_436 : i32 to index
        %get3A_473 = arith.constant 32 : index
        %get3A_474 = tpu.vector_load %arg10[%get3A_472, %get3A_473] {strides = array<i32>} : memref<80x64xf32, #tpu.memory_space<vmem>>, vector<16xf32>,
        %get3A_475 = arith.index_cast %scan3A_436 : i32 to index
        %get3A_476 = arith.constant 48 : index
        %get3A_477 = tpu.vector_load %arg10[%get3A_475, %get3A_476] {strides = array<i32>} : memref<80x64xf32, #tpu.memory_space<vmem>>, vector<16xf32>,
        %get3A_478 = arith.index_cast %scan3A_436 : i32 to index
        %get3A_479 = arith.constant 32 : index
        %get3A_480 = tpu.vector_load %arg11[%get3A_478, %get3A_479] {strides = array<i32>} : memref<80x64xf32, #tpu.memory_space<vmem>>, vector<16xf32>,
        %get3A_481 = arith.index_cast %scan3A_436 : i32 to index
        %get3A_482 = arith.constant 48 : index
        %get3A_483 = tpu.vector_load %arg11[%get3A_481, %get3A_482] {strides = array<i32>} : memref<80x64xf32, #tpu.memory_space<vmem>>, vector<16xf32>,
        %mul3A_484 = arith.mulf %get3A_474, %get3A_480 : vector<16xf32>
        %mul3A_485 = arith.mulf %get3A_477, %get3A_483 : vector<16xf32>
        %add3A_486 = arith.addf %mul3A_484, %mul3A_485 : vector<16xf32>
        %reduce_sum3A_487 = arith.constant true
        %reduce_sum3A_488 = vector.broadcast %reduce_sum3A_487 : i1 to vector<16xi1>
        %reduce_sum3A_489 = tpu.scan <sum>, %add3A_486 masked %reduce_sum3A_488 : vector<16xf32>, vector<16xi1> -> vector<16xf32>
        %reduce_sum3A_490 = vector.extract %reduce_sum3A_489[15] : f32 from vector<16xf32>
        %mul3A_491 = arith.constant 0.176776692 : f32
        %mul3A_492 = arith.mulf %reduce_sum3A_490, %mul3A_491 : f32
        %broadcast_in_dim3A_493 = vector.broadcast %mul3A_492 : f32 to vector<16xf32>
        %exp3A_494 = math.exp %broadcast_in_dim3A_493 : vector<16xf32>
        %eq3A_495 = arith.constant 1 : i32
        %eq3A_496 = vector.broadcast %eq3A_495 : i32 to vector<16xi32>
        %eq3A_497 = arith.cmpi eq, %iota3A, %eq3A_496 : vector<16xi32>
        %select_n3A_498 = arith.select %eq3A_497, %exp3A_494, %select_n3A_463 : vector<16xi1>, vector<16xf32>
        %mul3A_499 = arith.mulf %get3A_474, %exp3A_494 : vector<16xf32>
        %swap3A_500 = arith.index_cast %scan3A_436 : i32 to index
        %swap3A_501 = arith.constant 32 : index
        %swap3A_502 = tpu.vector_load %arg10[%swap3A_500, %swap3A_501] {strides = array<i32>} : memref<80x64xf32, #tpu.memory_space<vmem>>, vector<16xf32>,
        tpu.vector_store %arg10[%swap3A_500, %swap3A_501], %mul3A_499 {strides = array<i32>} : memref<80x64xf32, #tpu.memory_space<vmem>>, vector<16xf32>,
        %mul3A_503 = arith.mulf %get3A_477, %exp3A_494 : vector<16xf32>
        %swap3A_504 = arith.index_cast %scan3A_436 : i32 to index
        %swap3A_505 = arith.constant 48 : index
        %swap3A_506 = tpu.vector_load %arg10[%swap3A_504, %swap3A_505] {strides = array<i32>} : memref<80x64xf32, #tpu.memory_space<vmem>>, vector<16xf32>,
        tpu.vector_store %arg10[%swap3A_504, %swap3A_505], %mul3A_503 {strides = array<i32>} : memref<80x64xf32, #tpu.memory_space<vmem>>, vector<16xf32>,
        %swap3A_507 = arith.index_cast %scan3A_436 : i32 to index
        %swap3A_508 = arith.constant 0 : index
        %swap3A_509 = tpu.vector_load %arg12[%swap3A_507, %swap3A_508] {strides = array<i32>} : memref<128x16xf32, #tpu.memory_space<vmem>>, vector<16xf32>,
        tpu.vector_store %arg12[%swap3A_507, %swap3A_508], %select_n3A_498 {strides = array<i32>} : memref<128x16xf32, #tpu.memory_space<vmem>>, vector<16xf32>,
      }
      %scan3A_213 = arith.constant 80 : i32
      "tpu.region"() ({
        %run_scoped3A = tpu.sem_alloc : memref<!tpu.dma_semaphore, #tpu.memory_space<semaphore_mem>>
        %dma_start3A_214 = arith.constant 0 : i32
        %dma_start3A_215 = arith.constant 0 : i32
        %dma_start3A_216 = tpu.memref_slice %arg14[%dma_start3A_214, %dma_start3A_215] : memref<10000x64xf32, #tpu.memory_space<vmem_shared>> -> memref<10000x64xf32, #tpu.memory_space<vmem_shared>>
        tpu.enqueue_indirect_dma source(%arg10 : memref<80x64xf32, #tpu.memory_space<vmem>>) target(%dma_start3A_216 : memref<10000x64xf32, #tpu.memory_space<vmem_shared>>) offsets(%arg8 : memref<80xi32, #tpu.memory_space<vmem>>) semaphore(%run_scoped3A : memref<!tpu.dma_semaphore, #tpu.memory_space<semaphore_mem>>) {add = true}
        %dma_wait3A_217 = arith.constant 0 : i32
        %dma_wait3A_218 = arith.constant 0 : i32
        %dma_wait3A_219 = tpu.memref_slice %arg14[%dma_wait3A_217, %dma_wait3A_218] : memref<10000x64xf32, #tpu.memory_space<vmem_shared>> -> memref<10000x64xf32, #tpu.memory_space<vmem_shared>>
        tpu.wait_indirect_dma semaphore(%run_scoped3A : memref<!tpu.dma_semaphore, #tpu.memory_space<semaphore_mem>>) src(%arg10 : memref<80x64xf32, #tpu.memory_space<vmem>>) dst(%dma_wait3A_219 : memref<10000x64xf32, #tpu.memory_space<vmem_shared>>)
        tpu.yield
      }) : () -> ()
      "tpu.region"() ({
        %run_scoped3A = tpu.sem_alloc : memref<!tpu.dma_semaphore, #tpu.memory_space<semaphore_mem>>
        %dma_start3A_214 = arith.constant 0 : i32
        %dma_start3A_215 = arith.constant 0 : i32
        %dma_start3A_216 = tpu.memref_slice %arg12[%dma_start3A_214, %dma_start3A_215] : memref<128x16xf32, #tpu.memory_space<vmem>> -> memref<80x16xf32, #tpu.memory_space<vmem>>
        %dma_start3A_217 = arith.constant 0 : i32
        %dma_start3A_218 = arith.constant 0 : i32
        %dma_start3A_219 = tpu.memref_slice %arg15[%dma_start3A_217, %dma_start3A_218] : memref<10000x16xf32, #tpu.memory_space<vmem_shared>> -> memref<10000x16xf32, #tpu.memory_space<vmem_shared>>
        tpu.enqueue_indirect_dma source(%dma_start3A_216 : memref<80x16xf32, #tpu.memory_space<vmem>>) target(%dma_start3A_219 : memref<10000x16xf32, #tpu.memory_space<vmem_shared>>) offsets(%arg8 : memref<80xi32, #tpu.memory_space<vmem>>) semaphore(%run_scoped3A : memref<!tpu.dma_semaphore, #tpu.memory_space<semaphore_mem>>) {add = true}
        %dma_wait3A_220 = arith.constant 0 : i32
        %dma_wait3A_221 = arith.constant 0 : i32
        %dma_wait3A_222 = tpu.memref_slice %arg12[%dma_wait3A_220, %dma_wait3A_221] : memref<128x16xf32, #tpu.memory_space<vmem>> -> memref<80x16xf32, #tpu.memory_space<vmem>>
        %dma_wait3A_223 = arith.constant 0 : i32
        %dma_wait3A_224 = arith.constant 0 : i32
        %dma_wait3A_225 = tpu.memref_slice %arg15[%dma_wait3A_223, %dma_wait3A_224] : memref<10000x16xf32, #tpu.memory_space<vmem_shared>> -> memref<10000x16xf32, #tpu.memory_space<vmem_shared>>
        tpu.wait_indirect_dma semaphore(%run_scoped3A : memref<!tpu.dma_semaphore, #tpu.memory_space<semaphore_mem>>) src(%dma_wait3A_222 : memref<80x16xf32, #tpu.memory_space<vmem>>) dst(%dma_wait3A_225 : memref<10000x16xf32, #tpu.memory_space<vmem_shared>>)
        tpu.yield
      }) : () -> ()
    }
    %scan3A_38 = arith.constant 250 : i32
    %barrier3A_39 = arith.constant 0 : index
    tpu.barrier barrier_id(%barrier3A_39)
    %mul3A_40 = arith.constant 10000 : i32
    %mul3A_41 = arith.muli %arg0, %mul3A_40 : i32
    %add3A_42 = arith.addi %mul3A_41, %multiple_of3A : i32
    %multiple_of3A_43 = tpu.assume_multiple %add3A_42, 8 : i32
    %add3A_44 = arith.constant 0 : i32
    %add3A_45 = arith.addi %multiple_of3A, %add3A_44 : i32
    "tpu.region"() ({
      %run_scoped3A = tpu.sem_alloc : memref<!tpu.dma_semaphore, #tpu.memory_space<semaphore_mem>>
      %dma_start3A = arith.constant 0 : i32
      %dma_start3A_89 = arith.constant 0 : i32
      %dma_start3A_90 = tpu.memref_slice %arg13[%dma_start3A, %dma_start3A_89] : memref<128x64xf32, #tpu.memory_space<vmem>> -> memref<128x64xf32, #tpu.memory_space<vmem>>
      %dma_start3A_91 = arith.constant 0 : i32
      %dma_start3A_92 = tpu.memref_slice %arg14[%add3A_45, %dma_start3A_91] : memref<10000x64xf32, #tpu.memory_space<vmem_shared>> -> memref<128x64xf32, #tpu.memory_space<vmem_shared>>
      %dma_start3A_93 = arith.constant 0 : i32
      %dma_start3A_94 = arith.constant 0 : i32
      %dma_start3A_95 = tpu.memref_slice %arg13[%dma_start3A_93, %dma_start3A_94] : memref<128x64xf32, #tpu.memory_space<vmem>> -> memref<128x64xf32, #tpu.memory_space<vmem>>
      %dma_start3A_96 = arith.constant 0 : i32
      %dma_start3A_97 = tpu.memref_slice %arg14[%add3A_45, %dma_start3A_96] : memref<10000x64xf32, #tpu.memory_space<vmem_shared>> -> memref<128x64xf32, #tpu.memory_space<vmem_shared>>
      tpu.enqueue_dma source(%dma_start3A_97 : memref<128x64xf32, #tpu.memory_space<vmem_shared>>) target(%dma_start3A_95 : memref<128x64xf32, #tpu.memory_space<vmem>>) target_semaphore(%run_scoped3A : memref<!tpu.dma_semaphore, #tpu.memory_space<semaphore_mem>>)
      %dma_wait3A = arith.constant 0 : i32
      %dma_wait3A_98 = arith.constant 0 : i32
      %dma_wait3A_99 = tpu.memref_slice %arg13[%dma_wait3A, %dma_wait3A_98] : memref<128x64xf32, #tpu.memory_space<vmem>> -> memref<128x64xf32, #tpu.memory_space<vmem>>
      %dma_wait3A_100 = arith.constant 0 : i32
      %dma_wait3A_101 = tpu.memref_slice %arg14[%add3A_45, %dma_wait3A_100] : memref<10000x64xf32, #tpu.memory_space<vmem_shared>> -> memref<128x64xf32, #tpu.memory_space<vmem_shared>>
      %dma_wait3A_102 = arith.constant 0 : i32
      %dma_wait3A_103 = arith.constant 0 : i32
      %dma_wait3A_104 = tpu.memref_slice %arg13[%dma_wait3A_102, %dma_wait3A_103] : memref<128x64xf32, #tpu.memory_space<vmem>> -> memref<128x64xf32, #tpu.memory_space<vmem>>
      %dma_wait3A_105 = arith.constant 0 : i32
      %dma_wait3A_106 = tpu.memref_slice %arg14[%add3A_45, %dma_wait3A_105] : memref<10000x64xf32, #tpu.memory_space<vmem_shared>> -> memref<128x64xf32, #tpu.memory_space<vmem_shared>>
      tpu.wait_dma2 semaphore(%run_scoped3A : memref<!tpu.dma_semaphore, #tpu.memory_space<semaphore_mem>>) src(%dma_wait3A_106 : memref<128x64xf32, #tpu.memory_space<vmem_shared>>) dst(%dma_wait3A_104 : memref<128x64xf32, #tpu.memory_space<vmem>>)
      tpu.yield
    }) : () -> ()
    %add3A_46 = arith.constant 0 : i32
    %add3A_47 = arith.addi %multiple_of3A_43, %add3A_46 : i32
    "tpu.region"() ({
      %run_scoped3A = tpu.sem_alloc : memref<!tpu.dma_semaphore, #tpu.memory_space<semaphore_mem>>
      %dma_start3A = arith.constant 0 : i32
      %dma_start3A_89 = arith.constant 0 : i32
      %dma_start3A_90 = tpu.memref_slice %arg13[%dma_start3A, %dma_start3A_89] : memref<128x64xf32, #tpu.memory_space<vmem>> -> memref<128x64xf32, #tpu.memory_space<vmem>>
      %dma_start3A_91 = arith.constant 0 : i32
      %dma_start3A_92 = tpu.memref_slice %arg5[%add3A_47, %dma_start3A_91] : memref<20000x64xf32, #tpu.memory_space<hbm>> -> memref<128x64xf32, #tpu.memory_space<hbm>>
      %dma_start3A_93 = arith.constant 0 : i32
      %dma_start3A_94 = tpu.memref_slice %arg5[%add3A_47, %dma_start3A_93] : memref<20000x64xf32, #tpu.memory_space<hbm>> -> memref<128x64xf32, #tpu.memory_space<hbm>>
      %dma_start3A_95 = arith.constant 0 : i32
      %dma_start3A_96 = arith.constant 0 : i32
      %dma_start3A_97 = tpu.memref_slice %arg13[%dma_start3A_95, %dma_start3A_96] : memref<128x64xf32, #tpu.memory_space<vmem>> -> memref<128x64xf32, #tpu.memory_space<vmem>>
      tpu.enqueue_dma source(%dma_start3A_97 : memref<128x64xf32, #tpu.memory_space<vmem>>) target(%dma_start3A_94 : memref<128x64xf32, #tpu.memory_space<hbm>>) target_semaphore(%run_scoped3A : memref<!tpu.dma_semaphore, #tpu.memory_space<semaphore_mem>>)
      %dma_wait3A = arith.constant 0 : i32
      %dma_wait3A_98 = arith.constant 0 : i32
      %dma_wait3A_99 = tpu.memref_slice %arg13[%dma_wait3A, %dma_wait3A_98] : memref<128x64xf32, #tpu.memory_space<vmem>> -> memref<128x64xf32, #tpu.memory_space<vmem>>
      %dma_wait3A_100 = arith.constant 0 : i32
      %dma_wait3A_101 = tpu.memref_slice %arg5[%add3A_47, %dma_wait3A_100] : memref<20000x64xf32, #tpu.memory_space<hbm>> -> memref<128x64xf32, #tpu.memory_space<hbm>>
      %dma_wait3A_102 = arith.constant 0 : i32
      %dma_wait3A_103 = tpu.memref_slice %arg5[%add3A_47, %dma_wait3A_102] : memref<20000x64xf32, #tpu.memory_space<hbm>> -> memref<128x64xf32, #tpu.memory_space<hbm>>
      %dma_wait3A_104 = arith.constant 0 : i32
      %dma_wait3A_105 = arith.constant 0 : i32
      %dma_wait3A_106 = tpu.memref_slice %arg13[%dma_wait3A_104, %dma_wait3A_105] : memref<128x64xf32, #tpu.memory_space<vmem>> -> memref<128x64xf32, #tpu.memory_space<vmem>>
      tpu.wait_dma2 semaphore(%run_scoped3A : memref<!tpu.dma_semaphore, #tpu.memory_space<semaphore_mem>>) src(%dma_wait3A_106 : memref<128x64xf32, #tpu.memory_space<vmem>>) dst(%dma_wait3A_103 : memref<128x64xf32, #tpu.memory_space<hbm>>)
      tpu.yield
    }) : () -> ()
    %add3A_48 = arith.constant 0 : i32
    %add3A_49 = arith.addi %multiple_of3A, %add3A_48 : i32
    "tpu.region"() ({
      %run_scoped3A = tpu.sem_alloc : memref<!tpu.dma_semaphore, #tpu.memory_space<semaphore_mem>>
      %dma_start3A = arith.constant 0 : i32
      %dma_start3A_89 = arith.constant 0 : i32
      %dma_start3A_90 = tpu.memref_slice %arg12[%dma_start3A, %dma_start3A_89] : memref<128x16xf32, #tpu.memory_space<vmem>> -> memref<128x16xf32, #tpu.memory_space<vmem>>
      %dma_start3A_91 = arith.constant 0 : i32
      %dma_start3A_92 = tpu.memref_slice %arg15[%add3A_49, %dma_start3A_91] : memref<10000x16xf32, #tpu.memory_space<vmem_shared>> -> memref<128x16xf32, #tpu.memory_space<vmem_shared>>
      %dma_start3A_93 = arith.constant 0 : i32
      %dma_start3A_94 = arith.constant 0 : i32
      %dma_start3A_95 = tpu.memref_slice %arg12[%dma_start3A_93, %dma_start3A_94] : memref<128x16xf32, #tpu.memory_space<vmem>> -> memref<128x16xf32, #tpu.memory_space<vmem>>
      %dma_start3A_96 = arith.constant 0 : i32
      %dma_start3A_97 = tpu.memref_slice %arg15[%add3A_49, %dma_start3A_96] : memref<10000x16xf32, #tpu.memory_space<vmem_shared>> -> memref<128x16xf32, #tpu.memory_space<vmem_shared>>
      tpu.enqueue_dma source(%dma_start3A_97 : memref<128x16xf32, #tpu.memory_space<vmem_shared>>) target(%dma_start3A_95 : memref<128x16xf32, #tpu.memory_space<vmem>>) target_semaphore(%run_scoped3A : memref<!tpu.dma_semaphore, #tpu.memory_space<semaphore_mem>>)
      %dma_wait3A = arith.constant 0 : i32
      %dma_wait3A_98 = arith.constant 0 : i32
      %dma_wait3A_99 = tpu.memref_slice %arg12[%dma_wait3A, %dma_wait3A_98] : memref<128x16xf32, #tpu.memory_space<vmem>> -> memref<128x16xf32, #tpu.memory_space<vmem>>
      %dma_wait3A_100 = arith.constant 0 : i32
      %dma_wait3A_101 = tpu.memref_slice %arg15[%add3A_49, %dma_wait3A_100] : memref<10000x16xf32, #tpu.memory_space<vmem_shared>> -> memref<128x16xf32, #tpu.memory_space<vmem_shared>>
      %dma_wait3A_102 = arith.constant 0 : i32
      %dma_wait3A_103 = arith.constant 0 : i32
      %dma_wait3A_104 = tpu.memref_slice %arg12[%dma_wait3A_102, %dma_wait3A_103] : memref<128x16xf32, #tpu.memory_space<vmem>> -> memref<128x16xf32, #tpu.memory_space<vmem>>
      %dma_wait3A_105 = arith.constant 0 : i32
      %dma_wait3A_106 = tpu.memref_slice %arg15[%add3A_49, %dma_wait3A_105] : memref<10000x16xf32, #tpu.memory_space<vmem_shared>> -> memref<128x16xf32, #tpu.memory_space<vmem_shared>>
      tpu.wait_dma2 semaphore(%run_scoped3A : memref<!tpu.dma_semaphore, #tpu.memory_space<semaphore_mem>>) src(%dma_wait3A_106 : memref<128x16xf32, #tpu.memory_space<vmem_shared>>) dst(%dma_wait3A_104 : memref<128x16xf32, #tpu.memory_space<vmem>>)
      tpu.yield
    }) : () -> ()
    %add3A_50 = arith.constant 0 : i32
    %add3A_51 = arith.addi %multiple_of3A_43, %add3A_50 : i32
    "tpu.region"() ({
      %run_scoped3A = tpu.sem_alloc : memref<!tpu.dma_semaphore, #tpu.memory_space<semaphore_mem>>
      %dma_start3A = arith.constant 0 : i32
      %dma_start3A_89 = arith.constant 0 : i32
      %dma_start3A_90 = tpu.memref_slice %arg12[%dma_start3A, %dma_start3A_89] : memref<128x16xf32, #tpu.memory_space<vmem>> -> memref<128x16xf32, #tpu.memory_space<vmem>>
      %dma_start3A_91 = arith.constant 0 : i32
      %dma_start3A_92 = tpu.memref_slice %arg6[%add3A_51, %dma_start3A_91] : memref<20000x16xf32, #tpu.memory_space<hbm>> -> memref<128x16xf32, #tpu.memory_space<hbm>>
      %dma_start3A_93 = arith.constant 0 : i32
      %dma_start3A_94 = tpu.memref_slice %arg6[%add3A_51, %dma_start3A_93] : memref<20000x16xf32, #tpu.memory_space<hbm>> -> memref<128x16xf32, #tpu.memory_space<hbm>>
      %dma_start3A_95 = arith.constant 0 : i32
      %dma_start3A_96 = arith.constant 0 : i32
      %dma_start3A_97 = tpu.memref_slice %arg12[%dma_start3A_95, %dma_start3A_96] : memref<128x16xf32, #tpu.memory_space<vmem>> -> memref<128x16xf32, #tpu.memory_space<vmem>>
      tpu.enqueue_dma source(%dma_start3A_97 : memref<128x16xf32, #tpu.memory_space<vmem>>) target(%dma_start3A_94 : memref<128x16xf32, #tpu.memory_space<hbm>>) target_semaphore(%run_scoped3A : memref<!tpu.dma_semaphore, #tpu.memory_space<semaphore_mem>>)
      %dma_wait3A = arith.constant 0 : i32
      %dma_wait3A_98 = arith.constant 0 : i32
      %dma_wait3A_99 = tpu.memref_slice %arg12[%dma_wait3A, %dma_wait3A_98] : memref<128x16xf32, #tpu.memory_space<vmem>> -> memref<128x16xf32, #tpu.memory_space<vmem>>
      %dma_wait3A_100 = arith.constant 0 : i32
      %dma_wait3A_101 = tpu.memref_slice %arg6[%add3A_51, %dma_wait3A_100] : memref<20000x16xf32, #tpu.memory_space<hbm>> -> memref<128x16xf32, #tpu.memory_space<hbm>>
      %dma_wait3A_102 = arith.constant 0 : i32
      %dma_wait3A_103 = tpu.memref_slice %arg6[%add3A_51, %dma_wait3A_102] : memref<20000x16xf32, #tpu.memory_space<hbm>> -> memref<128x16xf32, #tpu.memory_space<hbm>>
      %dma_wait3A_104 = arith.constant 0 : i32
      %dma_wait3A_105 = arith.constant 0 : i32
      %dma_wait3A_106 = tpu.memref_slice %arg12[%dma_wait3A_104, %dma_wait3A_105] : memref<128x16xf32, #tpu.memory_space<vmem>> -> memref<128x16xf32, #tpu.memory_space<vmem>>
      tpu.wait_dma2 semaphore(%run_scoped3A : memref<!tpu.dma_semaphore, #tpu.memory_space<semaphore_mem>>) src(%dma_wait3A_106 : memref<128x16xf32, #tpu.memory_space<vmem>>) dst(%dma_wait3A_103 : memref<128x16xf32, #tpu.memory_space<hbm>>)
      tpu.yield
    }) : () -> ()
    %add3A_52 = arith.constant 128 : i32
    %add3A_53 = arith.addi %multiple_of3A, %add3A_52 : i32
    "tpu.region"() ({
      %run_scoped3A = tpu.sem_alloc : memref<!tpu.dma_semaphore, #tpu.memory_space<semaphore_mem>>
      %dma_start3A = arith.constant 0 : i32
      %dma_start3A_89 = arith.constant 0 : i32
      %dma_start3A_90 = tpu.memref_slice %arg13[%dma_start3A, %dma_start3A_89] : memref<128x64xf32, #tpu.memory_space<vmem>> -> memref<128x64xf32, #tpu.memory_space<vmem>>
      %dma_start3A_91 = arith.constant 0 : i32
      %dma_start3A_92 = tpu.memref_slice %arg14[%add3A_53, %dma_start3A_91] : memref<10000x64xf32, #tpu.memory_space<vmem_shared>> -> memref<128x64xf32, #tpu.memory_space<vmem_shared>>
      %dma_start3A_93 = arith.constant 0 : i32
      %dma_start3A_94 = arith.constant 0 : i32
      %dma_start3A_95 = tpu.memref_slice %arg13[%dma_start3A_93, %dma_start3A_94] : memref<128x64xf32, #tpu.memory_space<vmem>> -> memref<128x64xf32, #tpu.memory_space<vmem>>
      %dma_start3A_96 = arith.constant 0 : i32
      %dma_start3A_97 = tpu.memref_slice %arg14[%add3A_53, %dma_start3A_96] : memref<10000x64xf32, #tpu.memory_space<vmem_shared>> -> memref<128x64xf32, #tpu.memory_space<vmem_shared>>
      tpu.enqueue_dma source(%dma_start3A_97 : memref<128x64xf32, #tpu.memory_space<vmem_shared>>) target(%dma_start3A_95 : memref<128x64xf32, #tpu.memory_space<vmem>>) target_semaphore(%run_scoped3A : memref<!tpu.dma_semaphore, #tpu.memory_space<semaphore_mem>>)
      %dma_wait3A = arith.constant 0 : i32
      %dma_wait3A_98 = arith.constant 0 : i32
      %dma_wait3A_99 = tpu.memref_slice %arg13[%dma_wait3A, %dma_wait3A_98] : memref<128x64xf32, #tpu.memory_space<vmem>> -> memref<128x64xf32, #tpu.memory_space<vmem>>
      %dma_wait3A_100 = arith.constant 0 : i32
      %dma_wait3A_101 = tpu.memref_slice %arg14[%add3A_53, %dma_wait3A_100] : memref<10000x64xf32, #tpu.memory_space<vmem_shared>> -> memref<128x64xf32, #tpu.memory_space<vmem_shared>>
      %dma_wait3A_102 = arith.constant 0 : i32
      %dma_wait3A_103 = arith.constant 0 : i32
      %dma_wait3A_104 = tpu.memref_slice %arg13[%dma_wait3A_102, %dma_wait3A_103] : memref<128x64xf32, #tpu.memory_space<vmem>> -> memref<128x64xf32, #tpu.memory_space<vmem>>
      %dma_wait3A_105 = arith.constant 0 : i32
      %dma_wait3A_106 = tpu.memref_slice %arg14[%add3A_53, %dma_wait3A_105] : memref<10000x64xf32, #tpu.memory_space<vmem_shared>> -> memref<128x64xf32, #tpu.memory_space<vmem_shared>>
      tpu.wait_dma2 semaphore(%run_scoped3A : memref<!tpu.dma_semaphore, #tpu.memory_space<semaphore_mem>>) src(%dma_wait3A_106 : memref<128x64xf32, #tpu.memory_space<vmem_shared>>) dst(%dma_wait3A_104 : memref<128x64xf32, #tpu.memory_space<vmem>>)
      tpu.yield
    }) : () -> ()
    %add3A_54 = arith.constant 128 : i32
    %add3A_55 = arith.addi %multiple_of3A_43, %add3A_54 : i32
    "tpu.region"() ({
      %run_scoped3A = tpu.sem_alloc : memref<!tpu.dma_semaphore, #tpu.memory_space<semaphore_mem>>
      %dma_start3A = arith.constant 0 : i32
      %dma_start3A_89 = arith.constant 0 : i32
      %dma_start3A_90 = tpu.memref_slice %arg13[%dma_start3A, %dma_start3A_89] : memref<128x64xf32, #tpu.memory_space<vmem>> -> memref<128x64xf32, #tpu.memory_space<vmem>>
      %dma_start3A_91 = arith.constant 0 : i32
      %dma_start3A_92 = tpu.memref_slice %arg5[%add3A_55, %dma_start3A_91] : memref<20000x64xf32, #tpu.memory_space<hbm>> -> memref<128x64xf32, #tpu.memory_space<hbm>>
      %dma_start3A_93 = arith.constant 0 : i32
      %dma_start3A_94 = tpu.memref_slice %arg5[%add3A_55, %dma_start3A_93] : memref<20000x64xf32, #tpu.memory_space<hbm>> -> memref<128x64xf32, #tpu.memory_space<hbm>>
      %dma_start3A_95 = arith.constant 0 : i32
      %dma_start3A_96 = arith.constant 0 : i32
      %dma_start3A_97 = tpu.memref_slice %arg13[%dma_start3A_95, %dma_start3A_96] : memref<128x64xf32, #tpu.memory_space<vmem>> -> memref<128x64xf32, #tpu.memory_space<vmem>>
      tpu.enqueue_dma source(%dma_start3A_97 : memref<128x64xf32, #tpu.memory_space<vmem>>) target(%dma_start3A_94 : memref<128x64xf32, #tpu.memory_space<hbm>>) target_semaphore(%run_scoped3A : memref<!tpu.dma_semaphore, #tpu.memory_space<semaphore_mem>>)
      %dma_wait3A = arith.constant 0 : i32
      %dma_wait3A_98 = arith.constant 0 : i32
      %dma_wait3A_99 = tpu.memref_slice %arg13[%dma_wait3A, %dma_wait3A_98] : memref<128x64xf32, #tpu.memory_space<vmem>> -> memref<128x64xf32, #tpu.memory_space<vmem>>
      %dma_wait3A_100 = arith.constant 0 : i32
      %dma_wait3A_101 = tpu.memref_slice %arg5[%add3A_55, %dma_wait3A_100] : memref<20000x64xf32, #tpu.memory_space<hbm>> -> memref<128x64xf32, #tpu.memory_space<hbm>>
      %dma_wait3A_102 = arith.constant 0 : i32
      %dma_wait3A_103 = tpu.memref_slice %arg5[%add3A_55, %dma_wait3A_102] : memref<20000x64xf32, #tpu.memory_space<hbm>> -> memref<128x64xf32, #tpu.memory_space<hbm>>
      %dma_wait3A_104 = arith.constant 0 : i32
      %dma_wait3A_105 = arith.constant 0 : i32
      %dma_wait3A_106 = tpu.memref_slice %arg13[%dma_wait3A_104, %dma_wait3A_105] : memref<128x64xf32, #tpu.memory_space<vmem>> -> memref<128x64xf32, #tpu.memory_space<vmem>>
      tpu.wait_dma2 semaphore(%run_scoped3A : memref<!tpu.dma_semaphore, #tpu.memory_space<semaphore_mem>>) src(%dma_wait3A_106 : memref<128x64xf32, #tpu.memory_space<vmem>>) dst(%dma_wait3A_103 : memref<128x64xf32, #tpu.memory_space<hbm>>)
      tpu.yield
    }) : () -> ()
    %add3A_56 = arith.constant 128 : i32
    %add3A_57 = arith.addi %multiple_of3A, %add3A_56 : i32
    "tpu.region"() ({
      %run_scoped3A = tpu.sem_alloc : memref<!tpu.dma_semaphore, #tpu.memory_space<semaphore_mem>>
      %dma_start3A = arith.constant 0 : i32
      %dma_start3A_89 = arith.constant 0 : i32
      %dma_start3A_90 = tpu.memref_slice %arg12[%dma_start3A, %dma_start3A_89] : memref<128x16xf32, #tpu.memory_space<vmem>> -> memref<128x16xf32, #tpu.memory_space<vmem>>
      %dma_start3A_91 = arith.constant 0 : i32
      %dma_start3A_92 = tpu.memref_slice %arg15[%add3A_57, %dma_start3A_91] : memref<10000x16xf32, #tpu.memory_space<vmem_shared>> -> memref<128x16xf32, #tpu.memory_space<vmem_shared>>
      %dma_start3A_93 = arith.constant 0 : i32
      %dma_start3A_94 = arith.constant 0 : i32
      %dma_start3A_95 = tpu.memref_slice %arg12[%dma_start3A_93, %dma_start3A_94] : memref<128x16xf32, #tpu.memory_space<vmem>> -> memref<128x16xf32, #tpu.memory_space<vmem>>
      %dma_start3A_96 = arith.constant 0 : i32
      %dma_start3A_97 = tpu.memref_slice %arg15[%add3A_57, %dma_start3A_96] : memref<10000x16xf32, #tpu.memory_space<vmem_shared>> -> memref<128x16xf32, #tpu.memory_space<vmem_shared>>
      tpu.enqueue_dma source(%dma_start3A_97 : memref<128x16xf32, #tpu.memory_space<vmem_shared>>) target(%dma_start3A_95 : memref<128x16xf32, #tpu.memory_space<vmem>>) target_semaphore(%run_scoped3A : memref<!tpu.dma_semaphore, #tpu.memory_space<semaphore_mem>>)
      %dma_wait3A = arith.constant 0 : i32
      %dma_wait3A_98 = arith.constant 0 : i32
      %dma_wait3A_99 = tpu.memref_slice %arg12[%dma_wait3A, %dma_wait3A_98] : memref<128x16xf32, #tpu.memory_space<vmem>> -> memref<128x16xf32, #tpu.memory_space<vmem>>
      %dma_wait3A_100 = arith.constant 0 : i32
      %dma_wait3A_101 = tpu.memref_slice %arg15[%add3A_57, %dma_wait3A_100] : memref<10000x16xf32, #tpu.memory_space<vmem_shared>> -> memref<128x16xf32, #tpu.memory_space<vmem_shared>>
      %dma_wait3A_102 = arith.constant 0 : i32
      %dma_wait3A_103 = arith.constant 0 : i32
      %dma_wait3A_104 = tpu.memref_slice %arg12[%dma_wait3A_102, %dma_wait3A_103] : memref<128x16xf32, #tpu.memory_space<vmem>> -> memref<128x16xf32, #tpu.memory_space<vmem>>
      %dma_wait3A_105 = arith.constant 0 : i32
      %dma_wait3A_106 = tpu.memref_slice %arg15[%add3A_57, %dma_wait3A_105] : memref<10000x16xf32, #tpu.memory_space<vmem_shared>> -> memref<128x16xf32, #tpu.memory_space<vmem_shared>>
      tpu.wait_dma2 semaphore(%run_scoped3A : memref<!tpu.dma_semaphore, #tpu.memory_space<semaphore_mem>>) src(%dma_wait3A_106 : memref<128x16xf32, #tpu.memory_space<vmem_shared>>) dst(%dma_wait3A_104 : memref<128x16xf32, #tpu.memory_space<vmem>>)
      tpu.yield
    }) : () -> ()
    %add3A_58 = arith.constant 128 : i32
    %add3A_59 = arith.addi %multiple_of3A_43, %add3A_58 : i32
    "tpu.region"() ({
      %run_scoped3A = tpu.sem_alloc : memref<!tpu.dma_semaphore, #tpu.memory_space<semaphore_mem>>
      %dma_start3A = arith.constant 0 : i32
      %dma_start3A_89 = arith.constant 0 : i32
      %dma_start3A_90 = tpu.memref_slice %arg12[%dma_start3A, %dma_start3A_89] : memref<128x16xf32, #tpu.memory_space<vmem>> -> memref<128x16xf32, #tpu.memory_space<vmem>>
      %dma_start3A_91 = arith.constant 0 : i32
      %dma_start3A_92 = tpu.memref_slice %arg6[%add3A_59, %dma_start3A_91] : memref<20000x16xf32, #tpu.memory_space<hbm>> -> memref<128x16xf32, #tpu.memory_space<hbm>>
      %dma_start3A_93 = arith.constant 0 : i32
      %dma_start3A_94 = tpu.memref_slice %arg6[%add3A_59, %dma_start3A_93] : memref<20000x16xf32, #tpu.memory_space<hbm>> -> memref<128x16xf32, #tpu.memory_space<hbm>>
      %dma_start3A_95 = arith.constant 0 : i32
      %dma_start3A_96 = arith.constant 0 : i32
      %dma_start3A_97 = tpu.memref_slice %arg12[%dma_start3A_95, %dma_start3A_96] : memref<128x16xf32, #tpu.memory_space<vmem>> -> memref<128x16xf32, #tpu.memory_space<vmem>>
      tpu.enqueue_dma source(%dma_start3A_97 : memref<128x16xf32, #tpu.memory_space<vmem>>) target(%dma_start3A_94 : memref<128x16xf32, #tpu.memory_space<hbm>>) target_semaphore(%run_scoped3A : memref<!tpu.dma_semaphore, #tpu.memory_space<semaphore_mem>>)
      %dma_wait3A = arith.constant 0 : i32
      %dma_wait3A_98 = arith.constant 0 : i32
      %dma_wait3A_99 = tpu.memref_slice %arg12[%dma_wait3A, %dma_wait3A_98] : memref<128x16xf32, #tpu.memory_space<vmem>> -> memref<128x16xf32, #tpu.memory_space<vmem>>
      %dma_wait3A_100 = arith.constant 0 : i32
      %dma_wait3A_101 = tpu.memref_slice %arg6[%add3A_59, %dma_wait3A_100] : memref<20000x16xf32, #tpu.memory_space<hbm>> -> memref<128x16xf32, #tpu.memory_space<hbm>>
      %dma_wait3A_102 = arith.constant 0 : i32
      %dma_wait3A_103 = tpu.memref_slice %arg6[%add3A_59, %dma_wait3A_102] : memref<20000x16xf32, #tpu.memory_space<hbm>> -> memref<128x16xf32, #tpu.memory_space<hbm>>
      %dma_wait3A_104 = arith.constant 0 : i32
      %dma_wait3A_105 = arith.constant 0 : i32
      %dma_wait3A_106 = tpu.memref_slice %arg12[%dma_wait3A_104, %dma_wait3A_105] : memref<128x16xf32, #tpu.memory_space<vmem>> -> memref<128x16xf32, #tpu.memory_space<vmem>>
      tpu.wait_dma2 semaphore(%run_scoped3A : memref<!tpu.dma_semaphore, #tpu.memory_space<semaphore_mem>>) src(%dma_wait3A_106 : memref<128x16xf32, #tpu.memory_space<vmem>>) dst(%dma_wait3A_103 : memref<128x16xf32, #tpu.memory_space<hbm>>)
      tpu.yield
    }) : () -> ()
    %add3A_60 = arith.constant 256 : i32
    %add3A_61 = arith.addi %multiple_of3A, %add3A_60 : i32
    "tpu.region"() ({
      %run_scoped3A = tpu.sem_alloc : memref<!tpu.dma_semaphore, #tpu.memory_space<semaphore_mem>>
      %dma_start3A = arith.constant 0 : i32
      %dma_start3A_89 = arith.constant 0 : i32
      %dma_start3A_90 = tpu.memref_slice %arg13[%dma_start3A, %dma_start3A_89] : memref<128x64xf32, #tpu.memory_space<vmem>> -> memref<128x64xf32, #tpu.memory_space<vmem>>
      %dma_start3A_91 = arith.constant 0 : i32
      %dma_start3A_92 = tpu.memref_slice %arg14[%add3A_61, %dma_start3A_91] : memref<10000x64xf32, #tpu.memory_space<vmem_shared>> -> memref<128x64xf32, #tpu.memory_space<vmem_shared>>
      %dma_start3A_93 = arith.constant 0 : i32
      %dma_start3A_94 = arith.constant 0 : i32
      %dma_start3A_95 = tpu.memref_slice %arg13[%dma_start3A_93, %dma_start3A_94] : memref<128x64xf32, #tpu.memory_space<vmem>> -> memref<128x64xf32, #tpu.memory_space<vmem>>
      %dma_start3A_96 = arith.constant 0 : i32
      %dma_start3A_97 = tpu.memref_slice %arg14[%add3A_61, %dma_start3A_96] : memref<10000x64xf32, #tpu.memory_space<vmem_shared>> -> memref<128x64xf32, #tpu.memory_space<vmem_shared>>
      tpu.enqueue_dma source(%dma_start3A_97 : memref<128x64xf32, #tpu.memory_space<vmem_shared>>) target(%dma_start3A_95 : memref<128x64xf32, #tpu.memory_space<vmem>>) target_semaphore(%run_scoped3A : memref<!tpu.dma_semaphore, #tpu.memory_space<semaphore_mem>>)
      %dma_wait3A = arith.constant 0 : i32
      %dma_wait3A_98 = arith.constant 0 : i32
      %dma_wait3A_99 = tpu.memref_slice %arg13[%dma_wait3A, %dma_wait3A_98] : memref<128x64xf32, #tpu.memory_space<vmem>> -> memref<128x64xf32, #tpu.memory_space<vmem>>
      %dma_wait3A_100 = arith.constant 0 : i32
      %dma_wait3A_101 = tpu.memref_slice %arg14[%add3A_61, %dma_wait3A_100] : memref<10000x64xf32, #tpu.memory_space<vmem_shared>> -> memref<128x64xf32, #tpu.memory_space<vmem_shared>>
      %dma_wait3A_102 = arith.constant 0 : i32
      %dma_wait3A_103 = arith.constant 0 : i32
      %dma_wait3A_104 = tpu.memref_slice %arg13[%dma_wait3A_102, %dma_wait3A_103] : memref<128x64xf32, #tpu.memory_space<vmem>> -> memref<128x64xf32, #tpu.memory_space<vmem>>
      %dma_wait3A_105 = arith.constant 0 : i32
      %dma_wait3A_106 = tpu.memref_slice %arg14[%add3A_61, %dma_wait3A_105] : memref<10000x64xf32, #tpu.memory_space<vmem_shared>> -> memref<128x64xf32, #tpu.memory_space<vmem_shared>>
      tpu.wait_dma2 semaphore(%run_scoped3A : memref<!tpu.dma_semaphore, #tpu.memory_space<semaphore_mem>>) src(%dma_wait3A_106 : memref<128x64xf32, #tpu.memory_space<vmem_shared>>) dst(%dma_wait3A_104 : memref<128x64xf32, #tpu.memory_space<vmem>>)
      tpu.yield
    }) : () -> ()
    %add3A_62 = arith.constant 256 : i32
    %add3A_63 = arith.addi %multiple_of3A_43, %add3A_62 : i32
    "tpu.region"() ({
      %run_scoped3A = tpu.sem_alloc : memref<!tpu.dma_semaphore, #tpu.memory_space<semaphore_mem>>
      %dma_start3A = arith.constant 0 : i32
      %dma_start3A_89 = arith.constant 0 : i32
      %dma_start3A_90 = tpu.memref_slice %arg13[%dma_start3A, %dma_start3A_89] : memref<128x64xf32, #tpu.memory_space<vmem>> -> memref<128x64xf32, #tpu.memory_space<vmem>>
      %dma_start3A_91 = arith.constant 0 : i32
      %dma_start3A_92 = tpu.memref_slice %arg5[%add3A_63, %dma_start3A_91] : memref<20000x64xf32, #tpu.memory_space<hbm>> -> memref<128x64xf32, #tpu.memory_space<hbm>>
      %dma_start3A_93 = arith.constant 0 : i32
      %dma_start3A_94 = tpu.memref_slice %arg5[%add3A_63, %dma_start3A_93] : memref<20000x64xf32, #tpu.memory_space<hbm>> -> memref<128x64xf32, #tpu.memory_space<hbm>>
      %dma_start3A_95 = arith.constant 0 : i32
      %dma_start3A_96 = arith.constant 0 : i32
      %dma_start3A_97 = tpu.memref_slice %arg13[%dma_start3A_95, %dma_start3A_96] : memref<128x64xf32, #tpu.memory_space<vmem>> -> memref<128x64xf32, #tpu.memory_space<vmem>>
      tpu.enqueue_dma source(%dma_start3A_97 : memref<128x64xf32, #tpu.memory_space<vmem>>) target(%dma_start3A_94 : memref<128x64xf32, #tpu.memory_space<hbm>>) target_semaphore(%run_scoped3A : memref<!tpu.dma_semaphore, #tpu.memory_space<semaphore_mem>>)
      %dma_wait3A = arith.constant 0 : i32
      %dma_wait3A_98 = arith.constant 0 : i32
      %dma_wait3A_99 = tpu.memref_slice %arg13[%dma_wait3A, %dma_wait3A_98] : memref<128x64xf32, #tpu.memory_space<vmem>> -> memref<128x64xf32, #tpu.memory_space<vmem>>
      %dma_wait3A_100 = arith.constant 0 : i32
      %dma_wait3A_101 = tpu.memref_slice %arg5[%add3A_63, %dma_wait3A_100] : memref<20000x64xf32, #tpu.memory_space<hbm>> -> memref<128x64xf32, #tpu.memory_space<hbm>>
      %dma_wait3A_102 = arith.constant 0 : i32
      %dma_wait3A_103 = tpu.memref_slice %arg5[%add3A_63, %dma_wait3A_102] : memref<20000x64xf32, #tpu.memory_space<hbm>> -> memref<128x64xf32, #tpu.memory_space<hbm>>
      %dma_wait3A_104 = arith.constant 0 : i32
      %dma_wait3A_105 = arith.constant 0 : i32
      %dma_wait3A_106 = tpu.memref_slice %arg13[%dma_wait3A_104, %dma_wait3A_105] : memref<128x64xf32, #tpu.memory_space<vmem>> -> memref<128x64xf32, #tpu.memory_space<vmem>>
      tpu.wait_dma2 semaphore(%run_scoped3A : memref<!tpu.dma_semaphore, #tpu.memory_space<semaphore_mem>>) src(%dma_wait3A_106 : memref<128x64xf32, #tpu.memory_space<vmem>>) dst(%dma_wait3A_103 : memref<128x64xf32, #tpu.memory_space<hbm>>)
      tpu.yield
    }) : () -> ()
    %add3A_64 = arith.constant 256 : i32
    %add3A_65 = arith.addi %multiple_of3A, %add3A_64 : i32
    "tpu.region"() ({
      %run_scoped3A = tpu.sem_alloc : memref<!tpu.dma_semaphore, #tpu.memory_space<semaphore_mem>>
      %dma_start3A = arith.constant 0 : i32
      %dma_start3A_89 = arith.constant 0 : i32
      %dma_start3A_90 = tpu.memref_slice %arg12[%dma_start3A, %dma_start3A_89] : memref<128x16xf32, #tpu.memory_space<vmem>> -> memref<128x16xf32, #tpu.memory_space<vmem>>
      %dma_start3A_91 = arith.constant 0 : i32
      %dma_start3A_92 = tpu.memref_slice %arg15[%add3A_65, %dma_start3A_91] : memref<10000x16xf32, #tpu.memory_space<vmem_shared>> -> memref<128x16xf32, #tpu.memory_space<vmem_shared>>
      %dma_start3A_93 = arith.constant 0 : i32
      %dma_start3A_94 = arith.constant 0 : i32
      %dma_start3A_95 = tpu.memref_slice %arg12[%dma_start3A_93, %dma_start3A_94] : memref<128x16xf32, #tpu.memory_space<vmem>> -> memref<128x16xf32, #tpu.memory_space<vmem>>
      %dma_start3A_96 = arith.constant 0 : i32
      %dma_start3A_97 = tpu.memref_slice %arg15[%add3A_65, %dma_start3A_96] : memref<10000x16xf32, #tpu.memory_space<vmem_shared>> -> memref<128x16xf32, #tpu.memory_space<vmem_shared>>
      tpu.enqueue_dma source(%dma_start3A_97 : memref<128x16xf32, #tpu.memory_space<vmem_shared>>) target(%dma_start3A_95 : memref<128x16xf32, #tpu.memory_space<vmem>>) target_semaphore(%run_scoped3A : memref<!tpu.dma_semaphore, #tpu.memory_space<semaphore_mem>>)
      %dma_wait3A = arith.constant 0 : i32
      %dma_wait3A_98 = arith.constant 0 : i32
      %dma_wait3A_99 = tpu.memref_slice %arg12[%dma_wait3A, %dma_wait3A_98] : memref<128x16xf32, #tpu.memory_space<vmem>> -> memref<128x16xf32, #tpu.memory_space<vmem>>
      %dma_wait3A_100 = arith.constant 0 : i32
      %dma_wait3A_101 = tpu.memref_slice %arg15[%add3A_65, %dma_wait3A_100] : memref<10000x16xf32, #tpu.memory_space<vmem_shared>> -> memref<128x16xf32, #tpu.memory_space<vmem_shared>>
      %dma_wait3A_102 = arith.constant 0 : i32
      %dma_wait3A_103 = arith.constant 0 : i32
      %dma_wait3A_104 = tpu.memref_slice %arg12[%dma_wait3A_102, %dma_wait3A_103] : memref<128x16xf32, #tpu.memory_space<vmem>> -> memref<128x16xf32, #tpu.memory_space<vmem>>
      %dma_wait3A_105 = arith.constant 0 : i32
      %dma_wait3A_106 = tpu.memref_slice %arg15[%add3A_65, %dma_wait3A_105] : memref<10000x16xf32, #tpu.memory_space<vmem_shared>> -> memref<128x16xf32, #tpu.memory_space<vmem_shared>>
      tpu.wait_dma2 semaphore(%run_scoped3A : memref<!tpu.dma_semaphore, #tpu.memory_space<semaphore_mem>>) src(%dma_wait3A_106 : memref<128x16xf32, #tpu.memory_space<vmem_shared>>) dst(%dma_wait3A_104 : memref<128x16xf32, #tpu.memory_space<vmem>>)
      tpu.yield
    }) : () -> ()
    %add3A_66 = arith.constant 256 : i32
    %add3A_67 = arith.addi %multiple_of3A_43, %add3A_66 : i32
    "tpu.region"() ({
      %run_scoped3A = tpu.sem_alloc : memref<!tpu.dma_semaphore, #tpu.memory_space<semaphore_mem>>
      %dma_start3A = arith.constant 0 : i32
      %dma_start3A_89 = arith.constant 0 : i32
      %dma_start3A_90 = tpu.memref_slice %arg12[%dma_start3A, %dma_start3A_89] : memref<128x16xf32, #tpu.memory_space<vmem>> -> memref<128x16xf32, #tpu.memory_space<vmem>>
      %dma_start3A_91 = arith.constant 0 : i32
      %dma_start3A_92 = tpu.memref_slice %arg6[%add3A_67, %dma_start3A_91] : memref<20000x16xf32, #tpu.memory_space<hbm>> -> memref<128x16xf32, #tpu.memory_space<hbm>>
      %dma_start3A_93 = arith.constant 0 : i32
      %dma_start3A_94 = tpu.memref_slice %arg6[%add3A_67, %dma_start3A_93] : memref<20000x16xf32, #tpu.memory_space<hbm>> -> memref<128x16xf32, #tpu.memory_space<hbm>>
      %dma_start3A_95 = arith.constant 0 : i32
      %dma_start3A_96 = arith.constant 0 : i32
      %dma_start3A_97 = tpu.memref_slice %arg12[%dma_start3A_95, %dma_start3A_96] : memref<128x16xf32, #tpu.memory_space<vmem>> -> memref<128x16xf32, #tpu.memory_space<vmem>>
      tpu.enqueue_dma source(%dma_start3A_97 : memref<128x16xf32, #tpu.memory_space<vmem>>) target(%dma_start3A_94 : memref<128x16xf32, #tpu.memory_space<hbm>>) target_semaphore(%run_scoped3A : memref<!tpu.dma_semaphore, #tpu.memory_space<semaphore_mem>>)
      %dma_wait3A = arith.constant 0 : i32
      %dma_wait3A_98 = arith.constant 0 : i32
      %dma_wait3A_99 = tpu.memref_slice %arg12[%dma_wait3A, %dma_wait3A_98] : memref<128x16xf32, #tpu.memory_space<vmem>> -> memref<128x16xf32, #tpu.memory_space<vmem>>
      %dma_wait3A_100 = arith.constant 0 : i32
      %dma_wait3A_101 = tpu.memref_slice %arg6[%add3A_67, %dma_wait3A_100] : memref<20000x16xf32, #tpu.memory_space<hbm>> -> memref<128x16xf32, #tpu.memory_space<hbm>>
      %dma_wait3A_102 = arith.constant 0 : i32
      %dma_wait3A_103 = tpu.memref_slice %arg6[%add3A_67, %dma_wait3A_102] : memref<20000x16xf32, #tpu.memory_space<hbm>> -> memref<128x16xf32, #tpu.memory_space<hbm>>
      %dma_wait3A_104 = arith.constant 0 : i32
      %dma_wait3A_105 = arith.constant 0 : i32
      %dma_wait3A_106 = tpu.memref_slice %arg12[%dma_wait3A_104, %dma_wait3A_105] : memref<128x16xf32, #tpu.memory_space<vmem>> -> memref<128x16xf32, #tpu.memory_space<vmem>>
      tpu.wait_dma2 semaphore(%run_scoped3A : memref<!tpu.dma_semaphore, #tpu.memory_space<semaphore_mem>>) src(%dma_wait3A_106 : memref<128x16xf32, #tpu.memory_space<vmem>>) dst(%dma_wait3A_103 : memref<128x16xf32, #tpu.memory_space<hbm>>)
      tpu.yield
    }) : () -> ()
    %add3A_68 = arith.constant 384 : i32
    %add3A_69 = arith.addi %multiple_of3A, %add3A_68 : i32
    "tpu.region"() ({
      %run_scoped3A = tpu.sem_alloc : memref<!tpu.dma_semaphore, #tpu.memory_space<semaphore_mem>>
      %dma_start3A = arith.constant 0 : i32
      %dma_start3A_89 = arith.constant 0 : i32
      %dma_start3A_90 = tpu.memref_slice %arg13[%dma_start3A, %dma_start3A_89] : memref<128x64xf32, #tpu.memory_space<vmem>> -> memref<128x64xf32, #tpu.memory_space<vmem>>
      %dma_start3A_91 = arith.constant 0 : i32
      %dma_start3A_92 = tpu.memref_slice %arg14[%add3A_69, %dma_start3A_91] : memref<10000x64xf32, #tpu.memory_space<vmem_shared>> -> memref<128x64xf32, #tpu.memory_space<vmem_shared>>
      %dma_start3A_93 = arith.constant 0 : i32
      %dma_start3A_94 = arith.constant 0 : i32
      %dma_start3A_95 = tpu.memref_slice %arg13[%dma_start3A_93, %dma_start3A_94] : memref<128x64xf32, #tpu.memory_space<vmem>> -> memref<128x64xf32, #tpu.memory_space<vmem>>
      %dma_start3A_96 = arith.constant 0 : i32
      %dma_start3A_97 = tpu.memref_slice %arg14[%add3A_69, %dma_start3A_96] : memref<10000x64xf32, #tpu.memory_space<vmem_shared>> -> memref<128x64xf32, #tpu.memory_space<vmem_shared>>
      tpu.enqueue_dma source(%dma_start3A_97 : memref<128x64xf32, #tpu.memory_space<vmem_shared>>) target(%dma_start3A_95 : memref<128x64xf32, #tpu.memory_space<vmem>>) target_semaphore(%run_scoped3A : memref<!tpu.dma_semaphore, #tpu.memory_space<semaphore_mem>>)
      %dma_wait3A = arith.constant 0 : i32
      %dma_wait3A_98 = arith.constant 0 : i32
      %dma_wait3A_99 = tpu.memref_slice %arg13[%dma_wait3A, %dma_wait3A_98] : memref<128x64xf32, #tpu.memory_space<vmem>> -> memref<128x64xf32, #tpu.memory_space<vmem>>
      %dma_wait3A_100 = arith.constant 0 : i32
      %dma_wait3A_101 = tpu.memref_slice %arg14[%add3A_69, %dma_wait3A_100] : memref<10000x64xf32, #tpu.memory_space<vmem_shared>> -> memref<128x64xf32, #tpu.memory_space<vmem_shared>>
      %dma_wait3A_102 = arith.constant 0 : i32
      %dma_wait3A_103 = arith.constant 0 : i32
      %dma_wait3A_104 = tpu.memref_slice %arg13[%dma_wait3A_102, %dma_wait3A_103] : memref<128x64xf32, #tpu.memory_space<vmem>> -> memref<128x64xf32, #tpu.memory_space<vmem>>
      %dma_wait3A_105 = arith.constant 0 : i32
      %dma_wait3A_106 = tpu.memref_slice %arg14[%add3A_69, %dma_wait3A_105] : memref<10000x64xf32, #tpu.memory_space<vmem_shared>> -> memref<128x64xf32, #tpu.memory_space<vmem_shared>>
      tpu.wait_dma2 semaphore(%run_scoped3A : memref<!tpu.dma_semaphore, #tpu.memory_space<semaphore_mem>>) src(%dma_wait3A_106 : memref<128x64xf32, #tpu.memory_space<vmem_shared>>) dst(%dma_wait3A_104 : memref<128x64xf32, #tpu.memory_space<vmem>>)
      tpu.yield
    }) : () -> ()
    %add3A_70 = arith.constant 384 : i32
    %add3A_71 = arith.addi %multiple_of3A_43, %add3A_70 : i32
    "tpu.region"() ({
      %run_scoped3A = tpu.sem_alloc : memref<!tpu.dma_semaphore, #tpu.memory_space<semaphore_mem>>
      %dma_start3A = arith.constant 0 : i32
      %dma_start3A_89 = arith.constant 0 : i32
      %dma_start3A_90 = tpu.memref_slice %arg13[%dma_start3A, %dma_start3A_89] : memref<128x64xf32, #tpu.memory_space<vmem>> -> memref<128x64xf32, #tpu.memory_space<vmem>>
      %dma_start3A_91 = arith.constant 0 : i32
      %dma_start3A_92 = tpu.memref_slice %arg5[%add3A_71, %dma_start3A_91] : memref<20000x64xf32, #tpu.memory_space<hbm>> -> memref<128x64xf32, #tpu.memory_space<hbm>>
      %dma_start3A_93 = arith.constant 0 : i32
      %dma_start3A_94 = tpu.memref_slice %arg5[%add3A_71, %dma_start3A_93] : memref<20000x64xf32, #tpu.memory_space<hbm>> -> memref<128x64xf32, #tpu.memory_space<hbm>>
      %dma_start3A_95 = arith.constant 0 : i32
      %dma_start3A_96 = arith.constant 0 : i32
      %dma_start3A_97 = tpu.memref_slice %arg13[%dma_start3A_95, %dma_start3A_96] : memref<128x64xf32, #tpu.memory_space<vmem>> -> memref<128x64xf32, #tpu.memory_space<vmem>>
      tpu.enqueue_dma source(%dma_start3A_97 : memref<128x64xf32, #tpu.memory_space<vmem>>) target(%dma_start3A_94 : memref<128x64xf32, #tpu.memory_space<hbm>>) target_semaphore(%run_scoped3A : memref<!tpu.dma_semaphore, #tpu.memory_space<semaphore_mem>>)
      %dma_wait3A = arith.constant 0 : i32
      %dma_wait3A_98 = arith.constant 0 : i32
      %dma_wait3A_99 = tpu.memref_slice %arg13[%dma_wait3A, %dma_wait3A_98] : memref<128x64xf32, #tpu.memory_space<vmem>> -> memref<128x64xf32, #tpu.memory_space<vmem>>
      %dma_wait3A_100 = arith.constant 0 : i32
      %dma_wait3A_101 = tpu.memref_slice %arg5[%add3A_71, %dma_wait3A_100] : memref<20000x64xf32, #tpu.memory_space<hbm>> -> memref<128x64xf32, #tpu.memory_space<hbm>>
      %dma_wait3A_102 = arith.constant 0 : i32
      %dma_wait3A_103 = tpu.memref_slice %arg5[%add3A_71, %dma_wait3A_102] : memref<20000x64xf32, #tpu.memory_space<hbm>> -> memref<128x64xf32, #tpu.memory_space<hbm>>
      %dma_wait3A_104 = arith.constant 0 : i32
      %dma_wait3A_105 = arith.constant 0 : i32
      %dma_wait3A_106 = tpu.memref_slice %arg13[%dma_wait3A_104, %dma_wait3A_105] : memref<128x64xf32, #tpu.memory_space<vmem>> -> memref<128x64xf32, #tpu.memory_space<vmem>>
      tpu.wait_dma2 semaphore(%run_scoped3A : memref<!tpu.dma_semaphore, #tpu.memory_space<semaphore_mem>>) src(%dma_wait3A_106 : memref<128x64xf32, #tpu.memory_space<vmem>>) dst(%dma_wait3A_103 : memref<128x64xf32, #tpu.memory_space<hbm>>)
      tpu.yield
    }) : () -> ()
    %add3A_72 = arith.constant 384 : i32
    %add3A_73 = arith.addi %multiple_of3A, %add3A_72 : i32
    "tpu.region"() ({
      %run_scoped3A = tpu.sem_alloc : memref<!tpu.dma_semaphore, #tpu.memory_space<semaphore_mem>>
      %dma_start3A = arith.constant 0 : i32
      %dma_start3A_89 = arith.constant 0 : i32
      %dma_start3A_90 = tpu.memref_slice %arg12[%dma_start3A, %dma_start3A_89] : memref<128x16xf32, #tpu.memory_space<vmem>> -> memref<128x16xf32, #tpu.memory_space<vmem>>
      %dma_start3A_91 = arith.constant 0 : i32
      %dma_start3A_92 = tpu.memref_slice %arg15[%add3A_73, %dma_start3A_91] : memref<10000x16xf32, #tpu.memory_space<vmem_shared>> -> memref<128x16xf32, #tpu.memory_space<vmem_shared>>
      %dma_start3A_93 = arith.constant 0 : i32
      %dma_start3A_94 = arith.constant 0 : i32
      %dma_start3A_95 = tpu.memref_slice %arg12[%dma_start3A_93, %dma_start3A_94] : memref<128x16xf32, #tpu.memory_space<vmem>> -> memref<128x16xf32, #tpu.memory_space<vmem>>
      %dma_start3A_96 = arith.constant 0 : i32
      %dma_start3A_97 = tpu.memref_slice %arg15[%add3A_73, %dma_start3A_96] : memref<10000x16xf32, #tpu.memory_space<vmem_shared>> -> memref<128x16xf32, #tpu.memory_space<vmem_shared>>
      tpu.enqueue_dma source(%dma_start3A_97 : memref<128x16xf32, #tpu.memory_space<vmem_shared>>) target(%dma_start3A_95 : memref<128x16xf32, #tpu.memory_space<vmem>>) target_semaphore(%run_scoped3A : memref<!tpu.dma_semaphore, #tpu.memory_space<semaphore_mem>>)
      %dma_wait3A = arith.constant 0 : i32
      %dma_wait3A_98 = arith.constant 0 : i32
      %dma_wait3A_99 = tpu.memref_slice %arg12[%dma_wait3A, %dma_wait3A_98] : memref<128x16xf32, #tpu.memory_space<vmem>> -> memref<128x16xf32, #tpu.memory_space<vmem>>
      %dma_wait3A_100 = arith.constant 0 : i32
      %dma_wait3A_101 = tpu.memref_slice %arg15[%add3A_73, %dma_wait3A_100] : memref<10000x16xf32, #tpu.memory_space<vmem_shared>> -> memref<128x16xf32, #tpu.memory_space<vmem_shared>>
      %dma_wait3A_102 = arith.constant 0 : i32
      %dma_wait3A_103 = arith.constant 0 : i32
      %dma_wait3A_104 = tpu.memref_slice %arg12[%dma_wait3A_102, %dma_wait3A_103] : memref<128x16xf32, #tpu.memory_space<vmem>> -> memref<128x16xf32, #tpu.memory_space<vmem>>
      %dma_wait3A_105 = arith.constant 0 : i32
      %dma_wait3A_106 = tpu.memref_slice %arg15[%add3A_73, %dma_wait3A_105] : memref<10000x16xf32, #tpu.memory_space<vmem_shared>> -> memref<128x16xf32, #tpu.memory_space<vmem_shared>>
      tpu.wait_dma2 semaphore(%run_scoped3A : memref<!tpu.dma_semaphore, #tpu.memory_space<semaphore_mem>>) src(%dma_wait3A_106 : memref<128x16xf32, #tpu.memory_space<vmem_shared>>) dst(%dma_wait3A_104 : memref<128x16xf32, #tpu.memory_space<vmem>>)
      tpu.yield
    }) : () -> ()
    %add3A_74 = arith.constant 384 : i32
    %add3A_75 = arith.addi %multiple_of3A_43, %add3A_74 : i32
    "tpu.region"() ({
      %run_scoped3A = tpu.sem_alloc : memref<!tpu.dma_semaphore, #tpu.memory_space<semaphore_mem>>
      %dma_start3A = arith.constant 0 : i32
      %dma_start3A_89 = arith.constant 0 : i32
      %dma_start3A_90 = tpu.memref_slice %arg12[%dma_start3A, %dma_start3A_89] : memref<128x16xf32, #tpu.memory_space<vmem>> -> memref<128x16xf32, #tpu.memory_space<vmem>>
      %dma_start3A_91 = arith.constant 0 : i32
      %dma_start3A_92 = tpu.memref_slice %arg6[%add3A_75, %dma_start3A_91] : memref<20000x16xf32, #tpu.memory_space<hbm>> -> memref<128x16xf32, #tpu.memory_space<hbm>>
      %dma_start3A_93 = arith.constant 0 : i32
      %dma_start3A_94 = tpu.memref_slice %arg6[%add3A_75, %dma_start3A_93] : memref<20000x16xf32, #tpu.memory_space<hbm>> -> memref<128x16xf32, #tpu.memory_space<hbm>>
      %dma_start3A_95 = arith.constant 0 : i32
      %dma_start3A_96 = arith.constant 0 : i32
      %dma_start3A_97 = tpu.memref_slice %arg12[%dma_start3A_95, %dma_start3A_96] : memref<128x16xf32, #tpu.memory_space<vmem>> -> memref<128x16xf32, #tpu.memory_space<vmem>>
      tpu.enqueue_dma source(%dma_start3A_97 : memref<128x16xf32, #tpu.memory_space<vmem>>) target(%dma_start3A_94 : memref<128x16xf32, #tpu.memory_space<hbm>>) target_semaphore(%run_scoped3A : memref<!tpu.dma_semaphore, #tpu.memory_space<semaphore_mem>>)
      %dma_wait3A = arith.constant 0 : i32
      %dma_wait3A_98 = arith.constant 0 : i32
      %dma_wait3A_99 = tpu.memref_slice %arg12[%dma_wait3A, %dma_wait3A_98] : memref<128x16xf32, #tpu.memory_space<vmem>> -> memref<128x16xf32, #tpu.memory_space<vmem>>
      %dma_wait3A_100 = arith.constant 0 : i32
      %dma_wait3A_101 = tpu.memref_slice %arg6[%add3A_75, %dma_wait3A_100] : memref<20000x16xf32, #tpu.memory_space<hbm>> -> memref<128x16xf32, #tpu.memory_space<hbm>>
      %dma_wait3A_102 = arith.constant 0 : i32
      %dma_wait3A_103 = tpu.memref_slice %arg6[%add3A_75, %dma_wait3A_102] : memref<20000x16xf32, #tpu.memory_space<hbm>> -> memref<128x16xf32, #tpu.memory_space<hbm>>
      %dma_wait3A_104 = arith.constant 0 : i32
      %dma_wait3A_105 = arith.constant 0 : i32
      %dma_wait3A_106 = tpu.memref_slice %arg12[%dma_wait3A_104, %dma_wait3A_105] : memref<128x16xf32, #tpu.memory_space<vmem>> -> memref<128x16xf32, #tpu.memory_space<vmem>>
      tpu.wait_dma2 semaphore(%run_scoped3A : memref<!tpu.dma_semaphore, #tpu.memory_space<semaphore_mem>>) src(%dma_wait3A_106 : memref<128x16xf32, #tpu.memory_space<vmem>>) dst(%dma_wait3A_103 : memref<128x16xf32, #tpu.memory_space<hbm>>)
      tpu.yield
    }) : () -> ()
    %add3A_76 = arith.constant 512 : i32
    %add3A_77 = arith.addi %multiple_of3A, %add3A_76 : i32
    "tpu.region"() ({
      %run_scoped3A = tpu.sem_alloc : memref<!tpu.dma_semaphore, #tpu.memory_space<semaphore_mem>>
      %dma_start3A = arith.constant 0 : i32
      %dma_start3A_89 = arith.constant 0 : i32
      %dma_start3A_90 = tpu.memref_slice %arg13[%dma_start3A, %dma_start3A_89] : memref<128x64xf32, #tpu.memory_space<vmem>> -> memref<112x64xf32, #tpu.memory_space<vmem>>
      %dma_start3A_91 = arith.constant 0 : i32
      %dma_start3A_92 = tpu.memref_slice %arg14[%add3A_77, %dma_start3A_91] : memref<10000x64xf32, #tpu.memory_space<vmem_shared>> -> memref<112x64xf32, #tpu.memory_space<vmem_shared>>
      %dma_start3A_93 = arith.constant 0 : i32
      %dma_start3A_94 = arith.constant 0 : i32
      %dma_start3A_95 = tpu.memref_slice %arg13[%dma_start3A_93, %dma_start3A_94] : memref<128x64xf32, #tpu.memory_space<vmem>> -> memref<112x64xf32, #tpu.memory_space<vmem>>
      %dma_start3A_96 = arith.constant 0 : i32
      %dma_start3A_97 = tpu.memref_slice %arg14[%add3A_77, %dma_start3A_96] : memref<10000x64xf32, #tpu.memory_space<vmem_shared>> -> memref<112x64xf32, #tpu.memory_space<vmem_shared>>
      tpu.enqueue_dma source(%dma_start3A_97 : memref<112x64xf32, #tpu.memory_space<vmem_shared>>) target(%dma_start3A_95 : memref<112x64xf32, #tpu.memory_space<vmem>>) target_semaphore(%run_scoped3A : memref<!tpu.dma_semaphore, #tpu.memory_space<semaphore_mem>>)
      %dma_wait3A = arith.constant 0 : i32
      %dma_wait3A_98 = arith.constant 0 : i32
      %dma_wait3A_99 = tpu.memref_slice %arg13[%dma_wait3A, %dma_wait3A_98] : memref<128x64xf32, #tpu.memory_space<vmem>> -> memref<112x64xf32, #tpu.memory_space<vmem>>
      %dma_wait3A_100 = arith.constant 0 : i32
      %dma_wait3A_101 = tpu.memref_slice %arg14[%add3A_77, %dma_wait3A_100] : memref<10000x64xf32, #tpu.memory_space<vmem_shared>> -> memref<112x64xf32, #tpu.memory_space<vmem_shared>>
      %dma_wait3A_102 = arith.constant 0 : i32
      %dma_wait3A_103 = arith.constant 0 : i32
      %dma_wait3A_104 = tpu.memref_slice %arg13[%dma_wait3A_102, %dma_wait3A_103] : memref<128x64xf32, #tpu.memory_space<vmem>> -> memref<112x64xf32, #tpu.memory_space<vmem>>
      %dma_wait3A_105 = arith.constant 0 : i32
      %dma_wait3A_106 = tpu.memref_slice %arg14[%add3A_77, %dma_wait3A_105] : memref<10000x64xf32, #tpu.memory_space<vmem_shared>> -> memref<112x64xf32, #tpu.memory_space<vmem_shared>>
      tpu.wait_dma2 semaphore(%run_scoped3A : memref<!tpu.dma_semaphore, #tpu.memory_space<semaphore_mem>>) src(%dma_wait3A_106 : memref<112x64xf32, #tpu.memory_space<vmem_shared>>) dst(%dma_wait3A_104 : memref<112x64xf32, #tpu.memory_space<vmem>>)
      tpu.yield
    }) : () -> ()
    %add3A_78 = arith.constant 512 : i32
    %add3A_79 = arith.addi %multiple_of3A_43, %add3A_78 : i32
    "tpu.region"() ({
      %run_scoped3A = tpu.sem_alloc : memref<!tpu.dma_semaphore, #tpu.memory_space<semaphore_mem>>
      %dma_start3A = arith.constant 0 : i32
      %dma_start3A_89 = arith.constant 0 : i32
      %dma_start3A_90 = tpu.memref_slice %arg13[%dma_start3A, %dma_start3A_89] : memref<128x64xf32, #tpu.memory_space<vmem>> -> memref<112x64xf32, #tpu.memory_space<vmem>>
      %dma_start3A_91 = arith.constant 0 : i32
      %dma_start3A_92 = tpu.memref_slice %arg5[%add3A_79, %dma_start3A_91] : memref<20000x64xf32, #tpu.memory_space<hbm>> -> memref<112x64xf32, #tpu.memory_space<hbm>>
      %dma_start3A_93 = arith.constant 0 : i32
      %dma_start3A_94 = tpu.memref_slice %arg5[%add3A_79, %dma_start3A_93] : memref<20000x64xf32, #tpu.memory_space<hbm>> -> memref<112x64xf32, #tpu.memory_space<hbm>>
      %dma_start3A_95 = arith.constant 0 : i32
      %dma_start3A_96 = arith.constant 0 : i32
      %dma_start3A_97 = tpu.memref_slice %arg13[%dma_start3A_95, %dma_start3A_96] : memref<128x64xf32, #tpu.memory_space<vmem>> -> memref<112x64xf32, #tpu.memory_space<vmem>>
      tpu.enqueue_dma source(%dma_start3A_97 : memref<112x64xf32, #tpu.memory_space<vmem>>) target(%dma_start3A_94 : memref<112x64xf32, #tpu.memory_space<hbm>>) target_semaphore(%run_scoped3A : memref<!tpu.dma_semaphore, #tpu.memory_space<semaphore_mem>>)
      %dma_wait3A = arith.constant 0 : i32
      %dma_wait3A_98 = arith.constant 0 : i32
      %dma_wait3A_99 = tpu.memref_slice %arg13[%dma_wait3A, %dma_wait3A_98] : memref<128x64xf32, #tpu.memory_space<vmem>> -> memref<112x64xf32, #tpu.memory_space<vmem>>
      %dma_wait3A_100 = arith.constant 0 : i32
      %dma_wait3A_101 = tpu.memref_slice %arg5[%add3A_79, %dma_wait3A_100] : memref<20000x64xf32, #tpu.memory_space<hbm>> -> memref<112x64xf32, #tpu.memory_space<hbm>>
      %dma_wait3A_102 = arith.constant 0 : i32
      %dma_wait3A_103 = tpu.memref_slice %arg5[%add3A_79, %dma_wait3A_102] : memref<20000x64xf32, #tpu.memory_space<hbm>> -> memref<112x64xf32, #tpu.memory_space<hbm>>
      %dma_wait3A_104 = arith.constant 0 : i32
      %dma_wait3A_105 = arith.constant 0 : i32
      %dma_wait3A_106 = tpu.memref_slice %arg13[%dma_wait3A_104, %dma_wait3A_105] : memref<128x64xf32, #tpu.memory_space<vmem>> -> memref<112x64xf32, #tpu.memory_space<vmem>>
      tpu.wait_dma2 semaphore(%run_scoped3A : memref<!tpu.dma_semaphore, #tpu.memory_space<semaphore_mem>>) src(%dma_wait3A_106 : memref<112x64xf32, #tpu.memory_space<vmem>>) dst(%dma_wait3A_103 : memref<112x64xf32, #tpu.memory_space<hbm>>)
      tpu.yield
    }) : () -> ()
    %add3A_80 = arith.constant 512 : i32
    %add3A_81 = arith.addi %multiple_of3A, %add3A_80 : i32
    "tpu.region"() ({
      %run_scoped3A = tpu.sem_alloc : memref<!tpu.dma_semaphore, #tpu.memory_space<semaphore_mem>>
      %dma_start3A = arith.constant 0 : i32
      %dma_start3A_89 = arith.constant 0 : i32
      %dma_start3A_90 = tpu.memref_slice %arg12[%dma_start3A, %dma_start3A_89] : memref<128x16xf32, #tpu.memory_space<vmem>> -> memref<112x16xf32, #tpu.memory_space<vmem>>
      %dma_start3A_91 = arith.constant 0 : i32
      %dma_start3A_92 = tpu.memref_slice %arg15[%add3A_81, %dma_start3A_91] : memref<10000x16xf32, #tpu.memory_space<vmem_shared>> -> memref<112x16xf32, #tpu.memory_space<vmem_shared>>
      %dma_start3A_93 = arith.constant 0 : i32
      %dma_start3A_94 = arith.constant 0 : i32
      %dma_start3A_95 = tpu.memref_slice %arg12[%dma_start3A_93, %dma_start3A_94] : memref<128x16xf32, #tpu.memory_space<vmem>> -> memref<112x16xf32, #tpu.memory_space<vmem>>
      %dma_start3A_96 = arith.constant 0 : i32
      %dma_start3A_97 = tpu.memref_slice %arg15[%add3A_81, %dma_start3A_96] : memref<10000x16xf32, #tpu.memory_space<vmem_shared>> -> memref<112x16xf32, #tpu.memory_space<vmem_shared>>
      tpu.enqueue_dma source(%dma_start3A_97 : memref<112x16xf32, #tpu.memory_space<vmem_shared>>) target(%dma_start3A_95 : memref<112x16xf32, #tpu.memory_space<vmem>>) target_semaphore(%run_scoped3A : memref<!tpu.dma_semaphore, #tpu.memory_space<semaphore_mem>>)
      %dma_wait3A = arith.constant 0 : i32
      %dma_wait3A_98 = arith.constant 0 : i32
      %dma_wait3A_99 = tpu.memref_slice %arg12[%dma_wait3A, %dma_wait3A_98] : memref<128x16xf32, #tpu.memory_space<vmem>> -> memref<112x16xf32, #tpu.memory_space<vmem>>
      %dma_wait3A_100 = arith.constant 0 : i32
      %dma_wait3A_101 = tpu.memref_slice %arg15[%add3A_81, %dma_wait3A_100] : memref<10000x16xf32, #tpu.memory_space<vmem_shared>> -> memref<112x16xf32, #tpu.memory_space<vmem_shared>>
      %dma_wait3A_102 = arith.constant 0 : i32
      %dma_wait3A_103 = arith.constant 0 : i32
      %dma_wait3A_104 = tpu.memref_slice %arg12[%dma_wait3A_102, %dma_wait3A_103] : memref<128x16xf32, #tpu.memory_space<vmem>> -> memref<112x16xf32, #tpu.memory_space<vmem>>
      %dma_wait3A_105 = arith.constant 0 : i32
      %dma_wait3A_106 = tpu.memref_slice %arg15[%add3A_81, %dma_wait3A_105] : memref<10000x16xf32, #tpu.memory_space<vmem_shared>> -> memref<112x16xf32, #tpu.memory_space<vmem_shared>>
      tpu.wait_dma2 semaphore(%run_scoped3A : memref<!tpu.dma_semaphore, #tpu.memory_space<semaphore_mem>>) src(%dma_wait3A_106 : memref<112x16xf32, #tpu.memory_space<vmem_shared>>) dst(%dma_wait3A_104 : memref<112x16xf32, #tpu.memory_space<vmem>>)
      tpu.yield
    }) : () -> ()
    %add3A_82 = arith.constant 512 : i32
    %add3A_83 = arith.addi %multiple_of3A_43, %add3A_82 : i32
    "tpu.region"() ({
      %run_scoped3A = tpu.sem_alloc : memref<!tpu.dma_semaphore, #tpu.memory_space<semaphore_mem>>
      %dma_start3A = arith.constant 0 : i32
      %dma_start3A_89 = arith.constant 0 : i32
      %dma_start3A_90 = tpu.memref_slice %arg12[%dma_start3A, %dma_start3A_89] : memref<128x16xf32, #tpu.memory_space<vmem>> -> memref<112x16xf32, #tpu.memory_space<vmem>>
      %dma_start3A_91 = arith.constant 0 : i32
      %dma_start3A_92 = tpu.memref_slice %arg6[%add3A_83, %dma_start3A_91] : memref<20000x16xf32, #tpu.memory_space<hbm>> -> memref<112x16xf32, #tpu.memory_space<hbm>>
      %dma_start3A_93 = arith.constant 0 : i32
      %dma_start3A_94 = tpu.memref_slice %arg6[%add3A_83, %dma_start3A_93] : memref<20000x16xf32, #tpu.memory_space<hbm>> -> memref<112x16xf32, #tpu.memory_space<hbm>>
      %dma_start3A_95 = arith.constant 0 : i32
      %dma_start3A_96 = arith.constant 0 : i32
      %dma_start3A_97 = tpu.memref_slice %arg12[%dma_start3A_95, %dma_start3A_96] : memref<128x16xf32, #tpu.memory_space<vmem>> -> memref<112x16xf32, #tpu.memory_space<vmem>>
      tpu.enqueue_dma source(%dma_start3A_97 : memref<112x16xf32, #tpu.memory_space<vmem>>) target(%dma_start3A_94 : memref<112x16xf32, #tpu.memory_space<hbm>>) target_semaphore(%run_scoped3A : memref<!tpu.dma_semaphore, #tpu.memory_space<semaphore_mem>>)
      %dma_wait3A = arith.constant 0 : i32
      %dma_wait3A_98 = arith.constant 0 : i32
      %dma_wait3A_99 = tpu.memref_slice %arg12[%dma_wait3A, %dma_wait3A_98] : memref<128x16xf32, #tpu.memory_space<vmem>> -> memref<112x16xf32, #tpu.memory_space<vmem>>
      %dma_wait3A_100 = arith.constant 0 : i32
      %dma_wait3A_101 = tpu.memref_slice %arg6[%add3A_83, %dma_wait3A_100] : memref<20000x16xf32, #tpu.memory_space<hbm>> -> memref<112x16xf32, #tpu.memory_space<hbm>>
      %dma_wait3A_102 = arith.constant 0 : i32
      %dma_wait3A_103 = tpu.memref_slice %arg6[%add3A_83, %dma_wait3A_102] : memref<20000x16xf32, #tpu.memory_space<hbm>> -> memref<112x16xf32, #tpu.memory_space<hbm>>
      %dma_wait3A_104 = arith.constant 0 : i32
      %dma_wait3A_105 = arith.constant 0 : i32
      %dma_wait3A_106 = tpu.memref_slice %arg12[%dma_wait3A_104, %dma_wait3A_105] : memref<128x16xf32, #tpu.memory_space<vmem>> -> memref<112x16xf32, #tpu.memory_space<vmem>>
      tpu.wait_dma2 semaphore(%run_scoped3A : memref<!tpu.dma_semaphore, #tpu.memory_space<semaphore_mem>>) src(%dma_wait3A_106 : memref<112x16xf32, #tpu.memory_space<vmem>>) dst(%dma_wait3A_103 : memref<112x16xf32, #tpu.memory_space<hbm>>)
      tpu.yield
    }) : () -> ()
    %eq3A_84 = arith.constant 0 : i32
    %eq3A_85 = arith.cmpi eq, %arg1, %eq3A_84 : i32
    %convert_element_type3A_86 = arith.extui %eq3A_85 : i1 to i32
    %cond3A_87 = arith.constant 0 : i32
    %cond3A_88 = arith.cmpi ne, %convert_element_type3A_86, %cond3A_87 : i32
    scf.if %cond3A_88 {
      %mul3A_89 = arith.constant 10000 : i32
      %mul3A_90 = arith.muli %arg0, %mul3A_89 : i32
      %add3A_91 = arith.constant 9984 : i32
      %add3A_92 = arith.addi %mul3A_90, %add3A_91 : i32
      %multiple_of3A_93 = tpu.assume_multiple %add3A_92, 8 : i32
      "tpu.region"() ({
        %run_scoped3A = tpu.sem_alloc : memref<!tpu.dma_semaphore, #tpu.memory_space<semaphore_mem>>
        %dma_start3A = arith.constant 0 : i32
        %dma_start3A_94 = arith.constant 0 : i32
        %dma_start3A_95 = tpu.memref_slice %arg13[%dma_start3A, %dma_start3A_94] : memref<128x64xf32, #tpu.memory_space<vmem>> -> memref<16x64xf32, #tpu.memory_space<vmem>>
        %dma_start3A_96 = arith.constant 9984 : i32
        %dma_start3A_97 = arith.constant 0 : i32
        %dma_start3A_98 = tpu.memref_slice %arg14[%dma_start3A_96, %dma_start3A_97] : memref<10000x64xf32, #tpu.memory_space<vmem_shared>> -> memref<16x64xf32, #tpu.memory_space<vmem_shared>>
        %dma_start3A_99 = arith.constant 0 : i32
        %dma_start3A_100 = arith.constant 0 : i32
        %dma_start3A_101 = tpu.memref_slice %arg13[%dma_start3A_99, %dma_start3A_100] : memref<128x64xf32, #tpu.memory_space<vmem>> -> memref<16x64xf32, #tpu.memory_space<vmem>>
        %dma_start3A_102 = arith.constant 9984 : i32
        %dma_start3A_103 = arith.constant 0 : i32
        %dma_start3A_104 = tpu.memref_slice %arg14[%dma_start3A_102, %dma_start3A_103] : memref<10000x64xf32, #tpu.memory_space<vmem_shared>> -> memref<16x64xf32, #tpu.memory_space<vmem_shared>>
        tpu.enqueue_dma source(%dma_start3A_104 : memref<16x64xf32, #tpu.memory_space<vmem_shared>>) target(%dma_start3A_101 : memref<16x64xf32, #tpu.memory_space<vmem>>) target_semaphore(%run_scoped3A : memref<!tpu.dma_semaphore, #tpu.memory_space<semaphore_mem>>)
        %dma_wait3A = arith.constant 0 : i32
        %dma_wait3A_105 = arith.constant 0 : i32
        %dma_wait3A_106 = tpu.memref_slice %arg13[%dma_wait3A, %dma_wait3A_105] : memref<128x64xf32, #tpu.memory_space<vmem>> -> memref<16x64xf32, #tpu.memory_space<vmem>>
        %dma_wait3A_107 = arith.constant 9984 : i32
        %dma_wait3A_108 = arith.constant 0 : i32
        %dma_wait3A_109 = tpu.memref_slice %arg14[%dma_wait3A_107, %dma_wait3A_108] : memref<10000x64xf32, #tpu.memory_space<vmem_shared>> -> memref<16x64xf32, #tpu.memory_space<vmem_shared>>
        %dma_wait3A_110 = arith.constant 0 : i32
        %dma_wait3A_111 = arith.constant 0 : i32
        %dma_wait3A_112 = tpu.memref_slice %arg13[%dma_wait3A_110, %dma_wait3A_111] : memref<128x64xf32, #tpu.memory_space<vmem>> -> memref<16x64xf32, #tpu.memory_space<vmem>>
        %dma_wait3A_113 = arith.constant 9984 : i32
        %dma_wait3A_114 = arith.constant 0 : i32
        %dma_wait3A_115 = tpu.memref_slice %arg14[%dma_wait3A_113, %dma_wait3A_114] : memref<10000x64xf32, #tpu.memory_space<vmem_shared>> -> memref<16x64xf32, #tpu.memory_space<vmem_shared>>
        tpu.wait_dma2 semaphore(%run_scoped3A : memref<!tpu.dma_semaphore, #tpu.memory_space<semaphore_mem>>) src(%dma_wait3A_115 : memref<16x64xf32, #tpu.memory_space<vmem_shared>>) dst(%dma_wait3A_112 : memref<16x64xf32, #tpu.memory_space<vmem>>)
        tpu.yield
      }) : () -> ()
      "tpu.region"() ({
        %run_scoped3A = tpu.sem_alloc : memref<!tpu.dma_semaphore, #tpu.memory_space<semaphore_mem>>
        %dma_start3A = arith.constant 0 : i32
        %dma_start3A_94 = arith.constant 0 : i32
        %dma_start3A_95 = tpu.memref_slice %arg13[%dma_start3A, %dma_start3A_94] : memref<128x64xf32, #tpu.memory_space<vmem>> -> memref<16x64xf32, #tpu.memory_space<vmem>>
        %dma_start3A_96 = arith.constant 0 : i32
        %dma_start3A_97 = tpu.memref_slice %arg5[%multiple_of3A_93, %dma_start3A_96] : memref<20000x64xf32, #tpu.memory_space<hbm>> -> memref<16x64xf32, #tpu.memory_space<hbm>>
        %dma_start3A_98 = arith.constant 0 : i32
        %dma_start3A_99 = tpu.memref_slice %arg5[%multiple_of3A_93, %dma_start3A_98] : memref<20000x64xf32, #tpu.memory_space<hbm>> -> memref<16x64xf32, #tpu.memory_space<hbm>>
        %dma_start3A_100 = arith.constant 0 : i32
        %dma_start3A_101 = arith.constant 0 : i32
        %dma_start3A_102 = tpu.memref_slice %arg13[%dma_start3A_100, %dma_start3A_101] : memref<128x64xf32, #tpu.memory_space<vmem>> -> memref<16x64xf32, #tpu.memory_space<vmem>>
        tpu.enqueue_dma source(%dma_start3A_102 : memref<16x64xf32, #tpu.memory_space<vmem>>) target(%dma_start3A_99 : memref<16x64xf32, #tpu.memory_space<hbm>>) target_semaphore(%run_scoped3A : memref<!tpu.dma_semaphore, #tpu.memory_space<semaphore_mem>>)
        %dma_wait3A = arith.constant 0 : i32
        %dma_wait3A_103 = arith.constant 0 : i32
        %dma_wait3A_104 = tpu.memref_slice %arg13[%dma_wait3A, %dma_wait3A_103] : memref<128x64xf32, #tpu.memory_space<vmem>> -> memref<16x64xf32, #tpu.memory_space<vmem>>
        %dma_wait3A_105 = arith.constant 0 : i32
        %dma_wait3A_106 = tpu.memref_slice %arg5[%multiple_of3A_93, %dma_wait3A_105] : memref<20000x64xf32, #tpu.memory_space<hbm>> -> memref<16x64xf32, #tpu.memory_space<hbm>>
        %dma_wait3A_107 = arith.constant 0 : i32
        %dma_wait3A_108 = tpu.memref_slice %arg5[%multiple_of3A_93, %dma_wait3A_107] : memref<20000x64xf32, #tpu.memory_space<hbm>> -> memref<16x64xf32, #tpu.memory_space<hbm>>
        %dma_wait3A_109 = arith.constant 0 : i32
        %dma_wait3A_110 = arith.constant 0 : i32
        %dma_wait3A_111 = tpu.memref_slice %arg13[%dma_wait3A_109, %dma_wait3A_110] : memref<128x64xf32, #tpu.memory_space<vmem>> -> memref<16x64xf32, #tpu.memory_space<vmem>>
        tpu.wait_dma2 semaphore(%run_scoped3A : memref<!tpu.dma_semaphore, #tpu.memory_space<semaphore_mem>>) src(%dma_wait3A_111 : memref<16x64xf32, #tpu.memory_space<vmem>>) dst(%dma_wait3A_108 : memref<16x64xf32, #tpu.memory_space<hbm>>)
        tpu.yield
      }) : () -> ()
      "tpu.region"() ({
        %run_scoped3A = tpu.sem_alloc : memref<!tpu.dma_semaphore, #tpu.memory_space<semaphore_mem>>
        %dma_start3A = arith.constant 0 : i32
        %dma_start3A_94 = arith.constant 0 : i32
        %dma_start3A_95 = tpu.memref_slice %arg12[%dma_start3A, %dma_start3A_94] : memref<128x16xf32, #tpu.memory_space<vmem>> -> memref<16x16xf32, #tpu.memory_space<vmem>>
        %dma_start3A_96 = arith.constant 9984 : i32
        %dma_start3A_97 = arith.constant 0 : i32
        %dma_start3A_98 = tpu.memref_slice %arg15[%dma_start3A_96, %dma_start3A_97] : memref<10000x16xf32, #tpu.memory_space<vmem_shared>> -> memref<16x16xf32, #tpu.memory_space<vmem_shared>>
        %dma_start3A_99 = arith.constant 0 : i32
        %dma_start3A_100 = arith.constant 0 : i32
        %dma_start3A_101 = tpu.memref_slice %arg12[%dma_start3A_99, %dma_start3A_100] : memref<128x16xf32, #tpu.memory_space<vmem>> -> memref<16x16xf32, #tpu.memory_space<vmem>>
        %dma_start3A_102 = arith.constant 9984 : i32
        %dma_start3A_103 = arith.constant 0 : i32
        %dma_start3A_104 = tpu.memref_slice %arg15[%dma_start3A_102, %dma_start3A_103] : memref<10000x16xf32, #tpu.memory_space<vmem_shared>> -> memref<16x16xf32, #tpu.memory_space<vmem_shared>>
        tpu.enqueue_dma source(%dma_start3A_104 : memref<16x16xf32, #tpu.memory_space<vmem_shared>>) target(%dma_start3A_101 : memref<16x16xf32, #tpu.memory_space<vmem>>) target_semaphore(%run_scoped3A : memref<!tpu.dma_semaphore, #tpu.memory_space<semaphore_mem>>)
        %dma_wait3A = arith.constant 0 : i32
        %dma_wait3A_105 = arith.constant 0 : i32
        %dma_wait3A_106 = tpu.memref_slice %arg12[%dma_wait3A, %dma_wait3A_105] : memref<128x16xf32, #tpu.memory_space<vmem>> -> memref<16x16xf32, #tpu.memory_space<vmem>>
        %dma_wait3A_107 = arith.constant 9984 : i32
        %dma_wait3A_108 = arith.constant 0 : i32
        %dma_wait3A_109 = tpu.memref_slice %arg15[%dma_wait3A_107, %dma_wait3A_108] : memref<10000x16xf32, #tpu.memory_space<vmem_shared>> -> memref<16x16xf32, #tpu.memory_space<vmem_shared>>
        %dma_wait3A_110 = arith.constant 0 : i32
        %dma_wait3A_111 = arith.constant 0 : i32
        %dma_wait3A_112 = tpu.memref_slice %arg12[%dma_wait3A_110, %dma_wait3A_111] : memref<128x16xf32, #tpu.memory_space<vmem>> -> memref<16x16xf32, #tpu.memory_space<vmem>>
        %dma_wait3A_113 = arith.constant 9984 : i32
        %dma_wait3A_114 = arith.constant 0 : i32
        %dma_wait3A_115 = tpu.memref_slice %arg15[%dma_wait3A_113, %dma_wait3A_114] : memref<10000x16xf32, #tpu.memory_space<vmem_shared>> -> memref<16x16xf32, #tpu.memory_space<vmem_shared>>
        tpu.wait_dma2 semaphore(%run_scoped3A : memref<!tpu.dma_semaphore, #tpu.memory_space<semaphore_mem>>) src(%dma_wait3A_115 : memref<16x16xf32, #tpu.memory_space<vmem_shared>>) dst(%dma_wait3A_112 : memref<16x16xf32, #tpu.memory_space<vmem>>)
        tpu.yield
      }) : () -> ()
      "tpu.region"() ({
        %run_scoped3A = tpu.sem_alloc : memref<!tpu.dma_semaphore, #tpu.memory_space<semaphore_mem>>
        %dma_start3A = arith.constant 0 : i32
        %dma_start3A_94 = arith.constant 0 : i32
        %dma_start3A_95 = tpu.memref_slice %arg12[%dma_start3A, %dma_start3A_94] : memref<128x16xf32, #tpu.memory_space<vmem>> -> memref<16x16xf32, #tpu.memory_space<vmem>>
        %dma_start3A_96 = arith.constant 0 : i32
        %dma_start3A_97 = tpu.memref_slice %arg6[%multiple_of3A_93, %dma_start3A_96] : memref<20000x16xf32, #tpu.memory_space<hbm>> -> memref<16x16xf32, #tpu.memory_space<hbm>>
        %dma_start3A_98 = arith.constant 0 : i32
        %dma_start3A_99 = tpu.memref_slice %arg6[%multiple_of3A_93, %dma_start3A_98] : memref<20000x16xf32, #tpu.memory_space<hbm>> -> memref<16x16xf32, #tpu.memory_space<hbm>>
        %dma_start3A_100 = arith.constant 0 : i32
        %dma_start3A_101 = arith.constant 0 : i32
        %dma_start3A_102 = tpu.memref_slice %arg12[%dma_start3A_100, %dma_start3A_101] : memref<128x16xf32, #tpu.memory_space<vmem>> -> memref<16x16xf32, #tpu.memory_space<vmem>>
        tpu.enqueue_dma source(%dma_start3A_102 : memref<16x16xf32, #tpu.memory_space<vmem>>) target(%dma_start3A_99 : memref<16x16xf32, #tpu.memory_space<hbm>>) target_semaphore(%run_scoped3A : memref<!tpu.dma_semaphore, #tpu.memory_space<semaphore_mem>>)
        %dma_wait3A = arith.constant 0 : i32
        %dma_wait3A_103 = arith.constant 0 : i32
        %dma_wait3A_104 = tpu.memref_slice %arg12[%dma_wait3A, %dma_wait3A_103] : memref<128x16xf32, #tpu.memory_space<vmem>> -> memref<16x16xf32, #tpu.memory_space<vmem>>
        %dma_wait3A_105 = arith.constant 0 : i32
        %dma_wait3A_106 = tpu.memref_slice %arg6[%multiple_of3A_93, %dma_wait3A_105] : memref<20000x16xf32, #tpu.memory_space<hbm>> -> memref<16x16xf32, #tpu.memory_space<hbm>>
        %dma_wait3A_107 = arith.constant 0 : i32
        %dma_wait3A_108 = tpu.memref_slice %arg6[%multiple_of3A_93, %dma_wait3A_107] : memref<20000x16xf32, #tpu.memory_space<hbm>> -> memref<16x16xf32, #tpu.memory_space<hbm>>
        %dma_wait3A_109 = arith.constant 0 : i32
        %dma_wait3A_110 = arith.constant 0 : i32
        %dma_wait3A_111 = tpu.memref_slice %arg12[%dma_wait3A_109, %dma_wait3A_110] : memref<128x16xf32, #tpu.memory_space<vmem>> -> memref<16x16xf32, #tpu.memory_space<vmem>>
        tpu.wait_dma2 semaphore(%run_scoped3A : memref<!tpu.dma_semaphore, #tpu.memory_space<semaphore_mem>>) src(%dma_wait3A_111 : memref<16x16xf32, #tpu.memory_space<vmem>>) dst(%dma_wait3A_108 : memref<16x16xf32, #tpu.memory_space<hbm>>)
        tpu.yield
      }) : () -> ()
    } else {
    }
    return
  }
}

module attributes {stable_mosaic.version = 14 : i64} {
  func.func @_mm_body(%arg0: i32, %arg1: memref<2000x128xf32, #tpu.memory_space<vmem>>, %arg2: memref<128x128xf32, #tpu.memory_space<vmem>>, %arg3: memref<2x2000x64xf32, #tpu.memory_space<vmem>>) attributes {dimension_semantics = [#tpu.dimension_semantics<arbitrary>], iteration_bounds = array<i64: 5>, scalar_prefetch = 0 : i64, scratch_operands = 0 : i64, tpu.core_type = #tpu.core_type<tc>, window_params = [{transform_indices = @transform_0, window_bounds = array<i64: 2000, 128>}, {pipeline_mode = #tpu.pipeline_mode<synchronous>, transform_indices = @transform_1, window_bounds = array<i64: 128, 128>}, {transform_indices = @transform_2, window_bounds = array<i64: 2, 2000, 64>}]} {
    %get3A = arith.constant 0 : index
    %get3A_0 = arith.constant 0 : index
    %get3A_1 = vector.load %arg1[%get3A, %get3A_0] : memref<2000x128xf32, #tpu.memory_space<vmem>>, vector<2000x128xf32>
    %get3A_2 = arith.constant 0 : index
    %get3A_3 = arith.constant 0 : index
    %get3A_4 = vector.load %arg2[%get3A_2, %get3A_3] : memref<128x128xf32, #tpu.memory_space<vmem>>, vector<128x128xf32>
    %dot_general3A = arith.constant dense<0.000000e+00> : vector<2000x128xf32>
    %dot_general3A_5 = tpu.matmul %get3A_1, %get3A_4, %dot_general3A {dimension_numbers = #tpu.dot_dimension_numbers<[1], [0], [0], [1], [0, 0, 1, 1], [], []>, transpose_lhs_hint = false} : vector<2000x128xf32>, vector<128x128xf32>, vector<2000x128xf32> -> vector<2000x128xf32>
    %slice3A = vector.extract_strided_slice %dot_general3A_5 {offsets = [0, 0], sizes = [2000, 64], strides = [1, 1]} : vector<2000x128xf32> to vector<2000x64xf32>
    %swap3A = arith.constant 0 : index
    %swap3A_6 = arith.constant 0 : index
    %swap3A_7 = arith.constant 0 : index
    %swap3A_8 = vector.load %arg3[%swap3A, %swap3A_6, %swap3A_7] : memref<2x2000x64xf32, #tpu.memory_space<vmem>>, vector<1x2000x64xf32>
    %swap3A_9 = vector.shape_cast %swap3A_8 : vector<1x2000x64xf32> to vector<2000x64xf32>
    %swap3A_10 = vector.shape_cast %slice3A : vector<2000x64xf32> to vector<1x2000x64xf32>
    tpu.vector_store %arg3[%swap3A, %swap3A_6, %swap3A_7], %swap3A_10 {strides = array<i32>} : memref<2x2000x64xf32, #tpu.memory_space<vmem>>, vector<1x2000x64xf32>,
    %slice3A_11 = vector.extract_strided_slice %dot_general3A_5 {offsets = [0, 64], sizes = [2000, 64], strides = [1, 1]} : vector<2000x128xf32> to vector<2000x64xf32>
    %swap3A_12 = arith.constant 1 : index
    %swap3A_13 = arith.constant 0 : index
    %swap3A_14 = arith.constant 0 : index
    %swap3A_15 = vector.load %arg3[%swap3A_12, %swap3A_13, %swap3A_14] : memref<2x2000x64xf32, #tpu.memory_space<vmem>>, vector<1x2000x64xf32>
    %swap3A_16 = vector.shape_cast %swap3A_15 : vector<1x2000x64xf32> to vector<2000x64xf32>
    %swap3A_17 = vector.shape_cast %slice3A_11 : vector<2000x64xf32> to vector<1x2000x64xf32>
    tpu.vector_store %arg3[%swap3A_12, %swap3A_13, %swap3A_14], %swap3A_17 {strides = array<i32>} : memref<2x2000x64xf32, #tpu.memory_space<vmem>>, vector<1x2000x64xf32>,
    return
  }
  func.func @transform_0(%arg0: i32) -> (i32, i32) {
    %c0_i32 = arith.constant 0 : i32
    %c0_i32_0 = arith.constant 0 : i32
    return %arg0, %c0_i32 : i32, i32
  }
  func.func @transform_1(%arg0: i32) -> (i32, i32) {
    %c0_i32 = arith.constant 0 : i32
    %c0_i32_0 = arith.constant 0 : i32
    %c0_i32_1 = arith.constant 0 : i32
    return %c0_i32, %c0_i32_0 : i32, i32
  }
  func.func @transform_2(%arg0: i32) -> (i32, i32, i32) {
    %c0_i32 = arith.constant 0 : i32
    %c0_i32_0 = arith.constant 0 : i32
    %c0_i32_1 = arith.constant 0 : i32
    return %c0_i32, %arg0, %c0_i32_0 : i32, i32, i32
  }
}

module attributes {stable_mosaic.version = 14 : i64} {
  func.func @_combine_mm_body(%arg0: i32, %arg1: memref<2x2000x64xf32, #tpu.memory_space<vmem>>, %arg2: memref<2x2000x16xf32, #tpu.memory_space<vmem>>, %arg3: memref<128x128xf32, #tpu.memory_space<vmem>>, %arg4: memref<2x2000x64xf32, #tpu.memory_space<vmem>>) attributes {dimension_semantics = [#tpu.dimension_semantics<arbitrary>], iteration_bounds = array<i64: 5>, scalar_prefetch = 0 : i64, scratch_operands = 0 : i64, tpu.core_type = #tpu.core_type<tc>, window_params = [{transform_indices = @transform_0, window_bounds = array<i64: 2, 2000, 64>}, {transform_indices = @transform_1, window_bounds = array<i64: 2, 2000, 16>}, {pipeline_mode = #tpu.pipeline_mode<synchronous>, transform_indices = @transform_2, window_bounds = array<i64: 128, 128>}, {transform_indices = @transform_3, window_bounds = array<i64: 2, 2000, 64>}]} {
    %iota3A = tpu.iota {dimensions = array<i32: 1>} : vector<16x64xi32>
    %jit3A = arith.constant 32 : i32
    %div3A = vector.broadcast %jit3A : i32 to vector<16x64xi32>
    %div3A_0 = arith.divsi %iota3A, %div3A : vector<16x64xi32>
    %sign3A = arith.constant 0 : i32
    %sign3A_1 = vector.broadcast %sign3A : i32 to vector<16x64xi32>
    %sign3A_2 = arith.cmpi sgt, %iota3A, %sign3A_1 : vector<16x64xi32>
    %sign3A_3 = arith.extui %sign3A_2 : vector<16x64xi1> to vector<16x64xi32>
    %sign3A_4 = arith.constant 0 : i32
    %sign3A_5 = vector.broadcast %sign3A_4 : i32 to vector<16x64xi32>
    %sign3A_6 = arith.cmpi slt, %iota3A, %sign3A_5 : vector<16x64xi32>
    %sign3A_7 = arith.extui %sign3A_6 : vector<16x64xi1> to vector<16x64xi32>
    %sign3A_8 = arith.subi %sign3A_3, %sign3A_7 : vector<16x64xi32>
    %sign3A_9 = arith.constant 0 : i32
    %sign3A_10 = arith.cmpi sgt, %jit3A, %sign3A_9 : i32
    %sign3A_11 = arith.extui %sign3A_10 : i1 to i32
    %sign3A_12 = arith.constant 0 : i32
    %sign3A_13 = arith.cmpi slt, %jit3A, %sign3A_12 : i32
    %sign3A_14 = arith.extui %sign3A_13 : i1 to i32
    %sign3A_15 = arith.subi %sign3A_11, %sign3A_14 : i32
    %ne3A = vector.broadcast %sign3A_15 : i32 to vector<16x64xi32>
    %ne3A_16 = arith.cmpi ne, %sign3A_8, %ne3A : vector<16x64xi32>
    %rem3A = vector.broadcast %jit3A : i32 to vector<16x64xi32>
    %rem3A_17 = arith.remsi %iota3A, %rem3A : vector<16x64xi32>
    %ne3A_18 = arith.constant 0 : i32
    %ne3A_19 = vector.broadcast %ne3A_18 : i32 to vector<16x64xi32>
    %ne3A_20 = arith.cmpi ne, %rem3A_17, %ne3A_19 : vector<16x64xi32>
    %and3A = arith.andi %ne3A_16, %ne3A_20 : vector<16x64xi1>
    %sub3A = arith.constant 1 : i32
    %sub3A_21 = vector.broadcast %sub3A : i32 to vector<16x64xi32>
    %sub3A_22 = arith.subi %div3A_0, %sub3A_21 : vector<16x64xi32>
    %select_n3A = arith.select %and3A, %sub3A_22, %div3A_0 : vector<16x64xi1>, vector<16x64xi32>
    %iota3A_23 = tpu.iota {dimensions = array<i32: 0>} : vector<16x64xi32>
    %eq3A = arith.cmpi eq, %select_n3A, %iota3A_23 : vector<16x64xi32>
    %convert_element_type3A = arith.extui %eq3A : vector<16x64xi1> to vector<16x64xi32>
    %convert_element_type3A_24 = arith.sitofp %convert_element_type3A : vector<16x64xi32> to vector<16x64xf32>
    %get3A = arith.constant 0 : index
    %get3A_25 = arith.constant 0 : index
    %get3A_26 = arith.constant 0 : index
    %get3A_27 = vector.load %arg2[%get3A, %get3A_25, %get3A_26] : memref<2x2000x16xf32, #tpu.memory_space<vmem>>, vector<1x2000x16xf32>
    %get3A_28 = vector.shape_cast %get3A_27 : vector<1x2000x16xf32> to vector<2000x16xf32>
    %dot_general3A = arith.constant dense<0.000000e+00> : vector<2000x64xf32>
    %dot_general3A_29 = tpu.matmul %get3A_28, %convert_element_type3A_24, %dot_general3A {dimension_numbers = #tpu.dot_dimension_numbers<[1], [0], [0], [1], [0, 0, 1, 1], [], []>, transpose_lhs_hint = false} : vector<2000x16xf32>, vector<16x64xf32>, vector<2000x64xf32> -> vector<2000x64xf32>
    %get3A_30 = arith.constant 0 : index
    %get3A_31 = arith.constant 0 : index
    %get3A_32 = arith.constant 0 : index
    %get3A_33 = vector.load %arg1[%get3A_30, %get3A_31, %get3A_32] : memref<2x2000x64xf32, #tpu.memory_space<vmem>>, vector<1x2000x64xf32>
    %get3A_34 = vector.shape_cast %get3A_33 : vector<1x2000x64xf32> to vector<2000x64xf32>
    %max3A = arith.constant 9.99999971E-10 : f32
    %max3A_35 = vector.broadcast %max3A : f32 to vector<2000x64xf32>
    %max3A_36 = arith.maximumf %dot_general3A_29, %max3A_35 : vector<2000x64xf32>
    %div3A_37 = arith.divf %get3A_34, %max3A_36 : vector<2000x64xf32>
    %get3A_38 = arith.constant 1 : index
    %get3A_39 = arith.constant 0 : index
    %get3A_40 = arith.constant 0 : index
    %get3A_41 = vector.load %arg2[%get3A_38, %get3A_39, %get3A_40] : memref<2x2000x16xf32, #tpu.memory_space<vmem>>, vector<1x2000x16xf32>
    %get3A_42 = vector.shape_cast %get3A_41 : vector<1x2000x16xf32> to vector<2000x16xf32>
    %dot_general3A_43 = arith.constant dense<0.000000e+00> : vector<2000x64xf32>
    %dot_general3A_44 = tpu.matmul %get3A_42, %convert_element_type3A_24, %dot_general3A_43 {dimension_numbers = #tpu.dot_dimension_numbers<[1], [0], [0], [1], [0, 0, 1, 1], [], []>, transpose_lhs_hint = false} : vector<2000x16xf32>, vector<16x64xf32>, vector<2000x64xf32> -> vector<2000x64xf32>
    %get3A_45 = arith.constant 1 : index
    %get3A_46 = arith.constant 0 : index
    %get3A_47 = arith.constant 0 : index
    %get3A_48 = vector.load %arg1[%get3A_45, %get3A_46, %get3A_47] : memref<2x2000x64xf32, #tpu.memory_space<vmem>>, vector<1x2000x64xf32>
    %get3A_49 = vector.shape_cast %get3A_48 : vector<1x2000x64xf32> to vector<2000x64xf32>
    %max3A_50 = arith.constant 9.99999971E-10 : f32
    %max3A_51 = vector.broadcast %max3A_50 : f32 to vector<2000x64xf32>
    %max3A_52 = arith.maximumf %dot_general3A_44, %max3A_51 : vector<2000x64xf32>
    %div3A_53 = arith.divf %get3A_49, %max3A_52 : vector<2000x64xf32>
    %concatenate3A = tpu.concatenate %div3A_37, %div3A_53 in 1 : vector<2000x64xf32>, vector<2000x64xf32> -> vector<2000x128xf32>
    %max3A_54 = arith.constant 0.000000e+00 : f32
    %max3A_55 = vector.broadcast %max3A_54 : f32 to vector<2000x128xf32>
    %max3A_56 = arith.maximumf %concatenate3A, %max3A_55 : vector<2000x128xf32>
    %get3A_57 = arith.constant 0 : index
    %get3A_58 = arith.constant 0 : index
    %get3A_59 = vector.load %arg3[%get3A_57, %get3A_58] : memref<128x128xf32, #tpu.memory_space<vmem>>, vector<128x128xf32>
    %dot_general3A_60 = arith.constant dense<0.000000e+00> : vector<2000x128xf32>
    %dot_general3A_61 = tpu.matmul %max3A_56, %get3A_59, %dot_general3A_60 {dimension_numbers = #tpu.dot_dimension_numbers<[1], [0], [0], [1], [0, 0, 1, 1], [], []>, transpose_lhs_hint = false} : vector<2000x128xf32>, vector<128x128xf32>, vector<2000x128xf32> -> vector<2000x128xf32>
    %slice3A = vector.extract_strided_slice %dot_general3A_61 {offsets = [0, 0], sizes = [2000, 64], strides = [1, 1]} : vector<2000x128xf32> to vector<2000x64xf32>
    %swap3A = arith.constant 0 : index
    %swap3A_62 = arith.constant 0 : index
    %swap3A_63 = arith.constant 0 : index
    %swap3A_64 = vector.load %arg4[%swap3A, %swap3A_62, %swap3A_63] : memref<2x2000x64xf32, #tpu.memory_space<vmem>>, vector<1x2000x64xf32>
    %swap3A_65 = vector.shape_cast %swap3A_64 : vector<1x2000x64xf32> to vector<2000x64xf32>
    %swap3A_66 = vector.shape_cast %slice3A : vector<2000x64xf32> to vector<1x2000x64xf32>
    tpu.vector_store %arg4[%swap3A, %swap3A_62, %swap3A_63], %swap3A_66 {strides = array<i32>} : memref<2x2000x64xf32, #tpu.memory_space<vmem>>, vector<1x2000x64xf32>,
    %slice3A_67 = vector.extract_strided_slice %dot_general3A_61 {offsets = [0, 64], sizes = [2000, 64], strides = [1, 1]} : vector<2000x128xf32> to vector<2000x64xf32>
    %swap3A_68 = arith.constant 1 : index
    %swap3A_69 = arith.constant 0 : index
    %swap3A_70 = arith.constant 0 : index
    %swap3A_71 = vector.load %arg4[%swap3A_68, %swap3A_69, %swap3A_70] : memref<2x2000x64xf32, #tpu.memory_space<vmem>>, vector<1x2000x64xf32>
    %swap3A_72 = vector.shape_cast %swap3A_71 : vector<1x2000x64xf32> to vector<2000x64xf32>
    %swap3A_73 = vector.shape_cast %slice3A_67 : vector<2000x64xf32> to vector<1x2000x64xf32>
    tpu.vector_store %arg4[%swap3A_68, %swap3A_69, %swap3A_70], %swap3A_73 {strides = array<i32>} : memref<2x2000x64xf32, #tpu.memory_space<vmem>>, vector<1x2000x64xf32>,
    return
  }
  func.func @transform_0(%arg0: i32) -> (i32, i32, i32) {
    %c0_i32 = arith.constant 0 : i32
    %c0_i32_0 = arith.constant 0 : i32
    %c0_i32_1 = arith.constant 0 : i32
    return %c0_i32, %arg0, %c0_i32_0 : i32, i32, i32
  }
  func.func @transform_1(%arg0: i32) -> (i32, i32, i32) {
    %c0_i32 = arith.constant 0 : i32
    %c0_i32_0 = arith.constant 0 : i32
    %c0_i32_1 = arith.constant 0 : i32
    return %c0_i32, %arg0, %c0_i32_0 : i32, i32, i32
  }
  func.func @transform_2(%arg0: i32) -> (i32, i32) {
    %c0_i32 = arith.constant 0 : i32
    %c0_i32_0 = arith.constant 0 : i32
    %c0_i32_1 = arith.constant 0 : i32
    return %c0_i32, %c0_i32_0 : i32, i32
  }
  func.func @transform_3(%arg0: i32) -> (i32, i32, i32) {
    %c0_i32 = arith.constant 0 : i32
    %c0_i32_0 = arith.constant 0 : i32
    %c0_i32_1 = arith.constant 0 : i32
    return %c0_i32, %arg0, %c0_i32_0 : i32, i32, i32
  }
}

module attributes {stable_mosaic.version = 14 : i64} {
  func.func @_combine_body(%arg0: i32, %arg1: memref<2x2000x64xf32, #tpu.memory_space<vmem>>, %arg2: memref<2x2000x16xf32, #tpu.memory_space<vmem>>, %arg3: memref<2000x128xf32, #tpu.memory_space<vmem>>) attributes {dimension_semantics = [#tpu.dimension_semantics<arbitrary>], iteration_bounds = array<i64: 5>, scalar_prefetch = 0 : i64, scratch_operands = 0 : i64, tpu.core_type = #tpu.core_type<tc>, window_params = [{transform_indices = @transform_0, window_bounds = array<i64: 2, 2000, 64>}, {transform_indices = @transform_1, window_bounds = array<i64: 2, 2000, 16>}, {transform_indices = @transform_2, window_bounds = array<i64: 2000, 128>}]} {
    %iota3A = tpu.iota {dimensions = array<i32: 1>} : vector<16x64xi32>
    %jit3A = arith.constant 32 : i32
    %div3A = vector.broadcast %jit3A : i32 to vector<16x64xi32>
    %div3A_0 = arith.divsi %iota3A, %div3A : vector<16x64xi32>
    %sign3A = arith.constant 0 : i32
    %sign3A_1 = vector.broadcast %sign3A : i32 to vector<16x64xi32>
    %sign3A_2 = arith.cmpi sgt, %iota3A, %sign3A_1 : vector<16x64xi32>
    %sign3A_3 = arith.extui %sign3A_2 : vector<16x64xi1> to vector<16x64xi32>
    %sign3A_4 = arith.constant 0 : i32
    %sign3A_5 = vector.broadcast %sign3A_4 : i32 to vector<16x64xi32>
    %sign3A_6 = arith.cmpi slt, %iota3A, %sign3A_5 : vector<16x64xi32>
    %sign3A_7 = arith.extui %sign3A_6 : vector<16x64xi1> to vector<16x64xi32>
    %sign3A_8 = arith.subi %sign3A_3, %sign3A_7 : vector<16x64xi32>
    %sign3A_9 = arith.constant 0 : i32
    %sign3A_10 = arith.cmpi sgt, %jit3A, %sign3A_9 : i32
    %sign3A_11 = arith.extui %sign3A_10 : i1 to i32
    %sign3A_12 = arith.constant 0 : i32
    %sign3A_13 = arith.cmpi slt, %jit3A, %sign3A_12 : i32
    %sign3A_14 = arith.extui %sign3A_13 : i1 to i32
    %sign3A_15 = arith.subi %sign3A_11, %sign3A_14 : i32
    %ne3A = vector.broadcast %sign3A_15 : i32 to vector<16x64xi32>
    %ne3A_16 = arith.cmpi ne, %sign3A_8, %ne3A : vector<16x64xi32>
    %rem3A = vector.broadcast %jit3A : i32 to vector<16x64xi32>
    %rem3A_17 = arith.remsi %iota3A, %rem3A : vector<16x64xi32>
    %ne3A_18 = arith.constant 0 : i32
    %ne3A_19 = vector.broadcast %ne3A_18 : i32 to vector<16x64xi32>
    %ne3A_20 = arith.cmpi ne, %rem3A_17, %ne3A_19 : vector<16x64xi32>
    %and3A = arith.andi %ne3A_16, %ne3A_20 : vector<16x64xi1>
    %sub3A = arith.constant 1 : i32
    %sub3A_21 = vector.broadcast %sub3A : i32 to vector<16x64xi32>
    %sub3A_22 = arith.subi %div3A_0, %sub3A_21 : vector<16x64xi32>
    %select_n3A = arith.select %and3A, %sub3A_22, %div3A_0 : vector<16x64xi1>, vector<16x64xi32>
    %iota3A_23 = tpu.iota {dimensions = array<i32: 0>} : vector<16x64xi32>
    %eq3A = arith.cmpi eq, %select_n3A, %iota3A_23 : vector<16x64xi32>
    %convert_element_type3A = arith.extui %eq3A : vector<16x64xi1> to vector<16x64xi32>
    %convert_element_type3A_24 = arith.sitofp %convert_element_type3A : vector<16x64xi32> to vector<16x64xf32>
    %get3A = arith.constant 0 : index
    %get3A_25 = arith.constant 0 : index
    %get3A_26 = arith.constant 0 : index
    %get3A_27 = vector.load %arg2[%get3A, %get3A_25, %get3A_26] : memref<2x2000x16xf32, #tpu.memory_space<vmem>>, vector<1x2000x16xf32>
    %get3A_28 = vector.shape_cast %get3A_27 : vector<1x2000x16xf32> to vector<2000x16xf32>
    %dot_general3A = arith.constant dense<0.000000e+00> : vector<2000x64xf32>
    %dot_general3A_29 = tpu.matmul %get3A_28, %convert_element_type3A_24, %dot_general3A {dimension_numbers = #tpu.dot_dimension_numbers<[1], [0], [0], [1], [0, 0, 1, 1], [], []>, transpose_lhs_hint = false} : vector<2000x16xf32>, vector<16x64xf32>, vector<2000x64xf32> -> vector<2000x64xf32>
    %get3A_30 = arith.constant 0 : index
    %get3A_31 = arith.constant 0 : index
    %get3A_32 = arith.constant 0 : index
    %get3A_33 = vector.load %arg1[%get3A_30, %get3A_31, %get3A_32] : memref<2x2000x64xf32, #tpu.memory_space<vmem>>, vector<1x2000x64xf32>
    %get3A_34 = vector.shape_cast %get3A_33 : vector<1x2000x64xf32> to vector<2000x64xf32>
    %max3A = arith.constant 9.99999971E-10 : f32
    %max3A_35 = vector.broadcast %max3A : f32 to vector<2000x64xf32>
    %max3A_36 = arith.maximumf %dot_general3A_29, %max3A_35 : vector<2000x64xf32>
    %div3A_37 = arith.divf %get3A_34, %max3A_36 : vector<2000x64xf32>
    %get3A_38 = arith.constant 1 : index
    %get3A_39 = arith.constant 0 : index
    %get3A_40 = arith.constant 0 : index
    %get3A_41 = vector.load %arg2[%get3A_38, %get3A_39, %get3A_40] : memref<2x2000x16xf32, #tpu.memory_space<vmem>>, vector<1x2000x16xf32>
    %get3A_42 = vector.shape_cast %get3A_41 : vector<1x2000x16xf32> to vector<2000x16xf32>
    %dot_general3A_43 = arith.constant dense<0.000000e+00> : vector<2000x64xf32>
    %dot_general3A_44 = tpu.matmul %get3A_42, %convert_element_type3A_24, %dot_general3A_43 {dimension_numbers = #tpu.dot_dimension_numbers<[1], [0], [0], [1], [0, 0, 1, 1], [], []>, transpose_lhs_hint = false} : vector<2000x16xf32>, vector<16x64xf32>, vector<2000x64xf32> -> vector<2000x64xf32>
    %get3A_45 = arith.constant 1 : index
    %get3A_46 = arith.constant 0 : index
    %get3A_47 = arith.constant 0 : index
    %get3A_48 = vector.load %arg1[%get3A_45, %get3A_46, %get3A_47] : memref<2x2000x64xf32, #tpu.memory_space<vmem>>, vector<1x2000x64xf32>
    %get3A_49 = vector.shape_cast %get3A_48 : vector<1x2000x64xf32> to vector<2000x64xf32>
    %max3A_50 = arith.constant 9.99999971E-10 : f32
    %max3A_51 = vector.broadcast %max3A_50 : f32 to vector<2000x64xf32>
    %max3A_52 = arith.maximumf %dot_general3A_44, %max3A_51 : vector<2000x64xf32>
    %div3A_53 = arith.divf %get3A_49, %max3A_52 : vector<2000x64xf32>
    %concatenate3A = tpu.concatenate %div3A_37, %div3A_53 in 1 : vector<2000x64xf32>, vector<2000x64xf32> -> vector<2000x128xf32>
    %swap3A = arith.constant 0 : index
    %swap3A_54 = arith.constant 0 : index
    %swap3A_55 = vector.load %arg3[%swap3A, %swap3A_54] : memref<2000x128xf32, #tpu.memory_space<vmem>>, vector<2000x128xf32>
    tpu.vector_store %arg3[%swap3A, %swap3A_54], %concatenate3A {strides = array<i32>} : memref<2000x128xf32, #tpu.memory_space<vmem>>, vector<2000x128xf32>,
    return
  }
  func.func @transform_0(%arg0: i32) -> (i32, i32, i32) {
    %c0_i32 = arith.constant 0 : i32
    %c0_i32_0 = arith.constant 0 : i32
    %c0_i32_1 = arith.constant 0 : i32
    return %c0_i32, %arg0, %c0_i32_0 : i32, i32, i32
  }
  func.func @transform_1(%arg0: i32) -> (i32, i32, i32) {
    %c0_i32 = arith.constant 0 : i32
    %c0_i32_0 = arith.constant 0 : i32
    %c0_i32_1 = arith.constant 0 : i32
    return %c0_i32, %arg0, %c0_i32_0 : i32, i32, i32
  }
  func.func @transform_2(%arg0: i32) -> (i32, i32) {
    %c0_i32 = arith.constant 0 : i32
    %c0_i32_0 = arith.constant 0 : i32
    return %arg0, %c0_i32 : i32, i32
  }
}

</mosaic_0001>

<sc_bundles>
// kernel: kernel.10.cloned.1.call-start
scs
__scs_entry_jumppad:
0x0: {  	(pc) =	sbr.rel $0x88, $3  }
0x1: {  	(tag) =	ssettag $0x0;
	lr =	simm.s32 $0x1  }
0x2: {  	[smem:$0x3F9D] =	sst lr;
	_ =	strace $0xD0000000  }
0x3: {  	_ = 	snop  }
0x4: {  	_ = 	snop  }
0x5: {  	_ = 	snop  }
0x6: {  	_ = 	snop  }
0x7: {  	_ = 	snop  }
__scs_overlays_trampoline_lowered:
0x8: {  	[smem:$0x3FAC] =	sst s0  }
0x9: {  	[smem:$0x3FAD] =	sst s1  }
0xa: {  	[smem:$0x3FAE] =	sst s2  }
0xb: {  	[smem:$0x3FAF] =	sst s3  }
0xc: {  	[smem:$0x3FB0] =	sst s4  }
0xd: {  	[smem:$0x3FB1] =	sst s5  }
0xe: {  	[smem:$0x3FB2] =	sst s6  }
0xf: {  	[smem:$0x3FB3] =	sst s7  }
0x10: {  	[smem:$0x3FB4] =	sst s8  }
0x11: {  	[smem:$0x3FB5] =	sst s9;
	s0 =	simm.s32 @!p0 $0x0  }
0x12: {  	s1 =	sld [smem:$0x3F9B];
	s0 =	simm.s32 @p0 $0x1  }
0x13: {  	[smem:$0x3FB6] =	sst s0;
	s0 =	simm.s32 @!p1 $0x0  }
0x14: {  	s2 =	sld [smem:$0x3F9A];
	s0 =	simm.s32 @p1 $0x1  }
0x15: {  	[smem:$0x3FB7] =	sst s0;
	s0 =	simm.s32 @!p2 $0x0  }
0x16: {  	s3 =	sld [smem:$0x3FDB];
	s0 =	simm.s32 @p2 $0x1  }
0x17: {  	s4 =	simm.s32 $0x1BF5;
	[smem:$0x3FB9] =	sst s0  }
0x18: {  	s0 =	sld [smem:$0x3F9C];
	_ =	swait.ge [sflag:s4], $0x0  }
0x19: {  	s7 =	sld [smem:$0x3F9D]  }
0x1a: {  	s8 =	sadd.s32 $0xFFFFE003, lr  }
0x1b: {  	s9 =	sadd.s32 $0xFFFFFEF7, lr;
	s5 =	simm.s32 $0xFFFFFFFF;
	p2 =	slt.u32 s8, $0xFFFFF086  }
0x1c: {  	p1 =	slt.u32 s9, $0xF7A;
	s5 =	simm.s32 @!p2 $0x0  }
0x1d: {  	s5 =	simm.s32 @p1 $0x1;
	p0 =	seq.s32 s7, s2  }
0x1e: {  	s7 =	smul.u32 @!p0 $0xF7A, s2;
	p2 =	seq.s32 @!p0 s5, $0x0  }
0x1f: {  	s9 =	smul.u32 $0xF7A, s1;
	s8 =	simm.s32 @!p0 $0x1BF5;
	p2 =	por !p2, p0  }
0x20: {  	[sflag:s8] =	ssyncset.s32 @!p0 $0xFFFFF086;
	s6 =	sadd.s32 @!p0 s3, s7;
	s7 =	simm.s32 @!p0 $0x108  }
0x21: {  	s3 =	sadd.s32 s3, s9;
	s6 =	sadd.s32 @!p0 $0x88, s6;
	s7 =	simm.s32 @p2 $0x1082  }
0x22: {  	[simem:s7], [sflag:s8] =	dma.local @!p0 [hbm:s6], $0xF7A  }
0x23: {  	s9 =	sor.u32 $0xD0000000, s2;
	s6 =	simm.s32 $0x108;
	_ =	swait.ge @!p0 [sflag:s8], $0x0  }
0x24: {  	s3 =	sadd.s32 $0x88, s3;
	s6 =	simm.s32 @!p1 $0x1082;
	[sflag:s4] =	ssyncset.s32 $0xFFFFF086  }
0x25: {  	[simem:s6], [sflag:s4] =	dma.local [hbm:s3], $0xF7A  }
0x26: {  	[smem:$0x3F9D] =	sst s1;
	(tag) =	ssettag s2;
	_ =	strace s9  }
0x27: {  	s1 =	sld [smem:$0x3FAD]  }
0x28: {  	s2 =	sld [smem:$0x3FAE]  }
0x29: {  	s4 =	sld [smem:$0x3FB0]  }
0x2a: {  	p0 =	seq.s32 s5, $0x0;
	s5 =	sld [smem:$0x3FB1]  }
0x2b: {  	s6 =	sld [smem:$0x3FB2]  }
0x2c: {  	s7 =	sld [smem:$0x3FB3]  }
0x2d: {  	s3 =	simm.s32 $0x108;
	s8 =	sld [smem:$0x3FB4]  }
0x2e: {  	s3 =	simm.s32 @!p0 $0x1082;
	s9 =	sld [smem:$0x3FB5]  }
0x2f: {  	lr =	sadd.s32 s0, s3;
	s0 =	sld [smem:$0x3FAC]  }
0x30: {  	s3 =	sld [smem:$0x3FAF]  }
0x31: {  	[smem:$0x3FB8] =	sst s10  }
0x32: {  	s10 =	sld [smem:$0x3FB6];
	_ =	sdelay $0x3  }
0x33: {  	p0 =	seq.s32 s10, $0x1;
	s10 =	sld [smem:$0x3FB8];
	_ =	sdelay $0x3  }
0x34: {  	[smem:$0x3FB8] =	sst s10  }
0x35: {  	s10 =	sld [smem:$0x3FB7];
	_ =	sdelay $0x3  }
0x36: {  	p1 =	seq.s32 s10, $0x1;
	s10 =	sld [smem:$0x3FB8];
	_ =	sdelay $0x3  }
0x37: {  	[smem:$0x3FB8] =	sst s10  }
0x38: {  	s10 =	sld [smem:$0x3FB9]  }
0x39: {  	_ = 	snop;
	(pc) =	sbr.ind lr, $3  }
0x3a: {  	_ = 	snop  }
0x3b: {  	_ = 	snop  }
0x3c: {  	p2 =	seq.s32 s10, $0x1;
	s10 =	sld [smem:$0x3FB8]  }
0x3d: {  	_ =	shalt  }
0x3e: {  	_ =	shalt  }
0x3f: {  	_ =	shalt  }
0x40: {  	_ =	shalt  }
0x41: {  	_ =	shalt  }
0x42: {  	_ =	shalt  }
0x43: {  	_ =	shalt  }
0x44: {  	_ =	shalt  }
0x45: {  	_ =	shalt  }
0x46: {  	_ =	shalt  }
0x47: {  	_ =	shalt  }
0x48: {  	_ =	shalt  }
0x49: {  	_ =	shalt  }
0x4a: {  	_ =	shalt  }
0x4b: {  	_ =	shalt  }
0x4c: {  	_ =	shalt  }
0x4d: {  	_ =	shalt  }
0x4e: {  	_ =	shalt  }
0x4f: {  	_ =	shalt  }
0x50: {  	_ =	shalt  }
0x51: {  	_ =	shalt  }
0x52: {  	_ =	shalt  }
0x53: {  	_ =	shalt  }
0x54: {  	_ =	shalt  }
0x55: {  	_ =	shalt  }
0x56: {  	_ =	shalt  }
0x57: {  	_ =	shalt  }
0x58: {  	_ =	shalt  }
0x59: {  	_ =	shalt  }
0x5a: {  	_ =	shalt  }
0x5b: {  	_ =	shalt  }
0x5c: {  	_ =	shalt  }
0x5d: {  	_ =	shalt  }
0x5e: {  	_ =	shalt  }
0x5f: {  	_ =	shalt  }
0x60: {  	_ =	shalt  }
0x61: {  	_ =	shalt  }
0x62: {  	_ =	shalt  }
0x63: {  	_ =	shalt  }
0x64: {  	_ =	shalt  }
0x65: {  	_ =	shalt  }
0x66: {  	_ =	shalt  }
0x67: {  	_ =	shalt  }
0x68: {  	_ =	shalt  }
0x69: {  	_ =	shalt  }
0x6a: {  	_ =	shalt  }
0x6b: {  	_ =	shalt  }
0x6c: {  	_ =	shalt  }
0x6d: {  	_ =	shalt  }
0x6e: {  	_ =	shalt  }
0x6f: {  	_ =	shalt  }
0x70: {  	_ =	shalt  }
0x71: {  	_ =	shalt  }
0x72: {  	_ =	shalt  }
0x73: {  	_ =	shalt  }
0x74: {  	_ =	shalt  }
0x75: {  	_ =	shalt  }
0x76: {  	_ =	shalt  }
0x77: {  	_ =	shalt  }
0x78: {  	_ =	shalt  }
0x79: {  	_ =	shalt  }
0x7a: {  	_ =	shalt  }
0x7b: {  	_ =	shalt  }
0x7c: {  	_ =	shalt  }
0x7d: {  	_ =	shalt  }
0x7e: {  	_ =	shalt  }
0x7f: {  	_ =	shalt  }
0x80: {  	_ =	shalt  }
0x81: {  	_ =	shalt  }
0x82: {  	_ =	shalt  }
0x83: {  	_ =	shalt  }
0x84: {  	_ =	shalt  }
0x85: {  	_ =	shalt  }
0x86: {  	_ =	shalt  }
0x87: {  	_ =	shalt  }
.Lfunc_end0:
.L_simem_size_0:
called_computation.1_lowered:
.L_overlay_start_0:
0x88: {  	s2 =	sld [smem:$0x3FD9]  }
0x89: {  	s3 =	sld [smem:$0x3FFE];
	_ =	sdelay $0x1  }
0x8a: {  	s1 =	srdreg.scid  }
0x8b: {  	s0 =	sand.u32 $0x1, s1  }
0x8c: {  	s17 =	sshll.u32 s0, $0xA;
	s2 =	sadd.s32 s3, s2  }
0x8d: {  	s2 =	sadd.s32 s2, s17  }
0x8e: {  	[smem:$0x3FC4] =	sst s2  }
0x8f: {  	_ = 	snop  }
0x90: {  	s2 =	sld [smem:$0x3FD0];
	(tm) =	ssettm $0x1  }
0x91: {  	s18 =	sld [smem:$0x3FFB];
	_ =	sdelay $0x3  }
0x92: {  	_ =	strace s18  }
0x93: {  	s3 =	sld [smem:$0x3FFC];
	_ =	sdelay $0x3  }
0x94: {  	_ =	strace s3  }
0x95: {  	s3 =	sld [smem:$0x3FFD];
	_ =	sdelay $0x3  }
0x96: {  	_ =	strace s3  }
0x97: {  	_ =	strace $0x8FFFFFFF  }
0x98: {  	s19 =	sld [smem:$0x3FDB];
	_ =	sdelay $0x1  }
0x99: {  	s4 =	simm.s32 $_scs_section_size  }
0x9a: {  	s5 =	simm.s32 $_size__tile_overlayer_lowered;
	s6 =	simm.s32 $_tile_overlayer_lowered  }
0x9b: {  	s22 =	simm.s32 $0x1BFF;
	s21 =	sshll.u32 s6, $0x1;
	s3 =	sadd.s32 s4, s19  }
0x9c: {  	s7 =	simm.s32 $0x0;
	s20 =	sshll.u32 s5, $0x1;
	s5 =	sadd.s32 s21, s3  }
0x9d: {  	[timem:s7], [sflag:s22] =	dma.local [hbm:s5], s20  }
0x9e: {  	_ =	swait.ge [sflag:s22], s20  }
0x9f: {  	s4 =	ssub.s32 $0x0, s20;
	[sflag:s22] =	ssyncset.done $0x0  }
0xa0: {  	[sflag:s22] =	ssyncadd.s32 s4;
	_ =	sdelay $0x1  }
0xa1: {  	s23 =	simm.s32 $0x1B8B  }
0xa2: {  	_ =	swait.ge [sflag:s23], $0x1  }
0xa3: {  	[sflag:s23] =	ssyncset.done $0x0  }
0xa4: {  	s25 =	simm.s32 $0x1B8E;
	s24 =	sld [smem:$0x3FFE];
	[sflag:s23] =	ssyncadd.s32 $0xFFFFFFFF  }
0xa5: {  	s26 =	simm.s32 $execute0_lowered;
	[smem:$0x3FD2] =	sst s25  }
0xa6: {  	s5 =	sshll.u32 s26, $0x1;
	_ =	strace $0x80000049;
	[dreg:$0x1] =	wrdreg $0xFFFFFFFF  }
0xa7: {  	s28 =	simm.s32 $_size_execute0_lowered;
	s3 =	sadd.s32 s3, s5;
	[dreg:$0x0] =	wrdreg $0x0  }
0xa8: {  	s5 =	sshll.u32 s28, $0x1;
	[dreg:$0x2] =	wrdreg s3  }
0xa9: {  	[dreg:$0x3] =	wrdreg s5  }
0xaa: {  	[dreg:$0x4] =	wrdreg $0xC0  }
0xab: {  	_ =	task [dreg:s7], $0x5FFFF  }
0xac: {  	[dreg:$0x1] =	wrdreg $0xFFFFFFFF  }
0xad: {  	[dreg:$0x0] =	wrdreg $0x60  }
0xae: {  	[dreg:$0x2] =	wrdreg s2  }
0xaf: {  	[dreg:$0x3] =	wrdreg s24  }
0xb0: {  	[dreg:$0x4] =	wrdreg $0x50F00  }
0xb1: {  	[dreg:$0x5] =	wrdreg $0xED300  }
0xb2: {  	[dreg:$0x6] =	wrdreg $0x9  }
0xb3: {  	_ =	task.clear_ibuf [dreg:s7], $0x7FFFF;
	_ =	strace $0x90000049  }
0xb4: {  	s29 =	simm.s32 $0x9;
	_ =	strace $0x8000004B  }
0xb5: {  	_ =	swait.ge [sflag:s29], $0x1  }
0xb6: {  	[sflag:s29] =	ssyncadd.s32 $0xFFFFFFFF  }
0xb7: {  	_ =	strace $0x9000004B  }
0xb8: {  	_ =	sfence  }
0xb9: {  	s30 =	sld [smem:$0x0];
	_ =	sdelay $0x2  }
0xba: {  	s31 =	sshll.u32 s1, $0xD;
	s1 =	sshrl.u32 s1, $0x2  }
0xbb: {  	s3 =	sand.u32 $0x4000, s31;
	s1 =	sadd.s32 s1, s30  }
0xbc: {  	s0 =	sor.u32 s3, s0;
	s1 =	sshll.u32 s1, $0x11  }
0xbd: {  	s0 =	sor.u32 s1, s0  }
0xbe: {  	s0 =	sadd.s32 $0x8F2B, s0  }
0xbf: {  	[sflag:s0] =	ssyncadd.remote.s32 $0x1  }
0xc0: {  	_ =	sfence.sel $0xFFFF  }
0xc1: {  	[dreg:$0x0] =	wrdreg $0xFFFFFFFF;
	(pc) =	sbr.abs _section_cstart, $3  }
0xc2: {  	[dreg:$0x1] =	wrdreg $0xFFFFFFFF  }
0xc3: {  	_ =	task.clear_ibuf [dreg:s7], $0x2FFFF;
	_ =	strace $0x9FFFFFFF  }
0xc4: {  	(tm) =	ssettm $0x7FFFFFFF  }
0xc5: {  	_ =	shalt  }
tec
execute0_lowered:
.L_overlay_start_1:
0x0: {  	(tag) =	ssettag $0x1  }
0x1: {  	s1 =	rddreg [dreg:$0x0]  }
0x2: {  	s6 =	rddreg [dreg:$0x1]  }
0x3: {  	s2 =	rddreg [dreg:$0x2]  }
0x4: {  	s3 =	rddreg [dreg:$0x3];
	s0 =	stileid.u32  }
0x5: {  	s4 =	simm.s32 $0x0;
	s5 =	srdreg.scid;
	s8 =	smul.u32 $0x270, s0  }
0x6: {  	[smem:$0x7FF] =	sst s4;
	s7 =	sand.u32 $0x1, s5;
	s13 =	smul.u32 $0x27000, s0  }
0x7: {  	s5 =	sadd.s32 $0xB000, s6;
	s9 =	sadd.s32 $0x14E00, s6;
	s21 =	smul.u32 $0x9C00, s0  }
0x8: {  	p0 =	sne.s32 s0, $0x0;
	s11 =	smul.u32 $0x2710, s7;
	s7 =	ssub.s32 $0x2, s7  }
0x9: {  	s30 =	smul.u32 $0x4E20, s0;
	s0 =	sadd.s32 $0x9C000, s2;
	s10 =	sshrl.u32 s7, $0x1  }
0xa: {  	_ =	strace $0x8000004A;
	s14 =	sadd.s32 s8, s11;
	s7 =	ssub.s32 s7, s10  }
0xb: {  	s20 =	sadd.s32 $0x2700, s11;
	s10 =	sshrl.u32 s21, $0x2;
	v0 =	vmov s11;
	s11 =	simm.s32 $0xF0  }
0xc: {  	s15 =	sadd.s32 $0x80, s14;
	s12 =	sshll.u32 s14, $0x3;
	s17 =	sadd.s32 $0x100, s14  }
0xd: {  	s18 =	sadd.s32 $0x200, s14;
	s26 =	sshll.u32 s20, $0x3;
	s31 =	sadd.s32 s10, s3  }
0xe: {  	s10 =	simm.s32 $0x50;
	s16 =	sshll.u32 s15, $0x3;
	s12 =	sadd.s32 s9, s12  }
0xf: {  	s23 =	sshll.u32 s17, $0x3;
	s19 =	sshll.u32 s18, $0x3;
	s21 =	sshll.u32 s15, $0x1  }
0x10: {  	s15 =	sadd.s32 $0x100, s8;
	[dreg:$0x5] =	wrdreg s12;
	s22 =	sadd.s32 s9, s16  }
0x11: {  	s12 =	sadd.s32 s9, s23;
	s16 =	sadd.s32 $0x180, s14;
	[dreg:$0x6] =	wrdreg s22  }
0x12: {  	s25 =	sadd.s32 s9, s19;
	s19 =	sshll.u32 s14, $0x1;
	[dreg:$0x7] =	wrdreg s12  }
0x13: {  	s24 =	sshll.u32 s16, $0x3;
	[dreg:$0x9] =	wrdreg s25;
	s22 =	sshll.u32 s17, $0x1  }
0x14: {  	s25 =	sshll.u32 s18, $0x1;
	s17 =	sadd.s32 $0x180, s8;
	s18 =	sshll.u32 s15, $0x4  }
0x15: {  	s12 =	sadd.s32 s9, s24;
	s9 =	sadd.s32 s9, s26;
	s24 =	sshll.u32 s16, $0x1  }
0x16: {  	s26 =	sshll.u32 s20, $0x1;
	s16 =	sshll.u32 s15, $0x6;
	[dreg:$0x8] =	wrdreg s12  }
0x17: {  	s20 =	sadd.s32 $0x200, s8;
	s15 =	simm.s32 $0x1;
	[dreg:$0xa] =	wrdreg s9  }
0x18: {  	s12 =	sadd.s32 $0x1200, s6;
	s6 =	sadd.s32 $0x3C000, s6;
	s9 =	sshrl.u32 s13, $0x2  }
0x19: {  	s13 =	sadd.s32 s6, s19;
	s23 =	sadd.s32 s6, s22;
	s22 =	sadd.s32 s9, s2  }
0x1a: {  	s19 =	sshll.u32 s17, $0x6;
	[dreg:$0xb] =	wrdreg s13;
	s13 =	sadd.s32 s6, s21  }
0x1b: {  	[dreg:$0xd] =	wrdreg s23;
	s21 =	sshll.u32 s17, $0x4;
	s23 =	sshll.u32 s20, $0x6  }
0x1c: {  	s17 =	simm.s32 $0x0;
	[dreg:$0xc] =	wrdreg s13;
	s13 =	sadd.s32 s6, s24  }
0x1d: {  	s28 =	sadd.s32 s23, s2;
	s24 =	smax.u32 s7, $0x1;
	s7 =	simm.s32 $0x30F0  }
0x1e: {  	[dreg:$0xe] =	wrdreg s13;
	s13 =	sadd.s32 s6, s25;
	s6 =	sadd.s32 s6, s26  }
0x1f: {  	s25 =	sadd.s32 s19, s2;
	[dreg:$0xf] =	wrdreg s13;
	s13 =	sadd.s32 $0x80, s8  }
0x20: {  	s26 =	sadd.s32 s21, s3;
	[dreg:$0x15] =	wrdreg s24;
	s14 =	sshll.u32 s13, $0x6  }
0x21: {  	[dreg:$0x10] =	wrdreg s6;
	s6 =	sshll.u32 s13, $0x4;
	s9 =	sadd.s32 s14, s2  }
0x22: {  	s8 =	simm.s32 $0x3;
	s6 =	sadd.s32 s6, s3;
	[dreg:$0x11] =	wrdreg s9  }
0x23: {  	s13 =	simm.s32 $0xA0;
	[dreg:$0x12] =	wrdreg s6;
	s6 =	sadd.s32 s16, s2  }
0x24: {  	s14 =	simm.s32 $0x14F0;
	[dreg:$0x13] =	wrdreg s6;
	s6 =	sadd.s32 s18, s3  }
0x25: {  	s9 =	simm.s32 $0x28F0;
	[dreg:$0x14] =	wrdreg s6;
	s6 =	sshll.u32 s20, $0x4  }
0x26: {  	v1 =	vimm.f32 $0.0e+00;
	vm0 =	vmmov $0x1;
	vm1 =	vcmask $0x308;
	s16 =	simm.s32 $0x2;
	s29 =	sadd.s32 s6, s3;
	s6 =	sadd.s32 $0x27000, s3  }
.LBB2_1:
0x27: {  	s18 =	simm.s32 $0x3110  }
0x28: {  	[tilespmem:s18+$0x0] =	vst v1  }
0x29: {  	[tilespmem:s18+$0xFFFFFFE0] =	vst v1  }
0x2a: {  	[tilespmem:s18+$0x10] =	vst v1  }
0x2b: {  	s19 =	simm.s32 $0x40;
	s20 =	simm.s32 $0x0;
	[tilespmem:s18+$0xFFFFFFF0] =	vst v1  }
.LBB2_2:
0x2c: {  	p1 =	sne.s32 s19, $0x1FC0  }
0x2d: {  	[tilespmem:s20+$0x28F0] =	vst v1;
	s18 =	sadd.s32 $0x40, s18;
	s20 =	smov.u32 s19;
	s19 =	sadd.s32 $0x40, s19  }
.Ltmp0:
0x2e: {  	[tilespmem:s18+$0x0] =	vst v1;
	(pc) =	sbr.rel @p1 .LBB2_2-.Ltmp0, $4  }
0x2f: {  	_ = 	snop  }
0x30: {  	[tilespmem:s18+$0xFFFFFFE0] =	vst v1  }
0x31: {  	[tilespmem:s18+$0x10] =	vst v1  }
0x32: {  	s20 =	sshra.s32 s20, $0x2;
	[tilespmem:s18+$0xFFFFFFF0] =	vst v1  }
0x33: {  	[tilespmem:s20+$0x28F0] =	vst v1  }
0x34: {  	[spmem:s22] =	stream.linear.scatter [tilespmem:s7], [sflag:$0x3], $0x2000, $0x38;
	[tilespmem:$0x11440] =	vst v63  }
0x35: {  	_ =	swait.ge [sflag:s8], $0x2000  }
0x36: {  	[sflag:s8] =	ssyncset.done $0x0  }
0x37: {  	[sflag:s8] =	ssyncadd.s32 $0xFFFFE000  }
0x38: {  	[spmem:s31] =	stream.linear.scatter [tilespmem:s9], [sflag:$0x3], $0x800, $0x38;
	[tilespmem:$0x11440] =	vst v63  }
0x39: {  	_ =	swait.ge [sflag:s8], $0x800  }
0x3a: {  	[sflag:s8] =	ssyncset.done $0x0  }
0x3b: {  	s18 =	rddreg [dreg:$0x11];
	[sflag:s8] =	ssyncadd.s32 $0xFFFFF800  }
0x3c: {  	[spmem:s18] =	stream.linear.scatter [tilespmem:s7], [sflag:$0x3], $0x2000, $0x38;
	[tilespmem:$0x11440] =	vst v63  }
0x3d: {  	_ =	swait.ge [sflag:s8], $0x2000  }
0x3e: {  	[sflag:s8] =	ssyncset.done $0x0  }
0x3f: {  	s21 =	rddreg [dreg:$0x12];
	[sflag:s8] =	ssyncadd.s32 $0xFFFFE000  }
0x40: {  	[spmem:s21] =	stream.linear.scatter [tilespmem:s9], [sflag:$0x3], $0x800, $0x38;
	[tilespmem:$0x11440] =	vst v63  }
0x41: {  	_ =	swait.ge [sflag:s8], $0x800  }
0x42: {  	[sflag:s8] =	ssyncset.done $0x0  }
0x43: {  	s23 =	smov.u32 s22;
	s22 =	rddreg [dreg:$0x13];
	[sflag:s8] =	ssyncadd.s32 $0xFFFFF800  }
0x44: {  	[spmem:s22] =	stream.linear.scatter [tilespmem:s7], [sflag:$0x3], $0x2000, $0x38;
	[tilespmem:$0x11440] =	vst v63  }
0x45: {  	_ =	swait.ge [sflag:s8], $0x2000  }
0x46: {  	[sflag:s8] =	ssyncset.done $0x0  }
0x47: {  	s24 =	smov.u32 s31;
	s31 =	rddreg [dreg:$0x14];
	[sflag:s8] =	ssyncadd.s32 $0xFFFFE000  }
0x48: {  	[spmem:s31] =	stream.linear.scatter [tilespmem:s9], [sflag:$0x3], $0x800, $0x38;
	[tilespmem:$0x11440] =	vst v63  }
0x49: {  	_ =	swait.ge [sflag:s8], $0x800  }
0x4a: {  	[sflag:s8] =	ssyncset.done $0x0  }
0x4b: {  	[sflag:s8] =	ssyncadd.s32 $0xFFFFF800  }
0x4c: {  	[spmem:s25] =	stream.linear.scatter [tilespmem:s7], [sflag:$0x3], $0x2000, $0x38;
	[tilespmem:$0x11440] =	vst v63  }
0x4d: {  	_ =	swait.ge [sflag:s8], $0x2000  }
0x4e: {  	[sflag:s8] =	ssyncset.done $0x0  }
0x4f: {  	[sflag:s8] =	ssyncadd.s32 $0xFFFFE000  }
0x50: {  	[spmem:s26] =	stream.linear.scatter [tilespmem:s9], [sflag:$0x3], $0x800, $0x38;
	[tilespmem:$0x11440] =	vst v63  }
0x51: {  	_ =	swait.ge [sflag:s8], $0x800  }
0x52: {  	[sflag:s8] =	ssyncset.done $0x0  }
0x53: {  	[sflag:s8] =	ssyncadd.s32 $0xFFFFF800  }
0x54: {  	[spmem:s28] =	stream.linear.scatter [tilespmem:s7], [sflag:$0x3], $0x1C00, $0x38;
	[tilespmem:$0x11440] =	vst v63  }
0x55: {  	_ =	swait.ge [sflag:s8], $0x1C00  }
0x56: {  	[sflag:s8] =	ssyncset.done $0x0  }
0x57: {  	[sflag:s8] =	ssyncadd.s32 $0xFFFFE400  }
0x58: {  	[spmem:s29] =	stream.linear.scatter [tilespmem:s9], [sflag:$0x3], $0x700, $0x38;
	[tilespmem:$0x11440] =	vst v63  }
0x59: {  	_ =	swait.ge [sflag:s8], $0x700  }
0x5a: {  	[sflag:s8] =	ssyncset.done $0x0  }
0x5b: {  	s18 =	simm.s32 @!p0 $0x30F0;
	[sflag:s8] =	ssyncadd.s32 $0xFFFFF900  }
0x5c: {  	[spmem:s0] =	stream.linear.scatter @!p0 [tilespmem:s18], [sflag:$0x3], $0x400, $0x38;
	[tilespmem:$0x11440] =	vst v63  }
0x5d: {  	s18 =	simm.s32 @!p0 $0x3  }
0x5e: {  	_ =	swait.ge @!p0 [sflag:s18], $0x400  }
0x5f: {  	[sflag:s18] =	ssyncset.done @!p0 $0x0  }
0x60: {  	s19 =	simm.s32 @!p0 $0x28F0;
	[sflag:s18] =	ssyncadd.s32 @!p0 $0xFFFFFC00  }
0x61: {  	[spmem:s6] =	stream.linear.scatter @!p0 [tilespmem:s19], [sflag:$0x3], $0x100, $0x38;
	[tilespmem:$0x11440] =	vst v63  }
0x62: {  	_ =	swait.ge @!p0 [sflag:s18], $0x100  }
0x63: {  	[sflag:s18] =	ssyncset.done @!p0 $0x0  }
0x64: {  	[sflag:s18] =	ssyncadd.s32 @!p0 $0xFFFFFF00  }
0x65: {  	s18 =	simm.s32 $0x0;
	[bflag:$0x0] =	sbarrier.arrive $0xFFFF  }
.LBB2_4:
0x66: {  	s19 =	smul.u32 $0x50, s18;
	_ =	sdelay $0x1  }
0x67: {  	s19 =	sadd.s32 s30, s19  }
0x68: {  	s19 =	sshrl.u32 s19, $0x3  }
0x69: {  	s20 =	sadd.s32 s5, s19  }
0x6a: {  	[tilespmem:s4], [sflag:$0x3] =	stream.linear.gather [hbm4b:s20+s4], $0x50, $0x38;
	[tilespmem:$0x11440] =	vst v63  }
0x6b: {  	_ =	swait.ge [sflag:s8], $0x50  }
0x6c: {  	[sflag:s8] =	ssyncset.done $0x0  }
0x6d: {  	s19 =	sadd.s32 s12, s19;
	[sflag:s8] =	ssyncadd.s32 $0xFFFFFFB0  }
0x6e: {  	[tilespmem:s10], [sflag:$0x3] =	stream.linear.gather [hbm4b:s19+s4], $0x50, $0x38;
	[tilespmem:$0x11440] =	vst v63  }
0x6f: {  	_ =	swait.ge [sflag:s8], $0x50  }
0x70: {  	[sflag:s8] =	ssyncset.done $0x0  }
0x71: {  	[sflag:s8] =	ssyncadd.s32 $0xFFFFFFB0  }
0x72: {  	v2 =	vld [tilespmem:$0x0]  }
0x73: {  	v3 =	vld [tilespmem:$0x50]  }
0x74: {  	v4 =	vld [tilespmem:$0x10]  }
0x75: {  	v5 =	vld [tilespmem:$0x60]  }
0x76: {  	v6 =	vld [tilespmem:$0x20]  }
0x77: {  	v7 =	vld [tilespmem:$0x70];
	v2 =	vadd.s32 v0, v2  }
0x78: {  	[tilespmem:$0x0] =	vst v2;
	v2 =	vadd.s32 v0, v3;
	v3 =	vld [tilespmem:$0x30]  }
0x79: {  	v61 =	vld [tilespmem:$0x80];
	[tilespmem:$0xA0] =	vst v2;
	v2 =	vadd.s32 v0, v4  }
0x7a: {  	v62 =	vld [tilespmem:$0x40];
	[tilespmem:$0x10] =	vst v2;
	v2 =	vadd.s32 v0, v5  }
0x7b: {  	v63 =	vld [tilespmem:$0x90];
	[tilespmem:$0xB0] =	vst v2;
	v2 =	vadd.s32 v0, v6  }
0x7c: {  	[tilespmem:$0x20] =	vst v2;
	v2 =	vadd.s32 v0, v7  }
0x7d: {  	[tilespmem:$0xC0] =	vst v2;
	v2 =	vadd.s32 v0, v3  }
0x7e: {  	[tilespmem:$0x30] =	vst v2;
	v2 =	vadd.s32 v0, v61  }
0x7f: {  	[tilespmem:$0xD0] =	vst v2;
	v2 =	vadd.s32 v0, v62  }
0x80: {  	[tilespmem:$0x40] =	vst v2;
	v2 =	vadd.s32 v0, v63  }
0x81: {  	[tilespmem:$0xE0] =	vst v2  }
0x82: {  	[tilespmem:s11], [sflag:$0x1] =	stream.indirect.gather [hbm4b:s1+s10], $0x40, s4, s10, $0xb8;
	[tilespmem:$0x11440] =	vst v63  }
0x83: {  	_ = 	snop  }
0x84: {  	[tilespmem:s14], [sflag:$0x2] =	stream.indirect.gather [hbm4b:s1+s10], $0x40, s13, s10, $0xb8;
	[tilespmem:$0x11440] =	vst v63  }
0x85: {  	_ =	swait.ge [sflag:s15], $0x1400  }
0x86: {  	[sflag:s15] =	ssyncset.done $0x0  }
0x87: {  	[sflag:s15] =	ssyncadd.s32 $0xFFFFEC00  }
0x88: {  	_ =	swait.ge [sflag:s16], $0x1400  }
0x89: {  	s31 =	simm.s32 $0xFFFFFFFC;
	s21 =	simm.s32 $0x2910;
	[sflag:s16] =	ssyncset.done $0x0  }
0x8a: {  	s20 =	simm.s32 $0x170;
	s19 =	simm.s32 $0x1570;
	[sflag:s16] =	ssyncadd.s32 $0xFFFFEC00  }
.LBB2_5:
0x8b: {  	v2 =	vld [tilespmem:s20+$0xFFFFFF80]  }
0x8c: {  	v3 =	vld [tilespmem:s20+$0xFFFFFF90]  }
0x8d: {  	v4 =	vld [tilespmem:s19+$0xFFFFFF80]  }
0x8e: {  	v5 =	vld [tilespmem:s19+$0xFFFFFF90];
	_ =	sdelay $0x4  }
0x8f: {  	v4 =	vmul.f32 v4, v2;
	v5 =	vmul.f32 v5, v3;
	_ =	sdelay $0x1  }
0x90: {  	v4 =	vadd.f32 v5, v4;
	_ =	sdelay $0x1  }
0x91: {  	(xrf2) =	vadd.scan.msk.f32 $0xffff, v4;
	_ =	sdelay $0x9  }
0x92: {  	v4, _, _ =	vpop (xrf2)  }
0x93: {  	(v2sf) =	vpush v4, $0xF;
	_ =	sdelay $0xe  }
0x94: {  	s22 =	spop (v2sf)  }
0x95: {  	s22 =	smul.f32 $1.767766920e-01, s22;
	_ =	sdelay $0x1  }
0x96: {  	v43 =	vmov s22  }
0x97: {  	v4 =	vmul.f32 $1.442695020e+00, v43;
	_ =	sdelay $0x1  }
0x98: {  	v4 =	vbroadcast v4, $0x0;
	_ =	sdelay $0x1  }
0x99: {  	(erf) = vpow2.f32 v4;
	_ =	sdelay $0x8  }
0x9a: {  	v4 =	vpop (erf)  }
0x9b: {  	v2 =	vmul.f32 v4, v2  }
0x9c: {  	v3 =	vmul.f32 v4, v3  }
0x9d: {  	[tilespmem:s20+$0xFFFFFF80] =	vst v2;
	v2 =	vld [tilespmem:s20+$0xFFFFFFA0]  }
0x9e: {  	[tilespmem:s20+$0xFFFFFF90] =	vst v3;
	v3 =	vld [tilespmem:s20+$0xFFFFFFB0]  }
0x9f: {  	v44 =	vld [tilespmem:s19+$0xFFFFFFA0]  }
0xa0: {  	v6 =	vld [tilespmem:s19+$0xFFFFFFB0];
	_ =	sdelay $0x4  }
0xa1: {  	v5 =	vmul.f32 v44, v2;
	v6 =	vmul.f32 v6, v3;
	_ =	sdelay $0x1  }
0xa2: {  	v5 =	vadd.f32 v6, v5;
	_ =	sdelay $0x1  }
0xa3: {  	(xrf2) =	vadd.scan.msk.f32 $0xffff, v5;
	_ =	sdelay $0x9  }
0xa4: {  	v5, _, _ =	vpop (xrf2)  }
0xa5: {  	(v2sf) =	vpush v5, $0xF;
	_ =	sdelay $0xe  }
0xa6: {  	s22 =	spop (v2sf)  }
0xa7: {  	s22 =	smul.f32 $1.767766920e-01, s22;
	_ =	sdelay $0x1  }
0xa8: {  	v45 =	vmov s22  }
0xa9: {  	v5 =	vmul.f32 $1.442695020e+00, v45;
	_ =	sdelay $0x1  }
0xaa: {  	v5 =	vbroadcast v5, $0x0;
	_ =	sdelay $0x1  }
0xab: {  	(erf) = vpow2.f32 v5;
	_ =	sdelay $0x8  }
0xac: {  	v5 =	vpop (erf)  }
0xad: {  	v2 =	vmul.f32 v5, v2  }
0xae: {  	v3 =	vmul.f32 v5, v3  }
0xaf: {  	v4 =	vnsel vm0, $0x0, v4;
	[tilespmem:s20+$0xFFFFFFA0] =	vst v2  }
0xb0: {  	v2 =	vsel vm1, v4, v5;
	[tilespmem:s20+$0xFFFFFFB0] =	vst v3  }
0xb1: {  	[tilespmem:s21+$0xFFFFFFE0] =	vst v2  }
0xb2: {  	v2 =	vld [tilespmem:s20+$0xFFFFFFC0]  }
0xb3: {  	v3 =	vld [tilespmem:s20+$0xFFFFFFD0]  }
0xb4: {  	v46 =	vld [tilespmem:s19+$0xFFFFFFC0]  }
0xb5: {  	v47 =	vld [tilespmem:s19+$0xFFFFFFD0];
	_ =	sdelay $0x4  }
0xb6: {  	v4 =	vmul.f32 v46, v2;
	v5 =	vmul.f32 v47, v3;
	_ =	sdelay $0x1  }
0xb7: {  	v4 =	vadd.f32 v5, v4;
	_ =	sdelay $0x1  }
0xb8: {  	(xrf2) =	vadd.scan.msk.f32 $0xffff, v4;
	_ =	sdelay $0x9  }
0xb9: {  	v4, _, _ =	vpop (xrf2)  }
0xba: {  	(v2sf) =	vpush v4, $0xF;
	_ =	sdelay $0xe  }
0xbb: {  	s22 =	spop (v2sf)  }
0xbc: {  	s22 =	smul.f32 $1.767766920e-01, s22;
	_ =	sdelay $0x1  }
0xbd: {  	v48 =	vmov s22  }
0xbe: {  	v4 =	vmul.f32 $1.442695020e+00, v48;
	_ =	sdelay $0x1  }
0xbf: {  	v4 =	vbroadcast v4, $0x0;
	_ =	sdelay $0x1  }
0xc0: {  	(erf) = vpow2.f32 v4;
	_ =	sdelay $0x8  }
0xc1: {  	v4 =	vpop (erf)  }
0xc2: {  	v2 =	vmul.f32 v4, v2  }
0xc3: {  	v3 =	vmul.f32 v4, v3  }
0xc4: {  	[tilespmem:s20+$0xFFFFFFC0] =	vst v2;
	v2 =	vld [tilespmem:s20+$0xFFFFFFE0]  }
0xc5: {  	[tilespmem:s20+$0xFFFFFFD0] =	vst v3;
	v3 =	vld [tilespmem:s20+$0xFFFFFFF0]  }
0xc6: {  	v49 =	vld [tilespmem:s19+$0xFFFFFFE0]  }
0xc7: {  	v50 =	vld [tilespmem:s19+$0xFFFFFFF0];
	_ =	sdelay $0x4  }
0xc8: {  	v5 =	vmul.f32 v49, v2;
	v6 =	vmul.f32 v50, v3;
	_ =	sdelay $0x1  }
0xc9: {  	v5 =	vadd.f32 v6, v5;
	_ =	sdelay $0x1  }
0xca: {  	(xrf2) =	vadd.scan.msk.f32 $0xffff, v5;
	_ =	sdelay $0x9  }
0xcb: {  	v5, _, _ =	vpop (xrf2)  }
0xcc: {  	(v2sf) =	vpush v5, $0xF;
	_ =	sdelay $0xe  }
0xcd: {  	s22 =	spop (v2sf)  }
0xce: {  	s22 =	smul.f32 $1.767766920e-01, s22;
	_ =	sdelay $0x1  }
0xcf: {  	v51 =	vmov s22  }
0xd0: {  	v5 =	vmul.f32 $1.442695020e+00, v51;
	_ =	sdelay $0x1  }
0xd1: {  	v5 =	vbroadcast v5, $0x0;
	_ =	sdelay $0x1  }
0xd2: {  	(erf) = vpow2.f32 v5;
	_ =	sdelay $0x8  }
0xd3: {  	v5 =	vpop (erf)  }
0xd4: {  	v2 =	vmul.f32 v5, v2  }
0xd5: {  	v3 =	vmul.f32 v5, v3  }
0xd6: {  	v4 =	vnsel vm0, $0x0, v4;
	[tilespmem:s20+$0xFFFFFFE0] =	vst v2  }
0xd7: {  	v2 =	vsel vm1, v4, v5;
	[tilespmem:s20+$0xFFFFFFF0] =	vst v3  }
0xd8: {  	[tilespmem:s21+$0xFFFFFFF0] =	vst v2  }
0xd9: {  	v2 =	vld [tilespmem:s20+$0x0]  }
0xda: {  	v3 =	vld [tilespmem:s20+$0x10]  }
0xdb: {  	v52 =	vld [tilespmem:s19+$0x0]  }
0xdc: {  	v53 =	vld [tilespmem:s19+$0x10];
	_ =	sdelay $0x4  }
0xdd: {  	v4 =	vmul.f32 v52, v2;
	v5 =	vmul.f32 v53, v3;
	_ =	sdelay $0x1  }
0xde: {  	v4 =	vadd.f32 v5, v4;
	_ =	sdelay $0x1  }
0xdf: {  	(xrf2) =	vadd.scan.msk.f32 $0xffff, v4;
	_ =	sdelay $0x9  }
0xe0: {  	v4, _, _ =	vpop (xrf2)  }
0xe1: {  	(v2sf) =	vpush v4, $0xF;
	_ =	sdelay $0xe  }
0xe2: {  	s22 =	spop (v2sf)  }
0xe3: {  	s22 =	smul.f32 $1.767766920e-01, s22;
	_ =	sdelay $0x1  }
0xe4: {  	v54 =	vmov s22  }
0xe5: {  	v4 =	vmul.f32 $1.442695020e+00, v54;
	_ =	sdelay $0x1  }
0xe6: {  	v4 =	vbroadcast v4, $0x0;
	_ =	sdelay $0x1  }
0xe7: {  	(erf) = vpow2.f32 v4;
	_ =	sdelay $0x8  }
0xe8: {  	v4 =	vpop (erf)  }
0xe9: {  	v2 =	vmul.f32 v4, v2  }
0xea: {  	v3 =	vmul.f32 v4, v3  }
0xeb: {  	[tilespmem:s20+$0x0] =	vst v2;
	v2 =	vld [tilespmem:s20+$0x20]  }
0xec: {  	[tilespmem:s20+$0x10] =	vst v3;
	v3 =	vld [tilespmem:s20+$0x30]  }
0xed: {  	v55 =	vld [tilespmem:s19+$0x20]  }
0xee: {  	v56 =	vld [tilespmem:s19+$0x30];
	_ =	sdelay $0x4  }
0xef: {  	v5 =	vmul.f32 v55, v2;
	v6 =	vmul.f32 v56, v3;
	_ =	sdelay $0x1  }
0xf0: {  	v5 =	vadd.f32 v6, v5;
	_ =	sdelay $0x1  }
0xf1: {  	(xrf2) =	vadd.scan.msk.f32 $0xffff, v5;
	_ =	sdelay $0x9  }
0xf2: {  	v5, _, _ =	vpop (xrf2)  }
0xf3: {  	(v2sf) =	vpush v5, $0xF;
	_ =	sdelay $0xe  }
0xf4: {  	s22 =	spop (v2sf)  }
0xf5: {  	s22 =	smul.f32 $1.767766920e-01, s22;
	_ =	sdelay $0x1  }
0xf6: {  	v57 =	vmov s22  }
0xf7: {  	v5 =	vmul.f32 $1.442695020e+00, v57;
	_ =	sdelay $0x1  }
0xf8: {  	v5 =	vbroadcast v5, $0x0;
	_ =	sdelay $0x1  }
0xf9: {  	(erf) = vpow2.f32 v5;
	_ =	sdelay $0x8  }
0xfa: {  	v5 =	vpop (erf)  }
0xfb: {  	v2 =	vmul.f32 v5, v2  }
0xfc: {  	v3 =	vmul.f32 v5, v3  }
0xfd: {  	v4 =	vnsel vm0, $0x0, v4;
	[tilespmem:s20+$0x20] =	vst v2  }
0xfe: {  	v2 =	vsel vm1, v4, v5;
	[tilespmem:s20+$0x30] =	vst v3  }
0xff: {  	[tilespmem:s21+$0x0] =	vst v2  }
0x100: {  	v2 =	vld [tilespmem:s20+$0x40]  }
0x101: {  	v3 =	vld [tilespmem:s20+$0x50]  }
0x102: {  	v58 =	vld [tilespmem:s19+$0x40]  }
0x103: {  	v59 =	vld [tilespmem:s19+$0x50];
	_ =	sdelay $0x4  }
0x104: {  	v4 =	vmul.f32 v58, v2;
	v5 =	vmul.f32 v59, v3;
	_ =	sdelay $0x1  }
0x105: {  	v4 =	vadd.f32 v5, v4;
	_ =	sdelay $0x1  }
0x106: {  	(xrf2) =	vadd.scan.msk.f32 $0xffff, v4;
	_ =	sdelay $0x9  }
0x107: {  	v4, _, _ =	vpop (xrf2)  }
0x108: {  	(v2sf) =	vpush v4, $0xF;
	_ =	sdelay $0xe  }
0x109: {  	s22 =	spop (v2sf)  }
0x10a: {  	s22 =	smul.f32 $1.767766920e-01, s22;
	_ =	sdelay $0x1  }
0x10b: {  	v60 =	vmov s22  }
0x10c: {  	v4 =	vmul.f32 $1.442695020e+00, v60;
	_ =	sdelay $0x1  }
0x10d: {  	v4 =	vbroadcast v4, $0x0;
	_ =	sdelay $0x1  }
0x10e: {  	(erf) = vpow2.f32 v4;
	_ =	sdelay $0x8  }
0x10f: {  	v4 =	vpop (erf)  }
0x110: {  	v2 =	vmul.f32 v4, v2  }
0x111: {  	v3 =	vmul.f32 v4, v3  }
0x112: {  	[tilespmem:s20+$0x40] =	vst v2;
	v2 =	vld [tilespmem:s20+$0x60]  }
0x113: {  	[tilespmem:s20+$0x50] =	vst v3;
	v3 =	vld [tilespmem:s20+$0x70]  }
0x114: {  	v61 =	vld [tilespmem:s19+$0x60]  }
0x115: {  	v62 =	vld [tilespmem:s19+$0x70];
	_ =	sdelay $0x4  }
0x116: {  	v5 =	vmul.f32 v61, v2;
	v6 =	vmul.f32 v62, v3;
	_ =	sdelay $0x1  }
0x117: {  	v5 =	vadd.f32 v6, v5;
	_ =	sdelay $0x1  }
0x118: {  	(xrf2) =	vadd.scan.msk.f32 $0xffff, v5;
	_ =	sdelay $0x9  }
0x119: {  	v5, _, _ =	vpop (xrf2)  }
0x11a: {  	(v2sf) =	vpush v5, $0xF;
	_ =	sdelay $0xe  }
0x11b: {  	s22 =	spop (v2sf)  }
0x11c: {  	s22 =	smul.f32 $1.767766920e-01, s22;
	_ =	sdelay $0x1  }
0x11d: {  	v63 =	vmov s22  }
0x11e: {  	v5 =	vmul.f32 $1.442695020e+00, v63;
	_ =	sdelay $0x1  }
0x11f: {  	v5 =	vbroadcast v5, $0x0;
	_ =	sdelay $0x1  }
0x120: {  	(erf) = vpow2.f32 v5;
	_ =	sdelay $0x7  }
0x121: {  	s31 =	sadd.s32 $0x4, s31  }
0x122: {  	p1 =	slt.u32 s31, $0x4C;
	v5 =	vpop (erf)  }
.Ltmp1:
0x123: {  	v2 =	vmul.f32 v5, v2;
	(pc) =	sbr.rel @p1 .LBB2_5-.Ltmp1, $4  }
0x124: {  	v3 =	vmul.f32 v5, v3  }
0x125: {  	v4 =	vnsel vm0, $0x0, v4;
	[tilespmem:s20+$0x60] =	vst v2  }
0x126: {  	v2 =	vsel vm1, v4, v5;
	[tilespmem:s20+$0x70] =	vst v3  }
0x127: {  	s19 =	sadd.s32 $0x100, s19;
	s20 =	sadd.s32 $0x100, s20;
	[tilespmem:s21+$0x10] =	vst v2;
	s21 =	sadd.s32 $0x40, s21  }
0x128: {  	[spmem:s2] =	stream.indirect.scatter.add.f32 [tilespmem:s11], [sflag:$0x3], $0x40, s10, s10, $0xb8;
	[tilespmem:$0x11440] =	vst v63  }
0x129: {  	s18 =	sadd.s32 $0x1, s18;
	_ =	swait.ge [sflag:s8], $0x1400  }
0x12a: {  	p1 =	sne.s32 s18, $0xFA;
	[sflag:s8] =	ssyncset.done $0x0  }
.Ltmp2:
0x12b: {  	[sflag:s8] =	ssyncadd.s32 $0xFFFFEC00;
	(pc) =	sbr.rel @p1 .LBB2_4-.Ltmp2, $4  }
0x12c: {  	[spmem:s3] =	stream.indirect.scatter.add.f32 [tilespmem:s9], [sflag:$0x3], $0x10, s10, s10, $0xb8;
	[tilespmem:$0x11440] =	vst v63  }
0x12d: {  	_ =	swait.ge [sflag:s8], $0x500  }
0x12e: {  	[sflag:s8] =	ssyncset.done $0x0  }
0x12f: {  	[sflag:s8] =	ssyncadd.s32 $0xFFFFFB00  }
0x130: {  	[bflag:$0x0] =	sbarrier.arrive $0xFFFF  }
0x131: {  	[tilespmem:s7], [sflag:$0x3] =	stream.linear.gather [spmem:s23], $0x2000, $0x38;
	[tilespmem:$0x11440] =	vst v63  }
0x132: {  	_ =	swait.ge [sflag:s8], $0x2000  }
0x133: {  	[sflag:s8] =	ssyncset.done $0x0  }
0x134: {  	s18 =	rddreg [dreg:$0x5];
	[sflag:s8] =	ssyncadd.s32 $0xFFFFE000  }
0x135: {  	[hbm4b:s18+s4] =	stream.linear.scatter [tilespmem:s7], [sflag:$0x3], $0x2000, $0x38;
	[tilespmem:$0x11440] =	vst v63  }
0x136: {  	_ =	swait.ge [sflag:s8], $0x2000  }
0x137: {  	[sflag:s8] =	ssyncset.done $0x0  }
0x138: {  	[sflag:s8] =	ssyncadd.s32 $0xFFFFE000  }
0x139: {  	[tilespmem:s9], [sflag:$0x3] =	stream.linear.gather [spmem:s24], $0x800, $0x38;
	[tilespmem:$0x11440] =	vst v63  }
0x13a: {  	_ =	swait.ge [sflag:s8], $0x800  }
0x13b: {  	[sflag:s8] =	ssyncset.done $0x0  }
0x13c: {  	s20 =	rddreg [dreg:$0xb];
	[sflag:s8] =	ssyncadd.s32 $0xFFFFF800  }
0x13d: {  	[hbm4b:s20+s4] =	stream.linear.scatter [tilespmem:s9], [sflag:$0x3], $0x800, $0x38;
	[tilespmem:$0x11440] =	vst v63  }
0x13e: {  	_ =	swait.ge [sflag:s8], $0x800  }
0x13f: {  	[sflag:s8] =	ssyncset.done $0x0  }
0x140: {  	s21 =	rddreg [dreg:$0x11];
	[sflag:s8] =	ssyncadd.s32 $0xFFFFF800  }
0x141: {  	[tilespmem:s7], [sflag:$0x3] =	stream.linear.gather [spmem:s21], $0x2000, $0x38;
	[tilespmem:$0x11440] =	vst v63  }
0x142: {  	_ =	swait.ge [sflag:s8], $0x2000  }
0x143: {  	[sflag:s8] =	ssyncset.done $0x0  }
0x144: {  	s22 =	smov.u32 s23;
	s23 =	rddreg [dreg:$0x6];
	[sflag:s8] =	ssyncadd.s32 $0xFFFFE000  }
0x145: {  	[hbm4b:s23+s4] =	stream.linear.scatter [tilespmem:s7], [sflag:$0x3], $0x2000, $0x38;
	[tilespmem:$0x11440] =	vst v63  }
0x146: {  	_ =	swait.ge [sflag:s8], $0x2000  }
0x147: {  	[sflag:s8] =	ssyncset.done $0x0  }
0x148: {  	s31 =	smov.u32 s24;
	s24 =	rddreg [dreg:$0x12];
	[sflag:s8] =	ssyncadd.s32 $0xFFFFE000  }
0x149: {  	[tilespmem:s9], [sflag:$0x3] =	stream.linear.gather [spmem:s24], $0x800, $0x38;
	[tilespmem:$0x11440] =	vst v63  }
0x14a: {  	_ =	swait.ge [sflag:s8], $0x800  }
0x14b: {  	[sflag:s8] =	ssyncset.done $0x0  }
0x14c: {  	s19 =	rddreg [dreg:$0xc];
	[sflag:s8] =	ssyncadd.s32 $0xFFFFF800  }
0x14d: {  	[hbm4b:s19+s4] =	stream.linear.scatter [tilespmem:s9], [sflag:$0x3], $0x800, $0x38;
	[tilespmem:$0x11440] =	vst v63  }
0x14e: {  	_ =	swait.ge [sflag:s8], $0x800  }
0x14f: {  	[sflag:s8] =	ssyncset.done $0x0  }
0x150: {  	s20 =	rddreg [dreg:$0x13];
	[sflag:s8] =	ssyncadd.s32 $0xFFFFF800  }
0x151: {  	[tilespmem:s7], [sflag:$0x3] =	stream.linear.gather [spmem:s20], $0x2000, $0x38;
	[tilespmem:$0x11440] =	vst v63  }
0x152: {  	_ =	swait.ge [sflag:s8], $0x2000  }
0x153: {  	[sflag:s8] =	ssyncset.done $0x0  }
0x154: {  	s21 =	rddreg [dreg:$0x7];
	[sflag:s8] =	ssyncadd.s32 $0xFFFFE000  }
0x155: {  	[hbm4b:s21+s4] =	stream.linear.scatter [tilespmem:s7], [sflag:$0x3], $0x2000, $0x38;
	[tilespmem:$0x11440] =	vst v63  }
0x156: {  	_ =	swait.ge [sflag:s8], $0x2000  }
0x157: {  	[sflag:s8] =	ssyncset.done $0x0  }
0x158: {  	s23 =	rddreg [dreg:$0x14];
	[sflag:s8] =	ssyncadd.s32 $0xFFFFE000  }
0x159: {  	[tilespmem:s9], [sflag:$0x3] =	stream.linear.gather [spmem:s23], $0x800, $0x38;
	[tilespmem:$0x11440] =	vst v63  }
0x15a: {  	_ =	swait.ge [sflag:s8], $0x800  }
0x15b: {  	[sflag:s8] =	ssyncset.done $0x0  }
0x15c: {  	s24 =	rddreg [dreg:$0xd];
	[sflag:s8] =	ssyncadd.s32 $0xFFFFF800  }
0x15d: {  	[hbm4b:s24+s4] =	stream.linear.scatter [tilespmem:s9], [sflag:$0x3], $0x800, $0x38;
	[tilespmem:$0x11440] =	vst v63  }
0x15e: {  	_ =	swait.ge [sflag:s8], $0x800  }
0x15f: {  	[sflag:s8] =	ssyncset.done $0x0  }
0x160: {  	[sflag:s8] =	ssyncadd.s32 $0xFFFFF800  }
0x161: {  	[tilespmem:s7], [sflag:$0x3] =	stream.linear.gather [spmem:s25], $0x2000, $0x38;
	[tilespmem:$0x11440] =	vst v63  }
0x162: {  	_ =	swait.ge [sflag:s8], $0x2000  }
0x163: {  	[sflag:s8] =	ssyncset.done $0x0  }
0x164: {  	s19 =	rddreg [dreg:$0x8];
	[sflag:s8] =	ssyncadd.s32 $0xFFFFE000  }
0x165: {  	[hbm4b:s19+s4] =	stream.linear.scatter [tilespmem:s7], [sflag:$0x3], $0x2000, $0x38;
	[tilespmem:$0x11440] =	vst v63  }
0x166: {  	_ =	swait.ge [sflag:s8], $0x2000  }
0x167: {  	[sflag:s8] =	ssyncset.done $0x0  }
0x168: {  	[sflag:s8] =	ssyncadd.s32 $0xFFFFE000  }
0x169: {  	[tilespmem:s9], [sflag:$0x3] =	stream.linear.gather [spmem:s26], $0x800, $0x38;
	[tilespmem:$0x11440] =	vst v63  }
0x16a: {  	_ =	swait.ge [sflag:s8], $0x800  }
0x16b: {  	[sflag:s8] =	ssyncset.done $0x0  }
0x16c: {  	s20 =	rddreg [dreg:$0xe];
	[sflag:s8] =	ssyncadd.s32 $0xFFFFF800  }
0x16d: {  	[hbm4b:s20+s4] =	stream.linear.scatter [tilespmem:s9], [sflag:$0x3], $0x800, $0x38;
	[tilespmem:$0x11440] =	vst v63  }
0x16e: {  	_ =	swait.ge [sflag:s8], $0x800  }
0x16f: {  	[sflag:s8] =	ssyncset.done $0x0  }
0x170: {  	[sflag:s8] =	ssyncadd.s32 $0xFFFFF800  }
0x171: {  	[tilespmem:s7], [sflag:$0x3] =	stream.linear.gather [spmem:s28], $0x1C00, $0x38;
	[tilespmem:$0x11440] =	vst v63  }
0x172: {  	_ =	swait.ge [sflag:s8], $0x1C00  }
0x173: {  	[sflag:s8] =	ssyncset.done $0x0  }
0x174: {  	s21 =	rddreg [dreg:$0x9];
	[sflag:s8] =	ssyncadd.s32 $0xFFFFE400  }
0x175: {  	[hbm4b:s21+s4] =	stream.linear.scatter [tilespmem:s7], [sflag:$0x3], $0x1C00, $0x38;
	[tilespmem:$0x11440] =	vst v63  }
0x176: {  	_ =	swait.ge [sflag:s8], $0x1C00  }
0x177: {  	[sflag:s8] =	ssyncset.done $0x0  }
0x178: {  	[sflag:s8] =	ssyncadd.s32 $0xFFFFE400  }
0x179: {  	[tilespmem:s9], [sflag:$0x3] =	stream.linear.gather [spmem:s29], $0x700, $0x38;
	[tilespmem:$0x11440] =	vst v63  }
0x17a: {  	_ =	swait.ge [sflag:s8], $0x700  }
0x17b: {  	[sflag:s8] =	ssyncset.done $0x0  }
0x17c: {  	s23 =	rddreg [dreg:$0xf];
	[sflag:s8] =	ssyncadd.s32 $0xFFFFF900  }
0x17d: {  	[hbm4b:s23+s4] =	stream.linear.scatter [tilespmem:s9], [sflag:$0x3], $0x700, $0x38;
	[tilespmem:$0x11440] =	vst v63  }
0x17e: {  	_ =	swait.ge [sflag:s8], $0x700  }
0x17f: {  	[sflag:s8] =	ssyncset.done $0x0  }
0x180: {  	s18 =	simm.s32 @!p0 $0x30F0;
	s19 =	simm.s32 @!p0 $0x3;
	[sflag:s8] =	ssyncadd.s32 $0xFFFFF900  }
0x181: {  	[tilespmem:s18], [sflag:$0x3] =	stream.linear.gather @!p0 [spmem:s0], $0x400, $0x38;
	[tilespmem:$0x11440] =	vst v63  }
0x182: {  	_ =	swait.ge @!p0 [sflag:s19], $0x400  }
0x183: {  	[sflag:s19] =	ssyncset.done @!p0 $0x0  }
0x184: {  	s20 =	simm.s32 @!p0 $0x0;
	s21 =	rddreg [dreg:$0xa];
	[sflag:s19] =	ssyncadd.s32 @!p0 $0xFFFFFC00  }
0x185: {  	[hbm4b:s21+s20] =	stream.linear.scatter @!p0 [tilespmem:s18], [sflag:$0x3], $0x400, $0x38;
	[tilespmem:$0x11440] =	vst v63  }
0x186: {  	_ =	swait.ge @!p0 [sflag:s19], $0x400  }
0x187: {  	[sflag:s19] =	ssyncset.done @!p0 $0x0  }
0x188: {  	s18 =	simm.s32 @!p0 $0x28F0;
	[sflag:s19] =	ssyncadd.s32 @!p0 $0xFFFFFC00  }
0x189: {  	[tilespmem:s18], [sflag:$0x3] =	stream.linear.gather @!p0 [spmem:s6], $0x100, $0x38;
	[tilespmem:$0x11440] =	vst v63  }
0x18a: {  	_ =	swait.ge @!p0 [sflag:s19], $0x100  }
0x18b: {  	[sflag:s19] =	ssyncset.done @!p0 $0x0  }
0x18c: {  	s21 =	rddreg [dreg:$0x10];
	[sflag:s19] =	ssyncadd.s32 @!p0 $0xFFFFFF00  }
0x18d: {  	[hbm4b:s21+s20] =	stream.linear.scatter @!p0 [tilespmem:s18], [sflag:$0x3], $0x100, $0x38;
	[tilespmem:$0x11440] =	vst v63  }
0x18e: {  	_ =	swait.ge @!p0 [sflag:s19], $0x100  }
0x18f: {  	s17 =	sadd.s32 $0x1, s17;
	s24 =	rddreg [dreg:$0x15]  }
0x190: {  	p1 =	sne.s32 s17, s24  }
.Ltmp3:
0x191: {  	_ = 	snop;
	(pc) =	sbr.rel @p1 .LBB2_1-.Ltmp3, $3  }
0x192: {  	_ =	sdelay $0x1  }
0x193: {  	[sflag:s19] =	ssyncset.done @!p0 $0x0  }
0x194: {  	[sflag:s19] =	ssyncadd.s32 @!p0 $0xFFFFFF00  }
0x195: {  	_ =	sfence.sel $0x180000  }
0x196: {  	[bflag:$0x0] =	sbarrier.arrive $0xFFFF  }
0x197: {  	_ =	strace $0x9000004A  }
0x198: {  	[bflag:$0x2] =	sbarrier.arrive $0xFFFF  }
0x199: {  	s0 =	rddreg [dreg:$0x4]  }
0x19a: {  	s0 =	sadd.s32 @!p0 $0x100000, s0  }
0x19b: {  	[sflag:s0] =	ssyncadd.tile.s32 @!p0 $0x1;
	_ =	shalt  }
.Lfunc_end2:
_tile_overlayer_lowered:
.L_overlay_start_2:
0x19c: {  	(tag) =	ssettag $0x2  }
0x19d: {  	s0 =	rddreg [dreg:$0x0];
	s2 =	stileid.u32  }
0x19e: {  	s1 =	rddreg [dreg:$0x1];
	p0 =	sne.s32 s2, $0x0  }
0x19f: {  	s3 =	rddreg [dreg:$0x2];
	[bflag:$0x3] =	sbarrier.arrive $0xFFFF;
	s2 =	simm.s32 @!p0 $0x1C03  }
0x1a0: {  	[timem:s3], [sflag:s2] =	dma.local @!p0 [hbm:s0], s1  }
0x1a1: {  	s0 =	simm.s32 @!p0 $0x3  }
0x1a2: {  	_ =	swait.ge @!p0 [sflag:s0], s1  }
0x1a3: {  	s1 =	ssub.s32 @!p0 $0x0, s1;
	[sflag:s0] =	ssyncset.done @!p0 $0x0  }
0x1a4: {  	[sflag:s0] =	ssyncadd.s32 @!p0 s1  }
0x1a5: {  	[bflag:$0x3] =	sbarrier.arrive $0xFFFF  }
0x1a6: {  	_ =	shalt  }

// kernel: kernel.7.cloned.1.call-start
scs
__scs_entry_jumppad:
0x0: {  	(pc) =	sbr.rel $0x88, $3  }
0x1: {  	(tag) =	ssettag $0x0;
	lr =	simm.s32 $0x1  }
0x2: {  	[smem:$0x3F9D] =	sst lr;
	_ =	strace $0xD0000000  }
0x3: {  	_ = 	snop  }
0x4: {  	_ = 	snop  }
0x5: {  	_ = 	snop  }
0x6: {  	_ = 	snop  }
0x7: {  	_ = 	snop  }
__scs_overlays_trampoline_lowered:
0x8: {  	[smem:$0x3FAC] =	sst s0  }
0x9: {  	[smem:$0x3FAD] =	sst s1  }
0xa: {  	[smem:$0x3FAE] =	sst s2  }
0xb: {  	[smem:$0x3FAF] =	sst s3  }
0xc: {  	[smem:$0x3FB0] =	sst s4  }
0xd: {  	[smem:$0x3FB1] =	sst s5  }
0xe: {  	[smem:$0x3FB2] =	sst s6  }
0xf: {  	[smem:$0x3FB3] =	sst s7  }
0x10: {  	[smem:$0x3FB4] =	sst s8  }
0x11: {  	[smem:$0x3FB5] =	sst s9;
	s0 =	simm.s32 @!p0 $0x0  }
0x12: {  	s1 =	sld [smem:$0x3F9B];
	s0 =	simm.s32 @p0 $0x1  }
0x13: {  	[smem:$0x3FB6] =	sst s0;
	s0 =	simm.s32 @!p1 $0x0  }
0x14: {  	s2 =	sld [smem:$0x3F9A];
	s0 =	simm.s32 @p1 $0x1  }
0x15: {  	[smem:$0x3FB7] =	sst s0;
	s0 =	simm.s32 @!p2 $0x0  }
0x16: {  	s3 =	sld [smem:$0x3FDB];
	s0 =	simm.s32 @p2 $0x1  }
0x17: {  	s4 =	simm.s32 $0x1BF5;
	[smem:$0x3FB9] =	sst s0  }
0x18: {  	s0 =	sld [smem:$0x3F9C];
	_ =	swait.ge [sflag:s4], $0x0  }
0x19: {  	s7 =	sld [smem:$0x3F9D]  }
0x1a: {  	s8 =	sadd.s32 $0xFFFFE003, lr  }
0x1b: {  	s9 =	sadd.s32 $0xFFFFFEF7, lr;
	s5 =	simm.s32 $0xFFFFFFFF;
	p2 =	slt.u32 s8, $0xFFFFF086  }
0x1c: {  	p1 =	slt.u32 s9, $0xF7A;
	s5 =	simm.s32 @!p2 $0x0  }
0x1d: {  	s5 =	simm.s32 @p1 $0x1;
	p0 =	seq.s32 s7, s2  }
0x1e: {  	s7 =	smul.u32 @!p0 $0xF7A, s2;
	p2 =	seq.s32 @!p0 s5, $0x0  }
0x1f: {  	s9 =	smul.u32 $0xF7A, s1;
	s8 =	simm.s32 @!p0 $0x1BF5;
	p2 =	por !p2, p0  }
0x20: {  	[sflag:s8] =	ssyncset.s32 @!p0 $0xFFFFF086;
	s6 =	sadd.s32 @!p0 s3, s7;
	s7 =	simm.s32 @!p0 $0x108  }
0x21: {  	s3 =	sadd.s32 s3, s9;
	s6 =	sadd.s32 @!p0 $0x88, s6;
	s7 =	simm.s32 @p2 $0x1082  }
0x22: {  	[simem:s7], [sflag:s8] =	dma.local @!p0 [hbm:s6], $0xF7A  }
0x23: {  	s9 =	sor.u32 $0xD0000000, s2;
	s6 =	simm.s32 $0x108;
	_ =	swait.ge @!p0 [sflag:s8], $0x0  }
0x24: {  	s3 =	sadd.s32 $0x88, s3;
	s6 =	simm.s32 @!p1 $0x1082;
	[sflag:s4] =	ssyncset.s32 $0xFFFFF086  }
0x25: {  	[simem:s6], [sflag:s4] =	dma.local [hbm:s3], $0xF7A  }
0x26: {  	[smem:$0x3F9D] =	sst s1;
	(tag) =	ssettag s2;
	_ =	strace s9  }
0x27: {  	s1 =	sld [smem:$0x3FAD]  }
0x28: {  	s2 =	sld [smem:$0x3FAE]  }
0x29: {  	s4 =	sld [smem:$0x3FB0]  }
0x2a: {  	p0 =	seq.s32 s5, $0x0;
	s5 =	sld [smem:$0x3FB1]  }
0x2b: {  	s6 =	sld [smem:$0x3FB2]  }
0x2c: {  	s7 =	sld [smem:$0x3FB3]  }
0x2d: {  	s3 =	simm.s32 $0x108;
	s8 =	sld [smem:$0x3FB4]  }
0x2e: {  	s3 =	simm.s32 @!p0 $0x1082;
	s9 =	sld [smem:$0x3FB5]  }
0x2f: {  	lr =	sadd.s32 s0, s3;
	s0 =	sld [smem:$0x3FAC]  }
0x30: {  	s3 =	sld [smem:$0x3FAF]  }
0x31: {  	[smem:$0x3FB8] =	sst s10  }
0x32: {  	s10 =	sld [smem:$0x3FB6];
	_ =	sdelay $0x3  }
0x33: {  	p0 =	seq.s32 s10, $0x1;
	s10 =	sld [smem:$0x3FB8];
	_ =	sdelay $0x3  }
0x34: {  	[smem:$0x3FB8] =	sst s10  }
0x35: {  	s10 =	sld [smem:$0x3FB7];
	_ =	sdelay $0x3  }
0x36: {  	p1 =	seq.s32 s10, $0x1;
	s10 =	sld [smem:$0x3FB8];
	_ =	sdelay $0x3  }
0x37: {  	[smem:$0x3FB8] =	sst s10  }
0x38: {  	s10 =	sld [smem:$0x3FB9]  }
0x39: {  	_ = 	snop;
	(pc) =	sbr.ind lr, $3  }
0x3a: {  	_ = 	snop  }
0x3b: {  	_ = 	snop  }
0x3c: {  	p2 =	seq.s32 s10, $0x1;
	s10 =	sld [smem:$0x3FB8]  }
0x3d: {  	_ =	shalt  }
0x3e: {  	_ =	shalt  }
0x3f: {  	_ =	shalt  }
0x40: {  	_ =	shalt  }
0x41: {  	_ =	shalt  }
0x42: {  	_ =	shalt  }
0x43: {  	_ =	shalt  }
0x44: {  	_ =	shalt  }
0x45: {  	_ =	shalt  }
0x46: {  	_ =	shalt  }
0x47: {  	_ =	shalt  }
0x48: {  	_ =	shalt  }
0x49: {  	_ =	shalt  }
0x4a: {  	_ =	shalt  }
0x4b: {  	_ =	shalt  }
0x4c: {  	_ =	shalt  }
0x4d: {  	_ =	shalt  }
0x4e: {  	_ =	shalt  }
0x4f: {  	_ =	shalt  }
0x50: {  	_ =	shalt  }
0x51: {  	_ =	shalt  }
0x52: {  	_ =	shalt  }
0x53: {  	_ =	shalt  }
0x54: {  	_ =	shalt  }
0x55: {  	_ =	shalt  }
0x56: {  	_ =	shalt  }
0x57: {  	_ =	shalt  }
0x58: {  	_ =	shalt  }
0x59: {  	_ =	shalt  }
0x5a: {  	_ =	shalt  }
0x5b: {  	_ =	shalt  }
0x5c: {  	_ =	shalt  }
0x5d: {  	_ =	shalt  }
0x5e: {  	_ =	shalt  }
0x5f: {  	_ =	shalt  }
0x60: {  	_ =	shalt  }
0x61: {  	_ =	shalt  }
0x62: {  	_ =	shalt  }
0x63: {  	_ =	shalt  }
0x64: {  	_ =	shalt  }
0x65: {  	_ =	shalt  }
0x66: {  	_ =	shalt  }
0x67: {  	_ =	shalt  }
0x68: {  	_ =	shalt  }
0x69: {  	_ =	shalt  }
0x6a: {  	_ =	shalt  }
0x6b: {  	_ =	shalt  }
0x6c: {  	_ =	shalt  }
0x6d: {  	_ =	shalt  }
0x6e: {  	_ =	shalt  }
0x6f: {  	_ =	shalt  }
0x70: {  	_ =	shalt  }
0x71: {  	_ =	shalt  }
0x72: {  	_ =	shalt  }
0x73: {  	_ =	shalt  }
0x74: {  	_ =	shalt  }
0x75: {  	_ =	shalt  }
0x76: {  	_ =	shalt  }
0x77: {  	_ =	shalt  }
0x78: {  	_ =	shalt  }
0x79: {  	_ =	shalt  }
0x7a: {  	_ =	shalt  }
0x7b: {  	_ =	shalt  }
0x7c: {  	_ =	shalt  }
0x7d: {  	_ =	shalt  }
0x7e: {  	_ =	shalt  }
0x7f: {  	_ =	shalt  }
0x80: {  	_ =	shalt  }
0x81: {  	_ =	shalt  }
0x82: {  	_ =	shalt  }
0x83: {  	_ =	shalt  }
0x84: {  	_ =	shalt  }
0x85: {  	_ =	shalt  }
0x86: {  	_ =	shalt  }
0x87: {  	_ =	shalt  }
.Lfunc_end0:
.L_simem_size_0:
called_computation_lowered:
.L_overlay_start_0:
0x88: {  	s2 =	sld [smem:$0x3FD9]  }
0x89: {  	s3 =	sld [smem:$0x3FFE];
	_ =	sdelay $0x1  }
0x8a: {  	s1 =	srdreg.scid  }
0x8b: {  	s0 =	sand.u32 $0x1, s1  }
0x8c: {  	s17 =	sshll.u32 s0, $0xA;
	s2 =	sadd.s32 s3, s2  }
0x8d: {  	s2 =	sadd.s32 s2, s17  }
0x8e: {  	[smem:$0x3FC4] =	sst s2  }
0x8f: {  	_ = 	snop  }
0x90: {  	s2 =	sld [smem:$0x3FD0];
	(tm) =	ssettm $0x1  }
0x91: {  	s18 =	sld [smem:$0x3FFB];
	_ =	sdelay $0x3  }
0x92: {  	_ =	strace s18  }
0x93: {  	s3 =	sld [smem:$0x3FFC];
	_ =	sdelay $0x3  }
0x94: {  	_ =	strace s3  }
0x95: {  	s3 =	sld [smem:$0x3FFD];
	_ =	sdelay $0x3  }
0x96: {  	_ =	strace s3  }
0x97: {  	_ =	strace $0x8FFFFFFF  }
0x98: {  	s19 =	sld [smem:$0x3FDB];
	_ =	sdelay $0x1  }
0x99: {  	s4 =	simm.s32 $_scs_section_size  }
0x9a: {  	s5 =	simm.s32 $_size__tile_overlayer_lowered;
	s6 =	simm.s32 $_tile_overlayer_lowered  }
0x9b: {  	s22 =	simm.s32 $0x1BFF;
	s21 =	sshll.u32 s6, $0x1;
	s3 =	sadd.s32 s4, s19  }
0x9c: {  	s7 =	simm.s32 $0x0;
	s20 =	sshll.u32 s5, $0x1;
	s5 =	sadd.s32 s21, s3  }
0x9d: {  	[timem:s7], [sflag:s22] =	dma.local [hbm:s5], s20  }
0x9e: {  	_ =	swait.ge [sflag:s22], s20  }
0x9f: {  	s4 =	ssub.s32 $0x0, s20;
	[sflag:s22] =	ssyncset.done $0x0  }
0xa0: {  	[sflag:s22] =	ssyncadd.s32 s4;
	_ =	sdelay $0x1  }
0xa1: {  	s23 =	simm.s32 $0x1B8B  }
0xa2: {  	_ =	swait.ge [sflag:s23], $0x1  }
0xa3: {  	[sflag:s23] =	ssyncset.done $0x0  }
0xa4: {  	s25 =	simm.s32 $0x1B8E;
	s24 =	sld [smem:$0x3FFE];
	[sflag:s23] =	ssyncadd.s32 $0xFFFFFFFF  }
0xa5: {  	s26 =	simm.s32 $execute0_lowered;
	[smem:$0x3FD2] =	sst s25  }
0xa6: {  	s5 =	sshll.u32 s26, $0x1;
	_ =	strace $0x80000046;
	[dreg:$0x1] =	wrdreg $0xFFFFFFFF  }
0xa7: {  	s28 =	simm.s32 $_size_execute0_lowered;
	s3 =	sadd.s32 s3, s5;
	[dreg:$0x0] =	wrdreg $0x0  }
0xa8: {  	s5 =	sshll.u32 s28, $0x1;
	[dreg:$0x2] =	wrdreg s3  }
0xa9: {  	[dreg:$0x3] =	wrdreg s5  }
0xaa: {  	[dreg:$0x4] =	wrdreg $0xC0  }
0xab: {  	_ =	task [dreg:s7], $0x5FFFF  }
0xac: {  	[dreg:$0x1] =	wrdreg $0xFFFFFFFF  }
0xad: {  	[dreg:$0x0] =	wrdreg $0x60  }
0xae: {  	[dreg:$0x2] =	wrdreg s2  }
0xaf: {  	[dreg:$0x3] =	wrdreg s24  }
0xb0: {  	[dreg:$0x4] =	wrdreg $0x50F00  }
0xb1: {  	[dreg:$0x5] =	wrdreg $0xED300  }
0xb2: {  	[dreg:$0x6] =	wrdreg $0x9  }
0xb3: {  	_ =	task.clear_ibuf [dreg:s7], $0x7FFFF;
	_ =	strace $0x90000046  }
0xb4: {  	s29 =	simm.s32 $0x9;
	_ =	strace $0x80000048  }
0xb5: {  	_ =	swait.ge [sflag:s29], $0x1  }
0xb6: {  	[sflag:s29] =	ssyncadd.s32 $0xFFFFFFFF  }
0xb7: {  	_ =	strace $0x90000048  }
0xb8: {  	_ =	sfence  }
0xb9: {  	s30 =	sld [smem:$0x0];
	_ =	sdelay $0x2  }
0xba: {  	s31 =	sshll.u32 s1, $0xD;
	s1 =	sshrl.u32 s1, $0x2  }
0xbb: {  	s3 =	sand.u32 $0x4000, s31;
	s1 =	sadd.s32 s1, s30  }
0xbc: {  	s0 =	sor.u32 s3, s0;
	s1 =	sshll.u32 s1, $0x11  }
0xbd: {  	s0 =	sor.u32 s1, s0  }
0xbe: {  	s0 =	sadd.s32 $0x8F2B, s0  }
0xbf: {  	[sflag:s0] =	ssyncadd.remote.s32 $0x1  }
0xc0: {  	_ =	sfence.sel $0xFFFF  }
0xc1: {  	[dreg:$0x0] =	wrdreg $0xFFFFFFFF;
	(pc) =	sbr.abs _section_cstart, $3  }
0xc2: {  	[dreg:$0x1] =	wrdreg $0xFFFFFFFF  }
0xc3: {  	_ =	task.clear_ibuf [dreg:s7], $0x2FFFF;
	_ =	strace $0x9FFFFFFF  }
0xc4: {  	(tm) =	ssettm $0x7FFFFFFF  }
0xc5: {  	_ =	shalt  }
tec
execute0_lowered:
.L_overlay_start_1:
0x0: {  	(tag) =	ssettag $0x1  }
0x1: {  	s1 =	rddreg [dreg:$0x0]  }
0x2: {  	s6 =	rddreg [dreg:$0x1]  }
0x3: {  	s2 =	rddreg [dreg:$0x2]  }
0x4: {  	s3 =	rddreg [dreg:$0x3];
	s0 =	stileid.u32  }
0x5: {  	s4 =	simm.s32 $0x0;
	s5 =	srdreg.scid;
	s8 =	smul.u32 $0x270, s0  }
0x6: {  	[smem:$0x7FF] =	sst s4;
	s7 =	sand.u32 $0x1, s5;
	s13 =	smul.u32 $0x27000, s0  }
0x7: {  	s5 =	sadd.s32 $0xB000, s6;
	s9 =	sadd.s32 $0x14E00, s6;
	s21 =	smul.u32 $0x9C00, s0  }
0x8: {  	p0 =	sne.s32 s0, $0x0;
	s11 =	smul.u32 $0x2710, s7;
	s7 =	ssub.s32 $0x2, s7  }
0x9: {  	s30 =	smul.u32 $0x4E20, s0;
	s0 =	sadd.s32 $0x9C000, s2;
	s10 =	sshrl.u32 s7, $0x1  }
0xa: {  	_ =	strace $0x80000047;
	s14 =	sadd.s32 s8, s11;
	s7 =	ssub.s32 s7, s10  }
0xb: {  	s20 =	sadd.s32 $0x2700, s11;
	s10 =	sshrl.u32 s21, $0x2;
	v0 =	vmov s11;
	s11 =	simm.s32 $0xF0  }
0xc: {  	s15 =	sadd.s32 $0x80, s14;
	s12 =	sshll.u32 s14, $0x3;
	s17 =	sadd.s32 $0x100, s14  }
0xd: {  	s18 =	sadd.s32 $0x200, s14;
	s26 =	sshll.u32 s20, $0x3;
	s31 =	sadd.s32 s10, s3  }
0xe: {  	s10 =	simm.s32 $0x50;
	s16 =	sshll.u32 s15, $0x3;
	s12 =	sadd.s32 s9, s12  }
0xf: {  	s23 =	sshll.u32 s17, $0x3;
	s19 =	sshll.u32 s18, $0x3;
	s21 =	sshll.u32 s15, $0x1  }
0x10: {  	s15 =	sadd.s32 $0x100, s8;
	[dreg:$0x5] =	wrdreg s12;
	s22 =	sadd.s32 s9, s16  }
0x11: {  	s12 =	sadd.s32 s9, s23;
	s16 =	sadd.s32 $0x180, s14;
	[dreg:$0x6] =	wrdreg s22  }
0x12: {  	s25 =	sadd.s32 s9, s19;
	s19 =	sshll.u32 s14, $0x1;
	[dreg:$0x7] =	wrdreg s12  }
0x13: {  	s24 =	sshll.u32 s16, $0x3;
	[dreg:$0x9] =	wrdreg s25;
	s22 =	sshll.u32 s17, $0x1  }
0x14: {  	s25 =	sshll.u32 s18, $0x1;
	s17 =	sadd.s32 $0x180, s8;
	s18 =	sshll.u32 s15, $0x4  }
0x15: {  	s12 =	sadd.s32 s9, s24;
	s9 =	sadd.s32 s9, s26;
	s24 =	sshll.u32 s16, $0x1  }
0x16: {  	s26 =	sshll.u32 s20, $0x1;
	s16 =	sshll.u32 s15, $0x6;
	[dreg:$0x8] =	wrdreg s12  }
0x17: {  	s20 =	sadd.s32 $0x200, s8;
	s15 =	simm.s32 $0x1;
	[dreg:$0xa] =	wrdreg s9  }
0x18: {  	s12 =	sadd.s32 $0x1200, s6;
	s6 =	sadd.s32 $0x3C000, s6;
	s9 =	sshrl.u32 s13, $0x2  }
0x19: {  	s13 =	sadd.s32 s6, s19;
	s23 =	sadd.s32 s6, s22;
	s22 =	sadd.s32 s9, s2  }
0x1a: {  	s19 =	sshll.u32 s17, $0x6;
	[dreg:$0xb] =	wrdreg s13;
	s13 =	sadd.s32 s6, s21  }
0x1b: {  	[dreg:$0xd] =	wrdreg s23;
	s21 =	sshll.u32 s17, $0x4;
	s23 =	sshll.u32 s20, $0x6  }
0x1c: {  	s17 =	simm.s32 $0x0;
	[dreg:$0xc] =	wrdreg s13;
	s13 =	sadd.s32 s6, s24  }
0x1d: {  	s28 =	sadd.s32 s23, s2;
	s24 =	smax.u32 s7, $0x1;
	s7 =	simm.s32 $0x30F0  }
0x1e: {  	[dreg:$0xe] =	wrdreg s13;
	s13 =	sadd.s32 s6, s25;
	s6 =	sadd.s32 s6, s26  }
0x1f: {  	s25 =	sadd.s32 s19, s2;
	[dreg:$0xf] =	wrdreg s13;
	s13 =	sadd.s32 $0x80, s8  }
0x20: {  	s26 =	sadd.s32 s21, s3;
	[dreg:$0x15] =	wrdreg s24;
	s14 =	sshll.u32 s13, $0x6  }
0x21: {  	[dreg:$0x10] =	wrdreg s6;
	s6 =	sshll.u32 s13, $0x4;
	s9 =	sadd.s32 s14, s2  }
0x22: {  	s8 =	simm.s32 $0x3;
	s6 =	sadd.s32 s6, s3;
	[dreg:$0x11] =	wrdreg s9  }
0x23: {  	s13 =	simm.s32 $0xA0;
	[dreg:$0x12] =	wrdreg s6;
	s6 =	sadd.s32 s16, s2  }
0x24: {  	s14 =	simm.s32 $0x14F0;
	[dreg:$0x13] =	wrdreg s6;
	s6 =	sadd.s32 s18, s3  }
0x25: {  	s9 =	simm.s32 $0x28F0;
	[dreg:$0x14] =	wrdreg s6;
	s6 =	sshll.u32 s20, $0x4  }
0x26: {  	v1 =	vimm.f32 $0.0e+00;
	vm0 =	vmmov $0x1;
	vm1 =	vcmask $0x308;
	s16 =	simm.s32 $0x2;
	s29 =	sadd.s32 s6, s3;
	s6 =	sadd.s32 $0x27000, s3  }
.LBB2_1:
0x27: {  	s18 =	simm.s32 $0x3110  }
0x28: {  	[tilespmem:s18+$0x0] =	vst v1  }
0x29: {  	[tilespmem:s18+$0xFFFFFFE0] =	vst v1  }
0x2a: {  	[tilespmem:s18+$0x10] =	vst v1  }
0x2b: {  	s19 =	simm.s32 $0x40;
	s20 =	simm.s32 $0x0;
	[tilespmem:s18+$0xFFFFFFF0] =	vst v1  }
.LBB2_2:
0x2c: {  	p1 =	sne.s32 s19, $0x1FC0  }
0x2d: {  	[tilespmem:s20+$0x28F0] =	vst v1;
	s18 =	sadd.s32 $0x40, s18;
	s20 =	smov.u32 s19;
	s19 =	sadd.s32 $0x40, s19  }
.Ltmp0:
0x2e: {  	[tilespmem:s18+$0x0] =	vst v1;
	(pc) =	sbr.rel @p1 .LBB2_2-.Ltmp0, $4  }
0x2f: {  	_ = 	snop  }
0x30: {  	[tilespmem:s18+$0xFFFFFFE0] =	vst v1  }
0x31: {  	[tilespmem:s18+$0x10] =	vst v1  }
0x32: {  	s20 =	sshra.s32 s20, $0x2;
	[tilespmem:s18+$0xFFFFFFF0] =	vst v1  }
0x33: {  	[tilespmem:s20+$0x28F0] =	vst v1  }
0x34: {  	[spmem:s22] =	stream.linear.scatter [tilespmem:s7], [sflag:$0x3], $0x2000, $0x38;
	[tilespmem:$0x11440] =	vst v63  }
0x35: {  	_ =	swait.ge [sflag:s8], $0x2000  }
0x36: {  	[sflag:s8] =	ssyncset.done $0x0  }
0x37: {  	[sflag:s8] =	ssyncadd.s32 $0xFFFFE000  }
0x38: {  	[spmem:s31] =	stream.linear.scatter [tilespmem:s9], [sflag:$0x3], $0x800, $0x38;
	[tilespmem:$0x11440] =	vst v63  }
0x39: {  	_ =	swait.ge [sflag:s8], $0x800  }
0x3a: {  	[sflag:s8] =	ssyncset.done $0x0  }
0x3b: {  	s18 =	rddreg [dreg:$0x11];
	[sflag:s8] =	ssyncadd.s32 $0xFFFFF800  }
0x3c: {  	[spmem:s18] =	stream.linear.scatter [tilespmem:s7], [sflag:$0x3], $0x2000, $0x38;
	[tilespmem:$0x11440] =	vst v63  }
0x3d: {  	_ =	swait.ge [sflag:s8], $0x2000  }
0x3e: {  	[sflag:s8] =	ssyncset.done $0x0  }
0x3f: {  	s21 =	rddreg [dreg:$0x12];
	[sflag:s8] =	ssyncadd.s32 $0xFFFFE000  }
0x40: {  	[spmem:s21] =	stream.linear.scatter [tilespmem:s9], [sflag:$0x3], $0x800, $0x38;
	[tilespmem:$0x11440] =	vst v63  }
0x41: {  	_ =	swait.ge [sflag:s8], $0x800  }
0x42: {  	[sflag:s8] =	ssyncset.done $0x0  }
0x43: {  	s23 =	smov.u32 s22;
	s22 =	rddreg [dreg:$0x13];
	[sflag:s8] =	ssyncadd.s32 $0xFFFFF800  }
0x44: {  	[spmem:s22] =	stream.linear.scatter [tilespmem:s7], [sflag:$0x3], $0x2000, $0x38;
	[tilespmem:$0x11440] =	vst v63  }
0x45: {  	_ =	swait.ge [sflag:s8], $0x2000  }
0x46: {  	[sflag:s8] =	ssyncset.done $0x0  }
0x47: {  	s24 =	smov.u32 s31;
	s31 =	rddreg [dreg:$0x14];
	[sflag:s8] =	ssyncadd.s32 $0xFFFFE000  }
0x48: {  	[spmem:s31] =	stream.linear.scatter [tilespmem:s9], [sflag:$0x3], $0x800, $0x38;
	[tilespmem:$0x11440] =	vst v63  }
0x49: {  	_ =	swait.ge [sflag:s8], $0x800  }
0x4a: {  	[sflag:s8] =	ssyncset.done $0x0  }
0x4b: {  	[sflag:s8] =	ssyncadd.s32 $0xFFFFF800  }
0x4c: {  	[spmem:s25] =	stream.linear.scatter [tilespmem:s7], [sflag:$0x3], $0x2000, $0x38;
	[tilespmem:$0x11440] =	vst v63  }
0x4d: {  	_ =	swait.ge [sflag:s8], $0x2000  }
0x4e: {  	[sflag:s8] =	ssyncset.done $0x0  }
0x4f: {  	[sflag:s8] =	ssyncadd.s32 $0xFFFFE000  }
0x50: {  	[spmem:s26] =	stream.linear.scatter [tilespmem:s9], [sflag:$0x3], $0x800, $0x38;
	[tilespmem:$0x11440] =	vst v63  }
0x51: {  	_ =	swait.ge [sflag:s8], $0x800  }
0x52: {  	[sflag:s8] =	ssyncset.done $0x0  }
0x53: {  	[sflag:s8] =	ssyncadd.s32 $0xFFFFF800  }
0x54: {  	[spmem:s28] =	stream.linear.scatter [tilespmem:s7], [sflag:$0x3], $0x1C00, $0x38;
	[tilespmem:$0x11440] =	vst v63  }
0x55: {  	_ =	swait.ge [sflag:s8], $0x1C00  }
0x56: {  	[sflag:s8] =	ssyncset.done $0x0  }
0x57: {  	[sflag:s8] =	ssyncadd.s32 $0xFFFFE400  }
0x58: {  	[spmem:s29] =	stream.linear.scatter [tilespmem:s9], [sflag:$0x3], $0x700, $0x38;
	[tilespmem:$0x11440] =	vst v63  }
0x59: {  	_ =	swait.ge [sflag:s8], $0x700  }
0x5a: {  	[sflag:s8] =	ssyncset.done $0x0  }
0x5b: {  	s18 =	simm.s32 @!p0 $0x30F0;
	[sflag:s8] =	ssyncadd.s32 $0xFFFFF900  }
0x5c: {  	[spmem:s0] =	stream.linear.scatter @!p0 [tilespmem:s18], [sflag:$0x3], $0x400, $0x38;
	[tilespmem:$0x11440] =	vst v63  }
0x5d: {  	s18 =	simm.s32 @!p0 $0x3  }
0x5e: {  	_ =	swait.ge @!p0 [sflag:s18], $0x400  }
0x5f: {  	[sflag:s18] =	ssyncset.done @!p0 $0x0  }
0x60: {  	s19 =	simm.s32 @!p0 $0x28F0;
	[sflag:s18] =	ssyncadd.s32 @!p0 $0xFFFFFC00  }
0x61: {  	[spmem:s6] =	stream.linear.scatter @!p0 [tilespmem:s19], [sflag:$0x3], $0x100, $0x38;
	[tilespmem:$0x11440] =	vst v63  }
0x62: {  	_ =	swait.ge @!p0 [sflag:s18], $0x100  }
0x63: {  	[sflag:s18] =	ssyncset.done @!p0 $0x0  }
0x64: {  	[sflag:s18] =	ssyncadd.s32 @!p0 $0xFFFFFF00  }
0x65: {  	s18 =	simm.s32 $0x0;
	[bflag:$0x0] =	sbarrier.arrive $0xFFFF  }
.LBB2_4:
0x66: {  	s19 =	smul.u32 $0x50, s18;
	_ =	sdelay $0x1  }
0x67: {  	s19 =	sadd.s32 s30, s19  }
0x68: {  	s19 =	sshrl.u32 s19, $0x3  }
0x69: {  	s20 =	sadd.s32 s5, s19  }
0x6a: {  	[tilespmem:s4], [sflag:$0x3] =	stream.linear.gather [hbm4b:s20+s4], $0x50, $0x38;
	[tilespmem:$0x11440] =	vst v63  }
0x6b: {  	_ =	swait.ge [sflag:s8], $0x50  }
0x6c: {  	[sflag:s8] =	ssyncset.done $0x0  }
0x6d: {  	s19 =	sadd.s32 s12, s19;
	[sflag:s8] =	ssyncadd.s32 $0xFFFFFFB0  }
0x6e: {  	[tilespmem:s10], [sflag:$0x3] =	stream.linear.gather [hbm4b:s19+s4], $0x50, $0x38;
	[tilespmem:$0x11440] =	vst v63  }
0x6f: {  	_ =	swait.ge [sflag:s8], $0x50  }
0x70: {  	[sflag:s8] =	ssyncset.done $0x0  }
0x71: {  	[sflag:s8] =	ssyncadd.s32 $0xFFFFFFB0  }
0x72: {  	v2 =	vld [tilespmem:$0x0]  }
0x73: {  	v3 =	vld [tilespmem:$0x50]  }
0x74: {  	v4 =	vld [tilespmem:$0x10]  }
0x75: {  	v5 =	vld [tilespmem:$0x60]  }
0x76: {  	v6 =	vld [tilespmem:$0x20]  }
0x77: {  	v7 =	vld [tilespmem:$0x70];
	v2 =	vadd.s32 v0, v2  }
0x78: {  	[tilespmem:$0x0] =	vst v2;
	v2 =	vadd.s32 v0, v3;
	v3 =	vld [tilespmem:$0x30]  }
0x79: {  	v61 =	vld [tilespmem:$0x80];
	[tilespmem:$0xA0] =	vst v2;
	v2 =	vadd.s32 v0, v4  }
0x7a: {  	v62 =	vld [tilespmem:$0x40];
	[tilespmem:$0x10] =	vst v2;
	v2 =	vadd.s32 v0, v5  }
0x7b: {  	v63 =	vld [tilespmem:$0x90];
	[tilespmem:$0xB0] =	vst v2;
	v2 =	vadd.s32 v0, v6  }
0x7c: {  	[tilespmem:$0x20] =	vst v2;
	v2 =	vadd.s32 v0, v7  }
0x7d: {  	[tilespmem:$0xC0] =	vst v2;
	v2 =	vadd.s32 v0, v3  }
0x7e: {  	[tilespmem:$0x30] =	vst v2;
	v2 =	vadd.s32 v0, v61  }
0x7f: {  	[tilespmem:$0xD0] =	vst v2;
	v2 =	vadd.s32 v0, v62  }
0x80: {  	[tilespmem:$0x40] =	vst v2;
	v2 =	vadd.s32 v0, v63  }
0x81: {  	[tilespmem:$0xE0] =	vst v2  }
0x82: {  	[tilespmem:s11], [sflag:$0x1] =	stream.indirect.gather [hbm4b:s1+s10], $0x40, s4, s10, $0xb8;
	[tilespmem:$0x11440] =	vst v63  }
0x83: {  	_ = 	snop  }
0x84: {  	[tilespmem:s14], [sflag:$0x2] =	stream.indirect.gather [hbm4b:s1+s10], $0x40, s13, s10, $0xb8;
	[tilespmem:$0x11440] =	vst v63  }
0x85: {  	_ =	swait.ge [sflag:s15], $0x1400  }
0x86: {  	[sflag:s15] =	ssyncset.done $0x0  }
0x87: {  	[sflag:s15] =	ssyncadd.s32 $0xFFFFEC00  }
0x88: {  	_ =	swait.ge [sflag:s16], $0x1400  }
0x89: {  	s31 =	simm.s32 $0xFFFFFFFC;
	s21 =	simm.s32 $0x2910;
	[sflag:s16] =	ssyncset.done $0x0  }
0x8a: {  	s20 =	simm.s32 $0x170;
	s19 =	simm.s32 $0x1570;
	[sflag:s16] =	ssyncadd.s32 $0xFFFFEC00  }
.LBB2_5:
0x8b: {  	v2 =	vld [tilespmem:s20+$0xFFFFFF80]  }
0x8c: {  	v3 =	vld [tilespmem:s20+$0xFFFFFF90]  }
0x8d: {  	v4 =	vld [tilespmem:s19+$0xFFFFFF80]  }
0x8e: {  	v5 =	vld [tilespmem:s19+$0xFFFFFF90];
	_ =	sdelay $0x4  }
0x8f: {  	v4 =	vmul.f32 v4, v2;
	v5 =	vmul.f32 v5, v3;
	_ =	sdelay $0x1  }
0x90: {  	v4 =	vadd.f32 v5, v4;
	_ =	sdelay $0x1  }
0x91: {  	(xrf2) =	vadd.scan.msk.f32 $0xffff, v4;
	_ =	sdelay $0x9  }
0x92: {  	v4, _, _ =	vpop (xrf2)  }
0x93: {  	(v2sf) =	vpush v4, $0xF;
	_ =	sdelay $0xe  }
0x94: {  	s22 =	spop (v2sf)  }
0x95: {  	s22 =	smul.f32 $1.767766920e-01, s22;
	_ =	sdelay $0x1  }
0x96: {  	v43 =	vmov s22  }
0x97: {  	v4 =	vmul.f32 $1.442695020e+00, v43;
	_ =	sdelay $0x1  }
0x98: {  	v4 =	vbroadcast v4, $0x0;
	_ =	sdelay $0x1  }
0x99: {  	(erf) = vpow2.f32 v4;
	_ =	sdelay $0x8  }
0x9a: {  	v4 =	vpop (erf)  }
0x9b: {  	v2 =	vmul.f32 v4, v2  }
0x9c: {  	v3 =	vmul.f32 v4, v3  }
0x9d: {  	[tilespmem:s20+$0xFFFFFF80] =	vst v2;
	v2 =	vld [tilespmem:s20+$0xFFFFFFA0]  }
0x9e: {  	[tilespmem:s20+$0xFFFFFF90] =	vst v3;
	v3 =	vld [tilespmem:s20+$0xFFFFFFB0]  }
0x9f: {  	v44 =	vld [tilespmem:s19+$0xFFFFFFA0]  }
0xa0: {  	v6 =	vld [tilespmem:s19+$0xFFFFFFB0];
	_ =	sdelay $0x4  }
0xa1: {  	v5 =	vmul.f32 v44, v2;
	v6 =	vmul.f32 v6, v3;
	_ =	sdelay $0x1  }
0xa2: {  	v5 =	vadd.f32 v6, v5;
	_ =	sdelay $0x1  }
0xa3: {  	(xrf2) =	vadd.scan.msk.f32 $0xffff, v5;
	_ =	sdelay $0x9  }
0xa4: {  	v5, _, _ =	vpop (xrf2)  }
0xa5: {  	(v2sf) =	vpush v5, $0xF;
	_ =	sdelay $0xe  }
0xa6: {  	s22 =	spop (v2sf)  }
0xa7: {  	s22 =	smul.f32 $1.767766920e-01, s22;
	_ =	sdelay $0x1  }
0xa8: {  	v45 =	vmov s22  }
0xa9: {  	v5 =	vmul.f32 $1.442695020e+00, v45;
	_ =	sdelay $0x1  }
0xaa: {  	v5 =	vbroadcast v5, $0x0;
	_ =	sdelay $0x1  }
0xab: {  	(erf) = vpow2.f32 v5;
	_ =	sdelay $0x8  }
0xac: {  	v5 =	vpop (erf)  }
0xad: {  	v2 =	vmul.f32 v5, v2  }
0xae: {  	v3 =	vmul.f32 v5, v3  }
0xaf: {  	v4 =	vnsel vm0, $0x0, v4;
	[tilespmem:s20+$0xFFFFFFA0] =	vst v2  }
0xb0: {  	v2 =	vsel vm1, v4, v5;
	[tilespmem:s20+$0xFFFFFFB0] =	vst v3  }
0xb1: {  	[tilespmem:s21+$0xFFFFFFE0] =	vst v2  }
0xb2: {  	v2 =	vld [tilespmem:s20+$0xFFFFFFC0]  }
0xb3: {  	v3 =	vld [tilespmem:s20+$0xFFFFFFD0]  }
0xb4: {  	v46 =	vld [tilespmem:s19+$0xFFFFFFC0]  }
0xb5: {  	v47 =	vld [tilespmem:s19+$0xFFFFFFD0];
	_ =	sdelay $0x4  }
0xb6: {  	v4 =	vmul.f32 v46, v2;
	v5 =	vmul.f32 v47, v3;
	_ =	sdelay $0x1  }
0xb7: {  	v4 =	vadd.f32 v5, v4;
	_ =	sdelay $0x1  }
0xb8: {  	(xrf2) =	vadd.scan.msk.f32 $0xffff, v4;
	_ =	sdelay $0x9  }
0xb9: {  	v4, _, _ =	vpop (xrf2)  }
0xba: {  	(v2sf) =	vpush v4, $0xF;
	_ =	sdelay $0xe  }
0xbb: {  	s22 =	spop (v2sf)  }
0xbc: {  	s22 =	smul.f32 $1.767766920e-01, s22;
	_ =	sdelay $0x1  }
0xbd: {  	v48 =	vmov s22  }
0xbe: {  	v4 =	vmul.f32 $1.442695020e+00, v48;
	_ =	sdelay $0x1  }
0xbf: {  	v4 =	vbroadcast v4, $0x0;
	_ =	sdelay $0x1  }
0xc0: {  	(erf) = vpow2.f32 v4;
	_ =	sdelay $0x8  }
0xc1: {  	v4 =	vpop (erf)  }
0xc2: {  	v2 =	vmul.f32 v4, v2  }
0xc3: {  	v3 =	vmul.f32 v4, v3  }
0xc4: {  	[tilespmem:s20+$0xFFFFFFC0] =	vst v2;
	v2 =	vld [tilespmem:s20+$0xFFFFFFE0]  }
0xc5: {  	[tilespmem:s20+$0xFFFFFFD0] =	vst v3;
	v3 =	vld [tilespmem:s20+$0xFFFFFFF0]  }
0xc6: {  	v49 =	vld [tilespmem:s19+$0xFFFFFFE0]  }
0xc7: {  	v50 =	vld [tilespmem:s19+$0xFFFFFFF0];
	_ =	sdelay $0x4  }
0xc8: {  	v5 =	vmul.f32 v49, v2;
	v6 =	vmul.f32 v50, v3;
	_ =	sdelay $0x1  }
0xc9: {  	v5 =	vadd.f32 v6, v5;
	_ =	sdelay $0x1  }
0xca: {  	(xrf2) =	vadd.scan.msk.f32 $0xffff, v5;
	_ =	sdelay $0x9  }
0xcb: {  	v5, _, _ =	vpop (xrf2)  }
0xcc: {  	(v2sf) =	vpush v5, $0xF;
	_ =	sdelay $0xe  }
0xcd: {  	s22 =	spop (v2sf)  }
0xce: {  	s22 =	smul.f32 $1.767766920e-01, s22;
	_ =	sdelay $0x1  }
0xcf: {  	v51 =	vmov s22  }
0xd0: {  	v5 =	vmul.f32 $1.442695020e+00, v51;
	_ =	sdelay $0x1  }
0xd1: {  	v5 =	vbroadcast v5, $0x0;
	_ =	sdelay $0x1  }
0xd2: {  	(erf) = vpow2.f32 v5;
	_ =	sdelay $0x8  }
0xd3: {  	v5 =	vpop (erf)  }
0xd4: {  	v2 =	vmul.f32 v5, v2  }
0xd5: {  	v3 =	vmul.f32 v5, v3  }
0xd6: {  	v4 =	vnsel vm0, $0x0, v4;
	[tilespmem:s20+$0xFFFFFFE0] =	vst v2  }
0xd7: {  	v2 =	vsel vm1, v4, v5;
	[tilespmem:s20+$0xFFFFFFF0] =	vst v3  }
0xd8: {  	[tilespmem:s21+$0xFFFFFFF0] =	vst v2  }
0xd9: {  	v2 =	vld [tilespmem:s20+$0x0]  }
0xda: {  	v3 =	vld [tilespmem:s20+$0x10]  }
0xdb: {  	v52 =	vld [tilespmem:s19+$0x0]  }
0xdc: {  	v53 =	vld [tilespmem:s19+$0x10];
	_ =	sdelay $0x4  }
0xdd: {  	v4 =	vmul.f32 v52, v2;
	v5 =	vmul.f32 v53, v3;
	_ =	sdelay $0x1  }
0xde: {  	v4 =	vadd.f32 v5, v4;
	_ =	sdelay $0x1  }
0xdf: {  	(xrf2) =	vadd.scan.msk.f32 $0xffff, v4;
	_ =	sdelay $0x9  }
0xe0: {  	v4, _, _ =	vpop (xrf2)  }
0xe1: {  	(v2sf) =	vpush v4, $0xF;
	_ =	sdelay $0xe  }
0xe2: {  	s22 =	spop (v2sf)  }
0xe3: {  	s22 =	smul.f32 $1.767766920e-01, s22;
	_ =	sdelay $0x1  }
0xe4: {  	v54 =	vmov s22  }
0xe5: {  	v4 =	vmul.f32 $1.442695020e+00, v54;
	_ =	sdelay $0x1  }
0xe6: {  	v4 =	vbroadcast v4, $0x0;
	_ =	sdelay $0x1  }
0xe7: {  	(erf) = vpow2.f32 v4;
	_ =	sdelay $0x8  }
0xe8: {  	v4 =	vpop (erf)  }
0xe9: {  	v2 =	vmul.f32 v4, v2  }
0xea: {  	v3 =	vmul.f32 v4, v3  }
0xeb: {  	[tilespmem:s20+$0x0] =	vst v2;
	v2 =	vld [tilespmem:s20+$0x20]  }
0xec: {  	[tilespmem:s20+$0x10] =	vst v3;
	v3 =	vld [tilespmem:s20+$0x30]  }
0xed: {  	v55 =	vld [tilespmem:s19+$0x20]  }
0xee: {  	v56 =	vld [tilespmem:s19+$0x30];
	_ =	sdelay $0x4  }
0xef: {  	v5 =	vmul.f32 v55, v2;
	v6 =	vmul.f32 v56, v3;
	_ =	sdelay $0x1  }
0xf0: {  	v5 =	vadd.f32 v6, v5;
	_ =	sdelay $0x1  }
0xf1: {  	(xrf2) =	vadd.scan.msk.f32 $0xffff, v5;
	_ =	sdelay $0x9  }
0xf2: {  	v5, _, _ =	vpop (xrf2)  }
0xf3: {  	(v2sf) =	vpush v5, $0xF;
	_ =	sdelay $0xe  }
0xf4: {  	s22 =	spop (v2sf)  }
0xf5: {  	s22 =	smul.f32 $1.767766920e-01, s22;
	_ =	sdelay $0x1  }
0xf6: {  	v57 =	vmov s22  }
0xf7: {  	v5 =	vmul.f32 $1.442695020e+00, v57;
	_ =	sdelay $0x1  }
0xf8: {  	v5 =	vbroadcast v5, $0x0;
	_ =	sdelay $0x1  }
0xf9: {  	(erf) = vpow2.f32 v5;
	_ =	sdelay $0x8  }
0xfa: {  	v5 =	vpop (erf)  }
0xfb: {  	v2 =	vmul.f32 v5, v2  }
0xfc: {  	v3 =	vmul.f32 v5, v3  }
0xfd: {  	v4 =	vnsel vm0, $0x0, v4;
	[tilespmem:s20+$0x20] =	vst v2  }
0xfe: {  	v2 =	vsel vm1, v4, v5;
	[tilespmem:s20+$0x30] =	vst v3  }
0xff: {  	[tilespmem:s21+$0x0] =	vst v2  }
0x100: {  	v2 =	vld [tilespmem:s20+$0x40]  }
0x101: {  	v3 =	vld [tilespmem:s20+$0x50]  }
0x102: {  	v58 =	vld [tilespmem:s19+$0x40]  }
0x103: {  	v59 =	vld [tilespmem:s19+$0x50];
	_ =	sdelay $0x4  }
0x104: {  	v4 =	vmul.f32 v58, v2;
	v5 =	vmul.f32 v59, v3;
	_ =	sdelay $0x1  }
0x105: {  	v4 =	vadd.f32 v5, v4;
	_ =	sdelay $0x1  }
0x106: {  	(xrf2) =	vadd.scan.msk.f32 $0xffff, v4;
	_ =	sdelay $0x9  }
0x107: {  	v4, _, _ =	vpop (xrf2)  }
0x108: {  	(v2sf) =	vpush v4, $0xF;
	_ =	sdelay $0xe  }
0x109: {  	s22 =	spop (v2sf)  }
0x10a: {  	s22 =	smul.f32 $1.767766920e-01, s22;
	_ =	sdelay $0x1  }
0x10b: {  	v60 =	vmov s22  }
0x10c: {  	v4 =	vmul.f32 $1.442695020e+00, v60;
	_ =	sdelay $0x1  }
0x10d: {  	v4 =	vbroadcast v4, $0x0;
	_ =	sdelay $0x1  }
0x10e: {  	(erf) = vpow2.f32 v4;
	_ =	sdelay $0x8  }
0x10f: {  	v4 =	vpop (erf)  }
0x110: {  	v2 =	vmul.f32 v4, v2  }
0x111: {  	v3 =	vmul.f32 v4, v3  }
0x112: {  	[tilespmem:s20+$0x40] =	vst v2;
	v2 =	vld [tilespmem:s20+$0x60]  }
0x113: {  	[tilespmem:s20+$0x50] =	vst v3;
	v3 =	vld [tilespmem:s20+$0x70]  }
0x114: {  	v61 =	vld [tilespmem:s19+$0x60]  }
0x115: {  	v62 =	vld [tilespmem:s19+$0x70];
	_ =	sdelay $0x4  }
0x116: {  	v5 =	vmul.f32 v61, v2;
	v6 =	vmul.f32 v62, v3;
	_ =	sdelay $0x1  }
0x117: {  	v5 =	vadd.f32 v6, v5;
	_ =	sdelay $0x1  }
0x118: {  	(xrf2) =	vadd.scan.msk.f32 $0xffff, v5;
	_ =	sdelay $0x9  }
0x119: {  	v5, _, _ =	vpop (xrf2)  }
0x11a: {  	(v2sf) =	vpush v5, $0xF;
	_ =	sdelay $0xe  }
0x11b: {  	s22 =	spop (v2sf)  }
0x11c: {  	s22 =	smul.f32 $1.767766920e-01, s22;
	_ =	sdelay $0x1  }
0x11d: {  	v63 =	vmov s22  }
0x11e: {  	v5 =	vmul.f32 $1.442695020e+00, v63;
	_ =	sdelay $0x1  }
0x11f: {  	v5 =	vbroadcast v5, $0x0;
	_ =	sdelay $0x1  }
0x120: {  	(erf) = vpow2.f32 v5;
	_ =	sdelay $0x7  }
0x121: {  	s31 =	sadd.s32 $0x4, s31  }
0x122: {  	p1 =	slt.u32 s31, $0x4C;
	v5 =	vpop (erf)  }
.Ltmp1:
0x123: {  	v2 =	vmul.f32 v5, v2;
	(pc) =	sbr.rel @p1 .LBB2_5-.Ltmp1, $4  }
0x124: {  	v3 =	vmul.f32 v5, v3  }
0x125: {  	v4 =	vnsel vm0, $0x0, v4;
	[tilespmem:s20+$0x60] =	vst v2  }
0x126: {  	v2 =	vsel vm1, v4, v5;
	[tilespmem:s20+$0x70] =	vst v3  }
0x127: {  	s19 =	sadd.s32 $0x100, s19;
	s20 =	sadd.s32 $0x100, s20;
	[tilespmem:s21+$0x10] =	vst v2;
	s21 =	sadd.s32 $0x40, s21  }
0x128: {  	[spmem:s2] =	stream.indirect.scatter.add.f32 [tilespmem:s11], [sflag:$0x3], $0x40, s10, s10, $0xb8;
	[tilespmem:$0x11440] =	vst v63  }
0x129: {  	s18 =	sadd.s32 $0x1, s18;
	_ =	swait.ge [sflag:s8], $0x1400  }
0x12a: {  	p1 =	sne.s32 s18, $0xFA;
	[sflag:s8] =	ssyncset.done $0x0  }
.Ltmp2:
0x12b: {  	[sflag:s8] =	ssyncadd.s32 $0xFFFFEC00;
	(pc) =	sbr.rel @p1 .LBB2_4-.Ltmp2, $4  }
0x12c: {  	[spmem:s3] =	stream.indirect.scatter.add.f32 [tilespmem:s9], [sflag:$0x3], $0x10, s10, s10, $0xb8;
	[tilespmem:$0x11440] =	vst v63  }
0x12d: {  	_ =	swait.ge [sflag:s8], $0x500  }
0x12e: {  	[sflag:s8] =	ssyncset.done $0x0  }
0x12f: {  	[sflag:s8] =	ssyncadd.s32 $0xFFFFFB00  }
0x130: {  	[bflag:$0x0] =	sbarrier.arrive $0xFFFF  }
0x131: {  	[tilespmem:s7], [sflag:$0x3] =	stream.linear.gather [spmem:s23], $0x2000, $0x38;
	[tilespmem:$0x11440] =	vst v63  }
0x132: {  	_ =	swait.ge [sflag:s8], $0x2000  }
0x133: {  	[sflag:s8] =	ssyncset.done $0x0  }
0x134: {  	s18 =	rddreg [dreg:$0x5];
	[sflag:s8] =	ssyncadd.s32 $0xFFFFE000  }
0x135: {  	[hbm4b:s18+s4] =	stream.linear.scatter [tilespmem:s7], [sflag:$0x3], $0x2000, $0x38;
	[tilespmem:$0x11440] =	vst v63  }
0x136: {  	_ =	swait.ge [sflag:s8], $0x2000  }
0x137: {  	[sflag:s8] =	ssyncset.done $0x0  }
0x138: {  	[sflag:s8] =	ssyncadd.s32 $0xFFFFE000  }
0x139: {  	[tilespmem:s9], [sflag:$0x3] =	stream.linear.gather [spmem:s24], $0x800, $0x38;
	[tilespmem:$0x11440] =	vst v63  }
0x13a: {  	_ =	swait.ge [sflag:s8], $0x800  }
0x13b: {  	[sflag:s8] =	ssyncset.done $0x0  }
0x13c: {  	s20 =	rddreg [dreg:$0xb];
	[sflag:s8] =	ssyncadd.s32 $0xFFFFF800  }
0x13d: {  	[hbm4b:s20+s4] =	stream.linear.scatter [tilespmem:s9], [sflag:$0x3], $0x800, $0x38;
	[tilespmem:$0x11440] =	vst v63  }
0x13e: {  	_ =	swait.ge [sflag:s8], $0x800  }
0x13f: {  	[sflag:s8] =	ssyncset.done $0x0  }
0x140: {  	s21 =	rddreg [dreg:$0x11];
	[sflag:s8] =	ssyncadd.s32 $0xFFFFF800  }
0x141: {  	[tilespmem:s7], [sflag:$0x3] =	stream.linear.gather [spmem:s21], $0x2000, $0x38;
	[tilespmem:$0x11440] =	vst v63  }
0x142: {  	_ =	swait.ge [sflag:s8], $0x2000  }
0x143: {  	[sflag:s8] =	ssyncset.done $0x0  }
0x144: {  	s22 =	smov.u32 s23;
	s23 =	rddreg [dreg:$0x6];
	[sflag:s8] =	ssyncadd.s32 $0xFFFFE000  }
0x145: {  	[hbm4b:s23+s4] =	stream.linear.scatter [tilespmem:s7], [sflag:$0x3], $0x2000, $0x38;
	[tilespmem:$0x11440] =	vst v63  }
0x146: {  	_ =	swait.ge [sflag:s8], $0x2000  }
0x147: {  	[sflag:s8] =	ssyncset.done $0x0  }
0x148: {  	s31 =	smov.u32 s24;
	s24 =	rddreg [dreg:$0x12];
	[sflag:s8] =	ssyncadd.s32 $0xFFFFE000  }
0x149: {  	[tilespmem:s9], [sflag:$0x3] =	stream.linear.gather [spmem:s24], $0x800, $0x38;
	[tilespmem:$0x11440] =	vst v63  }
0x14a: {  	_ =	swait.ge [sflag:s8], $0x800  }
0x14b: {  	[sflag:s8] =	ssyncset.done $0x0  }
0x14c: {  	s19 =	rddreg [dreg:$0xc];
	[sflag:s8] =	ssyncadd.s32 $0xFFFFF800  }
0x14d: {  	[hbm4b:s19+s4] =	stream.linear.scatter [tilespmem:s9], [sflag:$0x3], $0x800, $0x38;
	[tilespmem:$0x11440] =	vst v63  }
0x14e: {  	_ =	swait.ge [sflag:s8], $0x800  }
0x14f: {  	[sflag:s8] =	ssyncset.done $0x0  }
0x150: {  	s20 =	rddreg [dreg:$0x13];
	[sflag:s8] =	ssyncadd.s32 $0xFFFFF800  }
0x151: {  	[tilespmem:s7], [sflag:$0x3] =	stream.linear.gather [spmem:s20], $0x2000, $0x38;
	[tilespmem:$0x11440] =	vst v63  }
0x152: {  	_ =	swait.ge [sflag:s8], $0x2000  }
0x153: {  	[sflag:s8] =	ssyncset.done $0x0  }
0x154: {  	s21 =	rddreg [dreg:$0x7];
	[sflag:s8] =	ssyncadd.s32 $0xFFFFE000  }
0x155: {  	[hbm4b:s21+s4] =	stream.linear.scatter [tilespmem:s7], [sflag:$0x3], $0x2000, $0x38;
	[tilespmem:$0x11440] =	vst v63  }
0x156: {  	_ =	swait.ge [sflag:s8], $0x2000  }
0x157: {  	[sflag:s8] =	ssyncset.done $0x0  }
0x158: {  	s23 =	rddreg [dreg:$0x14];
	[sflag:s8] =	ssyncadd.s32 $0xFFFFE000  }
0x159: {  	[tilespmem:s9], [sflag:$0x3] =	stream.linear.gather [spmem:s23], $0x800, $0x38;
	[tilespmem:$0x11440] =	vst v63  }
0x15a: {  	_ =	swait.ge [sflag:s8], $0x800  }
0x15b: {  	[sflag:s8] =	ssyncset.done $0x0  }
0x15c: {  	s24 =	rddreg [dreg:$0xd];
	[sflag:s8] =	ssyncadd.s32 $0xFFFFF800  }
0x15d: {  	[hbm4b:s24+s4] =	stream.linear.scatter [tilespmem:s9], [sflag:$0x3], $0x800, $0x38;
	[tilespmem:$0x11440] =	vst v63  }
0x15e: {  	_ =	swait.ge [sflag:s8], $0x800  }
0x15f: {  	[sflag:s8] =	ssyncset.done $0x0  }
0x160: {  	[sflag:s8] =	ssyncadd.s32 $0xFFFFF800  }
0x161: {  	[tilespmem:s7], [sflag:$0x3] =	stream.linear.gather [spmem:s25], $0x2000, $0x38;
	[tilespmem:$0x11440] =	vst v63  }
0x162: {  	_ =	swait.ge [sflag:s8], $0x2000  }
0x163: {  	[sflag:s8] =	ssyncset.done $0x0  }
0x164: {  	s19 =	rddreg [dreg:$0x8];
	[sflag:s8] =	ssyncadd.s32 $0xFFFFE000  }
0x165: {  	[hbm4b:s19+s4] =	stream.linear.scatter [tilespmem:s7], [sflag:$0x3], $0x2000, $0x38;
	[tilespmem:$0x11440] =	vst v63  }
0x166: {  	_ =	swait.ge [sflag:s8], $0x2000  }
0x167: {  	[sflag:s8] =	ssyncset.done $0x0  }
0x168: {  	[sflag:s8] =	ssyncadd.s32 $0xFFFFE000  }
0x169: {  	[tilespmem:s9], [sflag:$0x3] =	stream.linear.gather [spmem:s26], $0x800, $0x38;
	[tilespmem:$0x11440] =	vst v63  }
0x16a: {  	_ =	swait.ge [sflag:s8], $0x800  }
0x16b: {  	[sflag:s8] =	ssyncset.done $0x0  }
0x16c: {  	s20 =	rddreg [dreg:$0xe];
	[sflag:s8] =	ssyncadd.s32 $0xFFFFF800  }
0x16d: {  	[hbm4b:s20+s4] =	stream.linear.scatter [tilespmem:s9], [sflag:$0x3], $0x800, $0x38;
	[tilespmem:$0x11440] =	vst v63  }
0x16e: {  	_ =	swait.ge [sflag:s8], $0x800  }
0x16f: {  	[sflag:s8] =	ssyncset.done $0x0  }
0x170: {  	[sflag:s8] =	ssyncadd.s32 $0xFFFFF800  }
0x171: {  	[tilespmem:s7], [sflag:$0x3] =	stream.linear.gather [spmem:s28], $0x1C00, $0x38;
	[tilespmem:$0x11440] =	vst v63  }
0x172: {  	_ =	swait.ge [sflag:s8], $0x1C00  }
0x173: {  	[sflag:s8] =	ssyncset.done $0x0  }
0x174: {  	s21 =	rddreg [dreg:$0x9];
	[sflag:s8] =	ssyncadd.s32 $0xFFFFE400  }
0x175: {  	[hbm4b:s21+s4] =	stream.linear.scatter [tilespmem:s7], [sflag:$0x3], $0x1C00, $0x38;
	[tilespmem:$0x11440] =	vst v63  }
0x176: {  	_ =	swait.ge [sflag:s8], $0x1C00  }
0x177: {  	[sflag:s8] =	ssyncset.done $0x0  }
0x178: {  	[sflag:s8] =	ssyncadd.s32 $0xFFFFE400  }
0x179: {  	[tilespmem:s9], [sflag:$0x3] =	stream.linear.gather [spmem:s29], $0x700, $0x38;
	[tilespmem:$0x11440] =	vst v63  }
0x17a: {  	_ =	swait.ge [sflag:s8], $0x700  }
0x17b: {  	[sflag:s8] =	ssyncset.done $0x0  }
0x17c: {  	s23 =	rddreg [dreg:$0xf];
	[sflag:s8] =	ssyncadd.s32 $0xFFFFF900  }
0x17d: {  	[hbm4b:s23+s4] =	stream.linear.scatter [tilespmem:s9], [sflag:$0x3], $0x700, $0x38;
	[tilespmem:$0x11440] =	vst v63  }
0x17e: {  	_ =	swait.ge [sflag:s8], $0x700  }
0x17f: {  	[sflag:s8] =	ssyncset.done $0x0  }
0x180: {  	s18 =	simm.s32 @!p0 $0x30F0;
	s19 =	simm.s32 @!p0 $0x3;
	[sflag:s8] =	ssyncadd.s32 $0xFFFFF900  }
0x181: {  	[tilespmem:s18], [sflag:$0x3] =	stream.linear.gather @!p0 [spmem:s0], $0x400, $0x38;
	[tilespmem:$0x11440] =	vst v63  }
0x182: {  	_ =	swait.ge @!p0 [sflag:s19], $0x400  }
0x183: {  	[sflag:s19] =	ssyncset.done @!p0 $0x0  }
0x184: {  	s20 =	simm.s32 @!p0 $0x0;
	s21 =	rddreg [dreg:$0xa];
	[sflag:s19] =	ssyncadd.s32 @!p0 $0xFFFFFC00  }
0x185: {  	[hbm4b:s21+s20] =	stream.linear.scatter @!p0 [tilespmem:s18], [sflag:$0x3], $0x400, $0x38;
	[tilespmem:$0x11440] =	vst v63  }
0x186: {  	_ =	swait.ge @!p0 [sflag:s19], $0x400  }
0x187: {  	[sflag:s19] =	ssyncset.done @!p0 $0x0  }
0x188: {  	s18 =	simm.s32 @!p0 $0x28F0;
	[sflag:s19] =	ssyncadd.s32 @!p0 $0xFFFFFC00  }
0x189: {  	[tilespmem:s18], [sflag:$0x3] =	stream.linear.gather @!p0 [spmem:s6], $0x100, $0x38;
	[tilespmem:$0x11440] =	vst v63  }
0x18a: {  	_ =	swait.ge @!p0 [sflag:s19], $0x100  }
0x18b: {  	[sflag:s19] =	ssyncset.done @!p0 $0x0  }
0x18c: {  	s21 =	rddreg [dreg:$0x10];
	[sflag:s19] =	ssyncadd.s32 @!p0 $0xFFFFFF00  }
0x18d: {  	[hbm4b:s21+s20] =	stream.linear.scatter @!p0 [tilespmem:s18], [sflag:$0x3], $0x100, $0x38;
	[tilespmem:$0x11440] =	vst v63  }
0x18e: {  	_ =	swait.ge @!p0 [sflag:s19], $0x100  }
0x18f: {  	s17 =	sadd.s32 $0x1, s17;
	s24 =	rddreg [dreg:$0x15]  }
0x190: {  	p1 =	sne.s32 s17, s24  }
.Ltmp3:
0x191: {  	_ = 	snop;
	(pc) =	sbr.rel @p1 .LBB2_1-.Ltmp3, $3  }
0x192: {  	_ =	sdelay $0x1  }
0x193: {  	[sflag:s19] =	ssyncset.done @!p0 $0x0  }
0x194: {  	[sflag:s19] =	ssyncadd.s32 @!p0 $0xFFFFFF00  }
0x195: {  	_ =	sfence.sel $0x180000  }
0x196: {  	[bflag:$0x0] =	sbarrier.arrive $0xFFFF  }
0x197: {  	_ =	strace $0x90000047  }
0x198: {  	[bflag:$0x2] =	sbarrier.arrive $0xFFFF  }
0x199: {  	s0 =	rddreg [dreg:$0x4]  }
0x19a: {  	s0 =	sadd.s32 @!p0 $0x100000, s0  }
0x19b: {  	[sflag:s0] =	ssyncadd.tile.s32 @!p0 $0x1;
	_ =	shalt  }
.Lfunc_end2:
_tile_overlayer_lowered:
.L_overlay_start_2:
0x19c: {  	(tag) =	ssettag $0x2  }
0x19d: {  	s0 =	rddreg [dreg:$0x0];
	s2 =	stileid.u32  }
0x19e: {  	s1 =	rddreg [dreg:$0x1];
	p0 =	sne.s32 s2, $0x0  }
0x19f: {  	s3 =	rddreg [dreg:$0x2];
	[bflag:$0x3] =	sbarrier.arrive $0xFFFF;
	s2 =	simm.s32 @!p0 $0x1C03  }
0x1a0: {  	[timem:s3], [sflag:s2] =	dma.local @!p0 [hbm:s0], s1  }
0x1a1: {  	s0 =	simm.s32 @!p0 $0x3  }
0x1a2: {  	_ =	swait.ge @!p0 [sflag:s0], s1  }
0x1a3: {  	s1 =	ssub.s32 @!p0 $0x0, s1;
	[sflag:s0] =	ssyncset.done @!p0 $0x0  }
0x1a4: {  	[sflag:s0] =	ssyncadd.s32 @!p0 s1  }
0x1a5: {  	[bflag:$0x3] =	sbarrier.arrive $0xFFFF  }
0x1a6: {  	_ =	shalt  }

</sc_bundles>
